<compile_context>
chip_gen: v7x
topology: tpu7x:2x2x1
jax: 0.10.2.dev20260603
libtpu: 0.0.44.dev20260713+nightly
codegen_flags: <defaults>
</compile_context>

<pallas_src>
import functools

import jax
import jax.numpy as jnp
from jax import lax
from jax.experimental import pallas as pl
from jax.experimental.pallas import tpu as pltpu
from jax.experimental.pallas import tpu_sc as plsc

BATCH = 4096
E = 100
VOCAB = 100000
DIM = 64

NC = 2
NS = 16
NW = NC * NS
BPW = BATCH // NW
IPW = BPW * E
NT = BPW // 2
NB = 4

_SPLITS = ((0, 104), (104, 96))


def _sc_lookup(flat_idx, table):
    mesh = plsc.VectorSubcoreMesh(core_axis_name="c", subcore_axis_name="s")

    @functools.partial(
        pl.kernel,
        out_type=jax.ShapeDtypeStruct((BATCH * 2 * E, DIM), jnp.float32),
        mesh=mesh,
        compiler_params=pltpu.CompilerParams(use_tc_tiling_on_sc=False),
        scratch_types=[
            pltpu.VMEM((IPW,), jnp.int32),
            pltpu.VMEM((IPW + 16,), jnp.float32),
            pltpu.VMEM((NB, 200, DIM), jnp.float32),
            pltpu.VMEM((NB, 200, DIM), jnp.float32),
            [pltpu.SemaphoreType.DMA] * NB,
            [pltpu.SemaphoreType.DMA] * NB,
        ],
    )
    def k(idx_hbm, tab_hbm, out_hbm, vbuf, mbuf, vrows, mrows, gsems, wsems):
        w = lax.axis_index("s") * NC + lax.axis_index("c")
        base = w * IPW

        pltpu.sync_copy(idx_hbm.at[pl.ds(base, IPW)], vbuf)

        ones = jnp.full((16,), 1.0, jnp.float32)
        zeros = jnp.full((16,), 0.0, jnp.float32)

        def compute(kk, carry):
            v = vbuf[pl.ds(16 * kk, 16)]
            mbuf[pl.ds(16 * kk, 16)] = jnp.where(v >= 0, ones, zeros)
            vbuf[pl.ds(16 * kk, 16)] = jnp.clip(v, 0, VOCAB - 1)
            return carry
        lax.fori_loop(0, IPW // 16, compute, 0)

        def fire_gathers(t, s):
            for off, ln in _SPLITS:
                pltpu.async_copy(
                    tab_hbm.at[vbuf.at[pl.ds(200 * t + off, ln)]],
                    vrows.at[s, pl.ds(off, ln)], gsems[s])

        def wait_gathers(s):
            for off, ln in _SPLITS:
                pltpu.make_async_copy(
                    tab_hbm.at[vbuf.at[pl.ds(off, ln)]],
                    vrows.at[s, pl.ds(off, ln)], gsems[s]).wait()

        def fill_mask(t, s):
            def grp(g, carry):
                mv = mbuf[pl.ds(200 * t + 8 * g, 16)]
                for r in range(8):
                    row = jnp.full((16,), mv[r], jnp.float32)
                    for c in range(DIM // 16):
                        mrows[s, 8 * g + r, pl.ds(16 * c, 16)] = row
                return carry
            lax.fori_loop(0, 25, grp, 0)

        def fire_writes(t, s):
            ob = (w * BPW + 2 * t) * 2 * E
            pltpu.async_copy(vrows.at[s, pl.ds(0, E)],
                             out_hbm.at[pl.ds(ob, E)], wsems[s])
            pltpu.async_copy(mrows.at[s, pl.ds(0, E)],
                             out_hbm.at[pl.ds(ob + E, E)], wsems[s])
            pltpu.async_copy(vrows.at[s, pl.ds(E, E)],
                             out_hbm.at[pl.ds(ob + 2 * E, E)], wsems[s])
            pltpu.async_copy(mrows.at[s, pl.ds(E, E)],
                             out_hbm.at[pl.ds(ob + 3 * E, E)], wsems[s])

        def wait_writes(s):
            for src in (vrows, mrows, vrows, mrows):
                pltpu.make_async_copy(src.at[s, pl.ds(0, E)],
                                      out_hbm.at[pl.ds(0, E)], wsems[s]).wait()

        fire_gathers(0, 0)
        fill_mask(0, 0)
        fire_gathers(1, 1)
        fill_mask(1, 1)
        fire_gathers(2, 2)
        fill_mask(2, 2)
        wait_gathers(0)
        fire_writes(0, 0)
        fire_gathers(3, 3)
        fill_mask(3, 3)
        wait_gathers(1)
        fire_writes(1, 1)

        def step(kk, carry):
            for b in range(NB):
                t = NB * kk + b
                wait_writes(b)
                fire_gathers(t, b)
                fill_mask(t, b)
                sp = (b + 2) % NB
                wait_gathers(sp)
                fire_writes(t - 2, sp)
            return carry
        lax.fori_loop(1, NT // NB, step, 0)

        wait_gathers(2)
        fire_writes(NT - 2, 2)
        wait_gathers(3)
        fire_writes(NT - 1, 3)
        for b in range(NB):
            wait_writes(b)

    return k(flat_idx, table)


def kernel(x, entity_vectors):
    flat_idx = x.reshape(-1)
    out = _sc_lookup(flat_idx, entity_vectors)
    return out.reshape(BATCH, 2, E, DIM)

# --- scband reference (transcript-rebuilt; emitter-appended) ---
"""Pipeline reference for scband-entity-index-to-vector-tranformer-25366076850437 (READ-ONLY COPY).

The authoritative reference and input builder live on the scoring server;
editing this copy changes nothing except your own understanding.
"""

import jax, jax.numpy as jnp
import numpy as np

BATCH = 4096
ENTITY_COUNT = 100
VOCAB = 100000
DIM = 64


def setup_inputs(seed: int = 0) -> dict:
    key = jax.random.key(seed)
    k1, k2 = jax.random.split(key)
    # indices in [-1, VOCAB); -1 marks invalid entries
    x = jax.random.randint(k1, (BATCH, ENTITY_COUNT), -1, VOCAB, dtype=jnp.int32)
    entity_vectors = jax.random.normal(k2, (VOCAB, DIM), dtype=jnp.float32)
    return {"x": x, "entity_vectors": entity_vectors}


def reference(x, entity_vectors):
    mask = (x != -1)
    flat_idx = jnp.where(x == -1, 0, x).reshape(-1)
    flat_vecs = jnp.take(entity_vectors, flat_idx, axis=0)
    batch_size, entity_count = x.shape
    vector_dim = entity_vectors.shape[-1]
    vecs = flat_vecs.reshape((batch_size, entity_count, vector_dim))
    mask_f = jnp.broadcast_to(mask[..., None], vecs.shape).astype(jnp.float32)
    return jnp.stack((vecs, mask_f), axis=1)

if __name__ == "__main__":
    import jax
    _d = setup_inputs()
    print(jax.jit(kernel)(*tuple(_d.values())))

</pallas_src>

<mosaic_0001>
#map = affine_map<(d0, d1) -> (0)>
#map1 = affine_map<(d0, d1) -> (0, 0)>
module attributes {stable_mosaic.version = 14 : i64} {
  func.func @k(%arg0: i32, %arg1: i32, %arg2: memref<409600xi32, #tpu.memory_space<hbm>>, %arg3: memref<100000x64xf32, #tpu.memory_space<hbm>>, %arg4: memref<819200x64xf32, #tpu.memory_space<hbm>>, %arg5: memref<12800xi32, #tpu.memory_space<vmem>>, %arg6: memref<12816xf32, #tpu.memory_space<vmem>>, %arg7: memref<4x200x64xf32, #tpu.memory_space<vmem>>, %arg8: memref<4x200x64xf32, #tpu.memory_space<vmem>>, %arg9: memref<!tpu.dma_semaphore, #tpu.memory_space<semaphore_mem>>, %arg10: memref<!tpu.dma_semaphore, #tpu.memory_space<semaphore_mem>>, %arg11: memref<!tpu.dma_semaphore, #tpu.memory_space<semaphore_mem>>, %arg12: memref<!tpu.dma_semaphore, #tpu.memory_space<semaphore_mem>>, %arg13: memref<!tpu.dma_semaphore, #tpu.memory_space<semaphore_mem>>, %arg14: memref<!tpu.dma_semaphore, #tpu.memory_space<semaphore_mem>>, %arg15: memref<!tpu.dma_semaphore, #tpu.memory_space<semaphore_mem>>, %arg16: memref<!tpu.dma_semaphore, #tpu.memory_space<semaphore_mem>>) attributes {dimension_semantics = [#tpu.dimension_semantics<core_parallel>, #tpu.dimension_semantics<subcore_parallel>], iteration_bounds = array<i64: 2, 16>, scalar_prefetch = 0 : i64, scratch_operands = 12 : i64, tpu.core_type = #tpu.core_type<sc_vector_subcore>, window_params = [{transform_indices = #map}, {transform_indices = #map1}, {transform_indices = #map1}]} {
    %mul3A = arith.constant 2 : i32
    %mul3A_0 = arith.muli %arg1, %mul3A : i32
    %add3A = arith.addi %mul3A_0, %arg0 : i32
    %mul3A_1 = arith.constant 12800 : i32
    %mul3A_2 = arith.muli %add3A, %mul3A_1 : i32
    "tpu.region"() ({
      %run_scoped3A = tpu.sem_alloc : memref<!tpu.dma_semaphore, #tpu.memory_space<semaphore_mem>>
      %dma_start3A_703 = tpu.memref_slice %arg2[%mul3A_2] : memref<409600xi32, #tpu.memory_space<hbm>> -> memref<12800xi32, #tpu.memory_space<hbm>>
      %dma_start3A_704 = tpu.memref_slice %arg2[%mul3A_2] : memref<409600xi32, #tpu.memory_space<hbm>> -> memref<12800xi32, #tpu.memory_space<hbm>>
      tpu.enqueue_dma source(%dma_start3A_704 : memref<12800xi32, #tpu.memory_space<hbm>>) target(%arg5 : memref<12800xi32, #tpu.memory_space<vmem>>) target_semaphore(%run_scoped3A : memref<!tpu.dma_semaphore, #tpu.memory_space<semaphore_mem>>)
      %dma_wait3A_705 = tpu.memref_slice %arg2[%mul3A_2] : memref<409600xi32, #tpu.memory_space<hbm>> -> memref<12800xi32, #tpu.memory_space<hbm>>
      %dma_wait3A_706 = tpu.memref_slice %arg2[%mul3A_2] : memref<409600xi32, #tpu.memory_space<hbm>> -> memref<12800xi32, #tpu.memory_space<hbm>>
      tpu.wait_dma2 semaphore(%run_scoped3A : memref<!tpu.dma_semaphore, #tpu.memory_space<semaphore_mem>>) src(%dma_wait3A_706 : memref<12800xi32, #tpu.memory_space<hbm>>) dst(%arg5 : memref<12800xi32, #tpu.memory_space<vmem>>)
      tpu.yield
    }) : () -> ()
    %broadcast_in_dim3A = arith.constant 1.000000e+00 : f32
    %broadcast_in_dim3A_3 = vector.broadcast %broadcast_in_dim3A : f32 to vector<16xf32>
    %broadcast_in_dim3A_4 = arith.constant 0.000000e+00 : f32
    %broadcast_in_dim3A_5 = vector.broadcast %broadcast_in_dim3A_4 : f32 to vector<16xf32>
    %scan3A = arith.constant 0 : i32
    %scan3A_6 = arith.constant 0 : i32
    %scan3A_7 = arith.constant 800 : i32
    %scan3A_8 = arith.addi %scan3A_6, %scan3A_7 : i32
    %scan3A_9 = arith.constant 1 : i32
    scf.for %scan3A_703 = %scan3A_6 to %scan3A_8 step %scan3A_9  : i32 {
      %mul3A_704 = arith.constant 16 : i32
      %mul3A_705 = arith.muli %mul3A_704, %scan3A_703 : i32
      %get3A = arith.index_cast %mul3A_705 : i32 to index
      %get3A_706 = tpu.vector_load %arg5[%get3A] {strides = array<i32>} : memref<12800xi32, #tpu.memory_space<vmem>>, vector<16xi32>,
      %get3A_707 = vector.shape_cast %get3A_706 : vector<16xi32> to vector<16xi32>
      %ge3A = arith.constant 0 : i32
      %ge3A_708 = vector.broadcast %ge3A : i32 to vector<16xi32>
      %ge3A_709 = arith.cmpi sge, %get3A_707, %ge3A_708 : vector<16xi32>
      %select_n3A = arith.select %ge3A_709, %broadcast_in_dim3A_3, %broadcast_in_dim3A_5 : vector<16xi1>, vector<16xf32>
      %mul3A_710 = arith.constant 16 : i32
      %mul3A_711 = arith.muli %mul3A_710, %scan3A_703 : i32
      %swap3A = arith.index_cast %mul3A_711 : i32 to index
      %swap3A_712 = tpu.vector_load %arg6[%swap3A] {strides = array<i32>} : memref<12816xf32, #tpu.memory_space<vmem>>, vector<16xf32>,
      %swap3A_713 = vector.shape_cast %swap3A_712 : vector<16xf32> to vector<16xf32>
      %swap3A_714 = vector.shape_cast %select_n3A : vector<16xf32> to vector<16xf32>
      tpu.vector_store %arg6[%swap3A], %swap3A_714 {strides = array<i32>} : memref<12816xf32, #tpu.memory_space<vmem>>, vector<16xf32>,
      %jit3A = arith.constant 0 : i32
      %jit3A_715 = arith.constant 99999 : i32
      %max3A = vector.broadcast %jit3A : i32 to vector<16xi32>
      %max3A_716 = arith.maxsi %max3A, %get3A_707 : vector<16xi32>
      %min3A = vector.broadcast %jit3A_715 : i32 to vector<16xi32>
      %min3A_717 = arith.minsi %min3A, %max3A_716 : vector<16xi32>
      %mul3A_718 = arith.constant 16 : i32
      %mul3A_719 = arith.muli %mul3A_718, %scan3A_703 : i32
      %swap3A_720 = arith.index_cast %mul3A_719 : i32 to index
      %swap3A_721 = tpu.vector_load %arg5[%swap3A_720] {strides = array<i32>} : memref<12800xi32, #tpu.memory_space<vmem>>, vector<16xi32>,
      %swap3A_722 = vector.shape_cast %swap3A_721 : vector<16xi32> to vector<16xi32>
      %swap3A_723 = vector.shape_cast %min3A_717 : vector<16xi32> to vector<16xi32>
      tpu.vector_store %arg5[%swap3A_720], %swap3A_723 {strides = array<i32>} : memref<12800xi32, #tpu.memory_space<vmem>>, vector<16xi32>,
    }
    %scan3A_10 = arith.constant 800 : i32
    %dma_start3A = arith.constant 0 : i32
    %dma_start3A_11 = arith.constant 0 : i32
    %dma_start3A_12 = arith.constant 0 : i32
    %dma_start3A_13 = tpu.memref_slice %arg7[%dma_start3A, %dma_start3A_11, %dma_start3A_12] : memref<4x200x64xf32, #tpu.memory_space<vmem>> -> memref<1x104x64xf32, #tpu.memory_space<vmem>>
    %dma_start3A_14 = tpu.memref_squeeze %dma_start3A_13 : memref<1x104x64xf32, #tpu.memory_space<vmem>> -> memref<104x64xf32, #tpu.memory_space<vmem>>
    %dma_start3A_15 = arith.constant 0 : i32
    %dma_start3A_16 = tpu.memref_slice %arg5[%dma_start3A_15] : memref<12800xi32, #tpu.memory_space<vmem>> -> memref<104xi32, #tpu.memory_space<vmem>>
    %dma_start3A_17 = arith.constant 0 : i32
    %dma_start3A_18 = arith.constant 0 : i32
    %dma_start3A_19 = tpu.memref_slice %arg3[%dma_start3A_17, %dma_start3A_18] : memref<100000x64xf32, #tpu.memory_space<hbm>> -> memref<100000x64xf32, #tpu.memory_space<hbm>>
    tpu.enqueue_indirect_dma source(%dma_start3A_19 : memref<100000x64xf32, #tpu.memory_space<hbm>>) target(%dma_start3A_14 : memref<104x64xf32, #tpu.memory_space<vmem>>) offsets(%dma_start3A_16 : memref<104xi32, #tpu.memory_space<vmem>>) semaphore(%arg9 : memref<!tpu.dma_semaphore, #tpu.memory_space<semaphore_mem>>)
    %dma_start3A_20 = arith.constant 0 : i32
    %dma_start3A_21 = arith.constant 104 : i32
    %dma_start3A_22 = arith.constant 0 : i32
    %dma_start3A_23 = tpu.memref_slice %arg7[%dma_start3A_20, %dma_start3A_21, %dma_start3A_22] : memref<4x200x64xf32, #tpu.memory_space<vmem>> -> memref<1x96x64xf32, #tpu.memory_space<vmem>>
    %dma_start3A_24 = tpu.memref_squeeze %dma_start3A_23 : memref<1x96x64xf32, #tpu.memory_space<vmem>> -> memref<96x64xf32, #tpu.memory_space<vmem>>
    %dma_start3A_25 = arith.constant 104 : i32
    %dma_start3A_26 = tpu.memref_slice %arg5[%dma_start3A_25] : memref<12800xi32, #tpu.memory_space<vmem>> -> memref<96xi32, #tpu.memory_space<vmem>>
    %dma_start3A_27 = arith.constant 0 : i32
    %dma_start3A_28 = arith.constant 0 : i32
    %dma_start3A_29 = tpu.memref_slice %arg3[%dma_start3A_27, %dma_start3A_28] : memref<100000x64xf32, #tpu.memory_space<hbm>> -> memref<100000x64xf32, #tpu.memory_space<hbm>>
    tpu.enqueue_indirect_dma source(%dma_start3A_29 : memref<100000x64xf32, #tpu.memory_space<hbm>>) target(%dma_start3A_24 : memref<96x64xf32, #tpu.memory_space<vmem>>) offsets(%dma_start3A_26 : memref<96xi32, #tpu.memory_space<vmem>>) semaphore(%arg9 : memref<!tpu.dma_semaphore, #tpu.memory_space<semaphore_mem>>)
    %scan3A_30 = arith.constant 0 : i32
    %scan3A_31 = arith.constant 0 : i32
    %scan3A_32 = arith.constant 25 : i32
    %scan3A_33 = arith.addi %scan3A_31, %scan3A_32 : i32
    %scan3A_34 = arith.constant 1 : i32
    scf.for %scan3A_703 = %scan3A_31 to %scan3A_33 step %scan3A_34  : i32 {
      %mul3A_704 = arith.constant 8 : i32
      %mul3A_705 = arith.muli %mul3A_704, %scan3A_703 : i32
      %add3A_706 = arith.constant 0 : i32
      %add3A_707 = arith.addi %add3A_706, %mul3A_705 : i32
      %get3A = arith.index_cast %add3A_707 : i32 to index
      %get3A_708 = tpu.vector_load %arg6[%get3A] {strides = array<i32>} : memref<12816xf32, #tpu.memory_space<vmem>>, vector<16xf32>,
      %get3A_709 = vector.shape_cast %get3A_708 : vector<16xf32> to vector<16xf32>
      %slice3A = vector.extract_strided_slice %get3A_709 {offsets = [0], sizes = [1], strides = [1]} : vector<16xf32> to vector<1xf32>
      %squeeze3A = vector.extract %slice3A[0] : f32 from vector<1xf32>
      %broadcast_in_dim3A_710 = vector.broadcast %squeeze3A : f32 to vector<16xf32>
      %mul3A_711 = arith.constant 8 : i32
      %mul3A_712 = arith.muli %mul3A_711, %scan3A_703 : i32
      %add3A_713 = arith.constant 0 : i32
      %add3A_714 = arith.addi %mul3A_712, %add3A_713 : i32
      %swap3A = arith.constant 0 : i32
      %swap3A_715 = arith.index_cast %swap3A : i32 to index
      %swap3A_716 = arith.index_cast %add3A_714 : i32 to index
      %swap3A_717 = arith.constant 0 : index
      %swap3A_718 = tpu.vector_load %arg8[%swap3A_715, %swap3A_716, %swap3A_717] {strides = array<i32>} : memref<4x200x64xf32, #tpu.memory_space<vmem>>, vector<1x1x16xf32>,
      %swap3A_719 = vector.shape_cast %swap3A_718 : vector<1x1x16xf32> to vector<16xf32>
      %swap3A_720 = vector.shape_cast %broadcast_in_dim3A_710 : vector<16xf32> to vector<1x1x16xf32>
      tpu.vector_store %arg8[%swap3A_715, %swap3A_716, %swap3A_717], %swap3A_720 {strides = array<i32>} : memref<4x200x64xf32, #tpu.memory_space<vmem>>, vector<1x1x16xf32>,
      %mul3A_721 = arith.constant 8 : i32
      %mul3A_722 = arith.muli %mul3A_721, %scan3A_703 : i32
      %add3A_723 = arith.constant 0 : i32
      %add3A_724 = arith.addi %mul3A_722, %add3A_723 : i32
      %swap3A_725 = arith.constant 0 : i32
      %swap3A_726 = arith.index_cast %swap3A_725 : i32 to index
      %swap3A_727 = arith.index_cast %add3A_724 : i32 to index
      %swap3A_728 = arith.constant 16 : index
      %swap3A_729 = tpu.vector_load %arg8[%swap3A_726, %swap3A_727, %swap3A_728] {strides = array<i32>} : memref<4x200x64xf32, #tpu.memory_space<vmem>>, vector<1x1x16xf32>,
      %swap3A_730 = vector.shape_cast %swap3A_729 : vector<1x1x16xf32> to vector<16xf32>
      %swap3A_731 = vector.shape_cast %broadcast_in_dim3A_710 : vector<16xf32> to vector<1x1x16xf32>
      tpu.vector_store %arg8[%swap3A_726, %swap3A_727, %swap3A_728], %swap3A_731 {strides = array<i32>} : memref<4x200x64xf32, #tpu.memory_space<vmem>>, vector<1x1x16xf32>,
      %mul3A_732 = arith.constant 8 : i32
      %mul3A_733 = arith.muli %mul3A_732, %scan3A_703 : i32
      %add3A_734 = arith.constant 0 : i32
      %add3A_735 = arith.addi %mul3A_733, %add3A_734 : i32
      %swap3A_736 = arith.constant 0 : i32
      %swap3A_737 = arith.index_cast %swap3A_736 : i32 to index
      %swap3A_738 = arith.index_cast %add3A_735 : i32 to index
      %swap3A_739 = arith.constant 32 : index
      %swap3A_740 = tpu.vector_load %arg8[%swap3A_737, %swap3A_738, %swap3A_739] {strides = array<i32>} : memref<4x200x64xf32, #tpu.memory_space<vmem>>, vector<1x1x16xf32>,
      %swap3A_741 = vector.shape_cast %swap3A_740 : vector<1x1x16xf32> to vector<16xf32>
      %swap3A_742 = vector.shape_cast %broadcast_in_dim3A_710 : vector<16xf32> to vector<1x1x16xf32>
      tpu.vector_store %arg8[%swap3A_737, %swap3A_738, %swap3A_739], %swap3A_742 {strides = array<i32>} : memref<4x200x64xf32, #tpu.memory_space<vmem>>, vector<1x1x16xf32>,
      %mul3A_743 = arith.constant 8 : i32
      %mul3A_744 = arith.muli %mul3A_743, %scan3A_703 : i32
      %add3A_745 = arith.constant 0 : i32
      %add3A_746 = arith.addi %mul3A_744, %add3A_745 : i32
      %swap3A_747 = arith.constant 0 : i32
      %swap3A_748 = arith.index_cast %swap3A_747 : i32 to index
      %swap3A_749 = arith.index_cast %add3A_746 : i32 to index
      %swap3A_750 = arith.constant 48 : index
      %swap3A_751 = tpu.vector_load %arg8[%swap3A_748, %swap3A_749, %swap3A_750] {strides = array<i32>} : memref<4x200x64xf32, #tpu.memory_space<vmem>>, vector<1x1x16xf32>,
      %swap3A_752 = vector.shape_cast %swap3A_751 : vector<1x1x16xf32> to vector<16xf32>
      %swap3A_753 = vector.shape_cast %broadcast_in_dim3A_710 : vector<16xf32> to vector<1x1x16xf32>
      tpu.vector_store %arg8[%swap3A_748, %swap3A_749, %swap3A_750], %swap3A_753 {strides = array<i32>} : memref<4x200x64xf32, #tpu.memory_space<vmem>>, vector<1x1x16xf32>,
      %slice3A_754 = vector.extract_strided_slice %get3A_709 {offsets = [1], sizes = [1], strides = [1]} : vector<16xf32> to vector<1xf32>
      %squeeze3A_755 = vector.extract %slice3A_754[0] : f32 from vector<1xf32>
      %broadcast_in_dim3A_756 = vector.broadcast %squeeze3A_755 : f32 to vector<16xf32>
      %mul3A_757 = arith.constant 8 : i32
      %mul3A_758 = arith.muli %mul3A_757, %scan3A_703 : i32
      %add3A_759 = arith.constant 1 : i32
      %add3A_760 = arith.addi %mul3A_758, %add3A_759 : i32
      %swap3A_761 = arith.constant 0 : i32
      %swap3A_762 = arith.index_cast %swap3A_761 : i32 to index
      %swap3A_763 = arith.index_cast %add3A_760 : i32 to index
      %swap3A_764 = arith.constant 0 : index
      %swap3A_765 = tpu.vector_load %arg8[%swap3A_762, %swap3A_763, %swap3A_764] {strides = array<i32>} : memref<4x200x64xf32, #tpu.memory_space<vmem>>, vector<1x1x16xf32>,
      %swap3A_766 = vector.shape_cast %swap3A_765 : vector<1x1x16xf32> to vector<16xf32>
      %swap3A_767 = vector.shape_cast %broadcast_in_dim3A_756 : vector<16xf32> to vector<1x1x16xf32>
      tpu.vector_store %arg8[%swap3A_762, %swap3A_763, %swap3A_764], %swap3A_767 {strides = array<i32>} : memref<4x200x64xf32, #tpu.memory_space<vmem>>, vector<1x1x16xf32>,
      %mul3A_768 = arith.constant 8 : i32
      %mul3A_769 = arith.muli %mul3A_768, %scan3A_703 : i32
      %add3A_770 = arith.constant 1 : i32
      %add3A_771 = arith.addi %mul3A_769, %add3A_770 : i32
      %swap3A_772 = arith.constant 0 : i32
      %swap3A_773 = arith.index_cast %swap3A_772 : i32 to index
      %swap3A_774 = arith.index_cast %add3A_771 : i32 to index
      %swap3A_775 = arith.constant 16 : index
      %swap3A_776 = tpu.vector_load %arg8[%swap3A_773, %swap3A_774, %swap3A_775] {strides = array<i32>} : memref<4x200x64xf32, #tpu.memory_space<vmem>>, vector<1x1x16xf32>,
      %swap3A_777 = vector.shape_cast %swap3A_776 : vector<1x1x16xf32> to vector<16xf32>
      %swap3A_778 = vector.shape_cast %broadcast_in_dim3A_756 : vector<16xf32> to vector<1x1x16xf32>
      tpu.vector_store %arg8[%swap3A_773, %swap3A_774, %swap3A_775], %swap3A_778 {strides = array<i32>} : memref<4x200x64xf32, #tpu.memory_space<vmem>>, vector<1x1x16xf32>,
      %mul3A_779 = arith.constant 8 : i32
      %mul3A_780 = arith.muli %mul3A_779, %scan3A_703 : i32
      %add3A_781 = arith.constant 1 : i32
      %add3A_782 = arith.addi %mul3A_780, %add3A_781 : i32
      %swap3A_783 = arith.constant 0 : i32
      %swap3A_784 = arith.index_cast %swap3A_783 : i32 to index
      %swap3A_785 = arith.index_cast %add3A_782 : i32 to index
      %swap3A_786 = arith.constant 32 : index
      %swap3A_787 = tpu.vector_load %arg8[%swap3A_784, %swap3A_785, %swap3A_786] {strides = array<i32>} : memref<4x200x64xf32, #tpu.memory_space<vmem>>, vector<1x1x16xf32>,
      %swap3A_788 = vector.shape_cast %swap3A_787 : vector<1x1x16xf32> to vector<16xf32>
      %swap3A_789 = vector.shape_cast %broadcast_in_dim3A_756 : vector<16xf32> to vector<1x1x16xf32>
      tpu.vector_store %arg8[%swap3A_784, %swap3A_785, %swap3A_786], %swap3A_789 {strides = array<i32>} : memref<4x200x64xf32, #tpu.memory_space<vmem>>, vector<1x1x16xf32>,
      %mul3A_790 = arith.constant 8 : i32
      %mul3A_791 = arith.muli %mul3A_790, %scan3A_703 : i32
      %add3A_792 = arith.constant 1 : i32
      %add3A_793 = arith.addi %mul3A_791, %add3A_792 : i32
      %swap3A_794 = arith.constant 0 : i32
      %swap3A_795 = arith.index_cast %swap3A_794 : i32 to index
      %swap3A_796 = arith.index_cast %add3A_793 : i32 to index
      %swap3A_797 = arith.constant 48 : index
      %swap3A_798 = tpu.vector_load %arg8[%swap3A_795, %swap3A_796, %swap3A_797] {strides = array<i32>} : memref<4x200x64xf32, #tpu.memory_space<vmem>>, vector<1x1x16xf32>,
      %swap3A_799 = vector.shape_cast %swap3A_798 : vector<1x1x16xf32> to vector<16xf32>
      %swap3A_800 = vector.shape_cast %broadcast_in_dim3A_756 : vector<16xf32> to vector<1x1x16xf32>
      tpu.vector_store %arg8[%swap3A_795, %swap3A_796, %swap3A_797], %swap3A_800 {strides = array<i32>} : memref<4x200x64xf32, #tpu.memory_space<vmem>>, vector<1x1x16xf32>,
      %slice3A_801 = vector.extract_strided_slice %get3A_709 {offsets = [2], sizes = [1], strides = [1]} : vector<16xf32> to vector<1xf32>
      %squeeze3A_802 = vector.extract %slice3A_801[0] : f32 from vector<1xf32>
      %broadcast_in_dim3A_803 = vector.broadcast %squeeze3A_802 : f32 to vector<16xf32>
      %mul3A_804 = arith.constant 8 : i32
      %mul3A_805 = arith.muli %mul3A_804, %scan3A_703 : i32
      %add3A_806 = arith.constant 2 : i32
      %add3A_807 = arith.addi %mul3A_805, %add3A_806 : i32
      %swap3A_808 = arith.constant 0 : i32
      %swap3A_809 = arith.index_cast %swap3A_808 : i32 to index
      %swap3A_810 = arith.index_cast %add3A_807 : i32 to index
      %swap3A_811 = arith.constant 0 : index
      %swap3A_812 = tpu.vector_load %arg8[%swap3A_809, %swap3A_810, %swap3A_811] {strides = array<i32>} : memref<4x200x64xf32, #tpu.memory_space<vmem>>, vector<1x1x16xf32>,
      %swap3A_813 = vector.shape_cast %swap3A_812 : vector<1x1x16xf32> to vector<16xf32>
      %swap3A_814 = vector.shape_cast %broadcast_in_dim3A_803 : vector<16xf32> to vector<1x1x16xf32>
      tpu.vector_store %arg8[%swap3A_809, %swap3A_810, %swap3A_811], %swap3A_814 {strides = array<i32>} : memref<4x200x64xf32, #tpu.memory_space<vmem>>, vector<1x1x16xf32>,
      %mul3A_815 = arith.constant 8 : i32
      %mul3A_816 = arith.muli %mul3A_815, %scan3A_703 : i32
      %add3A_817 = arith.constant 2 : i32
      %add3A_818 = arith.addi %mul3A_816, %add3A_817 : i32
      %swap3A_819 = arith.constant 0 : i32
      %swap3A_820 = arith.index_cast %swap3A_819 : i32 to index
      %swap3A_821 = arith.index_cast %add3A_818 : i32 to index
      %swap3A_822 = arith.constant 16 : index
      %swap3A_823 = tpu.vector_load %arg8[%swap3A_820, %swap3A_821, %swap3A_822] {strides = array<i32>} : memref<4x200x64xf32, #tpu.memory_space<vmem>>, vector<1x1x16xf32>,
      %swap3A_824 = vector.shape_cast %swap3A_823 : vector<1x1x16xf32> to vector<16xf32>
      %swap3A_825 = vector.shape_cast %broadcast_in_dim3A_803 : vector<16xf32> to vector<1x1x16xf32>
      tpu.vector_store %arg8[%swap3A_820, %swap3A_821, %swap3A_822], %swap3A_825 {strides = array<i32>} : memref<4x200x64xf32, #tpu.memory_space<vmem>>, vector<1x1x16xf32>,
      %mul3A_826 = arith.constant 8 : i32
      %mul3A_827 = arith.muli %mul3A_826, %scan3A_703 : i32
      %add3A_828 = arith.constant 2 : i32
      %add3A_829 = arith.addi %mul3A_827, %add3A_828 : i32
      %swap3A_830 = arith.constant 0 : i32
      %swap3A_831 = arith.index_cast %swap3A_830 : i32 to index
      %swap3A_832 = arith.index_cast %add3A_829 : i32 to index
      %swap3A_833 = arith.constant 32 : index
      %swap3A_834 = tpu.vector_load %arg8[%swap3A_831, %swap3A_832, %swap3A_833] {strides = array<i32>} : memref<4x200x64xf32, #tpu.memory_space<vmem>>, vector<1x1x16xf32>,
      %swap3A_835 = vector.shape_cast %swap3A_834 : vector<1x1x16xf32> to vector<16xf32>
      %swap3A_836 = vector.shape_cast %broadcast_in_dim3A_803 : vector<16xf32> to vector<1x1x16xf32>
      tpu.vector_store %arg8[%swap3A_831, %swap3A_832, %swap3A_833], %swap3A_836 {strides = array<i32>} : memref<4x200x64xf32, #tpu.memory_space<vmem>>, vector<1x1x16xf32>,
      %mul3A_837 = arith.constant 8 : i32
      %mul3A_838 = arith.muli %mul3A_837, %scan3A_703 : i32
      %add3A_839 = arith.constant 2 : i32
      %add3A_840 = arith.addi %mul3A_838, %add3A_839 : i32
      %swap3A_841 = arith.constant 0 : i32
      %swap3A_842 = arith.index_cast %swap3A_841 : i32 to index
      %swap3A_843 = arith.index_cast %add3A_840 : i32 to index
      %swap3A_844 = arith.constant 48 : index
      %swap3A_845 = tpu.vector_load %arg8[%swap3A_842, %swap3A_843, %swap3A_844] {strides = array<i32>} : memref<4x200x64xf32, #tpu.memory_space<vmem>>, vector<1x1x16xf32>,
      %swap3A_846 = vector.shape_cast %swap3A_845 : vector<1x1x16xf32> to vector<16xf32>
      %swap3A_847 = vector.shape_cast %broadcast_in_dim3A_803 : vector<16xf32> to vector<1x1x16xf32>
      tpu.vector_store %arg8[%swap3A_842, %swap3A_843, %swap3A_844], %swap3A_847 {strides = array<i32>} : memref<4x200x64xf32, #tpu.memory_space<vmem>>, vector<1x1x16xf32>,
      %slice3A_848 = vector.extract_strided_slice %get3A_709 {offsets = [3], sizes = [1], strides = [1]} : vector<16xf32> to vector<1xf32>
      %squeeze3A_849 = vector.extract %slice3A_848[0] : f32 from vector<1xf32>
      %broadcast_in_dim3A_850 = vector.broadcast %squeeze3A_849 : f32 to vector<16xf32>
      %mul3A_851 = arith.constant 8 : i32
      %mul3A_852 = arith.muli %mul3A_851, %scan3A_703 : i32
      %add3A_853 = arith.constant 3 : i32
      %add3A_854 = arith.addi %mul3A_852, %add3A_853 : i32
      %swap3A_855 = arith.constant 0 : i32
      %swap3A_856 = arith.index_cast %swap3A_855 : i32 to index
      %swap3A_857 = arith.index_cast %add3A_854 : i32 to index
      %swap3A_858 = arith.constant 0 : index
      %swap3A_859 = tpu.vector_load %arg8[%swap3A_856, %swap3A_857, %swap3A_858] {strides = array<i32>} : memref<4x200x64xf32, #tpu.memory_space<vmem>>, vector<1x1x16xf32>,
      %swap3A_860 = vector.shape_cast %swap3A_859 : vector<1x1x16xf32> to vector<16xf32>
      %swap3A_861 = vector.shape_cast %broadcast_in_dim3A_850 : vector<16xf32> to vector<1x1x16xf32>
      tpu.vector_store %arg8[%swap3A_856, %swap3A_857, %swap3A_858], %swap3A_861 {strides = array<i32>} : memref<4x200x64xf32, #tpu.memory_space<vmem>>, vector<1x1x16xf32>,
      %mul3A_862 = arith.constant 8 : i32
      %mul3A_863 = arith.muli %mul3A_862, %scan3A_703 : i32
      %add3A_864 = arith.constant 3 : i32
      %add3A_865 = arith.addi %mul3A_863, %add3A_864 : i32
      %swap3A_866 = arith.constant 0 : i32
      %swap3A_867 = arith.index_cast %swap3A_866 : i32 to index
      %swap3A_868 = arith.index_cast %add3A_865 : i32 to index
      %swap3A_869 = arith.constant 16 : index
      %swap3A_870 = tpu.vector_load %arg8[%swap3A_867, %swap3A_868, %swap3A_869] {strides = array<i32>} : memref<4x200x64xf32, #tpu.memory_space<vmem>>, vector<1x1x16xf32>,
      %swap3A_871 = vector.shape_cast %swap3A_870 : vector<1x1x16xf32> to vector<16xf32>
      %swap3A_872 = vector.shape_cast %broadcast_in_dim3A_850 : vector<16xf32> to vector<1x1x16xf32>
      tpu.vector_store %arg8[%swap3A_867, %swap3A_868, %swap3A_869], %swap3A_872 {strides = array<i32>} : memref<4x200x64xf32, #tpu.memory_space<vmem>>, vector<1x1x16xf32>,
      %mul3A_873 = arith.constant 8 : i32
      %mul3A_874 = arith.muli %mul3A_873, %scan3A_703 : i32
      %add3A_875 = arith.constant 3 : i32
      %add3A_876 = arith.addi %mul3A_874, %add3A_875 : i32
      %swap3A_877 = arith.constant 0 : i32
      %swap3A_878 = arith.index_cast %swap3A_877 : i32 to index
      %swap3A_879 = arith.index_cast %add3A_876 : i32 to index
      %swap3A_880 = arith.constant 32 : index
      %swap3A_881 = tpu.vector_load %arg8[%swap3A_878, %swap3A_879, %swap3A_880] {strides = array<i32>} : memref<4x200x64xf32, #tpu.memory_space<vmem>>, vector<1x1x16xf32>,
      %swap3A_882 = vector.shape_cast %swap3A_881 : vector<1x1x16xf32> to vector<16xf32>
      %swap3A_883 = vector.shape_cast %broadcast_in_dim3A_850 : vector<16xf32> to vector<1x1x16xf32>
      tpu.vector_store %arg8[%swap3A_878, %swap3A_879, %swap3A_880], %swap3A_883 {strides = array<i32>} : memref<4x200x64xf32, #tpu.memory_space<vmem>>, vector<1x1x16xf32>,
      %mul3A_884 = arith.constant 8 : i32
      %mul3A_885 = arith.muli %mul3A_884, %scan3A_703 : i32
      %add3A_886 = arith.constant 3 : i32
      %add3A_887 = arith.addi %mul3A_885, %add3A_886 : i32
      %swap3A_888 = arith.constant 0 : i32
      %swap3A_889 = arith.index_cast %swap3A_888 : i32 to index
      %swap3A_890 = arith.index_cast %add3A_887 : i32 to index
      %swap3A_891 = arith.constant 48 : index
      %swap3A_892 = tpu.vector_load %arg8[%swap3A_889, %swap3A_890, %swap3A_891] {strides = array<i32>} : memref<4x200x64xf32, #tpu.memory_space<vmem>>, vector<1x1x16xf32>,
      %swap3A_893 = vector.shape_cast %swap3A_892 : vector<1x1x16xf32> to vector<16xf32>
      %swap3A_894 = vector.shape_cast %broadcast_in_dim3A_850 : vector<16xf32> to vector<1x1x16xf32>
      tpu.vector_store %arg8[%swap3A_889, %swap3A_890, %swap3A_891], %swap3A_894 {strides = array<i32>} : memref<4x200x64xf32, #tpu.memory_space<vmem>>, vector<1x1x16xf32>,
      %slice3A_895 = vector.extract_strided_slice %get3A_709 {offsets = [4], sizes = [1], strides = [1]} : vector<16xf32> to vector<1xf32>
      %squeeze3A_896 = vector.extract %slice3A_895[0] : f32 from vector<1xf32>
      %broadcast_in_dim3A_897 = vector.broadcast %squeeze3A_896 : f32 to vector<16xf32>
      %mul3A_898 = arith.constant 8 : i32
      %mul3A_899 = arith.muli %mul3A_898, %scan3A_703 : i32
      %add3A_900 = arith.constant 4 : i32
      %add3A_901 = arith.addi %mul3A_899, %add3A_900 : i32
      %swap3A_902 = arith.constant 0 : i32
      %swap3A_903 = arith.index_cast %swap3A_902 : i32 to index
      %swap3A_904 = arith.index_cast %add3A_901 : i32 to index
      %swap3A_905 = arith.constant 0 : index
      %swap3A_906 = tpu.vector_load %arg8[%swap3A_903, %swap3A_904, %swap3A_905] {strides = array<i32>} : memref<4x200x64xf32, #tpu.memory_space<vmem>>, vector<1x1x16xf32>,
      %swap3A_907 = vector.shape_cast %swap3A_906 : vector<1x1x16xf32> to vector<16xf32>
      %swap3A_908 = vector.shape_cast %broadcast_in_dim3A_897 : vector<16xf32> to vector<1x1x16xf32>
      tpu.vector_store %arg8[%swap3A_903, %swap3A_904, %swap3A_905], %swap3A_908 {strides = array<i32>} : memref<4x200x64xf32, #tpu.memory_space<vmem>>, vector<1x1x16xf32>,
      %mul3A_909 = arith.constant 8 : i32
      %mul3A_910 = arith.muli %mul3A_909, %scan3A_703 : i32
      %add3A_911 = arith.constant 4 : i32
      %add3A_912 = arith.addi %mul3A_910, %add3A_911 : i32
      %swap3A_913 = arith.constant 0 : i32
      %swap3A_914 = arith.index_cast %swap3A_913 : i32 to index
      %swap3A_915 = arith.index_cast %add3A_912 : i32 to index
      %swap3A_916 = arith.constant 16 : index
      %swap3A_917 = tpu.vector_load %arg8[%swap3A_914, %swap3A_915, %swap3A_916] {strides = array<i32>} : memref<4x200x64xf32, #tpu.memory_space<vmem>>, vector<1x1x16xf32>,
      %swap3A_918 = vector.shape_cast %swap3A_917 : vector<1x1x16xf32> to vector<16xf32>
      %swap3A_919 = vector.shape_cast %broadcast_in_dim3A_897 : vector<16xf32> to vector<1x1x16xf32>
      tpu.vector_store %arg8[%swap3A_914, %swap3A_915, %swap3A_916], %swap3A_919 {strides = array<i32>} : memref<4x200x64xf32, #tpu.memory_space<vmem>>, vector<1x1x16xf32>,
      %mul3A_920 = arith.constant 8 : i32
      %mul3A_921 = arith.muli %mul3A_920, %scan3A_703 : i32
      %add3A_922 = arith.constant 4 : i32
      %add3A_923 = arith.addi %mul3A_921, %add3A_922 : i32
      %swap3A_924 = arith.constant 0 : i32
      %swap3A_925 = arith.index_cast %swap3A_924 : i32 to index
      %swap3A_926 = arith.index_cast %add3A_923 : i32 to index
      %swap3A_927 = arith.constant 32 : index
      %swap3A_928 = tpu.vector_load %arg8[%swap3A_925, %swap3A_926, %swap3A_927] {strides = array<i32>} : memref<4x200x64xf32, #tpu.memory_space<vmem>>, vector<1x1x16xf32>,
      %swap3A_929 = vector.shape_cast %swap3A_928 : vector<1x1x16xf32> to vector<16xf32>
      %swap3A_930 = vector.shape_cast %broadcast_in_dim3A_897 : vector<16xf32> to vector<1x1x16xf32>
      tpu.vector_store %arg8[%swap3A_925, %swap3A_926, %swap3A_927], %swap3A_930 {strides = array<i32>} : memref<4x200x64xf32, #tpu.memory_space<vmem>>, vector<1x1x16xf32>,
      %mul3A_931 = arith.constant 8 : i32
      %mul3A_932 = arith.muli %mul3A_931, %scan3A_703 : i32
      %add3A_933 = arith.constant 4 : i32
      %add3A_934 = arith.addi %mul3A_932, %add3A_933 : i32
      %swap3A_935 = arith.constant 0 : i32
      %swap3A_936 = arith.index_cast %swap3A_935 : i32 to index
      %swap3A_937 = arith.index_cast %add3A_934 : i32 to index
      %swap3A_938 = arith.constant 48 : index
      %swap3A_939 = tpu.vector_load %arg8[%swap3A_936, %swap3A_937, %swap3A_938] {strides = array<i32>} : memref<4x200x64xf32, #tpu.memory_space<vmem>>, vector<1x1x16xf32>,
      %swap3A_940 = vector.shape_cast %swap3A_939 : vector<1x1x16xf32> to vector<16xf32>
      %swap3A_941 = vector.shape_cast %broadcast_in_dim3A_897 : vector<16xf32> to vector<1x1x16xf32>
      tpu.vector_store %arg8[%swap3A_936, %swap3A_937, %swap3A_938], %swap3A_941 {strides = array<i32>} : memref<4x200x64xf32, #tpu.memory_space<vmem>>, vector<1x1x16xf32>,
      %slice3A_942 = vector.extract_strided_slice %get3A_709 {offsets = [5], sizes = [1], strides = [1]} : vector<16xf32> to vector<1xf32>
      %squeeze3A_943 = vector.extract %slice3A_942[0] : f32 from vector<1xf32>
      %broadcast_in_dim3A_944 = vector.broadcast %squeeze3A_943 : f32 to vector<16xf32>
      %mul3A_945 = arith.constant 8 : i32
      %mul3A_946 = arith.muli %mul3A_945, %scan3A_703 : i32
      %add3A_947 = arith.constant 5 : i32
      %add3A_948 = arith.addi %mul3A_946, %add3A_947 : i32
      %swap3A_949 = arith.constant 0 : i32
      %swap3A_950 = arith.index_cast %swap3A_949 : i32 to index
      %swap3A_951 = arith.index_cast %add3A_948 : i32 to index
      %swap3A_952 = arith.constant 0 : index
      %swap3A_953 = tpu.vector_load %arg8[%swap3A_950, %swap3A_951, %swap3A_952] {strides = array<i32>} : memref<4x200x64xf32, #tpu.memory_space<vmem>>, vector<1x1x16xf32>,
      %swap3A_954 = vector.shape_cast %swap3A_953 : vector<1x1x16xf32> to vector<16xf32>
      %swap3A_955 = vector.shape_cast %broadcast_in_dim3A_944 : vector<16xf32> to vector<1x1x16xf32>
      tpu.vector_store %arg8[%swap3A_950, %swap3A_951, %swap3A_952], %swap3A_955 {strides = array<i32>} : memref<4x200x64xf32, #tpu.memory_space<vmem>>, vector<1x1x16xf32>,
      %mul3A_956 = arith.constant 8 : i32
      %mul3A_957 = arith.muli %mul3A_956, %scan3A_703 : i32
      %add3A_958 = arith.constant 5 : i32
      %add3A_959 = arith.addi %mul3A_957, %add3A_958 : i32
      %swap3A_960 = arith.constant 0 : i32
      %swap3A_961 = arith.index_cast %swap3A_960 : i32 to index
      %swap3A_962 = arith.index_cast %add3A_959 : i32 to index
      %swap3A_963 = arith.constant 16 : index
      %swap3A_964 = tpu.vector_load %arg8[%swap3A_961, %swap3A_962, %swap3A_963] {strides = array<i32>} : memref<4x200x64xf32, #tpu.memory_space<vmem>>, vector<1x1x16xf32>,
      %swap3A_965 = vector.shape_cast %swap3A_964 : vector<1x1x16xf32> to vector<16xf32>
      %swap3A_966 = vector.shape_cast %broadcast_in_dim3A_944 : vector<16xf32> to vector<1x1x16xf32>
      tpu.vector_store %arg8[%swap3A_961, %swap3A_962, %swap3A_963], %swap3A_966 {strides = array<i32>} : memref<4x200x64xf32, #tpu.memory_space<vmem>>, vector<1x1x16xf32>,
      %mul3A_967 = arith.constant 8 : i32
      %mul3A_968 = arith.muli %mul3A_967, %scan3A_703 : i32
      %add3A_969 = arith.constant 5 : i32
      %add3A_970 = arith.addi %mul3A_968, %add3A_969 : i32
      %swap3A_971 = arith.constant 0 : i32
      %swap3A_972 = arith.index_cast %swap3A_971 : i32 to index
      %swap3A_973 = arith.index_cast %add3A_970 : i32 to index
      %swap3A_974 = arith.constant 32 : index
      %swap3A_975 = tpu.vector_load %arg8[%swap3A_972, %swap3A_973, %swap3A_974] {strides = array<i32>} : memref<4x200x64xf32, #tpu.memory_space<vmem>>, vector<1x1x16xf32>,
      %swap3A_976 = vector.shape_cast %swap3A_975 : vector<1x1x16xf32> to vector<16xf32>
      %swap3A_977 = vector.shape_cast %broadcast_in_dim3A_944 : vector<16xf32> to vector<1x1x16xf32>
      tpu.vector_store %arg8[%swap3A_972, %swap3A_973, %swap3A_974], %swap3A_977 {strides = array<i32>} : memref<4x200x64xf32, #tpu.memory_space<vmem>>, vector<1x1x16xf32>,
      %mul3A_978 = arith.constant 8 : i32
      %mul3A_979 = arith.muli %mul3A_978, %scan3A_703 : i32
      %add3A_980 = arith.constant 5 : i32
      %add3A_981 = arith.addi %mul3A_979, %add3A_980 : i32
      %swap3A_982 = arith.constant 0 : i32
      %swap3A_983 = arith.index_cast %swap3A_982 : i32 to index
      %swap3A_984 = arith.index_cast %add3A_981 : i32 to index
      %swap3A_985 = arith.constant 48 : index
      %swap3A_986 = tpu.vector_load %arg8[%swap3A_983, %swap3A_984, %swap3A_985] {strides = array<i32>} : memref<4x200x64xf32, #tpu.memory_space<vmem>>, vector<1x1x16xf32>,
      %swap3A_987 = vector.shape_cast %swap3A_986 : vector<1x1x16xf32> to vector<16xf32>
      %swap3A_988 = vector.shape_cast %broadcast_in_dim3A_944 : vector<16xf32> to vector<1x1x16xf32>
      tpu.vector_store %arg8[%swap3A_983, %swap3A_984, %swap3A_985], %swap3A_988 {strides = array<i32>} : memref<4x200x64xf32, #tpu.memory_space<vmem>>, vector<1x1x16xf32>,
      %slice3A_989 = vector.extract_strided_slice %get3A_709 {offsets = [6], sizes = [1], strides = [1]} : vector<16xf32> to vector<1xf32>
      %squeeze3A_990 = vector.extract %slice3A_989[0] : f32 from vector<1xf32>
      %broadcast_in_dim3A_991 = vector.broadcast %squeeze3A_990 : f32 to vector<16xf32>
      %mul3A_992 = arith.constant 8 : i32
      %mul3A_993 = arith.muli %mul3A_992, %scan3A_703 : i32
      %add3A_994 = arith.constant 6 : i32
      %add3A_995 = arith.addi %mul3A_993, %add3A_994 : i32
      %swap3A_996 = arith.constant 0 : i32
      %swap3A_997 = arith.index_cast %swap3A_996 : i32 to index
      %swap3A_998 = arith.index_cast %add3A_995 : i32 to index
      %swap3A_999 = arith.constant 0 : index
      %swap3A_1000 = tpu.vector_load %arg8[%swap3A_997, %swap3A_998, %swap3A_999] {strides = array<i32>} : memref<4x200x64xf32, #tpu.memory_space<vmem>>, vector<1x1x16xf32>,
      %swap3A_1001 = vector.shape_cast %swap3A_1000 : vector<1x1x16xf32> to vector<16xf32>
      %swap3A_1002 = vector.shape_cast %broadcast_in_dim3A_991 : vector<16xf32> to vector<1x1x16xf32>
      tpu.vector_store %arg8[%swap3A_997, %swap3A_998, %swap3A_999], %swap3A_1002 {strides = array<i32>} : memref<4x200x64xf32, #tpu.memory_space<vmem>>, vector<1x1x16xf32>,
      %mul3A_1003 = arith.constant 8 : i32
      %mul3A_1004 = arith.muli %mul3A_1003, %scan3A_703 : i32
      %add3A_1005 = arith.constant 6 : i32
      %add3A_1006 = arith.addi %mul3A_1004, %add3A_1005 : i32
      %swap3A_1007 = arith.constant 0 : i32
      %swap3A_1008 = arith.index_cast %swap3A_1007 : i32 to index
      %swap3A_1009 = arith.index_cast %add3A_1006 : i32 to index
      %swap3A_1010 = arith.constant 16 : index
      %swap3A_1011 = tpu.vector_load %arg8[%swap3A_1008, %swap3A_1009, %swap3A_1010] {strides = array<i32>} : memref<4x200x64xf32, #tpu.memory_space<vmem>>, vector<1x1x16xf32>,
      %swap3A_1012 = vector.shape_cast %swap3A_1011 : vector<1x1x16xf32> to vector<16xf32>
      %swap3A_1013 = vector.shape_cast %broadcast_in_dim3A_991 : vector<16xf32> to vector<1x1x16xf32>
      tpu.vector_store %arg8[%swap3A_1008, %swap3A_1009, %swap3A_1010], %swap3A_1013 {strides = array<i32>} : memref<4x200x64xf32, #tpu.memory_space<vmem>>, vector<1x1x16xf32>,
      %mul3A_1014 = arith.constant 8 : i32
      %mul3A_1015 = arith.muli %mul3A_1014, %scan3A_703 : i32
      %add3A_1016 = arith.constant 6 : i32
      %add3A_1017 = arith.addi %mul3A_1015, %add3A_1016 : i32
      %swap3A_1018 = arith.constant 0 : i32
      %swap3A_1019 = arith.index_cast %swap3A_1018 : i32 to index
      %swap3A_1020 = arith.index_cast %add3A_1017 : i32 to index
      %swap3A_1021 = arith.constant 32 : index
      %swap3A_1022 = tpu.vector_load %arg8[%swap3A_1019, %swap3A_1020, %swap3A_1021] {strides = array<i32>} : memref<4x200x64xf32, #tpu.memory_space<vmem>>, vector<1x1x16xf32>,
      %swap3A_1023 = vector.shape_cast %swap3A_1022 : vector<1x1x16xf32> to vector<16xf32>
      %swap3A_1024 = vector.shape_cast %broadcast_in_dim3A_991 : vector<16xf32> to vector<1x1x16xf32>
      tpu.vector_store %arg8[%swap3A_1019, %swap3A_1020, %swap3A_1021], %swap3A_1024 {strides = array<i32>} : memref<4x200x64xf32, #tpu.memory_space<vmem>>, vector<1x1x16xf32>,
      %mul3A_1025 = arith.constant 8 : i32
      %mul3A_1026 = arith.muli %mul3A_1025, %scan3A_703 : i32
      %add3A_1027 = arith.constant 6 : i32
      %add3A_1028 = arith.addi %mul3A_1026, %add3A_1027 : i32
      %swap3A_1029 = arith.constant 0 : i32
      %swap3A_1030 = arith.index_cast %swap3A_1029 : i32 to index
      %swap3A_1031 = arith.index_cast %add3A_1028 : i32 to index
      %swap3A_1032 = arith.constant 48 : index
      %swap3A_1033 = tpu.vector_load %arg8[%swap3A_1030, %swap3A_1031, %swap3A_1032] {strides = array<i32>} : memref<4x200x64xf32, #tpu.memory_space<vmem>>, vector<1x1x16xf32>,
      %swap3A_1034 = vector.shape_cast %swap3A_1033 : vector<1x1x16xf32> to vector<16xf32>
      %swap3A_1035 = vector.shape_cast %broadcast_in_dim3A_991 : vector<16xf32> to vector<1x1x16xf32>
      tpu.vector_store %arg8[%swap3A_1030, %swap3A_1031, %swap3A_1032], %swap3A_1035 {strides = array<i32>} : memref<4x200x64xf32, #tpu.memory_space<vmem>>, vector<1x1x16xf32>,
      %slice3A_1036 = vector.extract_strided_slice %get3A_709 {offsets = [7], sizes = [1], strides = [1]} : vector<16xf32> to vector<1xf32>
      %squeeze3A_1037 = vector.extract %slice3A_1036[0] : f32 from vector<1xf32>
      %broadcast_in_dim3A_1038 = vector.broadcast %squeeze3A_1037 : f32 to vector<16xf32>
      %mul3A_1039 = arith.constant 8 : i32
      %mul3A_1040 = arith.muli %mul3A_1039, %scan3A_703 : i32
      %add3A_1041 = arith.constant 7 : i32
      %add3A_1042 = arith.addi %mul3A_1040, %add3A_1041 : i32
      %swap3A_1043 = arith.constant 0 : i32
      %swap3A_1044 = arith.index_cast %swap3A_1043 : i32 to index
      %swap3A_1045 = arith.index_cast %add3A_1042 : i32 to index
      %swap3A_1046 = arith.constant 0 : index
      %swap3A_1047 = tpu.vector_load %arg8[%swap3A_1044, %swap3A_1045, %swap3A_1046] {strides = array<i32>} : memref<4x200x64xf32, #tpu.memory_space<vmem>>, vector<1x1x16xf32>,
      %swap3A_1048 = vector.shape_cast %swap3A_1047 : vector<1x1x16xf32> to vector<16xf32>
      %swap3A_1049 = vector.shape_cast %broadcast_in_dim3A_1038 : vector<16xf32> to vector<1x1x16xf32>
      tpu.vector_store %arg8[%swap3A_1044, %swap3A_1045, %swap3A_1046], %swap3A_1049 {strides = array<i32>} : memref<4x200x64xf32, #tpu.memory_space<vmem>>, vector<1x1x16xf32>,
      %mul3A_1050 = arith.constant 8 : i32
      %mul3A_1051 = arith.muli %mul3A_1050, %scan3A_703 : i32
      %add3A_1052 = arith.constant 7 : i32
      %add3A_1053 = arith.addi %mul3A_1051, %add3A_1052 : i32
      %swap3A_1054 = arith.constant 0 : i32
      %swap3A_1055 = arith.index_cast %swap3A_1054 : i32 to index
      %swap3A_1056 = arith.index_cast %add3A_1053 : i32 to index
      %swap3A_1057 = arith.constant 16 : index
      %swap3A_1058 = tpu.vector_load %arg8[%swap3A_1055, %swap3A_1056, %swap3A_1057] {strides = array<i32>} : memref<4x200x64xf32, #tpu.memory_space<vmem>>, vector<1x1x16xf32>,
      %swap3A_1059 = vector.shape_cast %swap3A_1058 : vector<1x1x16xf32> to vector<16xf32>
      %swap3A_1060 = vector.shape_cast %broadcast_in_dim3A_1038 : vector<16xf32> to vector<1x1x16xf32>
      tpu.vector_store %arg8[%swap3A_1055, %swap3A_1056, %swap3A_1057], %swap3A_1060 {strides = array<i32>} : memref<4x200x64xf32, #tpu.memory_space<vmem>>, vector<1x1x16xf32>,
      %mul3A_1061 = arith.constant 8 : i32
      %mul3A_1062 = arith.muli %mul3A_1061, %scan3A_703 : i32
      %add3A_1063 = arith.constant 7 : i32
      %add3A_1064 = arith.addi %mul3A_1062, %add3A_1063 : i32
      %swap3A_1065 = arith.constant 0 : i32
      %swap3A_1066 = arith.index_cast %swap3A_1065 : i32 to index
      %swap3A_1067 = arith.index_cast %add3A_1064 : i32 to index
      %swap3A_1068 = arith.constant 32 : index
      %swap3A_1069 = tpu.vector_load %arg8[%swap3A_1066, %swap3A_1067, %swap3A_1068] {strides = array<i32>} : memref<4x200x64xf32, #tpu.memory_space<vmem>>, vector<1x1x16xf32>,
      %swap3A_1070 = vector.shape_cast %swap3A_1069 : vector<1x1x16xf32> to vector<16xf32>
      %swap3A_1071 = vector.shape_cast %broadcast_in_dim3A_1038 : vector<16xf32> to vector<1x1x16xf32>
      tpu.vector_store %arg8[%swap3A_1066, %swap3A_1067, %swap3A_1068], %swap3A_1071 {strides = array<i32>} : memref<4x200x64xf32, #tpu.memory_space<vmem>>, vector<1x1x16xf32>,
      %mul3A_1072 = arith.constant 8 : i32
      %mul3A_1073 = arith.muli %mul3A_1072, %scan3A_703 : i32
      %add3A_1074 = arith.constant 7 : i32
      %add3A_1075 = arith.addi %mul3A_1073, %add3A_1074 : i32
      %swap3A_1076 = arith.constant 0 : i32
      %swap3A_1077 = arith.index_cast %swap3A_1076 : i32 to index
      %swap3A_1078 = arith.index_cast %add3A_1075 : i32 to index
      %swap3A_1079 = arith.constant 48 : index
      %swap3A_1080 = tpu.vector_load %arg8[%swap3A_1077, %swap3A_1078, %swap3A_1079] {strides = array<i32>} : memref<4x200x64xf32, #tpu.memory_space<vmem>>, vector<1x1x16xf32>,
      %swap3A_1081 = vector.shape_cast %swap3A_1080 : vector<1x1x16xf32> to vector<16xf32>
      %swap3A_1082 = vector.shape_cast %broadcast_in_dim3A_1038 : vector<16xf32> to vector<1x1x16xf32>
      tpu.vector_store %arg8[%swap3A_1077, %swap3A_1078, %swap3A_1079], %swap3A_1082 {strides = array<i32>} : memref<4x200x64xf32, #tpu.memory_space<vmem>>, vector<1x1x16xf32>,
    }
    %scan3A_35 = arith.constant 25 : i32
    %dma_start3A_36 = arith.constant 1 : i32
    %dma_start3A_37 = arith.constant 0 : i32
    %dma_start3A_38 = arith.constant 0 : i32
    %dma_start3A_39 = tpu.memref_slice %arg7[%dma_start3A_36, %dma_start3A_37, %dma_start3A_38] : memref<4x200x64xf32, #tpu.memory_space<vmem>> -> memref<1x104x64xf32, #tpu.memory_space<vmem>>
    %dma_start3A_40 = tpu.memref_squeeze %dma_start3A_39 : memref<1x104x64xf32, #tpu.memory_space<vmem>> -> memref<104x64xf32, #tpu.memory_space<vmem>>
    %dma_start3A_41 = arith.constant 200 : i32
    %dma_start3A_42 = tpu.memref_slice %arg5[%dma_start3A_41] : memref<12800xi32, #tpu.memory_space<vmem>> -> memref<104xi32, #tpu.memory_space<vmem>>
    %dma_start3A_43 = arith.constant 0 : i32
    %dma_start3A_44 = arith.constant 0 : i32
    %dma_start3A_45 = tpu.memref_slice %arg3[%dma_start3A_43, %dma_start3A_44] : memref<100000x64xf32, #tpu.memory_space<hbm>> -> memref<100000x64xf32, #tpu.memory_space<hbm>>
    tpu.enqueue_indirect_dma source(%dma_start3A_45 : memref<100000x64xf32, #tpu.memory_space<hbm>>) target(%dma_start3A_40 : memref<104x64xf32, #tpu.memory_space<vmem>>) offsets(%dma_start3A_42 : memref<104xi32, #tpu.memory_space<vmem>>) semaphore(%arg10 : memref<!tpu.dma_semaphore, #tpu.memory_space<semaphore_mem>>)
    %dma_start3A_46 = arith.constant 1 : i32
    %dma_start3A_47 = arith.constant 104 : i32
    %dma_start3A_48 = arith.constant 0 : i32
    %dma_start3A_49 = tpu.memref_slice %arg7[%dma_start3A_46, %dma_start3A_47, %dma_start3A_48] : memref<4x200x64xf32, #tpu.memory_space<vmem>> -> memref<1x96x64xf32, #tpu.memory_space<vmem>>
    %dma_start3A_50 = tpu.memref_squeeze %dma_start3A_49 : memref<1x96x64xf32, #tpu.memory_space<vmem>> -> memref<96x64xf32, #tpu.memory_space<vmem>>
    %dma_start3A_51 = arith.constant 304 : i32
    %dma_start3A_52 = tpu.memref_slice %arg5[%dma_start3A_51] : memref<12800xi32, #tpu.memory_space<vmem>> -> memref<96xi32, #tpu.memory_space<vmem>>
    %dma_start3A_53 = arith.constant 0 : i32
    %dma_start3A_54 = arith.constant 0 : i32
    %dma_start3A_55 = tpu.memref_slice %arg3[%dma_start3A_53, %dma_start3A_54] : memref<100000x64xf32, #tpu.memory_space<hbm>> -> memref<100000x64xf32, #tpu.memory_space<hbm>>
    tpu.enqueue_indirect_dma source(%dma_start3A_55 : memref<100000x64xf32, #tpu.memory_space<hbm>>) target(%dma_start3A_50 : memref<96x64xf32, #tpu.memory_space<vmem>>) offsets(%dma_start3A_52 : memref<96xi32, #tpu.memory_space<vmem>>) semaphore(%arg10 : memref<!tpu.dma_semaphore, #tpu.memory_space<semaphore_mem>>)
    %scan3A_56 = arith.constant 0 : i32
    %scan3A_57 = arith.constant 0 : i32
    %scan3A_58 = arith.constant 25 : i32
    %scan3A_59 = arith.addi %scan3A_57, %scan3A_58 : i32
    %scan3A_60 = arith.constant 1 : i32
    scf.for %scan3A_703 = %scan3A_57 to %scan3A_59 step %scan3A_60  : i32 {
      %mul3A_704 = arith.constant 8 : i32
      %mul3A_705 = arith.muli %mul3A_704, %scan3A_703 : i32
      %add3A_706 = arith.constant 200 : i32
      %add3A_707 = arith.addi %add3A_706, %mul3A_705 : i32
      %get3A = arith.index_cast %add3A_707 : i32 to index
      %get3A_708 = tpu.vector_load %arg6[%get3A] {strides = array<i32>} : memref<12816xf32, #tpu.memory_space<vmem>>, vector<16xf32>,
      %get3A_709 = vector.shape_cast %get3A_708 : vector<16xf32> to vector<16xf32>
      %slice3A = vector.extract_strided_slice %get3A_709 {offsets = [0], sizes = [1], strides = [1]} : vector<16xf32> to vector<1xf32>
      %squeeze3A = vector.extract %slice3A[0] : f32 from vector<1xf32>
      %broadcast_in_dim3A_710 = vector.broadcast %squeeze3A : f32 to vector<16xf32>
      %mul3A_711 = arith.constant 8 : i32
      %mul3A_712 = arith.muli %mul3A_711, %scan3A_703 : i32
      %add3A_713 = arith.constant 0 : i32
      %add3A_714 = arith.addi %mul3A_712, %add3A_713 : i32
      %swap3A = arith.constant 1 : i32
      %swap3A_715 = arith.index_cast %swap3A : i32 to index
      %swap3A_716 = arith.index_cast %add3A_714 : i32 to index
      %swap3A_717 = arith.constant 0 : index
      %swap3A_718 = tpu.vector_load %arg8[%swap3A_715, %swap3A_716, %swap3A_717] {strides = array<i32>} : memref<4x200x64xf32, #tpu.memory_space<vmem>>, vector<1x1x16xf32>,
      %swap3A_719 = vector.shape_cast %swap3A_718 : vector<1x1x16xf32> to vector<16xf32>
      %swap3A_720 = vector.shape_cast %broadcast_in_dim3A_710 : vector<16xf32> to vector<1x1x16xf32>
      tpu.vector_store %arg8[%swap3A_715, %swap3A_716, %swap3A_717], %swap3A_720 {strides = array<i32>} : memref<4x200x64xf32, #tpu.memory_space<vmem>>, vector<1x1x16xf32>,
      %mul3A_721 = arith.constant 8 : i32
      %mul3A_722 = arith.muli %mul3A_721, %scan3A_703 : i32
      %add3A_723 = arith.constant 0 : i32
      %add3A_724 = arith.addi %mul3A_722, %add3A_723 : i32
      %swap3A_725 = arith.constant 1 : i32
      %swap3A_726 = arith.index_cast %swap3A_725 : i32 to index
      %swap3A_727 = arith.index_cast %add3A_724 : i32 to index
      %swap3A_728 = arith.constant 16 : index
      %swap3A_729 = tpu.vector_load %arg8[%swap3A_726, %swap3A_727, %swap3A_728] {strides = array<i32>} : memref<4x200x64xf32, #tpu.memory_space<vmem>>, vector<1x1x16xf32>,
      %swap3A_730 = vector.shape_cast %swap3A_729 : vector<1x1x16xf32> to vector<16xf32>
      %swap3A_731 = vector.shape_cast %broadcast_in_dim3A_710 : vector<16xf32> to vector<1x1x16xf32>
      tpu.vector_store %arg8[%swap3A_726, %swap3A_727, %swap3A_728], %swap3A_731 {strides = array<i32>} : memref<4x200x64xf32, #tpu.memory_space<vmem>>, vector<1x1x16xf32>,
      %mul3A_732 = arith.constant 8 : i32
      %mul3A_733 = arith.muli %mul3A_732, %scan3A_703 : i32
      %add3A_734 = arith.constant 0 : i32
      %add3A_735 = arith.addi %mul3A_733, %add3A_734 : i32
      %swap3A_736 = arith.constant 1 : i32
      %swap3A_737 = arith.index_cast %swap3A_736 : i32 to index
      %swap3A_738 = arith.index_cast %add3A_735 : i32 to index
      %swap3A_739 = arith.constant 32 : index
      %swap3A_740 = tpu.vector_load %arg8[%swap3A_737, %swap3A_738, %swap3A_739] {strides = array<i32>} : memref<4x200x64xf32, #tpu.memory_space<vmem>>, vector<1x1x16xf32>,
      %swap3A_741 = vector.shape_cast %swap3A_740 : vector<1x1x16xf32> to vector<16xf32>
      %swap3A_742 = vector.shape_cast %broadcast_in_dim3A_710 : vector<16xf32> to vector<1x1x16xf32>
      tpu.vector_store %arg8[%swap3A_737, %swap3A_738, %swap3A_739], %swap3A_742 {strides = array<i32>} : memref<4x200x64xf32, #tpu.memory_space<vmem>>, vector<1x1x16xf32>,
      %mul3A_743 = arith.constant 8 : i32
      %mul3A_744 = arith.muli %mul3A_743, %scan3A_703 : i32
      %add3A_745 = arith.constant 0 : i32
      %add3A_746 = arith.addi %mul3A_744, %add3A_745 : i32
      %swap3A_747 = arith.constant 1 : i32
      %swap3A_748 = arith.index_cast %swap3A_747 : i32 to index
      %swap3A_749 = arith.index_cast %add3A_746 : i32 to index
      %swap3A_750 = arith.constant 48 : index
      %swap3A_751 = tpu.vector_load %arg8[%swap3A_748, %swap3A_749, %swap3A_750] {strides = array<i32>} : memref<4x200x64xf32, #tpu.memory_space<vmem>>, vector<1x1x16xf32>,
      %swap3A_752 = vector.shape_cast %swap3A_751 : vector<1x1x16xf32> to vector<16xf32>
      %swap3A_753 = vector.shape_cast %broadcast_in_dim3A_710 : vector<16xf32> to vector<1x1x16xf32>
      tpu.vector_store %arg8[%swap3A_748, %swap3A_749, %swap3A_750], %swap3A_753 {strides = array<i32>} : memref<4x200x64xf32, #tpu.memory_space<vmem>>, vector<1x1x16xf32>,
      %slice3A_754 = vector.extract_strided_slice %get3A_709 {offsets = [1], sizes = [1], strides = [1]} : vector<16xf32> to vector<1xf32>
      %squeeze3A_755 = vector.extract %slice3A_754[0] : f32 from vector<1xf32>
      %broadcast_in_dim3A_756 = vector.broadcast %squeeze3A_755 : f32 to vector<16xf32>
      %mul3A_757 = arith.constant 8 : i32
      %mul3A_758 = arith.muli %mul3A_757, %scan3A_703 : i32
      %add3A_759 = arith.constant 1 : i32
      %add3A_760 = arith.addi %mul3A_758, %add3A_759 : i32
      %swap3A_761 = arith.constant 1 : i32
      %swap3A_762 = arith.index_cast %swap3A_761 : i32 to index
      %swap3A_763 = arith.index_cast %add3A_760 : i32 to index
      %swap3A_764 = arith.constant 0 : index
      %swap3A_765 = tpu.vector_load %arg8[%swap3A_762, %swap3A_763, %swap3A_764] {strides = array<i32>} : memref<4x200x64xf32, #tpu.memory_space<vmem>>, vector<1x1x16xf32>,
      %swap3A_766 = vector.shape_cast %swap3A_765 : vector<1x1x16xf32> to vector<16xf32>
      %swap3A_767 = vector.shape_cast %broadcast_in_dim3A_756 : vector<16xf32> to vector<1x1x16xf32>
      tpu.vector_store %arg8[%swap3A_762, %swap3A_763, %swap3A_764], %swap3A_767 {strides = array<i32>} : memref<4x200x64xf32, #tpu.memory_space<vmem>>, vector<1x1x16xf32>,
      %mul3A_768 = arith.constant 8 : i32
      %mul3A_769 = arith.muli %mul3A_768, %scan3A_703 : i32
      %add3A_770 = arith.constant 1 : i32
      %add3A_771 = arith.addi %mul3A_769, %add3A_770 : i32
      %swap3A_772 = arith.constant 1 : i32
      %swap3A_773 = arith.index_cast %swap3A_772 : i32 to index
      %swap3A_774 = arith.index_cast %add3A_771 : i32 to index
      %swap3A_775 = arith.constant 16 : index
      %swap3A_776 = tpu.vector_load %arg8[%swap3A_773, %swap3A_774, %swap3A_775] {strides = array<i32>} : memref<4x200x64xf32, #tpu.memory_space<vmem>>, vector<1x1x16xf32>,
      %swap3A_777 = vector.shape_cast %swap3A_776 : vector<1x1x16xf32> to vector<16xf32>
      %swap3A_778 = vector.shape_cast %broadcast_in_dim3A_756 : vector<16xf32> to vector<1x1x16xf32>
      tpu.vector_store %arg8[%swap3A_773, %swap3A_774, %swap3A_775], %swap3A_778 {strides = array<i32>} : memref<4x200x64xf32, #tpu.memory_space<vmem>>, vector<1x1x16xf32>,
      %mul3A_779 = arith.constant 8 : i32
      %mul3A_780 = arith.muli %mul3A_779, %scan3A_703 : i32
      %add3A_781 = arith.constant 1 : i32
      %add3A_782 = arith.addi %mul3A_780, %add3A_781 : i32
      %swap3A_783 = arith.constant 1 : i32
      %swap3A_784 = arith.index_cast %swap3A_783 : i32 to index
      %swap3A_785 = arith.index_cast %add3A_782 : i32 to index
      %swap3A_786 = arith.constant 32 : index
      %swap3A_787 = tpu.vector_load %arg8[%swap3A_784, %swap3A_785, %swap3A_786] {strides = array<i32>} : memref<4x200x64xf32, #tpu.memory_space<vmem>>, vector<1x1x16xf32>,
      %swap3A_788 = vector.shape_cast %swap3A_787 : vector<1x1x16xf32> to vector<16xf32>
      %swap3A_789 = vector.shape_cast %broadcast_in_dim3A_756 : vector<16xf32> to vector<1x1x16xf32>
      tpu.vector_store %arg8[%swap3A_784, %swap3A_785, %swap3A_786], %swap3A_789 {strides = array<i32>} : memref<4x200x64xf32, #tpu.memory_space<vmem>>, vector<1x1x16xf32>,
      %mul3A_790 = arith.constant 8 : i32
      %mul3A_791 = arith.muli %mul3A_790, %scan3A_703 : i32
      %add3A_792 = arith.constant 1 : i32
      %add3A_793 = arith.addi %mul3A_791, %add3A_792 : i32
      %swap3A_794 = arith.constant 1 : i32
      %swap3A_795 = arith.index_cast %swap3A_794 : i32 to index
      %swap3A_796 = arith.index_cast %add3A_793 : i32 to index
      %swap3A_797 = arith.constant 48 : index
      %swap3A_798 = tpu.vector_load %arg8[%swap3A_795, %swap3A_796, %swap3A_797] {strides = array<i32>} : memref<4x200x64xf32, #tpu.memory_space<vmem>>, vector<1x1x16xf32>,
      %swap3A_799 = vector.shape_cast %swap3A_798 : vector<1x1x16xf32> to vector<16xf32>
      %swap3A_800 = vector.shape_cast %broadcast_in_dim3A_756 : vector<16xf32> to vector<1x1x16xf32>
      tpu.vector_store %arg8[%swap3A_795, %swap3A_796, %swap3A_797], %swap3A_800 {strides = array<i32>} : memref<4x200x64xf32, #tpu.memory_space<vmem>>, vector<1x1x16xf32>,
      %slice3A_801 = vector.extract_strided_slice %get3A_709 {offsets = [2], sizes = [1], strides = [1]} : vector<16xf32> to vector<1xf32>
      %squeeze3A_802 = vector.extract %slice3A_801[0] : f32 from vector<1xf32>
      %broadcast_in_dim3A_803 = vector.broadcast %squeeze3A_802 : f32 to vector<16xf32>
      %mul3A_804 = arith.constant 8 : i32
      %mul3A_805 = arith.muli %mul3A_804, %scan3A_703 : i32
      %add3A_806 = arith.constant 2 : i32
      %add3A_807 = arith.addi %mul3A_805, %add3A_806 : i32
      %swap3A_808 = arith.constant 1 : i32
      %swap3A_809 = arith.index_cast %swap3A_808 : i32 to index
      %swap3A_810 = arith.index_cast %add3A_807 : i32 to index
      %swap3A_811 = arith.constant 0 : index
      %swap3A_812 = tpu.vector_load %arg8[%swap3A_809, %swap3A_810, %swap3A_811] {strides = array<i32>} : memref<4x200x64xf32, #tpu.memory_space<vmem>>, vector<1x1x16xf32>,
      %swap3A_813 = vector.shape_cast %swap3A_812 : vector<1x1x16xf32> to vector<16xf32>
      %swap3A_814 = vector.shape_cast %broadcast_in_dim3A_803 : vector<16xf32> to vector<1x1x16xf32>
      tpu.vector_store %arg8[%swap3A_809, %swap3A_810, %swap3A_811], %swap3A_814 {strides = array<i32>} : memref<4x200x64xf32, #tpu.memory_space<vmem>>, vector<1x1x16xf32>,
      %mul3A_815 = arith.constant 8 : i32
      %mul3A_816 = arith.muli %mul3A_815, %scan3A_703 : i32
      %add3A_817 = arith.constant 2 : i32
      %add3A_818 = arith.addi %mul3A_816, %add3A_817 : i32
      %swap3A_819 = arith.constant 1 : i32
      %swap3A_820 = arith.index_cast %swap3A_819 : i32 to index
      %swap3A_821 = arith.index_cast %add3A_818 : i32 to index
      %swap3A_822 = arith.constant 16 : index
      %swap3A_823 = tpu.vector_load %arg8[%swap3A_820, %swap3A_821, %swap3A_822] {strides = array<i32>} : memref<4x200x64xf32, #tpu.memory_space<vmem>>, vector<1x1x16xf32>,
      %swap3A_824 = vector.shape_cast %swap3A_823 : vector<1x1x16xf32> to vector<16xf32>
      %swap3A_825 = vector.shape_cast %broadcast_in_dim3A_803 : vector<16xf32> to vector<1x1x16xf32>
      tpu.vector_store %arg8[%swap3A_820, %swap3A_821, %swap3A_822], %swap3A_825 {strides = array<i32>} : memref<4x200x64xf32, #tpu.memory_space<vmem>>, vector<1x1x16xf32>,
      %mul3A_826 = arith.constant 8 : i32
      %mul3A_827 = arith.muli %mul3A_826, %scan3A_703 : i32
      %add3A_828 = arith.constant 2 : i32
      %add3A_829 = arith.addi %mul3A_827, %add3A_828 : i32
      %swap3A_830 = arith.constant 1 : i32
      %swap3A_831 = arith.index_cast %swap3A_830 : i32 to index
      %swap3A_832 = arith.index_cast %add3A_829 : i32 to index
      %swap3A_833 = arith.constant 32 : index
      %swap3A_834 = tpu.vector_load %arg8[%swap3A_831, %swap3A_832, %swap3A_833] {strides = array<i32>} : memref<4x200x64xf32, #tpu.memory_space<vmem>>, vector<1x1x16xf32>,
      %swap3A_835 = vector.shape_cast %swap3A_834 : vector<1x1x16xf32> to vector<16xf32>
      %swap3A_836 = vector.shape_cast %broadcast_in_dim3A_803 : vector<16xf32> to vector<1x1x16xf32>
      tpu.vector_store %arg8[%swap3A_831, %swap3A_832, %swap3A_833], %swap3A_836 {strides = array<i32>} : memref<4x200x64xf32, #tpu.memory_space<vmem>>, vector<1x1x16xf32>,
      %mul3A_837 = arith.constant 8 : i32
      %mul3A_838 = arith.muli %mul3A_837, %scan3A_703 : i32
      %add3A_839 = arith.constant 2 : i32
      %add3A_840 = arith.addi %mul3A_838, %add3A_839 : i32
      %swap3A_841 = arith.constant 1 : i32
      %swap3A_842 = arith.index_cast %swap3A_841 : i32 to index
      %swap3A_843 = arith.index_cast %add3A_840 : i32 to index
      %swap3A_844 = arith.constant 48 : index
      %swap3A_845 = tpu.vector_load %arg8[%swap3A_842, %swap3A_843, %swap3A_844] {strides = array<i32>} : memref<4x200x64xf32, #tpu.memory_space<vmem>>, vector<1x1x16xf32>,
      %swap3A_846 = vector.shape_cast %swap3A_845 : vector<1x1x16xf32> to vector<16xf32>
      %swap3A_847 = vector.shape_cast %broadcast_in_dim3A_803 : vector<16xf32> to vector<1x1x16xf32>
      tpu.vector_store %arg8[%swap3A_842, %swap3A_843, %swap3A_844], %swap3A_847 {strides = array<i32>} : memref<4x200x64xf32, #tpu.memory_space<vmem>>, vector<1x1x16xf32>,
      %slice3A_848 = vector.extract_strided_slice %get3A_709 {offsets = [3], sizes = [1], strides = [1]} : vector<16xf32> to vector<1xf32>
      %squeeze3A_849 = vector.extract %slice3A_848[0] : f32 from vector<1xf32>
      %broadcast_in_dim3A_850 = vector.broadcast %squeeze3A_849 : f32 to vector<16xf32>
      %mul3A_851 = arith.constant 8 : i32
      %mul3A_852 = arith.muli %mul3A_851, %scan3A_703 : i32
      %add3A_853 = arith.constant 3 : i32
      %add3A_854 = arith.addi %mul3A_852, %add3A_853 : i32
      %swap3A_855 = arith.constant 1 : i32
      %swap3A_856 = arith.index_cast %swap3A_855 : i32 to index
      %swap3A_857 = arith.index_cast %add3A_854 : i32 to index
      %swap3A_858 = arith.constant 0 : index
      %swap3A_859 = tpu.vector_load %arg8[%swap3A_856, %swap3A_857, %swap3A_858] {strides = array<i32>} : memref<4x200x64xf32, #tpu.memory_space<vmem>>, vector<1x1x16xf32>,
      %swap3A_860 = vector.shape_cast %swap3A_859 : vector<1x1x16xf32> to vector<16xf32>
      %swap3A_861 = vector.shape_cast %broadcast_in_dim3A_850 : vector<16xf32> to vector<1x1x16xf32>
      tpu.vector_store %arg8[%swap3A_856, %swap3A_857, %swap3A_858], %swap3A_861 {strides = array<i32>} : memref<4x200x64xf32, #tpu.memory_space<vmem>>, vector<1x1x16xf32>,
      %mul3A_862 = arith.constant 8 : i32
      %mul3A_863 = arith.muli %mul3A_862, %scan3A_703 : i32
      %add3A_864 = arith.constant 3 : i32
      %add3A_865 = arith.addi %mul3A_863, %add3A_864 : i32
      %swap3A_866 = arith.constant 1 : i32
      %swap3A_867 = arith.index_cast %swap3A_866 : i32 to index
      %swap3A_868 = arith.index_cast %add3A_865 : i32 to index
      %swap3A_869 = arith.constant 16 : index
      %swap3A_870 = tpu.vector_load %arg8[%swap3A_867, %swap3A_868, %swap3A_869] {strides = array<i32>} : memref<4x200x64xf32, #tpu.memory_space<vmem>>, vector<1x1x16xf32>,
      %swap3A_871 = vector.shape_cast %swap3A_870 : vector<1x1x16xf32> to vector<16xf32>
      %swap3A_872 = vector.shape_cast %broadcast_in_dim3A_850 : vector<16xf32> to vector<1x1x16xf32>
      tpu.vector_store %arg8[%swap3A_867, %swap3A_868, %swap3A_869], %swap3A_872 {strides = array<i32>} : memref<4x200x64xf32, #tpu.memory_space<vmem>>, vector<1x1x16xf32>,
      %mul3A_873 = arith.constant 8 : i32
      %mul3A_874 = arith.muli %mul3A_873, %scan3A_703 : i32
      %add3A_875 = arith.constant 3 : i32
      %add3A_876 = arith.addi %mul3A_874, %add3A_875 : i32
      %swap3A_877 = arith.constant 1 : i32
      %swap3A_878 = arith.index_cast %swap3A_877 : i32 to index
      %swap3A_879 = arith.index_cast %add3A_876 : i32 to index
      %swap3A_880 = arith.constant 32 : index
      %swap3A_881 = tpu.vector_load %arg8[%swap3A_878, %swap3A_879, %swap3A_880] {strides = array<i32>} : memref<4x200x64xf32, #tpu.memory_space<vmem>>, vector<1x1x16xf32>,
      %swap3A_882 = vector.shape_cast %swap3A_881 : vector<1x1x16xf32> to vector<16xf32>
      %swap3A_883 = vector.shape_cast %broadcast_in_dim3A_850 : vector<16xf32> to vector<1x1x16xf32>
      tpu.vector_store %arg8[%swap3A_878, %swap3A_879, %swap3A_880], %swap3A_883 {strides = array<i32>} : memref<4x200x64xf32, #tpu.memory_space<vmem>>, vector<1x1x16xf32>,
      %mul3A_884 = arith.constant 8 : i32
      %mul3A_885 = arith.muli %mul3A_884, %scan3A_703 : i32
      %add3A_886 = arith.constant 3 : i32
      %add3A_887 = arith.addi %mul3A_885, %add3A_886 : i32
      %swap3A_888 = arith.constant 1 : i32
      %swap3A_889 = arith.index_cast %swap3A_888 : i32 to index
      %swap3A_890 = arith.index_cast %add3A_887 : i32 to index
      %swap3A_891 = arith.constant 48 : index
      %swap3A_892 = tpu.vector_load %arg8[%swap3A_889, %swap3A_890, %swap3A_891] {strides = array<i32>} : memref<4x200x64xf32, #tpu.memory_space<vmem>>, vector<1x1x16xf32>,
      %swap3A_893 = vector.shape_cast %swap3A_892 : vector<1x1x16xf32> to vector<16xf32>
      %swap3A_894 = vector.shape_cast %broadcast_in_dim3A_850 : vector<16xf32> to vector<1x1x16xf32>
      tpu.vector_store %arg8[%swap3A_889, %swap3A_890, %swap3A_891], %swap3A_894 {strides = array<i32>} : memref<4x200x64xf32, #tpu.memory_space<vmem>>, vector<1x1x16xf32>,
      %slice3A_895 = vector.extract_strided_slice %get3A_709 {offsets = [4], sizes = [1], strides = [1]} : vector<16xf32> to vector<1xf32>
      %squeeze3A_896 = vector.extract %slice3A_895[0] : f32 from vector<1xf32>
      %broadcast_in_dim3A_897 = vector.broadcast %squeeze3A_896 : f32 to vector<16xf32>
      %mul3A_898 = arith.constant 8 : i32
      %mul3A_899 = arith.muli %mul3A_898, %scan3A_703 : i32
      %add3A_900 = arith.constant 4 : i32
      %add3A_901 = arith.addi %mul3A_899, %add3A_900 : i32
      %swap3A_902 = arith.constant 1 : i32
      %swap3A_903 = arith.index_cast %swap3A_902 : i32 to index
      %swap3A_904 = arith.index_cast %add3A_901 : i32 to index
      %swap3A_905 = arith.constant 0 : index
      %swap3A_906 = tpu.vector_load %arg8[%swap3A_903, %swap3A_904, %swap3A_905] {strides = array<i32>} : memref<4x200x64xf32, #tpu.memory_space<vmem>>, vector<1x1x16xf32>,
      %swap3A_907 = vector.shape_cast %swap3A_906 : vector<1x1x16xf32> to vector<16xf32>
      %swap3A_908 = vector.shape_cast %broadcast_in_dim3A_897 : vector<16xf32> to vector<1x1x16xf32>
      tpu.vector_store %arg8[%swap3A_903, %swap3A_904, %swap3A_905], %swap3A_908 {strides = array<i32>} : memref<4x200x64xf32, #tpu.memory_space<vmem>>, vector<1x1x16xf32>,
      %mul3A_909 = arith.constant 8 : i32
      %mul3A_910 = arith.muli %mul3A_909, %scan3A_703 : i32
      %add3A_911 = arith.constant 4 : i32
      %add3A_912 = arith.addi %mul3A_910, %add3A_911 : i32
      %swap3A_913 = arith.constant 1 : i32
      %swap3A_914 = arith.index_cast %swap3A_913 : i32 to index
      %swap3A_915 = arith.index_cast %add3A_912 : i32 to index
      %swap3A_916 = arith.constant 16 : index
      %swap3A_917 = tpu.vector_load %arg8[%swap3A_914, %swap3A_915, %swap3A_916] {strides = array<i32>} : memref<4x200x64xf32, #tpu.memory_space<vmem>>, vector<1x1x16xf32>,
      %swap3A_918 = vector.shape_cast %swap3A_917 : vector<1x1x16xf32> to vector<16xf32>
      %swap3A_919 = vector.shape_cast %broadcast_in_dim3A_897 : vector<16xf32> to vector<1x1x16xf32>
      tpu.vector_store %arg8[%swap3A_914, %swap3A_915, %swap3A_916], %swap3A_919 {strides = array<i32>} : memref<4x200x64xf32, #tpu.memory_space<vmem>>, vector<1x1x16xf32>,
      %mul3A_920 = arith.constant 8 : i32
      %mul3A_921 = arith.muli %mul3A_920, %scan3A_703 : i32
      %add3A_922 = arith.constant 4 : i32
      %add3A_923 = arith.addi %mul3A_921, %add3A_922 : i32
      %swap3A_924 = arith.constant 1 : i32
      %swap3A_925 = arith.index_cast %swap3A_924 : i32 to index
      %swap3A_926 = arith.index_cast %add3A_923 : i32 to index
      %swap3A_927 = arith.constant 32 : index
      %swap3A_928 = tpu.vector_load %arg8[%swap3A_925, %swap3A_926, %swap3A_927] {strides = array<i32>} : memref<4x200x64xf32, #tpu.memory_space<vmem>>, vector<1x1x16xf32>,
      %swap3A_929 = vector.shape_cast %swap3A_928 : vector<1x1x16xf32> to vector<16xf32>
      %swap3A_930 = vector.shape_cast %broadcast_in_dim3A_897 : vector<16xf32> to vector<1x1x16xf32>
      tpu.vector_store %arg8[%swap3A_925, %swap3A_926, %swap3A_927], %swap3A_930 {strides = array<i32>} : memref<4x200x64xf32, #tpu.memory_space<vmem>>, vector<1x1x16xf32>,
      %mul3A_931 = arith.constant 8 : i32
      %mul3A_932 = arith.muli %mul3A_931, %scan3A_703 : i32
      %add3A_933 = arith.constant 4 : i32
      %add3A_934 = arith.addi %mul3A_932, %add3A_933 : i32
      %swap3A_935 = arith.constant 1 : i32
      %swap3A_936 = arith.index_cast %swap3A_935 : i32 to index
      %swap3A_937 = arith.index_cast %add3A_934 : i32 to index
      %swap3A_938 = arith.constant 48 : index
      %swap3A_939 = tpu.vector_load %arg8[%swap3A_936, %swap3A_937, %swap3A_938] {strides = array<i32>} : memref<4x200x64xf32, #tpu.memory_space<vmem>>, vector<1x1x16xf32>,
      %swap3A_940 = vector.shape_cast %swap3A_939 : vector<1x1x16xf32> to vector<16xf32>
      %swap3A_941 = vector.shape_cast %broadcast_in_dim3A_897 : vector<16xf32> to vector<1x1x16xf32>
      tpu.vector_store %arg8[%swap3A_936, %swap3A_937, %swap3A_938], %swap3A_941 {strides = array<i32>} : memref<4x200x64xf32, #tpu.memory_space<vmem>>, vector<1x1x16xf32>,
      %slice3A_942 = vector.extract_strided_slice %get3A_709 {offsets = [5], sizes = [1], strides = [1]} : vector<16xf32> to vector<1xf32>
      %squeeze3A_943 = vector.extract %slice3A_942[0] : f32 from vector<1xf32>
      %broadcast_in_dim3A_944 = vector.broadcast %squeeze3A_943 : f32 to vector<16xf32>
      %mul3A_945 = arith.constant 8 : i32
      %mul3A_946 = arith.muli %mul3A_945, %scan3A_703 : i32
      %add3A_947 = arith.constant 5 : i32
      %add3A_948 = arith.addi %mul3A_946, %add3A_947 : i32
      %swap3A_949 = arith.constant 1 : i32
      %swap3A_950 = arith.index_cast %swap3A_949 : i32 to index
      %swap3A_951 = arith.index_cast %add3A_948 : i32 to index
      %swap3A_952 = arith.constant 0 : index
      %swap3A_953 = tpu.vector_load %arg8[%swap3A_950, %swap3A_951, %swap3A_952] {strides = array<i32>} : memref<4x200x64xf32, #tpu.memory_space<vmem>>, vector<1x1x16xf32>,
      %swap3A_954 = vector.shape_cast %swap3A_953 : vector<1x1x16xf32> to vector<16xf32>
      %swap3A_955 = vector.shape_cast %broadcast_in_dim3A_944 : vector<16xf32> to vector<1x1x16xf32>
      tpu.vector_store %arg8[%swap3A_950, %swap3A_951, %swap3A_952], %swap3A_955 {strides = array<i32>} : memref<4x200x64xf32, #tpu.memory_space<vmem>>, vector<1x1x16xf32>,
      %mul3A_956 = arith.constant 8 : i32
      %mul3A_957 = arith.muli %mul3A_956, %scan3A_703 : i32
      %add3A_958 = arith.constant 5 : i32
      %add3A_959 = arith.addi %mul3A_957, %add3A_958 : i32
      %swap3A_960 = arith.constant 1 : i32
      %swap3A_961 = arith.index_cast %swap3A_960 : i32 to index
      %swap3A_962 = arith.index_cast %add3A_959 : i32 to index
      %swap3A_963 = arith.constant 16 : index
      %swap3A_964 = tpu.vector_load %arg8[%swap3A_961, %swap3A_962, %swap3A_963] {strides = array<i32>} : memref<4x200x64xf32, #tpu.memory_space<vmem>>, vector<1x1x16xf32>,
      %swap3A_965 = vector.shape_cast %swap3A_964 : vector<1x1x16xf32> to vector<16xf32>
      %swap3A_966 = vector.shape_cast %broadcast_in_dim3A_944 : vector<16xf32> to vector<1x1x16xf32>
      tpu.vector_store %arg8[%swap3A_961, %swap3A_962, %swap3A_963], %swap3A_966 {strides = array<i32>} : memref<4x200x64xf32, #tpu.memory_space<vmem>>, vector<1x1x16xf32>,
      %mul3A_967 = arith.constant 8 : i32
      %mul3A_968 = arith.muli %mul3A_967, %scan3A_703 : i32
      %add3A_969 = arith.constant 5 : i32
      %add3A_970 = arith.addi %mul3A_968, %add3A_969 : i32
      %swap3A_971 = arith.constant 1 : i32
      %swap3A_972 = arith.index_cast %swap3A_971 : i32 to index
      %swap3A_973 = arith.index_cast %add3A_970 : i32 to index
      %swap3A_974 = arith.constant 32 : index
      %swap3A_975 = tpu.vector_load %arg8[%swap3A_972, %swap3A_973, %swap3A_974] {strides = array<i32>} : memref<4x200x64xf32, #tpu.memory_space<vmem>>, vector<1x1x16xf32>,
      %swap3A_976 = vector.shape_cast %swap3A_975 : vector<1x1x16xf32> to vector<16xf32>
      %swap3A_977 = vector.shape_cast %broadcast_in_dim3A_944 : vector<16xf32> to vector<1x1x16xf32>
      tpu.vector_store %arg8[%swap3A_972, %swap3A_973, %swap3A_974], %swap3A_977 {strides = array<i32>} : memref<4x200x64xf32, #tpu.memory_space<vmem>>, vector<1x1x16xf32>,
      %mul3A_978 = arith.constant 8 : i32
      %mul3A_979 = arith.muli %mul3A_978, %scan3A_703 : i32
      %add3A_980 = arith.constant 5 : i32
      %add3A_981 = arith.addi %mul3A_979, %add3A_980 : i32
      %swap3A_982 = arith.constant 1 : i32
      %swap3A_983 = arith.index_cast %swap3A_982 : i32 to index
      %swap3A_984 = arith.index_cast %add3A_981 : i32 to index
      %swap3A_985 = arith.constant 48 : index
      %swap3A_986 = tpu.vector_load %arg8[%swap3A_983, %swap3A_984, %swap3A_985] {strides = array<i32>} : memref<4x200x64xf32, #tpu.memory_space<vmem>>, vector<1x1x16xf32>,
      %swap3A_987 = vector.shape_cast %swap3A_986 : vector<1x1x16xf32> to vector<16xf32>
      %swap3A_988 = vector.shape_cast %broadcast_in_dim3A_944 : vector<16xf32> to vector<1x1x16xf32>
      tpu.vector_store %arg8[%swap3A_983, %swap3A_984, %swap3A_985], %swap3A_988 {strides = array<i32>} : memref<4x200x64xf32, #tpu.memory_space<vmem>>, vector<1x1x16xf32>,
      %slice3A_989 = vector.extract_strided_slice %get3A_709 {offsets = [6], sizes = [1], strides = [1]} : vector<16xf32> to vector<1xf32>
      %squeeze3A_990 = vector.extract %slice3A_989[0] : f32 from vector<1xf32>
      %broadcast_in_dim3A_991 = vector.broadcast %squeeze3A_990 : f32 to vector<16xf32>
      %mul3A_992 = arith.constant 8 : i32
      %mul3A_993 = arith.muli %mul3A_992, %scan3A_703 : i32
      %add3A_994 = arith.constant 6 : i32
      %add3A_995 = arith.addi %mul3A_993, %add3A_994 : i32
      %swap3A_996 = arith.constant 1 : i32
      %swap3A_997 = arith.index_cast %swap3A_996 : i32 to index
      %swap3A_998 = arith.index_cast %add3A_995 : i32 to index
      %swap3A_999 = arith.constant 0 : index
      %swap3A_1000 = tpu.vector_load %arg8[%swap3A_997, %swap3A_998, %swap3A_999] {strides = array<i32>} : memref<4x200x64xf32, #tpu.memory_space<vmem>>, vector<1x1x16xf32>,
      %swap3A_1001 = vector.shape_cast %swap3A_1000 : vector<1x1x16xf32> to vector<16xf32>
      %swap3A_1002 = vector.shape_cast %broadcast_in_dim3A_991 : vector<16xf32> to vector<1x1x16xf32>
      tpu.vector_store %arg8[%swap3A_997, %swap3A_998, %swap3A_999], %swap3A_1002 {strides = array<i32>} : memref<4x200x64xf32, #tpu.memory_space<vmem>>, vector<1x1x16xf32>,
      %mul3A_1003 = arith.constant 8 : i32
      %mul3A_1004 = arith.muli %mul3A_1003, %scan3A_703 : i32
      %add3A_1005 = arith.constant 6 : i32
      %add3A_1006 = arith.addi %mul3A_1004, %add3A_1005 : i32
      %swap3A_1007 = arith.constant 1 : i32
      %swap3A_1008 = arith.index_cast %swap3A_1007 : i32 to index
      %swap3A_1009 = arith.index_cast %add3A_1006 : i32 to index
      %swap3A_1010 = arith.constant 16 : index
      %swap3A_1011 = tpu.vector_load %arg8[%swap3A_1008, %swap3A_1009, %swap3A_1010] {strides = array<i32>} : memref<4x200x64xf32, #tpu.memory_space<vmem>>, vector<1x1x16xf32>,
      %swap3A_1012 = vector.shape_cast %swap3A_1011 : vector<1x1x16xf32> to vector<16xf32>
      %swap3A_1013 = vector.shape_cast %broadcast_in_dim3A_991 : vector<16xf32> to vector<1x1x16xf32>
      tpu.vector_store %arg8[%swap3A_1008, %swap3A_1009, %swap3A_1010], %swap3A_1013 {strides = array<i32>} : memref<4x200x64xf32, #tpu.memory_space<vmem>>, vector<1x1x16xf32>,
      %mul3A_1014 = arith.constant 8 : i32
      %mul3A_1015 = arith.muli %mul3A_1014, %scan3A_703 : i32
      %add3A_1016 = arith.constant 6 : i32
      %add3A_1017 = arith.addi %mul3A_1015, %add3A_1016 : i32
      %swap3A_1018 = arith.constant 1 : i32
      %swap3A_1019 = arith.index_cast %swap3A_1018 : i32 to index
      %swap3A_1020 = arith.index_cast %add3A_1017 : i32 to index
      %swap3A_1021 = arith.constant 32 : index
      %swap3A_1022 = tpu.vector_load %arg8[%swap3A_1019, %swap3A_1020, %swap3A_1021] {strides = array<i32>} : memref<4x200x64xf32, #tpu.memory_space<vmem>>, vector<1x1x16xf32>,
      %swap3A_1023 = vector.shape_cast %swap3A_1022 : vector<1x1x16xf32> to vector<16xf32>
      %swap3A_1024 = vector.shape_cast %broadcast_in_dim3A_991 : vector<16xf32> to vector<1x1x16xf32>
      tpu.vector_store %arg8[%swap3A_1019, %swap3A_1020, %swap3A_1021], %swap3A_1024 {strides = array<i32>} : memref<4x200x64xf32, #tpu.memory_space<vmem>>, vector<1x1x16xf32>,
      %mul3A_1025 = arith.constant 8 : i32
      %mul3A_1026 = arith.muli %mul3A_1025, %scan3A_703 : i32
      %add3A_1027 = arith.constant 6 : i32
      %add3A_1028 = arith.addi %mul3A_1026, %add3A_1027 : i32
      %swap3A_1029 = arith.constant 1 : i32
      %swap3A_1030 = arith.index_cast %swap3A_1029 : i32 to index
      %swap3A_1031 = arith.index_cast %add3A_1028 : i32 to index
      %swap3A_1032 = arith.constant 48 : index
      %swap3A_1033 = tpu.vector_load %arg8[%swap3A_1030, %swap3A_1031, %swap3A_1032] {strides = array<i32>} : memref<4x200x64xf32, #tpu.memory_space<vmem>>, vector<1x1x16xf32>,
      %swap3A_1034 = vector.shape_cast %swap3A_1033 : vector<1x1x16xf32> to vector<16xf32>
      %swap3A_1035 = vector.shape_cast %broadcast_in_dim3A_991 : vector<16xf32> to vector<1x1x16xf32>
      tpu.vector_store %arg8[%swap3A_1030, %swap3A_1031, %swap3A_1032], %swap3A_1035 {strides = array<i32>} : memref<4x200x64xf32, #tpu.memory_space<vmem>>, vector<1x1x16xf32>,
      %slice3A_1036 = vector.extract_strided_slice %get3A_709 {offsets = [7], sizes = [1], strides = [1]} : vector<16xf32> to vector<1xf32>
      %squeeze3A_1037 = vector.extract %slice3A_1036[0] : f32 from vector<1xf32>
      %broadcast_in_dim3A_1038 = vector.broadcast %squeeze3A_1037 : f32 to vector<16xf32>
      %mul3A_1039 = arith.constant 8 : i32
      %mul3A_1040 = arith.muli %mul3A_1039, %scan3A_703 : i32
      %add3A_1041 = arith.constant 7 : i32
      %add3A_1042 = arith.addi %mul3A_1040, %add3A_1041 : i32
      %swap3A_1043 = arith.constant 1 : i32
      %swap3A_1044 = arith.index_cast %swap3A_1043 : i32 to index
      %swap3A_1045 = arith.index_cast %add3A_1042 : i32 to index
      %swap3A_1046 = arith.constant 0 : index
      %swap3A_1047 = tpu.vector_load %arg8[%swap3A_1044, %swap3A_1045, %swap3A_1046] {strides = array<i32>} : memref<4x200x64xf32, #tpu.memory_space<vmem>>, vector<1x1x16xf32>,
      %swap3A_1048 = vector.shape_cast %swap3A_1047 : vector<1x1x16xf32> to vector<16xf32>
      %swap3A_1049 = vector.shape_cast %broadcast_in_dim3A_1038 : vector<16xf32> to vector<1x1x16xf32>
      tpu.vector_store %arg8[%swap3A_1044, %swap3A_1045, %swap3A_1046], %swap3A_1049 {strides = array<i32>} : memref<4x200x64xf32, #tpu.memory_space<vmem>>, vector<1x1x16xf32>,
      %mul3A_1050 = arith.constant 8 : i32
      %mul3A_1051 = arith.muli %mul3A_1050, %scan3A_703 : i32
      %add3A_1052 = arith.constant 7 : i32
      %add3A_1053 = arith.addi %mul3A_1051, %add3A_1052 : i32
      %swap3A_1054 = arith.constant 1 : i32
      %swap3A_1055 = arith.index_cast %swap3A_1054 : i32 to index
      %swap3A_1056 = arith.index_cast %add3A_1053 : i32 to index
      %swap3A_1057 = arith.constant 16 : index
      %swap3A_1058 = tpu.vector_load %arg8[%swap3A_1055, %swap3A_1056, %swap3A_1057] {strides = array<i32>} : memref<4x200x64xf32, #tpu.memory_space<vmem>>, vector<1x1x16xf32>,
      %swap3A_1059 = vector.shape_cast %swap3A_1058 : vector<1x1x16xf32> to vector<16xf32>
      %swap3A_1060 = vector.shape_cast %broadcast_in_dim3A_1038 : vector<16xf32> to vector<1x1x16xf32>
      tpu.vector_store %arg8[%swap3A_1055, %swap3A_1056, %swap3A_1057], %swap3A_1060 {strides = array<i32>} : memref<4x200x64xf32, #tpu.memory_space<vmem>>, vector<1x1x16xf32>,
      %mul3A_1061 = arith.constant 8 : i32
      %mul3A_1062 = arith.muli %mul3A_1061, %scan3A_703 : i32
      %add3A_1063 = arith.constant 7 : i32
      %add3A_1064 = arith.addi %mul3A_1062, %add3A_1063 : i32
      %swap3A_1065 = arith.constant 1 : i32
      %swap3A_1066 = arith.index_cast %swap3A_1065 : i32 to index
      %swap3A_1067 = arith.index_cast %add3A_1064 : i32 to index
      %swap3A_1068 = arith.constant 32 : index
      %swap3A_1069 = tpu.vector_load %arg8[%swap3A_1066, %swap3A_1067, %swap3A_1068] {strides = array<i32>} : memref<4x200x64xf32, #tpu.memory_space<vmem>>, vector<1x1x16xf32>,
      %swap3A_1070 = vector.shape_cast %swap3A_1069 : vector<1x1x16xf32> to vector<16xf32>
      %swap3A_1071 = vector.shape_cast %broadcast_in_dim3A_1038 : vector<16xf32> to vector<1x1x16xf32>
      tpu.vector_store %arg8[%swap3A_1066, %swap3A_1067, %swap3A_1068], %swap3A_1071 {strides = array<i32>} : memref<4x200x64xf32, #tpu.memory_space<vmem>>, vector<1x1x16xf32>,
      %mul3A_1072 = arith.constant 8 : i32
      %mul3A_1073 = arith.muli %mul3A_1072, %scan3A_703 : i32
      %add3A_1074 = arith.constant 7 : i32
      %add3A_1075 = arith.addi %mul3A_1073, %add3A_1074 : i32
      %swap3A_1076 = arith.constant 1 : i32
      %swap3A_1077 = arith.index_cast %swap3A_1076 : i32 to index
      %swap3A_1078 = arith.index_cast %add3A_1075 : i32 to index
      %swap3A_1079 = arith.constant 48 : index
      %swap3A_1080 = tpu.vector_load %arg8[%swap3A_1077, %swap3A_1078, %swap3A_1079] {strides = array<i32>} : memref<4x200x64xf32, #tpu.memory_space<vmem>>, vector<1x1x16xf32>,
      %swap3A_1081 = vector.shape_cast %swap3A_1080 : vector<1x1x16xf32> to vector<16xf32>
      %swap3A_1082 = vector.shape_cast %broadcast_in_dim3A_1038 : vector<16xf32> to vector<1x1x16xf32>
      tpu.vector_store %arg8[%swap3A_1077, %swap3A_1078, %swap3A_1079], %swap3A_1082 {strides = array<i32>} : memref<4x200x64xf32, #tpu.memory_space<vmem>>, vector<1x1x16xf32>,
    }
    %scan3A_61 = arith.constant 25 : i32
    %dma_start3A_62 = arith.constant 2 : i32
    %dma_start3A_63 = arith.constant 0 : i32
    %dma_start3A_64 = arith.constant 0 : i32
    %dma_start3A_65 = tpu.memref_slice %arg7[%dma_start3A_62, %dma_start3A_63, %dma_start3A_64] : memref<4x200x64xf32, #tpu.memory_space<vmem>> -> memref<1x104x64xf32, #tpu.memory_space<vmem>>
    %dma_start3A_66 = tpu.memref_squeeze %dma_start3A_65 : memref<1x104x64xf32, #tpu.memory_space<vmem>> -> memref<104x64xf32, #tpu.memory_space<vmem>>
    %dma_start3A_67 = arith.constant 400 : i32
    %dma_start3A_68 = tpu.memref_slice %arg5[%dma_start3A_67] : memref<12800xi32, #tpu.memory_space<vmem>> -> memref<104xi32, #tpu.memory_space<vmem>>
    %dma_start3A_69 = arith.constant 0 : i32
    %dma_start3A_70 = arith.constant 0 : i32
    %dma_start3A_71 = tpu.memref_slice %arg3[%dma_start3A_69, %dma_start3A_70] : memref<100000x64xf32, #tpu.memory_space<hbm>> -> memref<100000x64xf32, #tpu.memory_space<hbm>>
    tpu.enqueue_indirect_dma source(%dma_start3A_71 : memref<100000x64xf32, #tpu.memory_space<hbm>>) target(%dma_start3A_66 : memref<104x64xf32, #tpu.memory_space<vmem>>) offsets(%dma_start3A_68 : memref<104xi32, #tpu.memory_space<vmem>>) semaphore(%arg11 : memref<!tpu.dma_semaphore, #tpu.memory_space<semaphore_mem>>)
    %dma_start3A_72 = arith.constant 2 : i32
    %dma_start3A_73 = arith.constant 104 : i32
    %dma_start3A_74 = arith.constant 0 : i32
    %dma_start3A_75 = tpu.memref_slice %arg7[%dma_start3A_72, %dma_start3A_73, %dma_start3A_74] : memref<4x200x64xf32, #tpu.memory_space<vmem>> -> memref<1x96x64xf32, #tpu.memory_space<vmem>>
    %dma_start3A_76 = tpu.memref_squeeze %dma_start3A_75 : memref<1x96x64xf32, #tpu.memory_space<vmem>> -> memref<96x64xf32, #tpu.memory_space<vmem>>
    %dma_start3A_77 = arith.constant 504 : i32
    %dma_start3A_78 = tpu.memref_slice %arg5[%dma_start3A_77] : memref<12800xi32, #tpu.memory_space<vmem>> -> memref<96xi32, #tpu.memory_space<vmem>>
    %dma_start3A_79 = arith.constant 0 : i32
    %dma_start3A_80 = arith.constant 0 : i32
    %dma_start3A_81 = tpu.memref_slice %arg3[%dma_start3A_79, %dma_start3A_80] : memref<100000x64xf32, #tpu.memory_space<hbm>> -> memref<100000x64xf32, #tpu.memory_space<hbm>>
    tpu.enqueue_indirect_dma source(%dma_start3A_81 : memref<100000x64xf32, #tpu.memory_space<hbm>>) target(%dma_start3A_76 : memref<96x64xf32, #tpu.memory_space<vmem>>) offsets(%dma_start3A_78 : memref<96xi32, #tpu.memory_space<vmem>>) semaphore(%arg11 : memref<!tpu.dma_semaphore, #tpu.memory_space<semaphore_mem>>)
    %scan3A_82 = arith.constant 0 : i32
    %scan3A_83 = arith.constant 0 : i32
    %scan3A_84 = arith.constant 25 : i32
    %scan3A_85 = arith.addi %scan3A_83, %scan3A_84 : i32
    %scan3A_86 = arith.constant 1 : i32
    scf.for %scan3A_703 = %scan3A_83 to %scan3A_85 step %scan3A_86  : i32 {
      %mul3A_704 = arith.constant 8 : i32
      %mul3A_705 = arith.muli %mul3A_704, %scan3A_703 : i32
      %add3A_706 = arith.constant 400 : i32
      %add3A_707 = arith.addi %add3A_706, %mul3A_705 : i32
      %get3A = arith.index_cast %add3A_707 : i32 to index
      %get3A_708 = tpu.vector_load %arg6[%get3A] {strides = array<i32>} : memref<12816xf32, #tpu.memory_space<vmem>>, vector<16xf32>,
      %get3A_709 = vector.shape_cast %get3A_708 : vector<16xf32> to vector<16xf32>
      %slice3A = vector.extract_strided_slice %get3A_709 {offsets = [0], sizes = [1], strides = [1]} : vector<16xf32> to vector<1xf32>
      %squeeze3A = vector.extract %slice3A[0] : f32 from vector<1xf32>
      %broadcast_in_dim3A_710 = vector.broadcast %squeeze3A : f32 to vector<16xf32>
      %mul3A_711 = arith.constant 8 : i32
      %mul3A_712 = arith.muli %mul3A_711, %scan3A_703 : i32
      %add3A_713 = arith.constant 0 : i32
      %add3A_714 = arith.addi %mul3A_712, %add3A_713 : i32
      %swap3A = arith.constant 2 : i32
      %swap3A_715 = arith.index_cast %swap3A : i32 to index
      %swap3A_716 = arith.index_cast %add3A_714 : i32 to index
      %swap3A_717 = arith.constant 0 : index
      %swap3A_718 = tpu.vector_load %arg8[%swap3A_715, %swap3A_716, %swap3A_717] {strides = array<i32>} : memref<4x200x64xf32, #tpu.memory_space<vmem>>, vector<1x1x16xf32>,
      %swap3A_719 = vector.shape_cast %swap3A_718 : vector<1x1x16xf32> to vector<16xf32>
      %swap3A_720 = vector.shape_cast %broadcast_in_dim3A_710 : vector<16xf32> to vector<1x1x16xf32>
      tpu.vector_store %arg8[%swap3A_715, %swap3A_716, %swap3A_717], %swap3A_720 {strides = array<i32>} : memref<4x200x64xf32, #tpu.memory_space<vmem>>, vector<1x1x16xf32>,
      %mul3A_721 = arith.constant 8 : i32
      %mul3A_722 = arith.muli %mul3A_721, %scan3A_703 : i32
      %add3A_723 = arith.constant 0 : i32
      %add3A_724 = arith.addi %mul3A_722, %add3A_723 : i32
      %swap3A_725 = arith.constant 2 : i32
      %swap3A_726 = arith.index_cast %swap3A_725 : i32 to index
      %swap3A_727 = arith.index_cast %add3A_724 : i32 to index
      %swap3A_728 = arith.constant 16 : index
      %swap3A_729 = tpu.vector_load %arg8[%swap3A_726, %swap3A_727, %swap3A_728] {strides = array<i32>} : memref<4x200x64xf32, #tpu.memory_space<vmem>>, vector<1x1x16xf32>,
      %swap3A_730 = vector.shape_cast %swap3A_729 : vector<1x1x16xf32> to vector<16xf32>
      %swap3A_731 = vector.shape_cast %broadcast_in_dim3A_710 : vector<16xf32> to vector<1x1x16xf32>
      tpu.vector_store %arg8[%swap3A_726, %swap3A_727, %swap3A_728], %swap3A_731 {strides = array<i32>} : memref<4x200x64xf32, #tpu.memory_space<vmem>>, vector<1x1x16xf32>,
      %mul3A_732 = arith.constant 8 : i32
      %mul3A_733 = arith.muli %mul3A_732, %scan3A_703 : i32
      %add3A_734 = arith.constant 0 : i32
      %add3A_735 = arith.addi %mul3A_733, %add3A_734 : i32
      %swap3A_736 = arith.constant 2 : i32
      %swap3A_737 = arith.index_cast %swap3A_736 : i32 to index
      %swap3A_738 = arith.index_cast %add3A_735 : i32 to index
      %swap3A_739 = arith.constant 32 : index
      %swap3A_740 = tpu.vector_load %arg8[%swap3A_737, %swap3A_738, %swap3A_739] {strides = array<i32>} : memref<4x200x64xf32, #tpu.memory_space<vmem>>, vector<1x1x16xf32>,
      %swap3A_741 = vector.shape_cast %swap3A_740 : vector<1x1x16xf32> to vector<16xf32>
      %swap3A_742 = vector.shape_cast %broadcast_in_dim3A_710 : vector<16xf32> to vector<1x1x16xf32>
      tpu.vector_store %arg8[%swap3A_737, %swap3A_738, %swap3A_739], %swap3A_742 {strides = array<i32>} : memref<4x200x64xf32, #tpu.memory_space<vmem>>, vector<1x1x16xf32>,
      %mul3A_743 = arith.constant 8 : i32
      %mul3A_744 = arith.muli %mul3A_743, %scan3A_703 : i32
      %add3A_745 = arith.constant 0 : i32
      %add3A_746 = arith.addi %mul3A_744, %add3A_745 : i32
      %swap3A_747 = arith.constant 2 : i32
      %swap3A_748 = arith.index_cast %swap3A_747 : i32 to index
      %swap3A_749 = arith.index_cast %add3A_746 : i32 to index
      %swap3A_750 = arith.constant 48 : index
      %swap3A_751 = tpu.vector_load %arg8[%swap3A_748, %swap3A_749, %swap3A_750] {strides = array<i32>} : memref<4x200x64xf32, #tpu.memory_space<vmem>>, vector<1x1x16xf32>,
      %swap3A_752 = vector.shape_cast %swap3A_751 : vector<1x1x16xf32> to vector<16xf32>
      %swap3A_753 = vector.shape_cast %broadcast_in_dim3A_710 : vector<16xf32> to vector<1x1x16xf32>
      tpu.vector_store %arg8[%swap3A_748, %swap3A_749, %swap3A_750], %swap3A_753 {strides = array<i32>} : memref<4x200x64xf32, #tpu.memory_space<vmem>>, vector<1x1x16xf32>,
      %slice3A_754 = vector.extract_strided_slice %get3A_709 {offsets = [1], sizes = [1], strides = [1]} : vector<16xf32> to vector<1xf32>
      %squeeze3A_755 = vector.extract %slice3A_754[0] : f32 from vector<1xf32>
      %broadcast_in_dim3A_756 = vector.broadcast %squeeze3A_755 : f32 to vector<16xf32>
      %mul3A_757 = arith.constant 8 : i32
      %mul3A_758 = arith.muli %mul3A_757, %scan3A_703 : i32
      %add3A_759 = arith.constant 1 : i32
      %add3A_760 = arith.addi %mul3A_758, %add3A_759 : i32
      %swap3A_761 = arith.constant 2 : i32
      %swap3A_762 = arith.index_cast %swap3A_761 : i32 to index
      %swap3A_763 = arith.index_cast %add3A_760 : i32 to index
      %swap3A_764 = arith.constant 0 : index
      %swap3A_765 = tpu.vector_load %arg8[%swap3A_762, %swap3A_763, %swap3A_764] {strides = array<i32>} : memref<4x200x64xf32, #tpu.memory_space<vmem>>, vector<1x1x16xf32>,
      %swap3A_766 = vector.shape_cast %swap3A_765 : vector<1x1x16xf32> to vector<16xf32>
      %swap3A_767 = vector.shape_cast %broadcast_in_dim3A_756 : vector<16xf32> to vector<1x1x16xf32>
      tpu.vector_store %arg8[%swap3A_762, %swap3A_763, %swap3A_764], %swap3A_767 {strides = array<i32>} : memref<4x200x64xf32, #tpu.memory_space<vmem>>, vector<1x1x16xf32>,
      %mul3A_768 = arith.constant 8 : i32
      %mul3A_769 = arith.muli %mul3A_768, %scan3A_703 : i32
      %add3A_770 = arith.constant 1 : i32
      %add3A_771 = arith.addi %mul3A_769, %add3A_770 : i32
      %swap3A_772 = arith.constant 2 : i32
      %swap3A_773 = arith.index_cast %swap3A_772 : i32 to index
      %swap3A_774 = arith.index_cast %add3A_771 : i32 to index
      %swap3A_775 = arith.constant 16 : index
      %swap3A_776 = tpu.vector_load %arg8[%swap3A_773, %swap3A_774, %swap3A_775] {strides = array<i32>} : memref<4x200x64xf32, #tpu.memory_space<vmem>>, vector<1x1x16xf32>,
      %swap3A_777 = vector.shape_cast %swap3A_776 : vector<1x1x16xf32> to vector<16xf32>
      %swap3A_778 = vector.shape_cast %broadcast_in_dim3A_756 : vector<16xf32> to vector<1x1x16xf32>
      tpu.vector_store %arg8[%swap3A_773, %swap3A_774, %swap3A_775], %swap3A_778 {strides = array<i32>} : memref<4x200x64xf32, #tpu.memory_space<vmem>>, vector<1x1x16xf32>,
      %mul3A_779 = arith.constant 8 : i32
      %mul3A_780 = arith.muli %mul3A_779, %scan3A_703 : i32
      %add3A_781 = arith.constant 1 : i32
      %add3A_782 = arith.addi %mul3A_780, %add3A_781 : i32
      %swap3A_783 = arith.constant 2 : i32
      %swap3A_784 = arith.index_cast %swap3A_783 : i32 to index
      %swap3A_785 = arith.index_cast %add3A_782 : i32 to index
      %swap3A_786 = arith.constant 32 : index
      %swap3A_787 = tpu.vector_load %arg8[%swap3A_784, %swap3A_785, %swap3A_786] {strides = array<i32>} : memref<4x200x64xf32, #tpu.memory_space<vmem>>, vector<1x1x16xf32>,
      %swap3A_788 = vector.shape_cast %swap3A_787 : vector<1x1x16xf32> to vector<16xf32>
      %swap3A_789 = vector.shape_cast %broadcast_in_dim3A_756 : vector<16xf32> to vector<1x1x16xf32>
      tpu.vector_store %arg8[%swap3A_784, %swap3A_785, %swap3A_786], %swap3A_789 {strides = array<i32>} : memref<4x200x64xf32, #tpu.memory_space<vmem>>, vector<1x1x16xf32>,
      %mul3A_790 = arith.constant 8 : i32
      %mul3A_791 = arith.muli %mul3A_790, %scan3A_703 : i32
      %add3A_792 = arith.constant 1 : i32
      %add3A_793 = arith.addi %mul3A_791, %add3A_792 : i32
      %swap3A_794 = arith.constant 2 : i32
      %swap3A_795 = arith.index_cast %swap3A_794 : i32 to index
      %swap3A_796 = arith.index_cast %add3A_793 : i32 to index
      %swap3A_797 = arith.constant 48 : index
      %swap3A_798 = tpu.vector_load %arg8[%swap3A_795, %swap3A_796, %swap3A_797] {strides = array<i32>} : memref<4x200x64xf32, #tpu.memory_space<vmem>>, vector<1x1x16xf32>,
      %swap3A_799 = vector.shape_cast %swap3A_798 : vector<1x1x16xf32> to vector<16xf32>
      %swap3A_800 = vector.shape_cast %broadcast_in_dim3A_756 : vector<16xf32> to vector<1x1x16xf32>
      tpu.vector_store %arg8[%swap3A_795, %swap3A_796, %swap3A_797], %swap3A_800 {strides = array<i32>} : memref<4x200x64xf32, #tpu.memory_space<vmem>>, vector<1x1x16xf32>,
      %slice3A_801 = vector.extract_strided_slice %get3A_709 {offsets = [2], sizes = [1], strides = [1]} : vector<16xf32> to vector<1xf32>
      %squeeze3A_802 = vector.extract %slice3A_801[0] : f32 from vector<1xf32>
      %broadcast_in_dim3A_803 = vector.broadcast %squeeze3A_802 : f32 to vector<16xf32>
      %mul3A_804 = arith.constant 8 : i32
      %mul3A_805 = arith.muli %mul3A_804, %scan3A_703 : i32
      %add3A_806 = arith.constant 2 : i32
      %add3A_807 = arith.addi %mul3A_805, %add3A_806 : i32
      %swap3A_808 = arith.constant 2 : i32
      %swap3A_809 = arith.index_cast %swap3A_808 : i32 to index
      %swap3A_810 = arith.index_cast %add3A_807 : i32 to index
      %swap3A_811 = arith.constant 0 : index
      %swap3A_812 = tpu.vector_load %arg8[%swap3A_809, %swap3A_810, %swap3A_811] {strides = array<i32>} : memref<4x200x64xf32, #tpu.memory_space<vmem>>, vector<1x1x16xf32>,
      %swap3A_813 = vector.shape_cast %swap3A_812 : vector<1x1x16xf32> to vector<16xf32>
      %swap3A_814 = vector.shape_cast %broadcast_in_dim3A_803 : vector<16xf32> to vector<1x1x16xf32>
      tpu.vector_store %arg8[%swap3A_809, %swap3A_810, %swap3A_811], %swap3A_814 {strides = array<i32>} : memref<4x200x64xf32, #tpu.memory_space<vmem>>, vector<1x1x16xf32>,
      %mul3A_815 = arith.constant 8 : i32
      %mul3A_816 = arith.muli %mul3A_815, %scan3A_703 : i32
      %add3A_817 = arith.constant 2 : i32
      %add3A_818 = arith.addi %mul3A_816, %add3A_817 : i32
      %swap3A_819 = arith.constant 2 : i32
      %swap3A_820 = arith.index_cast %swap3A_819 : i32 to index
      %swap3A_821 = arith.index_cast %add3A_818 : i32 to index
      %swap3A_822 = arith.constant 16 : index
      %swap3A_823 = tpu.vector_load %arg8[%swap3A_820, %swap3A_821, %swap3A_822] {strides = array<i32>} : memref<4x200x64xf32, #tpu.memory_space<vmem>>, vector<1x1x16xf32>,
      %swap3A_824 = vector.shape_cast %swap3A_823 : vector<1x1x16xf32> to vector<16xf32>
      %swap3A_825 = vector.shape_cast %broadcast_in_dim3A_803 : vector<16xf32> to vector<1x1x16xf32>
      tpu.vector_store %arg8[%swap3A_820, %swap3A_821, %swap3A_822], %swap3A_825 {strides = array<i32>} : memref<4x200x64xf32, #tpu.memory_space<vmem>>, vector<1x1x16xf32>,
      %mul3A_826 = arith.constant 8 : i32
      %mul3A_827 = arith.muli %mul3A_826, %scan3A_703 : i32
      %add3A_828 = arith.constant 2 : i32
      %add3A_829 = arith.addi %mul3A_827, %add3A_828 : i32
      %swap3A_830 = arith.constant 2 : i32
      %swap3A_831 = arith.index_cast %swap3A_830 : i32 to index
      %swap3A_832 = arith.index_cast %add3A_829 : i32 to index
      %swap3A_833 = arith.constant 32 : index
      %swap3A_834 = tpu.vector_load %arg8[%swap3A_831, %swap3A_832, %swap3A_833] {strides = array<i32>} : memref<4x200x64xf32, #tpu.memory_space<vmem>>, vector<1x1x16xf32>,
      %swap3A_835 = vector.shape_cast %swap3A_834 : vector<1x1x16xf32> to vector<16xf32>
      %swap3A_836 = vector.shape_cast %broadcast_in_dim3A_803 : vector<16xf32> to vector<1x1x16xf32>
      tpu.vector_store %arg8[%swap3A_831, %swap3A_832, %swap3A_833], %swap3A_836 {strides = array<i32>} : memref<4x200x64xf32, #tpu.memory_space<vmem>>, vector<1x1x16xf32>,
      %mul3A_837 = arith.constant 8 : i32
      %mul3A_838 = arith.muli %mul3A_837, %scan3A_703 : i32
      %add3A_839 = arith.constant 2 : i32
      %add3A_840 = arith.addi %mul3A_838, %add3A_839 : i32
      %swap3A_841 = arith.constant 2 : i32
      %swap3A_842 = arith.index_cast %swap3A_841 : i32 to index
      %swap3A_843 = arith.index_cast %add3A_840 : i32 to index
      %swap3A_844 = arith.constant 48 : index
      %swap3A_845 = tpu.vector_load %arg8[%swap3A_842, %swap3A_843, %swap3A_844] {strides = array<i32>} : memref<4x200x64xf32, #tpu.memory_space<vmem>>, vector<1x1x16xf32>,
      %swap3A_846 = vector.shape_cast %swap3A_845 : vector<1x1x16xf32> to vector<16xf32>
      %swap3A_847 = vector.shape_cast %broadcast_in_dim3A_803 : vector<16xf32> to vector<1x1x16xf32>
      tpu.vector_store %arg8[%swap3A_842, %swap3A_843, %swap3A_844], %swap3A_847 {strides = array<i32>} : memref<4x200x64xf32, #tpu.memory_space<vmem>>, vector<1x1x16xf32>,
      %slice3A_848 = vector.extract_strided_slice %get3A_709 {offsets = [3], sizes = [1], strides = [1]} : vector<16xf32> to vector<1xf32>
      %squeeze3A_849 = vector.extract %slice3A_848[0] : f32 from vector<1xf32>
      %broadcast_in_dim3A_850 = vector.broadcast %squeeze3A_849 : f32 to vector<16xf32>
      %mul3A_851 = arith.constant 8 : i32
      %mul3A_852 = arith.muli %mul3A_851, %scan3A_703 : i32
      %add3A_853 = arith.constant 3 : i32
      %add3A_854 = arith.addi %mul3A_852, %add3A_853 : i32
      %swap3A_855 = arith.constant 2 : i32
      %swap3A_856 = arith.index_cast %swap3A_855 : i32 to index
      %swap3A_857 = arith.index_cast %add3A_854 : i32 to index
      %swap3A_858 = arith.constant 0 : index
      %swap3A_859 = tpu.vector_load %arg8[%swap3A_856, %swap3A_857, %swap3A_858] {strides = array<i32>} : memref<4x200x64xf32, #tpu.memory_space<vmem>>, vector<1x1x16xf32>,
      %swap3A_860 = vector.shape_cast %swap3A_859 : vector<1x1x16xf32> to vector<16xf32>
      %swap3A_861 = vector.shape_cast %broadcast_in_dim3A_850 : vector<16xf32> to vector<1x1x16xf32>
      tpu.vector_store %arg8[%swap3A_856, %swap3A_857, %swap3A_858], %swap3A_861 {strides = array<i32>} : memref<4x200x64xf32, #tpu.memory_space<vmem>>, vector<1x1x16xf32>,
      %mul3A_862 = arith.constant 8 : i32
      %mul3A_863 = arith.muli %mul3A_862, %scan3A_703 : i32
      %add3A_864 = arith.constant 3 : i32
      %add3A_865 = arith.addi %mul3A_863, %add3A_864 : i32
      %swap3A_866 = arith.constant 2 : i32
      %swap3A_867 = arith.index_cast %swap3A_866 : i32 to index
      %swap3A_868 = arith.index_cast %add3A_865 : i32 to index
      %swap3A_869 = arith.constant 16 : index
      %swap3A_870 = tpu.vector_load %arg8[%swap3A_867, %swap3A_868, %swap3A_869] {strides = array<i32>} : memref<4x200x64xf32, #tpu.memory_space<vmem>>, vector<1x1x16xf32>,
      %swap3A_871 = vector.shape_cast %swap3A_870 : vector<1x1x16xf32> to vector<16xf32>
      %swap3A_872 = vector.shape_cast %broadcast_in_dim3A_850 : vector<16xf32> to vector<1x1x16xf32>
      tpu.vector_store %arg8[%swap3A_867, %swap3A_868, %swap3A_869], %swap3A_872 {strides = array<i32>} : memref<4x200x64xf32, #tpu.memory_space<vmem>>, vector<1x1x16xf32>,
      %mul3A_873 = arith.constant 8 : i32
      %mul3A_874 = arith.muli %mul3A_873, %scan3A_703 : i32
      %add3A_875 = arith.constant 3 : i32
      %add3A_876 = arith.addi %mul3A_874, %add3A_875 : i32
      %swap3A_877 = arith.constant 2 : i32
      %swap3A_878 = arith.index_cast %swap3A_877 : i32 to index
      %swap3A_879 = arith.index_cast %add3A_876 : i32 to index
      %swap3A_880 = arith.constant 32 : index
      %swap3A_881 = tpu.vector_load %arg8[%swap3A_878, %swap3A_879, %swap3A_880] {strides = array<i32>} : memref<4x200x64xf32, #tpu.memory_space<vmem>>, vector<1x1x16xf32>,
      %swap3A_882 = vector.shape_cast %swap3A_881 : vector<1x1x16xf32> to vector<16xf32>
      %swap3A_883 = vector.shape_cast %broadcast_in_dim3A_850 : vector<16xf32> to vector<1x1x16xf32>
      tpu.vector_store %arg8[%swap3A_878, %swap3A_879, %swap3A_880], %swap3A_883 {strides = array<i32>} : memref<4x200x64xf32, #tpu.memory_space<vmem>>, vector<1x1x16xf32>,
      %mul3A_884 = arith.constant 8 : i32
      %mul3A_885 = arith.muli %mul3A_884, %scan3A_703 : i32
      %add3A_886 = arith.constant 3 : i32
      %add3A_887 = arith.addi %mul3A_885, %add3A_886 : i32
      %swap3A_888 = arith.constant 2 : i32
      %swap3A_889 = arith.index_cast %swap3A_888 : i32 to index
      %swap3A_890 = arith.index_cast %add3A_887 : i32 to index
      %swap3A_891 = arith.constant 48 : index
      %swap3A_892 = tpu.vector_load %arg8[%swap3A_889, %swap3A_890, %swap3A_891] {strides = array<i32>} : memref<4x200x64xf32, #tpu.memory_space<vmem>>, vector<1x1x16xf32>,
      %swap3A_893 = vector.shape_cast %swap3A_892 : vector<1x1x16xf32> to vector<16xf32>
      %swap3A_894 = vector.shape_cast %broadcast_in_dim3A_850 : vector<16xf32> to vector<1x1x16xf32>
      tpu.vector_store %arg8[%swap3A_889, %swap3A_890, %swap3A_891], %swap3A_894 {strides = array<i32>} : memref<4x200x64xf32, #tpu.memory_space<vmem>>, vector<1x1x16xf32>,
      %slice3A_895 = vector.extract_strided_slice %get3A_709 {offsets = [4], sizes = [1], strides = [1]} : vector<16xf32> to vector<1xf32>
      %squeeze3A_896 = vector.extract %slice3A_895[0] : f32 from vector<1xf32>
      %broadcast_in_dim3A_897 = vector.broadcast %squeeze3A_896 : f32 to vector<16xf32>
      %mul3A_898 = arith.constant 8 : i32
      %mul3A_899 = arith.muli %mul3A_898, %scan3A_703 : i32
      %add3A_900 = arith.constant 4 : i32
      %add3A_901 = arith.addi %mul3A_899, %add3A_900 : i32
      %swap3A_902 = arith.constant 2 : i32
      %swap3A_903 = arith.index_cast %swap3A_902 : i32 to index
      %swap3A_904 = arith.index_cast %add3A_901 : i32 to index
      %swap3A_905 = arith.constant 0 : index
      %swap3A_906 = tpu.vector_load %arg8[%swap3A_903, %swap3A_904, %swap3A_905] {strides = array<i32>} : memref<4x200x64xf32, #tpu.memory_space<vmem>>, vector<1x1x16xf32>,
      %swap3A_907 = vector.shape_cast %swap3A_906 : vector<1x1x16xf32> to vector<16xf32>
      %swap3A_908 = vector.shape_cast %broadcast_in_dim3A_897 : vector<16xf32> to vector<1x1x16xf32>
      tpu.vector_store %arg8[%swap3A_903, %swap3A_904, %swap3A_905], %swap3A_908 {strides = array<i32>} : memref<4x200x64xf32, #tpu.memory_space<vmem>>, vector<1x1x16xf32>,
      %mul3A_909 = arith.constant 8 : i32
      %mul3A_910 = arith.muli %mul3A_909, %scan3A_703 : i32
      %add3A_911 = arith.constant 4 : i32
      %add3A_912 = arith.addi %mul3A_910, %add3A_911 : i32
      %swap3A_913 = arith.constant 2 : i32
      %swap3A_914 = arith.index_cast %swap3A_913 : i32 to index
      %swap3A_915 = arith.index_cast %add3A_912 : i32 to index
      %swap3A_916 = arith.constant 16 : index
      %swap3A_917 = tpu.vector_load %arg8[%swap3A_914, %swap3A_915, %swap3A_916] {strides = array<i32>} : memref<4x200x64xf32, #tpu.memory_space<vmem>>, vector<1x1x16xf32>,
      %swap3A_918 = vector.shape_cast %swap3A_917 : vector<1x1x16xf32> to vector<16xf32>
      %swap3A_919 = vector.shape_cast %broadcast_in_dim3A_897 : vector<16xf32> to vector<1x1x16xf32>
      tpu.vector_store %arg8[%swap3A_914, %swap3A_915, %swap3A_916], %swap3A_919 {strides = array<i32>} : memref<4x200x64xf32, #tpu.memory_space<vmem>>, vector<1x1x16xf32>,
      %mul3A_920 = arith.constant 8 : i32
      %mul3A_921 = arith.muli %mul3A_920, %scan3A_703 : i32
      %add3A_922 = arith.constant 4 : i32
      %add3A_923 = arith.addi %mul3A_921, %add3A_922 : i32
      %swap3A_924 = arith.constant 2 : i32
      %swap3A_925 = arith.index_cast %swap3A_924 : i32 to index
      %swap3A_926 = arith.index_cast %add3A_923 : i32 to index
      %swap3A_927 = arith.constant 32 : index
      %swap3A_928 = tpu.vector_load %arg8[%swap3A_925, %swap3A_926, %swap3A_927] {strides = array<i32>} : memref<4x200x64xf32, #tpu.memory_space<vmem>>, vector<1x1x16xf32>,
      %swap3A_929 = vector.shape_cast %swap3A_928 : vector<1x1x16xf32> to vector<16xf32>
      %swap3A_930 = vector.shape_cast %broadcast_in_dim3A_897 : vector<16xf32> to vector<1x1x16xf32>
      tpu.vector_store %arg8[%swap3A_925, %swap3A_926, %swap3A_927], %swap3A_930 {strides = array<i32>} : memref<4x200x64xf32, #tpu.memory_space<vmem>>, vector<1x1x16xf32>,
      %mul3A_931 = arith.constant 8 : i32
      %mul3A_932 = arith.muli %mul3A_931, %scan3A_703 : i32
      %add3A_933 = arith.constant 4 : i32
      %add3A_934 = arith.addi %mul3A_932, %add3A_933 : i32
      %swap3A_935 = arith.constant 2 : i32
      %swap3A_936 = arith.index_cast %swap3A_935 : i32 to index
      %swap3A_937 = arith.index_cast %add3A_934 : i32 to index
      %swap3A_938 = arith.constant 48 : index
      %swap3A_939 = tpu.vector_load %arg8[%swap3A_936, %swap3A_937, %swap3A_938] {strides = array<i32>} : memref<4x200x64xf32, #tpu.memory_space<vmem>>, vector<1x1x16xf32>,
      %swap3A_940 = vector.shape_cast %swap3A_939 : vector<1x1x16xf32> to vector<16xf32>
      %swap3A_941 = vector.shape_cast %broadcast_in_dim3A_897 : vector<16xf32> to vector<1x1x16xf32>
      tpu.vector_store %arg8[%swap3A_936, %swap3A_937, %swap3A_938], %swap3A_941 {strides = array<i32>} : memref<4x200x64xf32, #tpu.memory_space<vmem>>, vector<1x1x16xf32>,
      %slice3A_942 = vector.extract_strided_slice %get3A_709 {offsets = [5], sizes = [1], strides = [1]} : vector<16xf32> to vector<1xf32>
      %squeeze3A_943 = vector.extract %slice3A_942[0] : f32 from vector<1xf32>
      %broadcast_in_dim3A_944 = vector.broadcast %squeeze3A_943 : f32 to vector<16xf32>
      %mul3A_945 = arith.constant 8 : i32
      %mul3A_946 = arith.muli %mul3A_945, %scan3A_703 : i32
      %add3A_947 = arith.constant 5 : i32
      %add3A_948 = arith.addi %mul3A_946, %add3A_947 : i32
      %swap3A_949 = arith.constant 2 : i32
      %swap3A_950 = arith.index_cast %swap3A_949 : i32 to index
      %swap3A_951 = arith.index_cast %add3A_948 : i32 to index
      %swap3A_952 = arith.constant 0 : index
      %swap3A_953 = tpu.vector_load %arg8[%swap3A_950, %swap3A_951, %swap3A_952] {strides = array<i32>} : memref<4x200x64xf32, #tpu.memory_space<vmem>>, vector<1x1x16xf32>,
      %swap3A_954 = vector.shape_cast %swap3A_953 : vector<1x1x16xf32> to vector<16xf32>
      %swap3A_955 = vector.shape_cast %broadcast_in_dim3A_944 : vector<16xf32> to vector<1x1x16xf32>
      tpu.vector_store %arg8[%swap3A_950, %swap3A_951, %swap3A_952], %swap3A_955 {strides = array<i32>} : memref<4x200x64xf32, #tpu.memory_space<vmem>>, vector<1x1x16xf32>,
      %mul3A_956 = arith.constant 8 : i32
      %mul3A_957 = arith.muli %mul3A_956, %scan3A_703 : i32
      %add3A_958 = arith.constant 5 : i32
      %add3A_959 = arith.addi %mul3A_957, %add3A_958 : i32
      %swap3A_960 = arith.constant 2 : i32
      %swap3A_961 = arith.index_cast %swap3A_960 : i32 to index
      %swap3A_962 = arith.index_cast %add3A_959 : i32 to index
      %swap3A_963 = arith.constant 16 : index
      %swap3A_964 = tpu.vector_load %arg8[%swap3A_961, %swap3A_962, %swap3A_963] {strides = array<i32>} : memref<4x200x64xf32, #tpu.memory_space<vmem>>, vector<1x1x16xf32>,
      %swap3A_965 = vector.shape_cast %swap3A_964 : vector<1x1x16xf32> to vector<16xf32>
      %swap3A_966 = vector.shape_cast %broadcast_in_dim3A_944 : vector<16xf32> to vector<1x1x16xf32>
      tpu.vector_store %arg8[%swap3A_961, %swap3A_962, %swap3A_963], %swap3A_966 {strides = array<i32>} : memref<4x200x64xf32, #tpu.memory_space<vmem>>, vector<1x1x16xf32>,
      %mul3A_967 = arith.constant 8 : i32
      %mul3A_968 = arith.muli %mul3A_967, %scan3A_703 : i32
      %add3A_969 = arith.constant 5 : i32
      %add3A_970 = arith.addi %mul3A_968, %add3A_969 : i32
      %swap3A_971 = arith.constant 2 : i32
      %swap3A_972 = arith.index_cast %swap3A_971 : i32 to index
      %swap3A_973 = arith.index_cast %add3A_970 : i32 to index
      %swap3A_974 = arith.constant 32 : index
      %swap3A_975 = tpu.vector_load %arg8[%swap3A_972, %swap3A_973, %swap3A_974] {strides = array<i32>} : memref<4x200x64xf32, #tpu.memory_space<vmem>>, vector<1x1x16xf32>,
      %swap3A_976 = vector.shape_cast %swap3A_975 : vector<1x1x16xf32> to vector<16xf32>
      %swap3A_977 = vector.shape_cast %broadcast_in_dim3A_944 : vector<16xf32> to vector<1x1x16xf32>
      tpu.vector_store %arg8[%swap3A_972, %swap3A_973, %swap3A_974], %swap3A_977 {strides = array<i32>} : memref<4x200x64xf32, #tpu.memory_space<vmem>>, vector<1x1x16xf32>,
      %mul3A_978 = arith.constant 8 : i32
      %mul3A_979 = arith.muli %mul3A_978, %scan3A_703 : i32
      %add3A_980 = arith.constant 5 : i32
      %add3A_981 = arith.addi %mul3A_979, %add3A_980 : i32
      %swap3A_982 = arith.constant 2 : i32
      %swap3A_983 = arith.index_cast %swap3A_982 : i32 to index
      %swap3A_984 = arith.index_cast %add3A_981 : i32 to index
      %swap3A_985 = arith.constant 48 : index
      %swap3A_986 = tpu.vector_load %arg8[%swap3A_983, %swap3A_984, %swap3A_985] {strides = array<i32>} : memref<4x200x64xf32, #tpu.memory_space<vmem>>, vector<1x1x16xf32>,
      %swap3A_987 = vector.shape_cast %swap3A_986 : vector<1x1x16xf32> to vector<16xf32>
      %swap3A_988 = vector.shape_cast %broadcast_in_dim3A_944 : vector<16xf32> to vector<1x1x16xf32>
      tpu.vector_store %arg8[%swap3A_983, %swap3A_984, %swap3A_985], %swap3A_988 {strides = array<i32>} : memref<4x200x64xf32, #tpu.memory_space<vmem>>, vector<1x1x16xf32>,
      %slice3A_989 = vector.extract_strided_slice %get3A_709 {offsets = [6], sizes = [1], strides = [1]} : vector<16xf32> to vector<1xf32>
      %squeeze3A_990 = vector.extract %slice3A_989[0] : f32 from vector<1xf32>
      %broadcast_in_dim3A_991 = vector.broadcast %squeeze3A_990 : f32 to vector<16xf32>
      %mul3A_992 = arith.constant 8 : i32
      %mul3A_993 = arith.muli %mul3A_992, %scan3A_703 : i32
      %add3A_994 = arith.constant 6 : i32
      %add3A_995 = arith.addi %mul3A_993, %add3A_994 : i32
      %swap3A_996 = arith.constant 2 : i32
      %swap3A_997 = arith.index_cast %swap3A_996 : i32 to index
      %swap3A_998 = arith.index_cast %add3A_995 : i32 to index
      %swap3A_999 = arith.constant 0 : index
      %swap3A_1000 = tpu.vector_load %arg8[%swap3A_997, %swap3A_998, %swap3A_999] {strides = array<i32>} : memref<4x200x64xf32, #tpu.memory_space<vmem>>, vector<1x1x16xf32>,
      %swap3A_1001 = vector.shape_cast %swap3A_1000 : vector<1x1x16xf32> to vector<16xf32>
      %swap3A_1002 = vector.shape_cast %broadcast_in_dim3A_991 : vector<16xf32> to vector<1x1x16xf32>
      tpu.vector_store %arg8[%swap3A_997, %swap3A_998, %swap3A_999], %swap3A_1002 {strides = array<i32>} : memref<4x200x64xf32, #tpu.memory_space<vmem>>, vector<1x1x16xf32>,
      %mul3A_1003 = arith.constant 8 : i32
      %mul3A_1004 = arith.muli %mul3A_1003, %scan3A_703 : i32
      %add3A_1005 = arith.constant 6 : i32
      %add3A_1006 = arith.addi %mul3A_1004, %add3A_1005 : i32
      %swap3A_1007 = arith.constant 2 : i32
      %swap3A_1008 = arith.index_cast %swap3A_1007 : i32 to index
      %swap3A_1009 = arith.index_cast %add3A_1006 : i32 to index
      %swap3A_1010 = arith.constant 16 : index
      %swap3A_1011 = tpu.vector_load %arg8[%swap3A_1008, %swap3A_1009, %swap3A_1010] {strides = array<i32>} : memref<4x200x64xf32, #tpu.memory_space<vmem>>, vector<1x1x16xf32>,
      %swap3A_1012 = vector.shape_cast %swap3A_1011 : vector<1x1x16xf32> to vector<16xf32>
      %swap3A_1013 = vector.shape_cast %broadcast_in_dim3A_991 : vector<16xf32> to vector<1x1x16xf32>
      tpu.vector_store %arg8[%swap3A_1008, %swap3A_1009, %swap3A_1010], %swap3A_1013 {strides = array<i32>} : memref<4x200x64xf32, #tpu.memory_space<vmem>>, vector<1x1x16xf32>,
      %mul3A_1014 = arith.constant 8 : i32
      %mul3A_1015 = arith.muli %mul3A_1014, %scan3A_703 : i32
      %add3A_1016 = arith.constant 6 : i32
      %add3A_1017 = arith.addi %mul3A_1015, %add3A_1016 : i32
      %swap3A_1018 = arith.constant 2 : i32
      %swap3A_1019 = arith.index_cast %swap3A_1018 : i32 to index
      %swap3A_1020 = arith.index_cast %add3A_1017 : i32 to index
      %swap3A_1021 = arith.constant 32 : index
      %swap3A_1022 = tpu.vector_load %arg8[%swap3A_1019, %swap3A_1020, %swap3A_1021] {strides = array<i32>} : memref<4x200x64xf32, #tpu.memory_space<vmem>>, vector<1x1x16xf32>,
      %swap3A_1023 = vector.shape_cast %swap3A_1022 : vector<1x1x16xf32> to vector<16xf32>
      %swap3A_1024 = vector.shape_cast %broadcast_in_dim3A_991 : vector<16xf32> to vector<1x1x16xf32>
      tpu.vector_store %arg8[%swap3A_1019, %swap3A_1020, %swap3A_1021], %swap3A_1024 {strides = array<i32>} : memref<4x200x64xf32, #tpu.memory_space<vmem>>, vector<1x1x16xf32>,
      %mul3A_1025 = arith.constant 8 : i32
      %mul3A_1026 = arith.muli %mul3A_1025, %scan3A_703 : i32
      %add3A_1027 = arith.constant 6 : i32
      %add3A_1028 = arith.addi %mul3A_1026, %add3A_1027 : i32
      %swap3A_1029 = arith.constant 2 : i32
      %swap3A_1030 = arith.index_cast %swap3A_1029 : i32 to index
      %swap3A_1031 = arith.index_cast %add3A_1028 : i32 to index
      %swap3A_1032 = arith.constant 48 : index
      %swap3A_1033 = tpu.vector_load %arg8[%swap3A_1030, %swap3A_1031, %swap3A_1032] {strides = array<i32>} : memref<4x200x64xf32, #tpu.memory_space<vmem>>, vector<1x1x16xf32>,
      %swap3A_1034 = vector.shape_cast %swap3A_1033 : vector<1x1x16xf32> to vector<16xf32>
      %swap3A_1035 = vector.shape_cast %broadcast_in_dim3A_991 : vector<16xf32> to vector<1x1x16xf32>
      tpu.vector_store %arg8[%swap3A_1030, %swap3A_1031, %swap3A_1032], %swap3A_1035 {strides = array<i32>} : memref<4x200x64xf32, #tpu.memory_space<vmem>>, vector<1x1x16xf32>,
      %slice3A_1036 = vector.extract_strided_slice %get3A_709 {offsets = [7], sizes = [1], strides = [1]} : vector<16xf32> to vector<1xf32>
      %squeeze3A_1037 = vector.extract %slice3A_1036[0] : f32 from vector<1xf32>
      %broadcast_in_dim3A_1038 = vector.broadcast %squeeze3A_1037 : f32 to vector<16xf32>
      %mul3A_1039 = arith.constant 8 : i32
      %mul3A_1040 = arith.muli %mul3A_1039, %scan3A_703 : i32
      %add3A_1041 = arith.constant 7 : i32
      %add3A_1042 = arith.addi %mul3A_1040, %add3A_1041 : i32
      %swap3A_1043 = arith.constant 2 : i32
      %swap3A_1044 = arith.index_cast %swap3A_1043 : i32 to index
      %swap3A_1045 = arith.index_cast %add3A_1042 : i32 to index
      %swap3A_1046 = arith.constant 0 : index
      %swap3A_1047 = tpu.vector_load %arg8[%swap3A_1044, %swap3A_1045, %swap3A_1046] {strides = array<i32>} : memref<4x200x64xf32, #tpu.memory_space<vmem>>, vector<1x1x16xf32>,
      %swap3A_1048 = vector.shape_cast %swap3A_1047 : vector<1x1x16xf32> to vector<16xf32>
      %swap3A_1049 = vector.shape_cast %broadcast_in_dim3A_1038 : vector<16xf32> to vector<1x1x16xf32>
      tpu.vector_store %arg8[%swap3A_1044, %swap3A_1045, %swap3A_1046], %swap3A_1049 {strides = array<i32>} : memref<4x200x64xf32, #tpu.memory_space<vmem>>, vector<1x1x16xf32>,
      %mul3A_1050 = arith.constant 8 : i32
      %mul3A_1051 = arith.muli %mul3A_1050, %scan3A_703 : i32
      %add3A_1052 = arith.constant 7 : i32
      %add3A_1053 = arith.addi %mul3A_1051, %add3A_1052 : i32
      %swap3A_1054 = arith.constant 2 : i32
      %swap3A_1055 = arith.index_cast %swap3A_1054 : i32 to index
      %swap3A_1056 = arith.index_cast %add3A_1053 : i32 to index
      %swap3A_1057 = arith.constant 16 : index
      %swap3A_1058 = tpu.vector_load %arg8[%swap3A_1055, %swap3A_1056, %swap3A_1057] {strides = array<i32>} : memref<4x200x64xf32, #tpu.memory_space<vmem>>, vector<1x1x16xf32>,
      %swap3A_1059 = vector.shape_cast %swap3A_1058 : vector<1x1x16xf32> to vector<16xf32>
      %swap3A_1060 = vector.shape_cast %broadcast_in_dim3A_1038 : vector<16xf32> to vector<1x1x16xf32>
      tpu.vector_store %arg8[%swap3A_1055, %swap3A_1056, %swap3A_1057], %swap3A_1060 {strides = array<i32>} : memref<4x200x64xf32, #tpu.memory_space<vmem>>, vector<1x1x16xf32>,
      %mul3A_1061 = arith.constant 8 : i32
      %mul3A_1062 = arith.muli %mul3A_1061, %scan3A_703 : i32
      %add3A_1063 = arith.constant 7 : i32
      %add3A_1064 = arith.addi %mul3A_1062, %add3A_1063 : i32
      %swap3A_1065 = arith.constant 2 : i32
      %swap3A_1066 = arith.index_cast %swap3A_1065 : i32 to index
      %swap3A_1067 = arith.index_cast %add3A_1064 : i32 to index
      %swap3A_1068 = arith.constant 32 : index
      %swap3A_1069 = tpu.vector_load %arg8[%swap3A_1066, %swap3A_1067, %swap3A_1068] {strides = array<i32>} : memref<4x200x64xf32, #tpu.memory_space<vmem>>, vector<1x1x16xf32>,
      %swap3A_1070 = vector.shape_cast %swap3A_1069 : vector<1x1x16xf32> to vector<16xf32>
      %swap3A_1071 = vector.shape_cast %broadcast_in_dim3A_1038 : vector<16xf32> to vector<1x1x16xf32>
      tpu.vector_store %arg8[%swap3A_1066, %swap3A_1067, %swap3A_1068], %swap3A_1071 {strides = array<i32>} : memref<4x200x64xf32, #tpu.memory_space<vmem>>, vector<1x1x16xf32>,
      %mul3A_1072 = arith.constant 8 : i32
      %mul3A_1073 = arith.muli %mul3A_1072, %scan3A_703 : i32
      %add3A_1074 = arith.constant 7 : i32
      %add3A_1075 = arith.addi %mul3A_1073, %add3A_1074 : i32
      %swap3A_1076 = arith.constant 2 : i32
      %swap3A_1077 = arith.index_cast %swap3A_1076 : i32 to index
      %swap3A_1078 = arith.index_cast %add3A_1075 : i32 to index
      %swap3A_1079 = arith.constant 48 : index
      %swap3A_1080 = tpu.vector_load %arg8[%swap3A_1077, %swap3A_1078, %swap3A_1079] {strides = array<i32>} : memref<4x200x64xf32, #tpu.memory_space<vmem>>, vector<1x1x16xf32>,
      %swap3A_1081 = vector.shape_cast %swap3A_1080 : vector<1x1x16xf32> to vector<16xf32>
      %swap3A_1082 = vector.shape_cast %broadcast_in_dim3A_1038 : vector<16xf32> to vector<1x1x16xf32>
      tpu.vector_store %arg8[%swap3A_1077, %swap3A_1078, %swap3A_1079], %swap3A_1082 {strides = array<i32>} : memref<4x200x64xf32, #tpu.memory_space<vmem>>, vector<1x1x16xf32>,
    }
    %scan3A_87 = arith.constant 25 : i32
    %dma_wait3A = arith.constant 0 : i32
    %dma_wait3A_88 = arith.constant 0 : i32
    %dma_wait3A_89 = arith.constant 0 : i32
    %dma_wait3A_90 = tpu.memref_slice %arg7[%dma_wait3A, %dma_wait3A_88, %dma_wait3A_89] : memref<4x200x64xf32, #tpu.memory_space<vmem>> -> memref<1x104x64xf32, #tpu.memory_space<vmem>>
    %dma_wait3A_91 = tpu.memref_squeeze %dma_wait3A_90 : memref<1x104x64xf32, #tpu.memory_space<vmem>> -> memref<104x64xf32, #tpu.memory_space<vmem>>
    %dma_wait3A_92 = arith.constant 0 : i32
    %dma_wait3A_93 = tpu.memref_slice %arg5[%dma_wait3A_92] : memref<12800xi32, #tpu.memory_space<vmem>> -> memref<104xi32, #tpu.memory_space<vmem>>
    %dma_wait3A_94 = arith.constant 0 : i32
    %dma_wait3A_95 = arith.constant 0 : i32
    %dma_wait3A_96 = tpu.memref_slice %arg3[%dma_wait3A_94, %dma_wait3A_95] : memref<100000x64xf32, #tpu.memory_space<hbm>> -> memref<100000x64xf32, #tpu.memory_space<hbm>>
    tpu.wait_indirect_dma semaphore(%arg9 : memref<!tpu.dma_semaphore, #tpu.memory_space<semaphore_mem>>) src(%dma_wait3A_96 : memref<100000x64xf32, #tpu.memory_space<hbm>>) dst(%dma_wait3A_91 : memref<104x64xf32, #tpu.memory_space<vmem>>)
    %dma_wait3A_97 = arith.constant 0 : i32
    %dma_wait3A_98 = arith.constant 104 : i32
    %dma_wait3A_99 = arith.constant 0 : i32
    %dma_wait3A_100 = tpu.memref_slice %arg7[%dma_wait3A_97, %dma_wait3A_98, %dma_wait3A_99] : memref<4x200x64xf32, #tpu.memory_space<vmem>> -> memref<1x96x64xf32, #tpu.memory_space<vmem>>
    %dma_wait3A_101 = tpu.memref_squeeze %dma_wait3A_100 : memref<1x96x64xf32, #tpu.memory_space<vmem>> -> memref<96x64xf32, #tpu.memory_space<vmem>>
    %dma_wait3A_102 = arith.constant 104 : i32
    %dma_wait3A_103 = tpu.memref_slice %arg5[%dma_wait3A_102] : memref<12800xi32, #tpu.memory_space<vmem>> -> memref<96xi32, #tpu.memory_space<vmem>>
    %dma_wait3A_104 = arith.constant 0 : i32
    %dma_wait3A_105 = arith.constant 0 : i32
    %dma_wait3A_106 = tpu.memref_slice %arg3[%dma_wait3A_104, %dma_wait3A_105] : memref<100000x64xf32, #tpu.memory_space<hbm>> -> memref<100000x64xf32, #tpu.memory_space<hbm>>
    tpu.wait_indirect_dma semaphore(%arg9 : memref<!tpu.dma_semaphore, #tpu.memory_space<semaphore_mem>>) src(%dma_wait3A_106 : memref<100000x64xf32, #tpu.memory_space<hbm>>) dst(%dma_wait3A_101 : memref<96x64xf32, #tpu.memory_space<vmem>>)
    %mul3A_107 = arith.constant 128 : i32
    %mul3A_108 = arith.muli %add3A, %mul3A_107 : i32
    %add3A_109 = arith.constant 0 : i32
    %add3A_110 = arith.addi %mul3A_108, %add3A_109 : i32
    %mul3A_111 = arith.constant 2 : i32
    %mul3A_112 = arith.muli %add3A_110, %mul3A_111 : i32
    %mul3A_113 = arith.constant 100 : i32
    %mul3A_114 = arith.muli %mul3A_112, %mul3A_113 : i32
    %dma_start3A_115 = arith.constant 0 : i32
    %dma_start3A_116 = arith.constant 0 : i32
    %dma_start3A_117 = arith.constant 0 : i32
    %dma_start3A_118 = tpu.memref_slice %arg7[%dma_start3A_115, %dma_start3A_116, %dma_start3A_117] : memref<4x200x64xf32, #tpu.memory_space<vmem>> -> memref<1x100x64xf32, #tpu.memory_space<vmem>>
    %dma_start3A_119 = tpu.memref_squeeze %dma_start3A_118 : memref<1x100x64xf32, #tpu.memory_space<vmem>> -> memref<100x64xf32, #tpu.memory_space<vmem>>
    %dma_start3A_120 = arith.constant 0 : i32
    %dma_start3A_121 = tpu.memref_slice %arg4[%mul3A_114, %dma_start3A_120] : memref<819200x64xf32, #tpu.memory_space<hbm>> -> memref<100x64xf32, #tpu.memory_space<hbm>>
    %dma_start3A_122 = arith.constant 0 : i32
    %dma_start3A_123 = tpu.memref_slice %arg4[%mul3A_114, %dma_start3A_122] : memref<819200x64xf32, #tpu.memory_space<hbm>> -> memref<100x64xf32, #tpu.memory_space<hbm>>
    %dma_start3A_124 = arith.constant 0 : i32
    %dma_start3A_125 = arith.constant 0 : i32
    %dma_start3A_126 = tpu.memref_slice %arg7[%dma_start3A_115, %dma_start3A_124, %dma_start3A_125] : memref<4x200x64xf32, #tpu.memory_space<vmem>> -> memref<1x100x64xf32, #tpu.memory_space<vmem>>
    %dma_start3A_127 = tpu.memref_squeeze %dma_start3A_126 : memref<1x100x64xf32, #tpu.memory_space<vmem>> -> memref<100x64xf32, #tpu.memory_space<vmem>>
    tpu.enqueue_dma source(%dma_start3A_127 : memref<100x64xf32, #tpu.memory_space<vmem>>) target(%dma_start3A_123 : memref<100x64xf32, #tpu.memory_space<hbm>>) target_semaphore(%arg13 : memref<!tpu.dma_semaphore, #tpu.memory_space<semaphore_mem>>)
    %add3A_128 = arith.constant 100 : i32
    %add3A_129 = arith.addi %mul3A_114, %add3A_128 : i32
    %dma_start3A_130 = arith.constant 0 : i32
    %dma_start3A_131 = arith.constant 0 : i32
    %dma_start3A_132 = arith.constant 0 : i32
    %dma_start3A_133 = tpu.memref_slice %arg8[%dma_start3A_130, %dma_start3A_131, %dma_start3A_132] : memref<4x200x64xf32, #tpu.memory_space<vmem>> -> memref<1x100x64xf32, #tpu.memory_space<vmem>>
    %dma_start3A_134 = tpu.memref_squeeze %dma_start3A_133 : memref<1x100x64xf32, #tpu.memory_space<vmem>> -> memref<100x64xf32, #tpu.memory_space<vmem>>
    %dma_start3A_135 = arith.constant 0 : i32
    %dma_start3A_136 = tpu.memref_slice %arg4[%add3A_129, %dma_start3A_135] : memref<819200x64xf32, #tpu.memory_space<hbm>> -> memref<100x64xf32, #tpu.memory_space<hbm>>
    %dma_start3A_137 = arith.constant 0 : i32
    %dma_start3A_138 = tpu.memref_slice %arg4[%add3A_129, %dma_start3A_137] : memref<819200x64xf32, #tpu.memory_space<hbm>> -> memref<100x64xf32, #tpu.memory_space<hbm>>
    %dma_start3A_139 = arith.constant 0 : i32
    %dma_start3A_140 = arith.constant 0 : i32
    %dma_start3A_141 = tpu.memref_slice %arg8[%dma_start3A_130, %dma_start3A_139, %dma_start3A_140] : memref<4x200x64xf32, #tpu.memory_space<vmem>> -> memref<1x100x64xf32, #tpu.memory_space<vmem>>
    %dma_start3A_142 = tpu.memref_squeeze %dma_start3A_141 : memref<1x100x64xf32, #tpu.memory_space<vmem>> -> memref<100x64xf32, #tpu.memory_space<vmem>>
    tpu.enqueue_dma source(%dma_start3A_142 : memref<100x64xf32, #tpu.memory_space<vmem>>) target(%dma_start3A_138 : memref<100x64xf32, #tpu.memory_space<hbm>>) target_semaphore(%arg13 : memref<!tpu.dma_semaphore, #tpu.memory_space<semaphore_mem>>)
    %add3A_143 = arith.constant 200 : i32
    %add3A_144 = arith.addi %mul3A_114, %add3A_143 : i32
    %dma_start3A_145 = arith.constant 0 : i32
    %dma_start3A_146 = arith.constant 100 : i32
    %dma_start3A_147 = arith.constant 0 : i32
    %dma_start3A_148 = tpu.memref_slice %arg7[%dma_start3A_145, %dma_start3A_146, %dma_start3A_147] : memref<4x200x64xf32, #tpu.memory_space<vmem>> -> memref<1x100x64xf32, #tpu.memory_space<vmem>>
    %dma_start3A_149 = tpu.memref_squeeze %dma_start3A_148 : memref<1x100x64xf32, #tpu.memory_space<vmem>> -> memref<100x64xf32, #tpu.memory_space<vmem>>
    %dma_start3A_150 = arith.constant 0 : i32
    %dma_start3A_151 = tpu.memref_slice %arg4[%add3A_144, %dma_start3A_150] : memref<819200x64xf32, #tpu.memory_space<hbm>> -> memref<100x64xf32, #tpu.memory_space<hbm>>
    %dma_start3A_152 = arith.constant 0 : i32
    %dma_start3A_153 = tpu.memref_slice %arg4[%add3A_144, %dma_start3A_152] : memref<819200x64xf32, #tpu.memory_space<hbm>> -> memref<100x64xf32, #tpu.memory_space<hbm>>
    %dma_start3A_154 = arith.constant 100 : i32
    %dma_start3A_155 = arith.constant 0 : i32
    %dma_start3A_156 = tpu.memref_slice %arg7[%dma_start3A_145, %dma_start3A_154, %dma_start3A_155] : memref<4x200x64xf32, #tpu.memory_space<vmem>> -> memref<1x100x64xf32, #tpu.memory_space<vmem>>
    %dma_start3A_157 = tpu.memref_squeeze %dma_start3A_156 : memref<1x100x64xf32, #tpu.memory_space<vmem>> -> memref<100x64xf32, #tpu.memory_space<vmem>>
    tpu.enqueue_dma source(%dma_start3A_157 : memref<100x64xf32, #tpu.memory_space<vmem>>) target(%dma_start3A_153 : memref<100x64xf32, #tpu.memory_space<hbm>>) target_semaphore(%arg13 : memref<!tpu.dma_semaphore, #tpu.memory_space<semaphore_mem>>)
    %add3A_158 = arith.constant 300 : i32
    %add3A_159 = arith.addi %mul3A_114, %add3A_158 : i32
    %dma_start3A_160 = arith.constant 0 : i32
    %dma_start3A_161 = arith.constant 100 : i32
    %dma_start3A_162 = arith.constant 0 : i32
    %dma_start3A_163 = tpu.memref_slice %arg8[%dma_start3A_160, %dma_start3A_161, %dma_start3A_162] : memref<4x200x64xf32, #tpu.memory_space<vmem>> -> memref<1x100x64xf32, #tpu.memory_space<vmem>>
    %dma_start3A_164 = tpu.memref_squeeze %dma_start3A_163 : memref<1x100x64xf32, #tpu.memory_space<vmem>> -> memref<100x64xf32, #tpu.memory_space<vmem>>
    %dma_start3A_165 = arith.constant 0 : i32
    %dma_start3A_166 = tpu.memref_slice %arg4[%add3A_159, %dma_start3A_165] : memref<819200x64xf32, #tpu.memory_space<hbm>> -> memref<100x64xf32, #tpu.memory_space<hbm>>
    %dma_start3A_167 = arith.constant 0 : i32
    %dma_start3A_168 = tpu.memref_slice %arg4[%add3A_159, %dma_start3A_167] : memref<819200x64xf32, #tpu.memory_space<hbm>> -> memref<100x64xf32, #tpu.memory_space<hbm>>
    %dma_start3A_169 = arith.constant 100 : i32
    %dma_start3A_170 = arith.constant 0 : i32
    %dma_start3A_171 = tpu.memref_slice %arg8[%dma_start3A_160, %dma_start3A_169, %dma_start3A_170] : memref<4x200x64xf32, #tpu.memory_space<vmem>> -> memref<1x100x64xf32, #tpu.memory_space<vmem>>
    %dma_start3A_172 = tpu.memref_squeeze %dma_start3A_171 : memref<1x100x64xf32, #tpu.memory_space<vmem>> -> memref<100x64xf32, #tpu.memory_space<vmem>>
    tpu.enqueue_dma source(%dma_start3A_172 : memref<100x64xf32, #tpu.memory_space<vmem>>) target(%dma_start3A_168 : memref<100x64xf32, #tpu.memory_space<hbm>>) target_semaphore(%arg13 : memref<!tpu.dma_semaphore, #tpu.memory_space<semaphore_mem>>)
    %dma_start3A_173 = arith.constant 3 : i32
    %dma_start3A_174 = arith.constant 0 : i32
    %dma_start3A_175 = arith.constant 0 : i32
    %dma_start3A_176 = tpu.memref_slice %arg7[%dma_start3A_173, %dma_start3A_174, %dma_start3A_175] : memref<4x200x64xf32, #tpu.memory_space<vmem>> -> memref<1x104x64xf32, #tpu.memory_space<vmem>>
    %dma_start3A_177 = tpu.memref_squeeze %dma_start3A_176 : memref<1x104x64xf32, #tpu.memory_space<vmem>> -> memref<104x64xf32, #tpu.memory_space<vmem>>
    %dma_start3A_178 = arith.constant 600 : i32
    %dma_start3A_179 = tpu.memref_slice %arg5[%dma_start3A_178] : memref<12800xi32, #tpu.memory_space<vmem>> -> memref<104xi32, #tpu.memory_space<vmem>>
    %dma_start3A_180 = arith.constant 0 : i32
    %dma_start3A_181 = arith.constant 0 : i32
    %dma_start3A_182 = tpu.memref_slice %arg3[%dma_start3A_180, %dma_start3A_181] : memref<100000x64xf32, #tpu.memory_space<hbm>> -> memref<100000x64xf32, #tpu.memory_space<hbm>>
    tpu.enqueue_indirect_dma source(%dma_start3A_182 : memref<100000x64xf32, #tpu.memory_space<hbm>>) target(%dma_start3A_177 : memref<104x64xf32, #tpu.memory_space<vmem>>) offsets(%dma_start3A_179 : memref<104xi32, #tpu.memory_space<vmem>>) semaphore(%arg12 : memref<!tpu.dma_semaphore, #tpu.memory_space<semaphore_mem>>)
    %dma_start3A_183 = arith.constant 3 : i32
    %dma_start3A_184 = arith.constant 104 : i32
    %dma_start3A_185 = arith.constant 0 : i32
    %dma_start3A_186 = tpu.memref_slice %arg7[%dma_start3A_183, %dma_start3A_184, %dma_start3A_185] : memref<4x200x64xf32, #tpu.memory_space<vmem>> -> memref<1x96x64xf32, #tpu.memory_space<vmem>>
    %dma_start3A_187 = tpu.memref_squeeze %dma_start3A_186 : memref<1x96x64xf32, #tpu.memory_space<vmem>> -> memref<96x64xf32, #tpu.memory_space<vmem>>
    %dma_start3A_188 = arith.constant 704 : i32
    %dma_start3A_189 = tpu.memref_slice %arg5[%dma_start3A_188] : memref<12800xi32, #tpu.memory_space<vmem>> -> memref<96xi32, #tpu.memory_space<vmem>>
    %dma_start3A_190 = arith.constant 0 : i32
    %dma_start3A_191 = arith.constant 0 : i32
    %dma_start3A_192 = tpu.memref_slice %arg3[%dma_start3A_190, %dma_start3A_191] : memref<100000x64xf32, #tpu.memory_space<hbm>> -> memref<100000x64xf32, #tpu.memory_space<hbm>>
    tpu.enqueue_indirect_dma source(%dma_start3A_192 : memref<100000x64xf32, #tpu.memory_space<hbm>>) target(%dma_start3A_187 : memref<96x64xf32, #tpu.memory_space<vmem>>) offsets(%dma_start3A_189 : memref<96xi32, #tpu.memory_space<vmem>>) semaphore(%arg12 : memref<!tpu.dma_semaphore, #tpu.memory_space<semaphore_mem>>)
    %scan3A_193 = arith.constant 0 : i32
    %scan3A_194 = arith.constant 0 : i32
    %scan3A_195 = arith.constant 25 : i32
    %scan3A_196 = arith.addi %scan3A_194, %scan3A_195 : i32
    %scan3A_197 = arith.constant 1 : i32
    scf.for %scan3A_703 = %scan3A_194 to %scan3A_196 step %scan3A_197  : i32 {
      %mul3A_704 = arith.constant 8 : i32
      %mul3A_705 = arith.muli %mul3A_704, %scan3A_703 : i32
      %add3A_706 = arith.constant 600 : i32
      %add3A_707 = arith.addi %add3A_706, %mul3A_705 : i32
      %get3A = arith.index_cast %add3A_707 : i32 to index
      %get3A_708 = tpu.vector_load %arg6[%get3A] {strides = array<i32>} : memref<12816xf32, #tpu.memory_space<vmem>>, vector<16xf32>,
      %get3A_709 = vector.shape_cast %get3A_708 : vector<16xf32> to vector<16xf32>
      %slice3A = vector.extract_strided_slice %get3A_709 {offsets = [0], sizes = [1], strides = [1]} : vector<16xf32> to vector<1xf32>
      %squeeze3A = vector.extract %slice3A[0] : f32 from vector<1xf32>
      %broadcast_in_dim3A_710 = vector.broadcast %squeeze3A : f32 to vector<16xf32>
      %mul3A_711 = arith.constant 8 : i32
      %mul3A_712 = arith.muli %mul3A_711, %scan3A_703 : i32
      %add3A_713 = arith.constant 0 : i32
      %add3A_714 = arith.addi %mul3A_712, %add3A_713 : i32
      %swap3A = arith.constant 3 : i32
      %swap3A_715 = arith.index_cast %swap3A : i32 to index
      %swap3A_716 = arith.index_cast %add3A_714 : i32 to index
      %swap3A_717 = arith.constant 0 : index
      %swap3A_718 = tpu.vector_load %arg8[%swap3A_715, %swap3A_716, %swap3A_717] {strides = array<i32>} : memref<4x200x64xf32, #tpu.memory_space<vmem>>, vector<1x1x16xf32>,
      %swap3A_719 = vector.shape_cast %swap3A_718 : vector<1x1x16xf32> to vector<16xf32>
      %swap3A_720 = vector.shape_cast %broadcast_in_dim3A_710 : vector<16xf32> to vector<1x1x16xf32>
      tpu.vector_store %arg8[%swap3A_715, %swap3A_716, %swap3A_717], %swap3A_720 {strides = array<i32>} : memref<4x200x64xf32, #tpu.memory_space<vmem>>, vector<1x1x16xf32>,
      %mul3A_721 = arith.constant 8 : i32
      %mul3A_722 = arith.muli %mul3A_721, %scan3A_703 : i32
      %add3A_723 = arith.constant 0 : i32
      %add3A_724 = arith.addi %mul3A_722, %add3A_723 : i32
      %swap3A_725 = arith.constant 3 : i32
      %swap3A_726 = arith.index_cast %swap3A_725 : i32 to index
      %swap3A_727 = arith.index_cast %add3A_724 : i32 to index
      %swap3A_728 = arith.constant 16 : index
      %swap3A_729 = tpu.vector_load %arg8[%swap3A_726, %swap3A_727, %swap3A_728] {strides = array<i32>} : memref<4x200x64xf32, #tpu.memory_space<vmem>>, vector<1x1x16xf32>,
      %swap3A_730 = vector.shape_cast %swap3A_729 : vector<1x1x16xf32> to vector<16xf32>
      %swap3A_731 = vector.shape_cast %broadcast_in_dim3A_710 : vector<16xf32> to vector<1x1x16xf32>
      tpu.vector_store %arg8[%swap3A_726, %swap3A_727, %swap3A_728], %swap3A_731 {strides = array<i32>} : memref<4x200x64xf32, #tpu.memory_space<vmem>>, vector<1x1x16xf32>,
      %mul3A_732 = arith.constant 8 : i32
      %mul3A_733 = arith.muli %mul3A_732, %scan3A_703 : i32
      %add3A_734 = arith.constant 0 : i32
      %add3A_735 = arith.addi %mul3A_733, %add3A_734 : i32
      %swap3A_736 = arith.constant 3 : i32
      %swap3A_737 = arith.index_cast %swap3A_736 : i32 to index
      %swap3A_738 = arith.index_cast %add3A_735 : i32 to index
      %swap3A_739 = arith.constant 32 : index
      %swap3A_740 = tpu.vector_load %arg8[%swap3A_737, %swap3A_738, %swap3A_739] {strides = array<i32>} : memref<4x200x64xf32, #tpu.memory_space<vmem>>, vector<1x1x16xf32>,
      %swap3A_741 = vector.shape_cast %swap3A_740 : vector<1x1x16xf32> to vector<16xf32>
      %swap3A_742 = vector.shape_cast %broadcast_in_dim3A_710 : vector<16xf32> to vector<1x1x16xf32>
      tpu.vector_store %arg8[%swap3A_737, %swap3A_738, %swap3A_739], %swap3A_742 {strides = array<i32>} : memref<4x200x64xf32, #tpu.memory_space<vmem>>, vector<1x1x16xf32>,
      %mul3A_743 = arith.constant 8 : i32
      %mul3A_744 = arith.muli %mul3A_743, %scan3A_703 : i32
      %add3A_745 = arith.constant 0 : i32
      %add3A_746 = arith.addi %mul3A_744, %add3A_745 : i32
      %swap3A_747 = arith.constant 3 : i32
      %swap3A_748 = arith.index_cast %swap3A_747 : i32 to index
      %swap3A_749 = arith.index_cast %add3A_746 : i32 to index
      %swap3A_750 = arith.constant 48 : index
      %swap3A_751 = tpu.vector_load %arg8[%swap3A_748, %swap3A_749, %swap3A_750] {strides = array<i32>} : memref<4x200x64xf32, #tpu.memory_space<vmem>>, vector<1x1x16xf32>,
      %swap3A_752 = vector.shape_cast %swap3A_751 : vector<1x1x16xf32> to vector<16xf32>
      %swap3A_753 = vector.shape_cast %broadcast_in_dim3A_710 : vector<16xf32> to vector<1x1x16xf32>
      tpu.vector_store %arg8[%swap3A_748, %swap3A_749, %swap3A_750], %swap3A_753 {strides = array<i32>} : memref<4x200x64xf32, #tpu.memory_space<vmem>>, vector<1x1x16xf32>,
      %slice3A_754 = vector.extract_strided_slice %get3A_709 {offsets = [1], sizes = [1], strides = [1]} : vector<16xf32> to vector<1xf32>
      %squeeze3A_755 = vector.extract %slice3A_754[0] : f32 from vector<1xf32>
      %broadcast_in_dim3A_756 = vector.broadcast %squeeze3A_755 : f32 to vector<16xf32>
      %mul3A_757 = arith.constant 8 : i32
      %mul3A_758 = arith.muli %mul3A_757, %scan3A_703 : i32
      %add3A_759 = arith.constant 1 : i32
      %add3A_760 = arith.addi %mul3A_758, %add3A_759 : i32
      %swap3A_761 = arith.constant 3 : i32
      %swap3A_762 = arith.index_cast %swap3A_761 : i32 to index
      %swap3A_763 = arith.index_cast %add3A_760 : i32 to index
      %swap3A_764 = arith.constant 0 : index
      %swap3A_765 = tpu.vector_load %arg8[%swap3A_762, %swap3A_763, %swap3A_764] {strides = array<i32>} : memref<4x200x64xf32, #tpu.memory_space<vmem>>, vector<1x1x16xf32>,
      %swap3A_766 = vector.shape_cast %swap3A_765 : vector<1x1x16xf32> to vector<16xf32>
      %swap3A_767 = vector.shape_cast %broadcast_in_dim3A_756 : vector<16xf32> to vector<1x1x16xf32>
      tpu.vector_store %arg8[%swap3A_762, %swap3A_763, %swap3A_764], %swap3A_767 {strides = array<i32>} : memref<4x200x64xf32, #tpu.memory_space<vmem>>, vector<1x1x16xf32>,
      %mul3A_768 = arith.constant 8 : i32
      %mul3A_769 = arith.muli %mul3A_768, %scan3A_703 : i32
      %add3A_770 = arith.constant 1 : i32
      %add3A_771 = arith.addi %mul3A_769, %add3A_770 : i32
      %swap3A_772 = arith.constant 3 : i32
      %swap3A_773 = arith.index_cast %swap3A_772 : i32 to index
      %swap3A_774 = arith.index_cast %add3A_771 : i32 to index
      %swap3A_775 = arith.constant 16 : index
      %swap3A_776 = tpu.vector_load %arg8[%swap3A_773, %swap3A_774, %swap3A_775] {strides = array<i32>} : memref<4x200x64xf32, #tpu.memory_space<vmem>>, vector<1x1x16xf32>,
      %swap3A_777 = vector.shape_cast %swap3A_776 : vector<1x1x16xf32> to vector<16xf32>
      %swap3A_778 = vector.shape_cast %broadcast_in_dim3A_756 : vector<16xf32> to vector<1x1x16xf32>
      tpu.vector_store %arg8[%swap3A_773, %swap3A_774, %swap3A_775], %swap3A_778 {strides = array<i32>} : memref<4x200x64xf32, #tpu.memory_space<vmem>>, vector<1x1x16xf32>,
      %mul3A_779 = arith.constant 8 : i32
      %mul3A_780 = arith.muli %mul3A_779, %scan3A_703 : i32
      %add3A_781 = arith.constant 1 : i32
      %add3A_782 = arith.addi %mul3A_780, %add3A_781 : i32
      %swap3A_783 = arith.constant 3 : i32
      %swap3A_784 = arith.index_cast %swap3A_783 : i32 to index
      %swap3A_785 = arith.index_cast %add3A_782 : i32 to index
      %swap3A_786 = arith.constant 32 : index
      %swap3A_787 = tpu.vector_load %arg8[%swap3A_784, %swap3A_785, %swap3A_786] {strides = array<i32>} : memref<4x200x64xf32, #tpu.memory_space<vmem>>, vector<1x1x16xf32>,
      %swap3A_788 = vector.shape_cast %swap3A_787 : vector<1x1x16xf32> to vector<16xf32>
      %swap3A_789 = vector.shape_cast %broadcast_in_dim3A_756 : vector<16xf32> to vector<1x1x16xf32>
      tpu.vector_store %arg8[%swap3A_784, %swap3A_785, %swap3A_786], %swap3A_789 {strides = array<i32>} : memref<4x200x64xf32, #tpu.memory_space<vmem>>, vector<1x1x16xf32>,
      %mul3A_790 = arith.constant 8 : i32
      %mul3A_791 = arith.muli %mul3A_790, %scan3A_703 : i32
      %add3A_792 = arith.constant 1 : i32
      %add3A_793 = arith.addi %mul3A_791, %add3A_792 : i32
      %swap3A_794 = arith.constant 3 : i32
      %swap3A_795 = arith.index_cast %swap3A_794 : i32 to index
      %swap3A_796 = arith.index_cast %add3A_793 : i32 to index
      %swap3A_797 = arith.constant 48 : index
      %swap3A_798 = tpu.vector_load %arg8[%swap3A_795, %swap3A_796, %swap3A_797] {strides = array<i32>} : memref<4x200x64xf32, #tpu.memory_space<vmem>>, vector<1x1x16xf32>,
      %swap3A_799 = vector.shape_cast %swap3A_798 : vector<1x1x16xf32> to vector<16xf32>
      %swap3A_800 = vector.shape_cast %broadcast_in_dim3A_756 : vector<16xf32> to vector<1x1x16xf32>
      tpu.vector_store %arg8[%swap3A_795, %swap3A_796, %swap3A_797], %swap3A_800 {strides = array<i32>} : memref<4x200x64xf32, #tpu.memory_space<vmem>>, vector<1x1x16xf32>,
      %slice3A_801 = vector.extract_strided_slice %get3A_709 {offsets = [2], sizes = [1], strides = [1]} : vector<16xf32> to vector<1xf32>
      %squeeze3A_802 = vector.extract %slice3A_801[0] : f32 from vector<1xf32>
      %broadcast_in_dim3A_803 = vector.broadcast %squeeze3A_802 : f32 to vector<16xf32>
      %mul3A_804 = arith.constant 8 : i32
      %mul3A_805 = arith.muli %mul3A_804, %scan3A_703 : i32
      %add3A_806 = arith.constant 2 : i32
      %add3A_807 = arith.addi %mul3A_805, %add3A_806 : i32
      %swap3A_808 = arith.constant 3 : i32
      %swap3A_809 = arith.index_cast %swap3A_808 : i32 to index
      %swap3A_810 = arith.index_cast %add3A_807 : i32 to index
      %swap3A_811 = arith.constant 0 : index
      %swap3A_812 = tpu.vector_load %arg8[%swap3A_809, %swap3A_810, %swap3A_811] {strides = array<i32>} : memref<4x200x64xf32, #tpu.memory_space<vmem>>, vector<1x1x16xf32>,
      %swap3A_813 = vector.shape_cast %swap3A_812 : vector<1x1x16xf32> to vector<16xf32>
      %swap3A_814 = vector.shape_cast %broadcast_in_dim3A_803 : vector<16xf32> to vector<1x1x16xf32>
      tpu.vector_store %arg8[%swap3A_809, %swap3A_810, %swap3A_811], %swap3A_814 {strides = array<i32>} : memref<4x200x64xf32, #tpu.memory_space<vmem>>, vector<1x1x16xf32>,
      %mul3A_815 = arith.constant 8 : i32
      %mul3A_816 = arith.muli %mul3A_815, %scan3A_703 : i32
      %add3A_817 = arith.constant 2 : i32
      %add3A_818 = arith.addi %mul3A_816, %add3A_817 : i32
      %swap3A_819 = arith.constant 3 : i32
      %swap3A_820 = arith.index_cast %swap3A_819 : i32 to index
      %swap3A_821 = arith.index_cast %add3A_818 : i32 to index
      %swap3A_822 = arith.constant 16 : index
      %swap3A_823 = tpu.vector_load %arg8[%swap3A_820, %swap3A_821, %swap3A_822] {strides = array<i32>} : memref<4x200x64xf32, #tpu.memory_space<vmem>>, vector<1x1x16xf32>,
      %swap3A_824 = vector.shape_cast %swap3A_823 : vector<1x1x16xf32> to vector<16xf32>
      %swap3A_825 = vector.shape_cast %broadcast_in_dim3A_803 : vector<16xf32> to vector<1x1x16xf32>
      tpu.vector_store %arg8[%swap3A_820, %swap3A_821, %swap3A_822], %swap3A_825 {strides = array<i32>} : memref<4x200x64xf32, #tpu.memory_space<vmem>>, vector<1x1x16xf32>,
      %mul3A_826 = arith.constant 8 : i32
      %mul3A_827 = arith.muli %mul3A_826, %scan3A_703 : i32
      %add3A_828 = arith.constant 2 : i32
      %add3A_829 = arith.addi %mul3A_827, %add3A_828 : i32
      %swap3A_830 = arith.constant 3 : i32
      %swap3A_831 = arith.index_cast %swap3A_830 : i32 to index
      %swap3A_832 = arith.index_cast %add3A_829 : i32 to index
      %swap3A_833 = arith.constant 32 : index
      %swap3A_834 = tpu.vector_load %arg8[%swap3A_831, %swap3A_832, %swap3A_833] {strides = array<i32>} : memref<4x200x64xf32, #tpu.memory_space<vmem>>, vector<1x1x16xf32>,
      %swap3A_835 = vector.shape_cast %swap3A_834 : vector<1x1x16xf32> to vector<16xf32>
      %swap3A_836 = vector.shape_cast %broadcast_in_dim3A_803 : vector<16xf32> to vector<1x1x16xf32>
      tpu.vector_store %arg8[%swap3A_831, %swap3A_832, %swap3A_833], %swap3A_836 {strides = array<i32>} : memref<4x200x64xf32, #tpu.memory_space<vmem>>, vector<1x1x16xf32>,
      %mul3A_837 = arith.constant 8 : i32
      %mul3A_838 = arith.muli %mul3A_837, %scan3A_703 : i32
      %add3A_839 = arith.constant 2 : i32
      %add3A_840 = arith.addi %mul3A_838, %add3A_839 : i32
      %swap3A_841 = arith.constant 3 : i32
      %swap3A_842 = arith.index_cast %swap3A_841 : i32 to index
      %swap3A_843 = arith.index_cast %add3A_840 : i32 to index
      %swap3A_844 = arith.constant 48 : index
      %swap3A_845 = tpu.vector_load %arg8[%swap3A_842, %swap3A_843, %swap3A_844] {strides = array<i32>} : memref<4x200x64xf32, #tpu.memory_space<vmem>>, vector<1x1x16xf32>,
      %swap3A_846 = vector.shape_cast %swap3A_845 : vector<1x1x16xf32> to vector<16xf32>
      %swap3A_847 = vector.shape_cast %broadcast_in_dim3A_803 : vector<16xf32> to vector<1x1x16xf32>
      tpu.vector_store %arg8[%swap3A_842, %swap3A_843, %swap3A_844], %swap3A_847 {strides = array<i32>} : memref<4x200x64xf32, #tpu.memory_space<vmem>>, vector<1x1x16xf32>,
      %slice3A_848 = vector.extract_strided_slice %get3A_709 {offsets = [3], sizes = [1], strides = [1]} : vector<16xf32> to vector<1xf32>
      %squeeze3A_849 = vector.extract %slice3A_848[0] : f32 from vector<1xf32>
      %broadcast_in_dim3A_850 = vector.broadcast %squeeze3A_849 : f32 to vector<16xf32>
      %mul3A_851 = arith.constant 8 : i32
      %mul3A_852 = arith.muli %mul3A_851, %scan3A_703 : i32
      %add3A_853 = arith.constant 3 : i32
      %add3A_854 = arith.addi %mul3A_852, %add3A_853 : i32
      %swap3A_855 = arith.constant 3 : i32
      %swap3A_856 = arith.index_cast %swap3A_855 : i32 to index
      %swap3A_857 = arith.index_cast %add3A_854 : i32 to index
      %swap3A_858 = arith.constant 0 : index
      %swap3A_859 = tpu.vector_load %arg8[%swap3A_856, %swap3A_857, %swap3A_858] {strides = array<i32>} : memref<4x200x64xf32, #tpu.memory_space<vmem>>, vector<1x1x16xf32>,
      %swap3A_860 = vector.shape_cast %swap3A_859 : vector<1x1x16xf32> to vector<16xf32>
      %swap3A_861 = vector.shape_cast %broadcast_in_dim3A_850 : vector<16xf32> to vector<1x1x16xf32>
      tpu.vector_store %arg8[%swap3A_856, %swap3A_857, %swap3A_858], %swap3A_861 {strides = array<i32>} : memref<4x200x64xf32, #tpu.memory_space<vmem>>, vector<1x1x16xf32>,
      %mul3A_862 = arith.constant 8 : i32
      %mul3A_863 = arith.muli %mul3A_862, %scan3A_703 : i32
      %add3A_864 = arith.constant 3 : i32
      %add3A_865 = arith.addi %mul3A_863, %add3A_864 : i32
      %swap3A_866 = arith.constant 3 : i32
      %swap3A_867 = arith.index_cast %swap3A_866 : i32 to index
      %swap3A_868 = arith.index_cast %add3A_865 : i32 to index
      %swap3A_869 = arith.constant 16 : index
      %swap3A_870 = tpu.vector_load %arg8[%swap3A_867, %swap3A_868, %swap3A_869] {strides = array<i32>} : memref<4x200x64xf32, #tpu.memory_space<vmem>>, vector<1x1x16xf32>,
      %swap3A_871 = vector.shape_cast %swap3A_870 : vector<1x1x16xf32> to vector<16xf32>
      %swap3A_872 = vector.shape_cast %broadcast_in_dim3A_850 : vector<16xf32> to vector<1x1x16xf32>
      tpu.vector_store %arg8[%swap3A_867, %swap3A_868, %swap3A_869], %swap3A_872 {strides = array<i32>} : memref<4x200x64xf32, #tpu.memory_space<vmem>>, vector<1x1x16xf32>,
      %mul3A_873 = arith.constant 8 : i32
      %mul3A_874 = arith.muli %mul3A_873, %scan3A_703 : i32
      %add3A_875 = arith.constant 3 : i32
      %add3A_876 = arith.addi %mul3A_874, %add3A_875 : i32
      %swap3A_877 = arith.constant 3 : i32
      %swap3A_878 = arith.index_cast %swap3A_877 : i32 to index
      %swap3A_879 = arith.index_cast %add3A_876 : i32 to index
      %swap3A_880 = arith.constant 32 : index
      %swap3A_881 = tpu.vector_load %arg8[%swap3A_878, %swap3A_879, %swap3A_880] {strides = array<i32>} : memref<4x200x64xf32, #tpu.memory_space<vmem>>, vector<1x1x16xf32>,
      %swap3A_882 = vector.shape_cast %swap3A_881 : vector<1x1x16xf32> to vector<16xf32>
      %swap3A_883 = vector.shape_cast %broadcast_in_dim3A_850 : vector<16xf32> to vector<1x1x16xf32>
      tpu.vector_store %arg8[%swap3A_878, %swap3A_879, %swap3A_880], %swap3A_883 {strides = array<i32>} : memref<4x200x64xf32, #tpu.memory_space<vmem>>, vector<1x1x16xf32>,
      %mul3A_884 = arith.constant 8 : i32
      %mul3A_885 = arith.muli %mul3A_884, %scan3A_703 : i32
      %add3A_886 = arith.constant 3 : i32
      %add3A_887 = arith.addi %mul3A_885, %add3A_886 : i32
      %swap3A_888 = arith.constant 3 : i32
      %swap3A_889 = arith.index_cast %swap3A_888 : i32 to index
      %swap3A_890 = arith.index_cast %add3A_887 : i32 to index
      %swap3A_891 = arith.constant 48 : index
      %swap3A_892 = tpu.vector_load %arg8[%swap3A_889, %swap3A_890, %swap3A_891] {strides = array<i32>} : memref<4x200x64xf32, #tpu.memory_space<vmem>>, vector<1x1x16xf32>,
      %swap3A_893 = vector.shape_cast %swap3A_892 : vector<1x1x16xf32> to vector<16xf32>
      %swap3A_894 = vector.shape_cast %broadcast_in_dim3A_850 : vector<16xf32> to vector<1x1x16xf32>
      tpu.vector_store %arg8[%swap3A_889, %swap3A_890, %swap3A_891], %swap3A_894 {strides = array<i32>} : memref<4x200x64xf32, #tpu.memory_space<vmem>>, vector<1x1x16xf32>,
      %slice3A_895 = vector.extract_strided_slice %get3A_709 {offsets = [4], sizes = [1], strides = [1]} : vector<16xf32> to vector<1xf32>
      %squeeze3A_896 = vector.extract %slice3A_895[0] : f32 from vector<1xf32>
      %broadcast_in_dim3A_897 = vector.broadcast %squeeze3A_896 : f32 to vector<16xf32>
      %mul3A_898 = arith.constant 8 : i32
      %mul3A_899 = arith.muli %mul3A_898, %scan3A_703 : i32
      %add3A_900 = arith.constant 4 : i32
      %add3A_901 = arith.addi %mul3A_899, %add3A_900 : i32
      %swap3A_902 = arith.constant 3 : i32
      %swap3A_903 = arith.index_cast %swap3A_902 : i32 to index
      %swap3A_904 = arith.index_cast %add3A_901 : i32 to index
      %swap3A_905 = arith.constant 0 : index
      %swap3A_906 = tpu.vector_load %arg8[%swap3A_903, %swap3A_904, %swap3A_905] {strides = array<i32>} : memref<4x200x64xf32, #tpu.memory_space<vmem>>, vector<1x1x16xf32>,
      %swap3A_907 = vector.shape_cast %swap3A_906 : vector<1x1x16xf32> to vector<16xf32>
      %swap3A_908 = vector.shape_cast %broadcast_in_dim3A_897 : vector<16xf32> to vector<1x1x16xf32>
      tpu.vector_store %arg8[%swap3A_903, %swap3A_904, %swap3A_905], %swap3A_908 {strides = array<i32>} : memref<4x200x64xf32, #tpu.memory_space<vmem>>, vector<1x1x16xf32>,
      %mul3A_909 = arith.constant 8 : i32
      %mul3A_910 = arith.muli %mul3A_909, %scan3A_703 : i32
      %add3A_911 = arith.constant 4 : i32
      %add3A_912 = arith.addi %mul3A_910, %add3A_911 : i32
      %swap3A_913 = arith.constant 3 : i32
      %swap3A_914 = arith.index_cast %swap3A_913 : i32 to index
      %swap3A_915 = arith.index_cast %add3A_912 : i32 to index
      %swap3A_916 = arith.constant 16 : index
      %swap3A_917 = tpu.vector_load %arg8[%swap3A_914, %swap3A_915, %swap3A_916] {strides = array<i32>} : memref<4x200x64xf32, #tpu.memory_space<vmem>>, vector<1x1x16xf32>,
      %swap3A_918 = vector.shape_cast %swap3A_917 : vector<1x1x16xf32> to vector<16xf32>
      %swap3A_919 = vector.shape_cast %broadcast_in_dim3A_897 : vector<16xf32> to vector<1x1x16xf32>
      tpu.vector_store %arg8[%swap3A_914, %swap3A_915, %swap3A_916], %swap3A_919 {strides = array<i32>} : memref<4x200x64xf32, #tpu.memory_space<vmem>>, vector<1x1x16xf32>,
      %mul3A_920 = arith.constant 8 : i32
      %mul3A_921 = arith.muli %mul3A_920, %scan3A_703 : i32
      %add3A_922 = arith.constant 4 : i32
      %add3A_923 = arith.addi %mul3A_921, %add3A_922 : i32
      %swap3A_924 = arith.constant 3 : i32
      %swap3A_925 = arith.index_cast %swap3A_924 : i32 to index
      %swap3A_926 = arith.index_cast %add3A_923 : i32 to index
      %swap3A_927 = arith.constant 32 : index
      %swap3A_928 = tpu.vector_load %arg8[%swap3A_925, %swap3A_926, %swap3A_927] {strides = array<i32>} : memref<4x200x64xf32, #tpu.memory_space<vmem>>, vector<1x1x16xf32>,
      %swap3A_929 = vector.shape_cast %swap3A_928 : vector<1x1x16xf32> to vector<16xf32>
      %swap3A_930 = vector.shape_cast %broadcast_in_dim3A_897 : vector<16xf32> to vector<1x1x16xf32>
      tpu.vector_store %arg8[%swap3A_925, %swap3A_926, %swap3A_927], %swap3A_930 {strides = array<i32>} : memref<4x200x64xf32, #tpu.memory_space<vmem>>, vector<1x1x16xf32>,
      %mul3A_931 = arith.constant 8 : i32
      %mul3A_932 = arith.muli %mul3A_931, %scan3A_703 : i32
      %add3A_933 = arith.constant 4 : i32
      %add3A_934 = arith.addi %mul3A_932, %add3A_933 : i32
      %swap3A_935 = arith.constant 3 : i32
      %swap3A_936 = arith.index_cast %swap3A_935 : i32 to index
      %swap3A_937 = arith.index_cast %add3A_934 : i32 to index
      %swap3A_938 = arith.constant 48 : index
      %swap3A_939 = tpu.vector_load %arg8[%swap3A_936, %swap3A_937, %swap3A_938] {strides = array<i32>} : memref<4x200x64xf32, #tpu.memory_space<vmem>>, vector<1x1x16xf32>,
      %swap3A_940 = vector.shape_cast %swap3A_939 : vector<1x1x16xf32> to vector<16xf32>
      %swap3A_941 = vector.shape_cast %broadcast_in_dim3A_897 : vector<16xf32> to vector<1x1x16xf32>
      tpu.vector_store %arg8[%swap3A_936, %swap3A_937, %swap3A_938], %swap3A_941 {strides = array<i32>} : memref<4x200x64xf32, #tpu.memory_space<vmem>>, vector<1x1x16xf32>,
      %slice3A_942 = vector.extract_strided_slice %get3A_709 {offsets = [5], sizes = [1], strides = [1]} : vector<16xf32> to vector<1xf32>
      %squeeze3A_943 = vector.extract %slice3A_942[0] : f32 from vector<1xf32>
      %broadcast_in_dim3A_944 = vector.broadcast %squeeze3A_943 : f32 to vector<16xf32>
      %mul3A_945 = arith.constant 8 : i32
      %mul3A_946 = arith.muli %mul3A_945, %scan3A_703 : i32
      %add3A_947 = arith.constant 5 : i32
      %add3A_948 = arith.addi %mul3A_946, %add3A_947 : i32
      %swap3A_949 = arith.constant 3 : i32
      %swap3A_950 = arith.index_cast %swap3A_949 : i32 to index
      %swap3A_951 = arith.index_cast %add3A_948 : i32 to index
      %swap3A_952 = arith.constant 0 : index
      %swap3A_953 = tpu.vector_load %arg8[%swap3A_950, %swap3A_951, %swap3A_952] {strides = array<i32>} : memref<4x200x64xf32, #tpu.memory_space<vmem>>, vector<1x1x16xf32>,
      %swap3A_954 = vector.shape_cast %swap3A_953 : vector<1x1x16xf32> to vector<16xf32>
      %swap3A_955 = vector.shape_cast %broadcast_in_dim3A_944 : vector<16xf32> to vector<1x1x16xf32>
      tpu.vector_store %arg8[%swap3A_950, %swap3A_951, %swap3A_952], %swap3A_955 {strides = array<i32>} : memref<4x200x64xf32, #tpu.memory_space<vmem>>, vector<1x1x16xf32>,
      %mul3A_956 = arith.constant 8 : i32
      %mul3A_957 = arith.muli %mul3A_956, %scan3A_703 : i32
      %add3A_958 = arith.constant 5 : i32
      %add3A_959 = arith.addi %mul3A_957, %add3A_958 : i32
      %swap3A_960 = arith.constant 3 : i32
      %swap3A_961 = arith.index_cast %swap3A_960 : i32 to index
      %swap3A_962 = arith.index_cast %add3A_959 : i32 to index
      %swap3A_963 = arith.constant 16 : index
      %swap3A_964 = tpu.vector_load %arg8[%swap3A_961, %swap3A_962, %swap3A_963] {strides = array<i32>} : memref<4x200x64xf32, #tpu.memory_space<vmem>>, vector<1x1x16xf32>,
      %swap3A_965 = vector.shape_cast %swap3A_964 : vector<1x1x16xf32> to vector<16xf32>
      %swap3A_966 = vector.shape_cast %broadcast_in_dim3A_944 : vector<16xf32> to vector<1x1x16xf32>
      tpu.vector_store %arg8[%swap3A_961, %swap3A_962, %swap3A_963], %swap3A_966 {strides = array<i32>} : memref<4x200x64xf32, #tpu.memory_space<vmem>>, vector<1x1x16xf32>,
      %mul3A_967 = arith.constant 8 : i32
      %mul3A_968 = arith.muli %mul3A_967, %scan3A_703 : i32
      %add3A_969 = arith.constant 5 : i32
      %add3A_970 = arith.addi %mul3A_968, %add3A_969 : i32
      %swap3A_971 = arith.constant 3 : i32
      %swap3A_972 = arith.index_cast %swap3A_971 : i32 to index
      %swap3A_973 = arith.index_cast %add3A_970 : i32 to index
      %swap3A_974 = arith.constant 32 : index
      %swap3A_975 = tpu.vector_load %arg8[%swap3A_972, %swap3A_973, %swap3A_974] {strides = array<i32>} : memref<4x200x64xf32, #tpu.memory_space<vmem>>, vector<1x1x16xf32>,
      %swap3A_976 = vector.shape_cast %swap3A_975 : vector<1x1x16xf32> to vector<16xf32>
      %swap3A_977 = vector.shape_cast %broadcast_in_dim3A_944 : vector<16xf32> to vector<1x1x16xf32>
      tpu.vector_store %arg8[%swap3A_972, %swap3A_973, %swap3A_974], %swap3A_977 {strides = array<i32>} : memref<4x200x64xf32, #tpu.memory_space<vmem>>, vector<1x1x16xf32>,
      %mul3A_978 = arith.constant 8 : i32
      %mul3A_979 = arith.muli %mul3A_978, %scan3A_703 : i32
      %add3A_980 = arith.constant 5 : i32
      %add3A_981 = arith.addi %mul3A_979, %add3A_980 : i32
      %swap3A_982 = arith.constant 3 : i32
      %swap3A_983 = arith.index_cast %swap3A_982 : i32 to index
      %swap3A_984 = arith.index_cast %add3A_981 : i32 to index
      %swap3A_985 = arith.constant 48 : index
      %swap3A_986 = tpu.vector_load %arg8[%swap3A_983, %swap3A_984, %swap3A_985] {strides = array<i32>} : memref<4x200x64xf32, #tpu.memory_space<vmem>>, vector<1x1x16xf32>,
      %swap3A_987 = vector.shape_cast %swap3A_986 : vector<1x1x16xf32> to vector<16xf32>
      %swap3A_988 = vector.shape_cast %broadcast_in_dim3A_944 : vector<16xf32> to vector<1x1x16xf32>
      tpu.vector_store %arg8[%swap3A_983, %swap3A_984, %swap3A_985], %swap3A_988 {strides = array<i32>} : memref<4x200x64xf32, #tpu.memory_space<vmem>>, vector<1x1x16xf32>,
      %slice3A_989 = vector.extract_strided_slice %get3A_709 {offsets = [6], sizes = [1], strides = [1]} : vector<16xf32> to vector<1xf32>
      %squeeze3A_990 = vector.extract %slice3A_989[0] : f32 from vector<1xf32>
      %broadcast_in_dim3A_991 = vector.broadcast %squeeze3A_990 : f32 to vector<16xf32>
      %mul3A_992 = arith.constant 8 : i32
      %mul3A_993 = arith.muli %mul3A_992, %scan3A_703 : i32
      %add3A_994 = arith.constant 6 : i32
      %add3A_995 = arith.addi %mul3A_993, %add3A_994 : i32
      %swap3A_996 = arith.constant 3 : i32
      %swap3A_997 = arith.index_cast %swap3A_996 : i32 to index
      %swap3A_998 = arith.index_cast %add3A_995 : i32 to index
      %swap3A_999 = arith.constant 0 : index
      %swap3A_1000 = tpu.vector_load %arg8[%swap3A_997, %swap3A_998, %swap3A_999] {strides = array<i32>} : memref<4x200x64xf32, #tpu.memory_space<vmem>>, vector<1x1x16xf32>,
      %swap3A_1001 = vector.shape_cast %swap3A_1000 : vector<1x1x16xf32> to vector<16xf32>
      %swap3A_1002 = vector.shape_cast %broadcast_in_dim3A_991 : vector<16xf32> to vector<1x1x16xf32>
      tpu.vector_store %arg8[%swap3A_997, %swap3A_998, %swap3A_999], %swap3A_1002 {strides = array<i32>} : memref<4x200x64xf32, #tpu.memory_space<vmem>>, vector<1x1x16xf32>,
      %mul3A_1003 = arith.constant 8 : i32
      %mul3A_1004 = arith.muli %mul3A_1003, %scan3A_703 : i32
      %add3A_1005 = arith.constant 6 : i32
      %add3A_1006 = arith.addi %mul3A_1004, %add3A_1005 : i32
      %swap3A_1007 = arith.constant 3 : i32
      %swap3A_1008 = arith.index_cast %swap3A_1007 : i32 to index
      %swap3A_1009 = arith.index_cast %add3A_1006 : i32 to index
      %swap3A_1010 = arith.constant 16 : index
      %swap3A_1011 = tpu.vector_load %arg8[%swap3A_1008, %swap3A_1009, %swap3A_1010] {strides = array<i32>} : memref<4x200x64xf32, #tpu.memory_space<vmem>>, vector<1x1x16xf32>,
      %swap3A_1012 = vector.shape_cast %swap3A_1011 : vector<1x1x16xf32> to vector<16xf32>
      %swap3A_1013 = vector.shape_cast %broadcast_in_dim3A_991 : vector<16xf32> to vector<1x1x16xf32>
      tpu.vector_store %arg8[%swap3A_1008, %swap3A_1009, %swap3A_1010], %swap3A_1013 {strides = array<i32>} : memref<4x200x64xf32, #tpu.memory_space<vmem>>, vector<1x1x16xf32>,
      %mul3A_1014 = arith.constant 8 : i32
      %mul3A_1015 = arith.muli %mul3A_1014, %scan3A_703 : i32
      %add3A_1016 = arith.constant 6 : i32
      %add3A_1017 = arith.addi %mul3A_1015, %add3A_1016 : i32
      %swap3A_1018 = arith.constant 3 : i32
      %swap3A_1019 = arith.index_cast %swap3A_1018 : i32 to index
      %swap3A_1020 = arith.index_cast %add3A_1017 : i32 to index
      %swap3A_1021 = arith.constant 32 : index
      %swap3A_1022 = tpu.vector_load %arg8[%swap3A_1019, %swap3A_1020, %swap3A_1021] {strides = array<i32>} : memref<4x200x64xf32, #tpu.memory_space<vmem>>, vector<1x1x16xf32>,
      %swap3A_1023 = vector.shape_cast %swap3A_1022 : vector<1x1x16xf32> to vector<16xf32>
      %swap3A_1024 = vector.shape_cast %broadcast_in_dim3A_991 : vector<16xf32> to vector<1x1x16xf32>
      tpu.vector_store %arg8[%swap3A_1019, %swap3A_1020, %swap3A_1021], %swap3A_1024 {strides = array<i32>} : memref<4x200x64xf32, #tpu.memory_space<vmem>>, vector<1x1x16xf32>,
      %mul3A_1025 = arith.constant 8 : i32
      %mul3A_1026 = arith.muli %mul3A_1025, %scan3A_703 : i32
      %add3A_1027 = arith.constant 6 : i32
      %add3A_1028 = arith.addi %mul3A_1026, %add3A_1027 : i32
      %swap3A_1029 = arith.constant 3 : i32
      %swap3A_1030 = arith.index_cast %swap3A_1029 : i32 to index
      %swap3A_1031 = arith.index_cast %add3A_1028 : i32 to index
      %swap3A_1032 = arith.constant 48 : index
      %swap3A_1033 = tpu.vector_load %arg8[%swap3A_1030, %swap3A_1031, %swap3A_1032] {strides = array<i32>} : memref<4x200x64xf32, #tpu.memory_space<vmem>>, vector<1x1x16xf32>,
      %swap3A_1034 = vector.shape_cast %swap3A_1033 : vector<1x1x16xf32> to vector<16xf32>
      %swap3A_1035 = vector.shape_cast %broadcast_in_dim3A_991 : vector<16xf32> to vector<1x1x16xf32>
      tpu.vector_store %arg8[%swap3A_1030, %swap3A_1031, %swap3A_1032], %swap3A_1035 {strides = array<i32>} : memref<4x200x64xf32, #tpu.memory_space<vmem>>, vector<1x1x16xf32>,
      %slice3A_1036 = vector.extract_strided_slice %get3A_709 {offsets = [7], sizes = [1], strides = [1]} : vector<16xf32> to vector<1xf32>
      %squeeze3A_1037 = vector.extract %slice3A_1036[0] : f32 from vector<1xf32>
      %broadcast_in_dim3A_1038 = vector.broadcast %squeeze3A_1037 : f32 to vector<16xf32>
      %mul3A_1039 = arith.constant 8 : i32
      %mul3A_1040 = arith.muli %mul3A_1039, %scan3A_703 : i32
      %add3A_1041 = arith.constant 7 : i32
      %add3A_1042 = arith.addi %mul3A_1040, %add3A_1041 : i32
      %swap3A_1043 = arith.constant 3 : i32
      %swap3A_1044 = arith.index_cast %swap3A_1043 : i32 to index
      %swap3A_1045 = arith.index_cast %add3A_1042 : i32 to index
      %swap3A_1046 = arith.constant 0 : index
      %swap3A_1047 = tpu.vector_load %arg8[%swap3A_1044, %swap3A_1045, %swap3A_1046] {strides = array<i32>} : memref<4x200x64xf32, #tpu.memory_space<vmem>>, vector<1x1x16xf32>,
      %swap3A_1048 = vector.shape_cast %swap3A_1047 : vector<1x1x16xf32> to vector<16xf32>
      %swap3A_1049 = vector.shape_cast %broadcast_in_dim3A_1038 : vector<16xf32> to vector<1x1x16xf32>
      tpu.vector_store %arg8[%swap3A_1044, %swap3A_1045, %swap3A_1046], %swap3A_1049 {strides = array<i32>} : memref<4x200x64xf32, #tpu.memory_space<vmem>>, vector<1x1x16xf32>,
      %mul3A_1050 = arith.constant 8 : i32
      %mul3A_1051 = arith.muli %mul3A_1050, %scan3A_703 : i32
      %add3A_1052 = arith.constant 7 : i32
      %add3A_1053 = arith.addi %mul3A_1051, %add3A_1052 : i32
      %swap3A_1054 = arith.constant 3 : i32
      %swap3A_1055 = arith.index_cast %swap3A_1054 : i32 to index
      %swap3A_1056 = arith.index_cast %add3A_1053 : i32 to index
      %swap3A_1057 = arith.constant 16 : index
      %swap3A_1058 = tpu.vector_load %arg8[%swap3A_1055, %swap3A_1056, %swap3A_1057] {strides = array<i32>} : memref<4x200x64xf32, #tpu.memory_space<vmem>>, vector<1x1x16xf32>,
      %swap3A_1059 = vector.shape_cast %swap3A_1058 : vector<1x1x16xf32> to vector<16xf32>
      %swap3A_1060 = vector.shape_cast %broadcast_in_dim3A_1038 : vector<16xf32> to vector<1x1x16xf32>
      tpu.vector_store %arg8[%swap3A_1055, %swap3A_1056, %swap3A_1057], %swap3A_1060 {strides = array<i32>} : memref<4x200x64xf32, #tpu.memory_space<vmem>>, vector<1x1x16xf32>,
      %mul3A_1061 = arith.constant 8 : i32
      %mul3A_1062 = arith.muli %mul3A_1061, %scan3A_703 : i32
      %add3A_1063 = arith.constant 7 : i32
      %add3A_1064 = arith.addi %mul3A_1062, %add3A_1063 : i32
      %swap3A_1065 = arith.constant 3 : i32
      %swap3A_1066 = arith.index_cast %swap3A_1065 : i32 to index
      %swap3A_1067 = arith.index_cast %add3A_1064 : i32 to index
      %swap3A_1068 = arith.constant 32 : index
      %swap3A_1069 = tpu.vector_load %arg8[%swap3A_1066, %swap3A_1067, %swap3A_1068] {strides = array<i32>} : memref<4x200x64xf32, #tpu.memory_space<vmem>>, vector<1x1x16xf32>,
      %swap3A_1070 = vector.shape_cast %swap3A_1069 : vector<1x1x16xf32> to vector<16xf32>
      %swap3A_1071 = vector.shape_cast %broadcast_in_dim3A_1038 : vector<16xf32> to vector<1x1x16xf32>
      tpu.vector_store %arg8[%swap3A_1066, %swap3A_1067, %swap3A_1068], %swap3A_1071 {strides = array<i32>} : memref<4x200x64xf32, #tpu.memory_space<vmem>>, vector<1x1x16xf32>,
      %mul3A_1072 = arith.constant 8 : i32
      %mul3A_1073 = arith.muli %mul3A_1072, %scan3A_703 : i32
      %add3A_1074 = arith.constant 7 : i32
      %add3A_1075 = arith.addi %mul3A_1073, %add3A_1074 : i32
      %swap3A_1076 = arith.constant 3 : i32
      %swap3A_1077 = arith.index_cast %swap3A_1076 : i32 to index
      %swap3A_1078 = arith.index_cast %add3A_1075 : i32 to index
      %swap3A_1079 = arith.constant 48 : index
      %swap3A_1080 = tpu.vector_load %arg8[%swap3A_1077, %swap3A_1078, %swap3A_1079] {strides = array<i32>} : memref<4x200x64xf32, #tpu.memory_space<vmem>>, vector<1x1x16xf32>,
      %swap3A_1081 = vector.shape_cast %swap3A_1080 : vector<1x1x16xf32> to vector<16xf32>
      %swap3A_1082 = vector.shape_cast %broadcast_in_dim3A_1038 : vector<16xf32> to vector<1x1x16xf32>
      tpu.vector_store %arg8[%swap3A_1077, %swap3A_1078, %swap3A_1079], %swap3A_1082 {strides = array<i32>} : memref<4x200x64xf32, #tpu.memory_space<vmem>>, vector<1x1x16xf32>,
    }
    %scan3A_198 = arith.constant 25 : i32
    %dma_wait3A_199 = arith.constant 1 : i32
    %dma_wait3A_200 = arith.constant 0 : i32
    %dma_wait3A_201 = arith.constant 0 : i32
    %dma_wait3A_202 = tpu.memref_slice %arg7[%dma_wait3A_199, %dma_wait3A_200, %dma_wait3A_201] : memref<4x200x64xf32, #tpu.memory_space<vmem>> -> memref<1x104x64xf32, #tpu.memory_space<vmem>>
    %dma_wait3A_203 = tpu.memref_squeeze %dma_wait3A_202 : memref<1x104x64xf32, #tpu.memory_space<vmem>> -> memref<104x64xf32, #tpu.memory_space<vmem>>
    %dma_wait3A_204 = arith.constant 0 : i32
    %dma_wait3A_205 = tpu.memref_slice %arg5[%dma_wait3A_204] : memref<12800xi32, #tpu.memory_space<vmem>> -> memref<104xi32, #tpu.memory_space<vmem>>
    %dma_wait3A_206 = arith.constant 0 : i32
    %dma_wait3A_207 = arith.constant 0 : i32
    %dma_wait3A_208 = tpu.memref_slice %arg3[%dma_wait3A_206, %dma_wait3A_207] : memref<100000x64xf32, #tpu.memory_space<hbm>> -> memref<100000x64xf32, #tpu.memory_space<hbm>>
    tpu.wait_indirect_dma semaphore(%arg10 : memref<!tpu.dma_semaphore, #tpu.memory_space<semaphore_mem>>) src(%dma_wait3A_208 : memref<100000x64xf32, #tpu.memory_space<hbm>>) dst(%dma_wait3A_203 : memref<104x64xf32, #tpu.memory_space<vmem>>)
    %dma_wait3A_209 = arith.constant 1 : i32
    %dma_wait3A_210 = arith.constant 104 : i32
    %dma_wait3A_211 = arith.constant 0 : i32
    %dma_wait3A_212 = tpu.memref_slice %arg7[%dma_wait3A_209, %dma_wait3A_210, %dma_wait3A_211] : memref<4x200x64xf32, #tpu.memory_space<vmem>> -> memref<1x96x64xf32, #tpu.memory_space<vmem>>
    %dma_wait3A_213 = tpu.memref_squeeze %dma_wait3A_212 : memref<1x96x64xf32, #tpu.memory_space<vmem>> -> memref<96x64xf32, #tpu.memory_space<vmem>>
    %dma_wait3A_214 = arith.constant 104 : i32
    %dma_wait3A_215 = tpu.memref_slice %arg5[%dma_wait3A_214] : memref<12800xi32, #tpu.memory_space<vmem>> -> memref<96xi32, #tpu.memory_space<vmem>>
    %dma_wait3A_216 = arith.constant 0 : i32
    %dma_wait3A_217 = arith.constant 0 : i32
    %dma_wait3A_218 = tpu.memref_slice %arg3[%dma_wait3A_216, %dma_wait3A_217] : memref<100000x64xf32, #tpu.memory_space<hbm>> -> memref<100000x64xf32, #tpu.memory_space<hbm>>
    tpu.wait_indirect_dma semaphore(%arg10 : memref<!tpu.dma_semaphore, #tpu.memory_space<semaphore_mem>>) src(%dma_wait3A_218 : memref<100000x64xf32, #tpu.memory_space<hbm>>) dst(%dma_wait3A_213 : memref<96x64xf32, #tpu.memory_space<vmem>>)
    %mul3A_219 = arith.constant 128 : i32
    %mul3A_220 = arith.muli %add3A, %mul3A_219 : i32
    %add3A_221 = arith.constant 2 : i32
    %add3A_222 = arith.addi %mul3A_220, %add3A_221 : i32
    %mul3A_223 = arith.constant 2 : i32
    %mul3A_224 = arith.muli %add3A_222, %mul3A_223 : i32
    %mul3A_225 = arith.constant 100 : i32
    %mul3A_226 = arith.muli %mul3A_224, %mul3A_225 : i32
    %dma_start3A_227 = arith.constant 1 : i32
    %dma_start3A_228 = arith.constant 0 : i32
    %dma_start3A_229 = arith.constant 0 : i32
    %dma_start3A_230 = tpu.memref_slice %arg7[%dma_start3A_227, %dma_start3A_228, %dma_start3A_229] : memref<4x200x64xf32, #tpu.memory_space<vmem>> -> memref<1x100x64xf32, #tpu.memory_space<vmem>>
    %dma_start3A_231 = tpu.memref_squeeze %dma_start3A_230 : memref<1x100x64xf32, #tpu.memory_space<vmem>> -> memref<100x64xf32, #tpu.memory_space<vmem>>
    %dma_start3A_232 = arith.constant 0 : i32
    %dma_start3A_233 = tpu.memref_slice %arg4[%mul3A_226, %dma_start3A_232] : memref<819200x64xf32, #tpu.memory_space<hbm>> -> memref<100x64xf32, #tpu.memory_space<hbm>>
    %dma_start3A_234 = arith.constant 0 : i32
    %dma_start3A_235 = tpu.memref_slice %arg4[%mul3A_226, %dma_start3A_234] : memref<819200x64xf32, #tpu.memory_space<hbm>> -> memref<100x64xf32, #tpu.memory_space<hbm>>
    %dma_start3A_236 = arith.constant 0 : i32
    %dma_start3A_237 = arith.constant 0 : i32
    %dma_start3A_238 = tpu.memref_slice %arg7[%dma_start3A_227, %dma_start3A_236, %dma_start3A_237] : memref<4x200x64xf32, #tpu.memory_space<vmem>> -> memref<1x100x64xf32, #tpu.memory_space<vmem>>
    %dma_start3A_239 = tpu.memref_squeeze %dma_start3A_238 : memref<1x100x64xf32, #tpu.memory_space<vmem>> -> memref<100x64xf32, #tpu.memory_space<vmem>>
    tpu.enqueue_dma source(%dma_start3A_239 : memref<100x64xf32, #tpu.memory_space<vmem>>) target(%dma_start3A_235 : memref<100x64xf32, #tpu.memory_space<hbm>>) target_semaphore(%arg14 : memref<!tpu.dma_semaphore, #tpu.memory_space<semaphore_mem>>)
    %add3A_240 = arith.constant 100 : i32
    %add3A_241 = arith.addi %mul3A_226, %add3A_240 : i32
    %dma_start3A_242 = arith.constant 1 : i32
    %dma_start3A_243 = arith.constant 0 : i32
    %dma_start3A_244 = arith.constant 0 : i32
    %dma_start3A_245 = tpu.memref_slice %arg8[%dma_start3A_242, %dma_start3A_243, %dma_start3A_244] : memref<4x200x64xf32, #tpu.memory_space<vmem>> -> memref<1x100x64xf32, #tpu.memory_space<vmem>>
    %dma_start3A_246 = tpu.memref_squeeze %dma_start3A_245 : memref<1x100x64xf32, #tpu.memory_space<vmem>> -> memref<100x64xf32, #tpu.memory_space<vmem>>
    %dma_start3A_247 = arith.constant 0 : i32
    %dma_start3A_248 = tpu.memref_slice %arg4[%add3A_241, %dma_start3A_247] : memref<819200x64xf32, #tpu.memory_space<hbm>> -> memref<100x64xf32, #tpu.memory_space<hbm>>
    %dma_start3A_249 = arith.constant 0 : i32
    %dma_start3A_250 = tpu.memref_slice %arg4[%add3A_241, %dma_start3A_249] : memref<819200x64xf32, #tpu.memory_space<hbm>> -> memref<100x64xf32, #tpu.memory_space<hbm>>
    %dma_start3A_251 = arith.constant 0 : i32
    %dma_start3A_252 = arith.constant 0 : i32
    %dma_start3A_253 = tpu.memref_slice %arg8[%dma_start3A_242, %dma_start3A_251, %dma_start3A_252] : memref<4x200x64xf32, #tpu.memory_space<vmem>> -> memref<1x100x64xf32, #tpu.memory_space<vmem>>
    %dma_start3A_254 = tpu.memref_squeeze %dma_start3A_253 : memref<1x100x64xf32, #tpu.memory_space<vmem>> -> memref<100x64xf32, #tpu.memory_space<vmem>>
    tpu.enqueue_dma source(%dma_start3A_254 : memref<100x64xf32, #tpu.memory_space<vmem>>) target(%dma_start3A_250 : memref<100x64xf32, #tpu.memory_space<hbm>>) target_semaphore(%arg14 : memref<!tpu.dma_semaphore, #tpu.memory_space<semaphore_mem>>)
    %add3A_255 = arith.constant 200 : i32
    %add3A_256 = arith.addi %mul3A_226, %add3A_255 : i32
    %dma_start3A_257 = arith.constant 1 : i32
    %dma_start3A_258 = arith.constant 100 : i32
    %dma_start3A_259 = arith.constant 0 : i32
    %dma_start3A_260 = tpu.memref_slice %arg7[%dma_start3A_257, %dma_start3A_258, %dma_start3A_259] : memref<4x200x64xf32, #tpu.memory_space<vmem>> -> memref<1x100x64xf32, #tpu.memory_space<vmem>>
    %dma_start3A_261 = tpu.memref_squeeze %dma_start3A_260 : memref<1x100x64xf32, #tpu.memory_space<vmem>> -> memref<100x64xf32, #tpu.memory_space<vmem>>
    %dma_start3A_262 = arith.constant 0 : i32
    %dma_start3A_263 = tpu.memref_slice %arg4[%add3A_256, %dma_start3A_262] : memref<819200x64xf32, #tpu.memory_space<hbm>> -> memref<100x64xf32, #tpu.memory_space<hbm>>
    %dma_start3A_264 = arith.constant 0 : i32
    %dma_start3A_265 = tpu.memref_slice %arg4[%add3A_256, %dma_start3A_264] : memref<819200x64xf32, #tpu.memory_space<hbm>> -> memref<100x64xf32, #tpu.memory_space<hbm>>
    %dma_start3A_266 = arith.constant 100 : i32
    %dma_start3A_267 = arith.constant 0 : i32
    %dma_start3A_268 = tpu.memref_slice %arg7[%dma_start3A_257, %dma_start3A_266, %dma_start3A_267] : memref<4x200x64xf32, #tpu.memory_space<vmem>> -> memref<1x100x64xf32, #tpu.memory_space<vmem>>
    %dma_start3A_269 = tpu.memref_squeeze %dma_start3A_268 : memref<1x100x64xf32, #tpu.memory_space<vmem>> -> memref<100x64xf32, #tpu.memory_space<vmem>>
    tpu.enqueue_dma source(%dma_start3A_269 : memref<100x64xf32, #tpu.memory_space<vmem>>) target(%dma_start3A_265 : memref<100x64xf32, #tpu.memory_space<hbm>>) target_semaphore(%arg14 : memref<!tpu.dma_semaphore, #tpu.memory_space<semaphore_mem>>)
    %add3A_270 = arith.constant 300 : i32
    %add3A_271 = arith.addi %mul3A_226, %add3A_270 : i32
    %dma_start3A_272 = arith.constant 1 : i32
    %dma_start3A_273 = arith.constant 100 : i32
    %dma_start3A_274 = arith.constant 0 : i32
    %dma_start3A_275 = tpu.memref_slice %arg8[%dma_start3A_272, %dma_start3A_273, %dma_start3A_274] : memref<4x200x64xf32, #tpu.memory_space<vmem>> -> memref<1x100x64xf32, #tpu.memory_space<vmem>>
    %dma_start3A_276 = tpu.memref_squeeze %dma_start3A_275 : memref<1x100x64xf32, #tpu.memory_space<vmem>> -> memref<100x64xf32, #tpu.memory_space<vmem>>
    %dma_start3A_277 = arith.constant 0 : i32
    %dma_start3A_278 = tpu.memref_slice %arg4[%add3A_271, %dma_start3A_277] : memref<819200x64xf32, #tpu.memory_space<hbm>> -> memref<100x64xf32, #tpu.memory_space<hbm>>
    %dma_start3A_279 = arith.constant 0 : i32
    %dma_start3A_280 = tpu.memref_slice %arg4[%add3A_271, %dma_start3A_279] : memref<819200x64xf32, #tpu.memory_space<hbm>> -> memref<100x64xf32, #tpu.memory_space<hbm>>
    %dma_start3A_281 = arith.constant 100 : i32
    %dma_start3A_282 = arith.constant 0 : i32
    %dma_start3A_283 = tpu.memref_slice %arg8[%dma_start3A_272, %dma_start3A_281, %dma_start3A_282] : memref<4x200x64xf32, #tpu.memory_space<vmem>> -> memref<1x100x64xf32, #tpu.memory_space<vmem>>
    %dma_start3A_284 = tpu.memref_squeeze %dma_start3A_283 : memref<1x100x64xf32, #tpu.memory_space<vmem>> -> memref<100x64xf32, #tpu.memory_space<vmem>>
    tpu.enqueue_dma source(%dma_start3A_284 : memref<100x64xf32, #tpu.memory_space<vmem>>) target(%dma_start3A_280 : memref<100x64xf32, #tpu.memory_space<hbm>>) target_semaphore(%arg14 : memref<!tpu.dma_semaphore, #tpu.memory_space<semaphore_mem>>)
    %scan3A_285 = arith.constant 0 : i32
    %scan3A_286 = arith.constant 1 : i32
    %scan3A_287 = arith.constant 15 : i32
    %scan3A_288 = arith.addi %scan3A_286, %scan3A_287 : i32
    %scan3A_289 = arith.constant 1 : i32
    scf.for %scan3A_703 = %scan3A_286 to %scan3A_288 step %scan3A_289  : i32 {
      %mul3A_704 = arith.constant 4 : i32
      %mul3A_705 = arith.muli %mul3A_704, %scan3A_703 : i32
      %add3A_706 = arith.constant 0 : i32
      %add3A_707 = arith.addi %mul3A_705, %add3A_706 : i32
      %dma_wait3A_708 = arith.constant 0 : i32
      %dma_wait3A_709 = arith.constant 0 : i32
      %dma_wait3A_710 = arith.constant 0 : i32
      %dma_wait3A_711 = tpu.memref_slice %arg7[%dma_wait3A_708, %dma_wait3A_709, %dma_wait3A_710] : memref<4x200x64xf32, #tpu.memory_space<vmem>> -> memref<1x100x64xf32, #tpu.memory_space<vmem>>
      %dma_wait3A_712 = tpu.memref_squeeze %dma_wait3A_711 : memref<1x100x64xf32, #tpu.memory_space<vmem>> -> memref<100x64xf32, #tpu.memory_space<vmem>>
      %dma_wait3A_713 = arith.constant 0 : i32
      %dma_wait3A_714 = arith.constant 0 : i32
      %dma_wait3A_715 = tpu.memref_slice %arg4[%dma_wait3A_713, %dma_wait3A_714] : memref<819200x64xf32, #tpu.memory_space<hbm>> -> memref<100x64xf32, #tpu.memory_space<hbm>>
      %dma_wait3A_716 = arith.constant 0 : i32
      %dma_wait3A_717 = arith.constant 0 : i32
      %dma_wait3A_718 = tpu.memref_slice %arg4[%dma_wait3A_716, %dma_wait3A_717] : memref<819200x64xf32, #tpu.memory_space<hbm>> -> memref<100x64xf32, #tpu.memory_space<hbm>>
      %dma_wait3A_719 = arith.constant 0 : i32
      %dma_wait3A_720 = arith.constant 0 : i32
      %dma_wait3A_721 = tpu.memref_slice %arg7[%dma_wait3A_708, %dma_wait3A_719, %dma_wait3A_720] : memref<4x200x64xf32, #tpu.memory_space<vmem>> -> memref<1x100x64xf32, #tpu.memory_space<vmem>>
      %dma_wait3A_722 = tpu.memref_squeeze %dma_wait3A_721 : memref<1x100x64xf32, #tpu.memory_space<vmem>> -> memref<100x64xf32, #tpu.memory_space<vmem>>
      tpu.wait_dma2 semaphore(%arg13 : memref<!tpu.dma_semaphore, #tpu.memory_space<semaphore_mem>>) src(%dma_wait3A_722 : memref<100x64xf32, #tpu.memory_space<vmem>>) dst(%dma_wait3A_718 : memref<100x64xf32, #tpu.memory_space<hbm>>)
      %dma_wait3A_723 = arith.constant 0 : i32
      %dma_wait3A_724 = arith.constant 0 : i32
      %dma_wait3A_725 = arith.constant 0 : i32
      %dma_wait3A_726 = tpu.memref_slice %arg8[%dma_wait3A_723, %dma_wait3A_724, %dma_wait3A_725] : memref<4x200x64xf32, #tpu.memory_space<vmem>> -> memref<1x100x64xf32, #tpu.memory_space<vmem>>
      %dma_wait3A_727 = tpu.memref_squeeze %dma_wait3A_726 : memref<1x100x64xf32, #tpu.memory_space<vmem>> -> memref<100x64xf32, #tpu.memory_space<vmem>>
      %dma_wait3A_728 = arith.constant 0 : i32
      %dma_wait3A_729 = arith.constant 0 : i32
      %dma_wait3A_730 = tpu.memref_slice %arg4[%dma_wait3A_728, %dma_wait3A_729] : memref<819200x64xf32, #tpu.memory_space<hbm>> -> memref<100x64xf32, #tpu.memory_space<hbm>>
      %dma_wait3A_731 = arith.constant 0 : i32
      %dma_wait3A_732 = arith.constant 0 : i32
      %dma_wait3A_733 = tpu.memref_slice %arg4[%dma_wait3A_731, %dma_wait3A_732] : memref<819200x64xf32, #tpu.memory_space<hbm>> -> memref<100x64xf32, #tpu.memory_space<hbm>>
      %dma_wait3A_734 = arith.constant 0 : i32
      %dma_wait3A_735 = arith.constant 0 : i32
      %dma_wait3A_736 = tpu.memref_slice %arg8[%dma_wait3A_723, %dma_wait3A_734, %dma_wait3A_735] : memref<4x200x64xf32, #tpu.memory_space<vmem>> -> memref<1x100x64xf32, #tpu.memory_space<vmem>>
      %dma_wait3A_737 = tpu.memref_squeeze %dma_wait3A_736 : memref<1x100x64xf32, #tpu.memory_space<vmem>> -> memref<100x64xf32, #tpu.memory_space<vmem>>
      tpu.wait_dma2 semaphore(%arg13 : memref<!tpu.dma_semaphore, #tpu.memory_space<semaphore_mem>>) src(%dma_wait3A_737 : memref<100x64xf32, #tpu.memory_space<vmem>>) dst(%dma_wait3A_733 : memref<100x64xf32, #tpu.memory_space<hbm>>)
      %dma_wait3A_738 = arith.constant 0 : i32
      %dma_wait3A_739 = arith.constant 0 : i32
      %dma_wait3A_740 = arith.constant 0 : i32
      %dma_wait3A_741 = tpu.memref_slice %arg7[%dma_wait3A_738, %dma_wait3A_739, %dma_wait3A_740] : memref<4x200x64xf32, #tpu.memory_space<vmem>> -> memref<1x100x64xf32, #tpu.memory_space<vmem>>
      %dma_wait3A_742 = tpu.memref_squeeze %dma_wait3A_741 : memref<1x100x64xf32, #tpu.memory_space<vmem>> -> memref<100x64xf32, #tpu.memory_space<vmem>>
      %dma_wait3A_743 = arith.constant 0 : i32
      %dma_wait3A_744 = arith.constant 0 : i32
      %dma_wait3A_745 = tpu.memref_slice %arg4[%dma_wait3A_743, %dma_wait3A_744] : memref<819200x64xf32, #tpu.memory_space<hbm>> -> memref<100x64xf32, #tpu.memory_space<hbm>>
      %dma_wait3A_746 = arith.constant 0 : i32
      %dma_wait3A_747 = arith.constant 0 : i32
      %dma_wait3A_748 = tpu.memref_slice %arg4[%dma_wait3A_746, %dma_wait3A_747] : memref<819200x64xf32, #tpu.memory_space<hbm>> -> memref<100x64xf32, #tpu.memory_space<hbm>>
      %dma_wait3A_749 = arith.constant 0 : i32
      %dma_wait3A_750 = arith.constant 0 : i32
      %dma_wait3A_751 = tpu.memref_slice %arg7[%dma_wait3A_738, %dma_wait3A_749, %dma_wait3A_750] : memref<4x200x64xf32, #tpu.memory_space<vmem>> -> memref<1x100x64xf32, #tpu.memory_space<vmem>>
      %dma_wait3A_752 = tpu.memref_squeeze %dma_wait3A_751 : memref<1x100x64xf32, #tpu.memory_space<vmem>> -> memref<100x64xf32, #tpu.memory_space<vmem>>
      tpu.wait_dma2 semaphore(%arg13 : memref<!tpu.dma_semaphore, #tpu.memory_space<semaphore_mem>>) src(%dma_wait3A_752 : memref<100x64xf32, #tpu.memory_space<vmem>>) dst(%dma_wait3A_748 : memref<100x64xf32, #tpu.memory_space<hbm>>)
      %dma_wait3A_753 = arith.constant 0 : i32
      %dma_wait3A_754 = arith.constant 0 : i32
      %dma_wait3A_755 = arith.constant 0 : i32
      %dma_wait3A_756 = tpu.memref_slice %arg8[%dma_wait3A_753, %dma_wait3A_754, %dma_wait3A_755] : memref<4x200x64xf32, #tpu.memory_space<vmem>> -> memref<1x100x64xf32, #tpu.memory_space<vmem>>
      %dma_wait3A_757 = tpu.memref_squeeze %dma_wait3A_756 : memref<1x100x64xf32, #tpu.memory_space<vmem>> -> memref<100x64xf32, #tpu.memory_space<vmem>>
      %dma_wait3A_758 = arith.constant 0 : i32
      %dma_wait3A_759 = arith.constant 0 : i32
      %dma_wait3A_760 = tpu.memref_slice %arg4[%dma_wait3A_758, %dma_wait3A_759] : memref<819200x64xf32, #tpu.memory_space<hbm>> -> memref<100x64xf32, #tpu.memory_space<hbm>>
      %dma_wait3A_761 = arith.constant 0 : i32
      %dma_wait3A_762 = arith.constant 0 : i32
      %dma_wait3A_763 = tpu.memref_slice %arg4[%dma_wait3A_761, %dma_wait3A_762] : memref<819200x64xf32, #tpu.memory_space<hbm>> -> memref<100x64xf32, #tpu.memory_space<hbm>>
      %dma_wait3A_764 = arith.constant 0 : i32
      %dma_wait3A_765 = arith.constant 0 : i32
      %dma_wait3A_766 = tpu.memref_slice %arg8[%dma_wait3A_753, %dma_wait3A_764, %dma_wait3A_765] : memref<4x200x64xf32, #tpu.memory_space<vmem>> -> memref<1x100x64xf32, #tpu.memory_space<vmem>>
      %dma_wait3A_767 = tpu.memref_squeeze %dma_wait3A_766 : memref<1x100x64xf32, #tpu.memory_space<vmem>> -> memref<100x64xf32, #tpu.memory_space<vmem>>
      tpu.wait_dma2 semaphore(%arg13 : memref<!tpu.dma_semaphore, #tpu.memory_space<semaphore_mem>>) src(%dma_wait3A_767 : memref<100x64xf32, #tpu.memory_space<vmem>>) dst(%dma_wait3A_763 : memref<100x64xf32, #tpu.memory_space<hbm>>)
      %mul3A_768 = arith.constant 200 : i32
      %mul3A_769 = arith.muli %mul3A_768, %add3A_707 : i32
      %add3A_770 = arith.constant 0 : i32
      %add3A_771 = arith.addi %mul3A_769, %add3A_770 : i32
      %dma_start3A_772 = arith.constant 0 : i32
      %dma_start3A_773 = arith.constant 0 : i32
      %dma_start3A_774 = arith.constant 0 : i32
      %dma_start3A_775 = tpu.memref_slice %arg7[%dma_start3A_772, %dma_start3A_773, %dma_start3A_774] : memref<4x200x64xf32, #tpu.memory_space<vmem>> -> memref<1x104x64xf32, #tpu.memory_space<vmem>>
      %dma_start3A_776 = tpu.memref_squeeze %dma_start3A_775 : memref<1x104x64xf32, #tpu.memory_space<vmem>> -> memref<104x64xf32, #tpu.memory_space<vmem>>
      %dma_start3A_777 = tpu.memref_slice %arg5[%add3A_771] : memref<12800xi32, #tpu.memory_space<vmem>> -> memref<104xi32, #tpu.memory_space<vmem>>
      %dma_start3A_778 = arith.constant 0 : i32
      %dma_start3A_779 = arith.constant 0 : i32
      %dma_start3A_780 = tpu.memref_slice %arg3[%dma_start3A_778, %dma_start3A_779] : memref<100000x64xf32, #tpu.memory_space<hbm>> -> memref<100000x64xf32, #tpu.memory_space<hbm>>
      tpu.enqueue_indirect_dma source(%dma_start3A_780 : memref<100000x64xf32, #tpu.memory_space<hbm>>) target(%dma_start3A_776 : memref<104x64xf32, #tpu.memory_space<vmem>>) offsets(%dma_start3A_777 : memref<104xi32, #tpu.memory_space<vmem>>) semaphore(%arg9 : memref<!tpu.dma_semaphore, #tpu.memory_space<semaphore_mem>>)
      %mul3A_781 = arith.constant 200 : i32
      %mul3A_782 = arith.muli %mul3A_781, %add3A_707 : i32
      %add3A_783 = arith.constant 104 : i32
      %add3A_784 = arith.addi %mul3A_782, %add3A_783 : i32
      %dma_start3A_785 = arith.constant 0 : i32
      %dma_start3A_786 = arith.constant 104 : i32
      %dma_start3A_787 = arith.constant 0 : i32
      %dma_start3A_788 = tpu.memref_slice %arg7[%dma_start3A_785, %dma_start3A_786, %dma_start3A_787] : memref<4x200x64xf32, #tpu.memory_space<vmem>> -> memref<1x96x64xf32, #tpu.memory_space<vmem>>
      %dma_start3A_789 = tpu.memref_squeeze %dma_start3A_788 : memref<1x96x64xf32, #tpu.memory_space<vmem>> -> memref<96x64xf32, #tpu.memory_space<vmem>>
      %dma_start3A_790 = tpu.memref_slice %arg5[%add3A_784] : memref<12800xi32, #tpu.memory_space<vmem>> -> memref<96xi32, #tpu.memory_space<vmem>>
      %dma_start3A_791 = arith.constant 0 : i32
      %dma_start3A_792 = arith.constant 0 : i32
      %dma_start3A_793 = tpu.memref_slice %arg3[%dma_start3A_791, %dma_start3A_792] : memref<100000x64xf32, #tpu.memory_space<hbm>> -> memref<100000x64xf32, #tpu.memory_space<hbm>>
      tpu.enqueue_indirect_dma source(%dma_start3A_793 : memref<100000x64xf32, #tpu.memory_space<hbm>>) target(%dma_start3A_789 : memref<96x64xf32, #tpu.memory_space<vmem>>) offsets(%dma_start3A_790 : memref<96xi32, #tpu.memory_space<vmem>>) semaphore(%arg9 : memref<!tpu.dma_semaphore, #tpu.memory_space<semaphore_mem>>)
      %scan3A_794 = arith.constant 0 : i32
      %scan3A_795 = arith.constant 0 : i32
      %scan3A_796 = arith.constant 25 : i32
      %scan3A_797 = arith.addi %scan3A_795, %scan3A_796 : i32
      %scan3A_798 = arith.constant 1 : i32
      scf.for %scan3A_1443 = %scan3A_795 to %scan3A_797 step %scan3A_798  : i32 {
        %mul3A_1444 = arith.constant 200 : i32
        %mul3A_1445 = arith.muli %mul3A_1444, %add3A_707 : i32
        %mul3A_1446 = arith.constant 8 : i32
        %mul3A_1447 = arith.muli %mul3A_1446, %scan3A_1443 : i32
        %add3A_1448 = arith.addi %mul3A_1445, %mul3A_1447 : i32
        %get3A = arith.index_cast %add3A_1448 : i32 to index
        %get3A_1449 = tpu.vector_load %arg6[%get3A] {strides = array<i32>} : memref<12816xf32, #tpu.memory_space<vmem>>, vector<16xf32>,
        %get3A_1450 = vector.shape_cast %get3A_1449 : vector<16xf32> to vector<16xf32>
        %slice3A = vector.extract_strided_slice %get3A_1450 {offsets = [0], sizes = [1], strides = [1]} : vector<16xf32> to vector<1xf32>
        %squeeze3A = vector.extract %slice3A[0] : f32 from vector<1xf32>
        %broadcast_in_dim3A_1451 = vector.broadcast %squeeze3A : f32 to vector<16xf32>
        %mul3A_1452 = arith.constant 8 : i32
        %mul3A_1453 = arith.muli %mul3A_1452, %scan3A_1443 : i32
        %add3A_1454 = arith.constant 0 : i32
        %add3A_1455 = arith.addi %mul3A_1453, %add3A_1454 : i32
        %swap3A = arith.constant 0 : i32
        %swap3A_1456 = arith.index_cast %swap3A : i32 to index
        %swap3A_1457 = arith.index_cast %add3A_1455 : i32 to index
        %swap3A_1458 = arith.constant 0 : index
        %swap3A_1459 = tpu.vector_load %arg8[%swap3A_1456, %swap3A_1457, %swap3A_1458] {strides = array<i32>} : memref<4x200x64xf32, #tpu.memory_space<vmem>>, vector<1x1x16xf32>,
        %swap3A_1460 = vector.shape_cast %swap3A_1459 : vector<1x1x16xf32> to vector<16xf32>
        %swap3A_1461 = vector.shape_cast %broadcast_in_dim3A_1451 : vector<16xf32> to vector<1x1x16xf32>
        tpu.vector_store %arg8[%swap3A_1456, %swap3A_1457, %swap3A_1458], %swap3A_1461 {strides = array<i32>} : memref<4x200x64xf32, #tpu.memory_space<vmem>>, vector<1x1x16xf32>,
        %mul3A_1462 = arith.constant 8 : i32
        %mul3A_1463 = arith.muli %mul3A_1462, %scan3A_1443 : i32
        %add3A_1464 = arith.constant 0 : i32
        %add3A_1465 = arith.addi %mul3A_1463, %add3A_1464 : i32
        %swap3A_1466 = arith.constant 0 : i32
        %swap3A_1467 = arith.index_cast %swap3A_1466 : i32 to index
        %swap3A_1468 = arith.index_cast %add3A_1465 : i32 to index
        %swap3A_1469 = arith.constant 16 : index
        %swap3A_1470 = tpu.vector_load %arg8[%swap3A_1467, %swap3A_1468, %swap3A_1469] {strides = array<i32>} : memref<4x200x64xf32, #tpu.memory_space<vmem>>, vector<1x1x16xf32>,
        %swap3A_1471 = vector.shape_cast %swap3A_1470 : vector<1x1x16xf32> to vector<16xf32>
        %swap3A_1472 = vector.shape_cast %broadcast_in_dim3A_1451 : vector<16xf32> to vector<1x1x16xf32>
        tpu.vector_store %arg8[%swap3A_1467, %swap3A_1468, %swap3A_1469], %swap3A_1472 {strides = array<i32>} : memref<4x200x64xf32, #tpu.memory_space<vmem>>, vector<1x1x16xf32>,
        %mul3A_1473 = arith.constant 8 : i32
        %mul3A_1474 = arith.muli %mul3A_1473, %scan3A_1443 : i32
        %add3A_1475 = arith.constant 0 : i32
        %add3A_1476 = arith.addi %mul3A_1474, %add3A_1475 : i32
        %swap3A_1477 = arith.constant 0 : i32
        %swap3A_1478 = arith.index_cast %swap3A_1477 : i32 to index
        %swap3A_1479 = arith.index_cast %add3A_1476 : i32 to index
        %swap3A_1480 = arith.constant 32 : index
        %swap3A_1481 = tpu.vector_load %arg8[%swap3A_1478, %swap3A_1479, %swap3A_1480] {strides = array<i32>} : memref<4x200x64xf32, #tpu.memory_space<vmem>>, vector<1x1x16xf32>,
        %swap3A_1482 = vector.shape_cast %swap3A_1481 : vector<1x1x16xf32> to vector<16xf32>
        %swap3A_1483 = vector.shape_cast %broadcast_in_dim3A_1451 : vector<16xf32> to vector<1x1x16xf32>
        tpu.vector_store %arg8[%swap3A_1478, %swap3A_1479, %swap3A_1480], %swap3A_1483 {strides = array<i32>} : memref<4x200x64xf32, #tpu.memory_space<vmem>>, vector<1x1x16xf32>,
        %mul3A_1484 = arith.constant 8 : i32
        %mul3A_1485 = arith.muli %mul3A_1484, %scan3A_1443 : i32
        %add3A_1486 = arith.constant 0 : i32
        %add3A_1487 = arith.addi %mul3A_1485, %add3A_1486 : i32
        %swap3A_1488 = arith.constant 0 : i32
        %swap3A_1489 = arith.index_cast %swap3A_1488 : i32 to index
        %swap3A_1490 = arith.index_cast %add3A_1487 : i32 to index
        %swap3A_1491 = arith.constant 48 : index
        %swap3A_1492 = tpu.vector_load %arg8[%swap3A_1489, %swap3A_1490, %swap3A_1491] {strides = array<i32>} : memref<4x200x64xf32, #tpu.memory_space<vmem>>, vector<1x1x16xf32>,
        %swap3A_1493 = vector.shape_cast %swap3A_1492 : vector<1x1x16xf32> to vector<16xf32>
        %swap3A_1494 = vector.shape_cast %broadcast_in_dim3A_1451 : vector<16xf32> to vector<1x1x16xf32>
        tpu.vector_store %arg8[%swap3A_1489, %swap3A_1490, %swap3A_1491], %swap3A_1494 {strides = array<i32>} : memref<4x200x64xf32, #tpu.memory_space<vmem>>, vector<1x1x16xf32>,
        %slice3A_1495 = vector.extract_strided_slice %get3A_1450 {offsets = [1], sizes = [1], strides = [1]} : vector<16xf32> to vector<1xf32>
        %squeeze3A_1496 = vector.extract %slice3A_1495[0] : f32 from vector<1xf32>
        %broadcast_in_dim3A_1497 = vector.broadcast %squeeze3A_1496 : f32 to vector<16xf32>
        %mul3A_1498 = arith.constant 8 : i32
        %mul3A_1499 = arith.muli %mul3A_1498, %scan3A_1443 : i32
        %add3A_1500 = arith.constant 1 : i32
        %add3A_1501 = arith.addi %mul3A_1499, %add3A_1500 : i32
        %swap3A_1502 = arith.constant 0 : i32
        %swap3A_1503 = arith.index_cast %swap3A_1502 : i32 to index
        %swap3A_1504 = arith.index_cast %add3A_1501 : i32 to index
        %swap3A_1505 = arith.constant 0 : index
        %swap3A_1506 = tpu.vector_load %arg8[%swap3A_1503, %swap3A_1504, %swap3A_1505] {strides = array<i32>} : memref<4x200x64xf32, #tpu.memory_space<vmem>>, vector<1x1x16xf32>,
        %swap3A_1507 = vector.shape_cast %swap3A_1506 : vector<1x1x16xf32> to vector<16xf32>
        %swap3A_1508 = vector.shape_cast %broadcast_in_dim3A_1497 : vector<16xf32> to vector<1x1x16xf32>
        tpu.vector_store %arg8[%swap3A_1503, %swap3A_1504, %swap3A_1505], %swap3A_1508 {strides = array<i32>} : memref<4x200x64xf32, #tpu.memory_space<vmem>>, vector<1x1x16xf32>,
        %mul3A_1509 = arith.constant 8 : i32
        %mul3A_1510 = arith.muli %mul3A_1509, %scan3A_1443 : i32
        %add3A_1511 = arith.constant 1 : i32
        %add3A_1512 = arith.addi %mul3A_1510, %add3A_1511 : i32
        %swap3A_1513 = arith.constant 0 : i32
        %swap3A_1514 = arith.index_cast %swap3A_1513 : i32 to index
        %swap3A_1515 = arith.index_cast %add3A_1512 : i32 to index
        %swap3A_1516 = arith.constant 16 : index
        %swap3A_1517 = tpu.vector_load %arg8[%swap3A_1514, %swap3A_1515, %swap3A_1516] {strides = array<i32>} : memref<4x200x64xf32, #tpu.memory_space<vmem>>, vector<1x1x16xf32>,
        %swap3A_1518 = vector.shape_cast %swap3A_1517 : vector<1x1x16xf32> to vector<16xf32>
        %swap3A_1519 = vector.shape_cast %broadcast_in_dim3A_1497 : vector<16xf32> to vector<1x1x16xf32>
        tpu.vector_store %arg8[%swap3A_1514, %swap3A_1515, %swap3A_1516], %swap3A_1519 {strides = array<i32>} : memref<4x200x64xf32, #tpu.memory_space<vmem>>, vector<1x1x16xf32>,
        %mul3A_1520 = arith.constant 8 : i32
        %mul3A_1521 = arith.muli %mul3A_1520, %scan3A_1443 : i32
        %add3A_1522 = arith.constant 1 : i32
        %add3A_1523 = arith.addi %mul3A_1521, %add3A_1522 : i32
        %swap3A_1524 = arith.constant 0 : i32
        %swap3A_1525 = arith.index_cast %swap3A_1524 : i32 to index
        %swap3A_1526 = arith.index_cast %add3A_1523 : i32 to index
        %swap3A_1527 = arith.constant 32 : index
        %swap3A_1528 = tpu.vector_load %arg8[%swap3A_1525, %swap3A_1526, %swap3A_1527] {strides = array<i32>} : memref<4x200x64xf32, #tpu.memory_space<vmem>>, vector<1x1x16xf32>,
        %swap3A_1529 = vector.shape_cast %swap3A_1528 : vector<1x1x16xf32> to vector<16xf32>
        %swap3A_1530 = vector.shape_cast %broadcast_in_dim3A_1497 : vector<16xf32> to vector<1x1x16xf32>
        tpu.vector_store %arg8[%swap3A_1525, %swap3A_1526, %swap3A_1527], %swap3A_1530 {strides = array<i32>} : memref<4x200x64xf32, #tpu.memory_space<vmem>>, vector<1x1x16xf32>,
        %mul3A_1531 = arith.constant 8 : i32
        %mul3A_1532 = arith.muli %mul3A_1531, %scan3A_1443 : i32
        %add3A_1533 = arith.constant 1 : i32
        %add3A_1534 = arith.addi %mul3A_1532, %add3A_1533 : i32
        %swap3A_1535 = arith.constant 0 : i32
        %swap3A_1536 = arith.index_cast %swap3A_1535 : i32 to index
        %swap3A_1537 = arith.index_cast %add3A_1534 : i32 to index
        %swap3A_1538 = arith.constant 48 : index
        %swap3A_1539 = tpu.vector_load %arg8[%swap3A_1536, %swap3A_1537, %swap3A_1538] {strides = array<i32>} : memref<4x200x64xf32, #tpu.memory_space<vmem>>, vector<1x1x16xf32>,
        %swap3A_1540 = vector.shape_cast %swap3A_1539 : vector<1x1x16xf32> to vector<16xf32>
        %swap3A_1541 = vector.shape_cast %broadcast_in_dim3A_1497 : vector<16xf32> to vector<1x1x16xf32>
        tpu.vector_store %arg8[%swap3A_1536, %swap3A_1537, %swap3A_1538], %swap3A_1541 {strides = array<i32>} : memref<4x200x64xf32, #tpu.memory_space<vmem>>, vector<1x1x16xf32>,
        %slice3A_1542 = vector.extract_strided_slice %get3A_1450 {offsets = [2], sizes = [1], strides = [1]} : vector<16xf32> to vector<1xf32>
        %squeeze3A_1543 = vector.extract %slice3A_1542[0] : f32 from vector<1xf32>
        %broadcast_in_dim3A_1544 = vector.broadcast %squeeze3A_1543 : f32 to vector<16xf32>
        %mul3A_1545 = arith.constant 8 : i32
        %mul3A_1546 = arith.muli %mul3A_1545, %scan3A_1443 : i32
        %add3A_1547 = arith.constant 2 : i32
        %add3A_1548 = arith.addi %mul3A_1546, %add3A_1547 : i32
        %swap3A_1549 = arith.constant 0 : i32
        %swap3A_1550 = arith.index_cast %swap3A_1549 : i32 to index
        %swap3A_1551 = arith.index_cast %add3A_1548 : i32 to index
        %swap3A_1552 = arith.constant 0 : index
        %swap3A_1553 = tpu.vector_load %arg8[%swap3A_1550, %swap3A_1551, %swap3A_1552] {strides = array<i32>} : memref<4x200x64xf32, #tpu.memory_space<vmem>>, vector<1x1x16xf32>,
        %swap3A_1554 = vector.shape_cast %swap3A_1553 : vector<1x1x16xf32> to vector<16xf32>
        %swap3A_1555 = vector.shape_cast %broadcast_in_dim3A_1544 : vector<16xf32> to vector<1x1x16xf32>
        tpu.vector_store %arg8[%swap3A_1550, %swap3A_1551, %swap3A_1552], %swap3A_1555 {strides = array<i32>} : memref<4x200x64xf32, #tpu.memory_space<vmem>>, vector<1x1x16xf32>,
        %mul3A_1556 = arith.constant 8 : i32
        %mul3A_1557 = arith.muli %mul3A_1556, %scan3A_1443 : i32
        %add3A_1558 = arith.constant 2 : i32
        %add3A_1559 = arith.addi %mul3A_1557, %add3A_1558 : i32
        %swap3A_1560 = arith.constant 0 : i32
        %swap3A_1561 = arith.index_cast %swap3A_1560 : i32 to index
        %swap3A_1562 = arith.index_cast %add3A_1559 : i32 to index
        %swap3A_1563 = arith.constant 16 : index
        %swap3A_1564 = tpu.vector_load %arg8[%swap3A_1561, %swap3A_1562, %swap3A_1563] {strides = array<i32>} : memref<4x200x64xf32, #tpu.memory_space<vmem>>, vector<1x1x16xf32>,
        %swap3A_1565 = vector.shape_cast %swap3A_1564 : vector<1x1x16xf32> to vector<16xf32>
        %swap3A_1566 = vector.shape_cast %broadcast_in_dim3A_1544 : vector<16xf32> to vector<1x1x16xf32>
        tpu.vector_store %arg8[%swap3A_1561, %swap3A_1562, %swap3A_1563], %swap3A_1566 {strides = array<i32>} : memref<4x200x64xf32, #tpu.memory_space<vmem>>, vector<1x1x16xf32>,
        %mul3A_1567 = arith.constant 8 : i32
        %mul3A_1568 = arith.muli %mul3A_1567, %scan3A_1443 : i32
        %add3A_1569 = arith.constant 2 : i32
        %add3A_1570 = arith.addi %mul3A_1568, %add3A_1569 : i32
        %swap3A_1571 = arith.constant 0 : i32
        %swap3A_1572 = arith.index_cast %swap3A_1571 : i32 to index
        %swap3A_1573 = arith.index_cast %add3A_1570 : i32 to index
        %swap3A_1574 = arith.constant 32 : index
        %swap3A_1575 = tpu.vector_load %arg8[%swap3A_1572, %swap3A_1573, %swap3A_1574] {strides = array<i32>} : memref<4x200x64xf32, #tpu.memory_space<vmem>>, vector<1x1x16xf32>,
        %swap3A_1576 = vector.shape_cast %swap3A_1575 : vector<1x1x16xf32> to vector<16xf32>
        %swap3A_1577 = vector.shape_cast %broadcast_in_dim3A_1544 : vector<16xf32> to vector<1x1x16xf32>
        tpu.vector_store %arg8[%swap3A_1572, %swap3A_1573, %swap3A_1574], %swap3A_1577 {strides = array<i32>} : memref<4x200x64xf32, #tpu.memory_space<vmem>>, vector<1x1x16xf32>,
        %mul3A_1578 = arith.constant 8 : i32
        %mul3A_1579 = arith.muli %mul3A_1578, %scan3A_1443 : i32
        %add3A_1580 = arith.constant 2 : i32
        %add3A_1581 = arith.addi %mul3A_1579, %add3A_1580 : i32
        %swap3A_1582 = arith.constant 0 : i32
        %swap3A_1583 = arith.index_cast %swap3A_1582 : i32 to index
        %swap3A_1584 = arith.index_cast %add3A_1581 : i32 to index
        %swap3A_1585 = arith.constant 48 : index
        %swap3A_1586 = tpu.vector_load %arg8[%swap3A_1583, %swap3A_1584, %swap3A_1585] {strides = array<i32>} : memref<4x200x64xf32, #tpu.memory_space<vmem>>, vector<1x1x16xf32>,
        %swap3A_1587 = vector.shape_cast %swap3A_1586 : vector<1x1x16xf32> to vector<16xf32>
        %swap3A_1588 = vector.shape_cast %broadcast_in_dim3A_1544 : vector<16xf32> to vector<1x1x16xf32>
        tpu.vector_store %arg8[%swap3A_1583, %swap3A_1584, %swap3A_1585], %swap3A_1588 {strides = array<i32>} : memref<4x200x64xf32, #tpu.memory_space<vmem>>, vector<1x1x16xf32>,
        %slice3A_1589 = vector.extract_strided_slice %get3A_1450 {offsets = [3], sizes = [1], strides = [1]} : vector<16xf32> to vector<1xf32>
        %squeeze3A_1590 = vector.extract %slice3A_1589[0] : f32 from vector<1xf32>
        %broadcast_in_dim3A_1591 = vector.broadcast %squeeze3A_1590 : f32 to vector<16xf32>
        %mul3A_1592 = arith.constant 8 : i32
        %mul3A_1593 = arith.muli %mul3A_1592, %scan3A_1443 : i32
        %add3A_1594 = arith.constant 3 : i32
        %add3A_1595 = arith.addi %mul3A_1593, %add3A_1594 : i32
        %swap3A_1596 = arith.constant 0 : i32
        %swap3A_1597 = arith.index_cast %swap3A_1596 : i32 to index
        %swap3A_1598 = arith.index_cast %add3A_1595 : i32 to index
        %swap3A_1599 = arith.constant 0 : index
        %swap3A_1600 = tpu.vector_load %arg8[%swap3A_1597, %swap3A_1598, %swap3A_1599] {strides = array<i32>} : memref<4x200x64xf32, #tpu.memory_space<vmem>>, vector<1x1x16xf32>,
        %swap3A_1601 = vector.shape_cast %swap3A_1600 : vector<1x1x16xf32> to vector<16xf32>
        %swap3A_1602 = vector.shape_cast %broadcast_in_dim3A_1591 : vector<16xf32> to vector<1x1x16xf32>
        tpu.vector_store %arg8[%swap3A_1597, %swap3A_1598, %swap3A_1599], %swap3A_1602 {strides = array<i32>} : memref<4x200x64xf32, #tpu.memory_space<vmem>>, vector<1x1x16xf32>,
        %mul3A_1603 = arith.constant 8 : i32
        %mul3A_1604 = arith.muli %mul3A_1603, %scan3A_1443 : i32
        %add3A_1605 = arith.constant 3 : i32
        %add3A_1606 = arith.addi %mul3A_1604, %add3A_1605 : i32
        %swap3A_1607 = arith.constant 0 : i32
        %swap3A_1608 = arith.index_cast %swap3A_1607 : i32 to index
        %swap3A_1609 = arith.index_cast %add3A_1606 : i32 to index
        %swap3A_1610 = arith.constant 16 : index
        %swap3A_1611 = tpu.vector_load %arg8[%swap3A_1608, %swap3A_1609, %swap3A_1610] {strides = array<i32>} : memref<4x200x64xf32, #tpu.memory_space<vmem>>, vector<1x1x16xf32>,
        %swap3A_1612 = vector.shape_cast %swap3A_1611 : vector<1x1x16xf32> to vector<16xf32>
        %swap3A_1613 = vector.shape_cast %broadcast_in_dim3A_1591 : vector<16xf32> to vector<1x1x16xf32>
        tpu.vector_store %arg8[%swap3A_1608, %swap3A_1609, %swap3A_1610], %swap3A_1613 {strides = array<i32>} : memref<4x200x64xf32, #tpu.memory_space<vmem>>, vector<1x1x16xf32>,
        %mul3A_1614 = arith.constant 8 : i32
        %mul3A_1615 = arith.muli %mul3A_1614, %scan3A_1443 : i32
        %add3A_1616 = arith.constant 3 : i32
        %add3A_1617 = arith.addi %mul3A_1615, %add3A_1616 : i32
        %swap3A_1618 = arith.constant 0 : i32
        %swap3A_1619 = arith.index_cast %swap3A_1618 : i32 to index
        %swap3A_1620 = arith.index_cast %add3A_1617 : i32 to index
        %swap3A_1621 = arith.constant 32 : index
        %swap3A_1622 = tpu.vector_load %arg8[%swap3A_1619, %swap3A_1620, %swap3A_1621] {strides = array<i32>} : memref<4x200x64xf32, #tpu.memory_space<vmem>>, vector<1x1x16xf32>,
        %swap3A_1623 = vector.shape_cast %swap3A_1622 : vector<1x1x16xf32> to vector<16xf32>
        %swap3A_1624 = vector.shape_cast %broadcast_in_dim3A_1591 : vector<16xf32> to vector<1x1x16xf32>
        tpu.vector_store %arg8[%swap3A_1619, %swap3A_1620, %swap3A_1621], %swap3A_1624 {strides = array<i32>} : memref<4x200x64xf32, #tpu.memory_space<vmem>>, vector<1x1x16xf32>,
        %mul3A_1625 = arith.constant 8 : i32
        %mul3A_1626 = arith.muli %mul3A_1625, %scan3A_1443 : i32
        %add3A_1627 = arith.constant 3 : i32
        %add3A_1628 = arith.addi %mul3A_1626, %add3A_1627 : i32
        %swap3A_1629 = arith.constant 0 : i32
        %swap3A_1630 = arith.index_cast %swap3A_1629 : i32 to index
        %swap3A_1631 = arith.index_cast %add3A_1628 : i32 to index
        %swap3A_1632 = arith.constant 48 : index
        %swap3A_1633 = tpu.vector_load %arg8[%swap3A_1630, %swap3A_1631, %swap3A_1632] {strides = array<i32>} : memref<4x200x64xf32, #tpu.memory_space<vmem>>, vector<1x1x16xf32>,
        %swap3A_1634 = vector.shape_cast %swap3A_1633 : vector<1x1x16xf32> to vector<16xf32>
        %swap3A_1635 = vector.shape_cast %broadcast_in_dim3A_1591 : vector<16xf32> to vector<1x1x16xf32>
        tpu.vector_store %arg8[%swap3A_1630, %swap3A_1631, %swap3A_1632], %swap3A_1635 {strides = array<i32>} : memref<4x200x64xf32, #tpu.memory_space<vmem>>, vector<1x1x16xf32>,
        %slice3A_1636 = vector.extract_strided_slice %get3A_1450 {offsets = [4], sizes = [1], strides = [1]} : vector<16xf32> to vector<1xf32>
        %squeeze3A_1637 = vector.extract %slice3A_1636[0] : f32 from vector<1xf32>
        %broadcast_in_dim3A_1638 = vector.broadcast %squeeze3A_1637 : f32 to vector<16xf32>
        %mul3A_1639 = arith.constant 8 : i32
        %mul3A_1640 = arith.muli %mul3A_1639, %scan3A_1443 : i32
        %add3A_1641 = arith.constant 4 : i32
        %add3A_1642 = arith.addi %mul3A_1640, %add3A_1641 : i32
        %swap3A_1643 = arith.constant 0 : i32
        %swap3A_1644 = arith.index_cast %swap3A_1643 : i32 to index
        %swap3A_1645 = arith.index_cast %add3A_1642 : i32 to index
        %swap3A_1646 = arith.constant 0 : index
        %swap3A_1647 = tpu.vector_load %arg8[%swap3A_1644, %swap3A_1645, %swap3A_1646] {strides = array<i32>} : memref<4x200x64xf32, #tpu.memory_space<vmem>>, vector<1x1x16xf32>,
        %swap3A_1648 = vector.shape_cast %swap3A_1647 : vector<1x1x16xf32> to vector<16xf32>
        %swap3A_1649 = vector.shape_cast %broadcast_in_dim3A_1638 : vector<16xf32> to vector<1x1x16xf32>
        tpu.vector_store %arg8[%swap3A_1644, %swap3A_1645, %swap3A_1646], %swap3A_1649 {strides = array<i32>} : memref<4x200x64xf32, #tpu.memory_space<vmem>>, vector<1x1x16xf32>,
        %mul3A_1650 = arith.constant 8 : i32
        %mul3A_1651 = arith.muli %mul3A_1650, %scan3A_1443 : i32
        %add3A_1652 = arith.constant 4 : i32
        %add3A_1653 = arith.addi %mul3A_1651, %add3A_1652 : i32
        %swap3A_1654 = arith.constant 0 : i32
        %swap3A_1655 = arith.index_cast %swap3A_1654 : i32 to index
        %swap3A_1656 = arith.index_cast %add3A_1653 : i32 to index
        %swap3A_1657 = arith.constant 16 : index
        %swap3A_1658 = tpu.vector_load %arg8[%swap3A_1655, %swap3A_1656, %swap3A_1657] {strides = array<i32>} : memref<4x200x64xf32, #tpu.memory_space<vmem>>, vector<1x1x16xf32>,
        %swap3A_1659 = vector.shape_cast %swap3A_1658 : vector<1x1x16xf32> to vector<16xf32>
        %swap3A_1660 = vector.shape_cast %broadcast_in_dim3A_1638 : vector<16xf32> to vector<1x1x16xf32>
        tpu.vector_store %arg8[%swap3A_1655, %swap3A_1656, %swap3A_1657], %swap3A_1660 {strides = array<i32>} : memref<4x200x64xf32, #tpu.memory_space<vmem>>, vector<1x1x16xf32>,
        %mul3A_1661 = arith.constant 8 : i32
        %mul3A_1662 = arith.muli %mul3A_1661, %scan3A_1443 : i32
        %add3A_1663 = arith.constant 4 : i32
        %add3A_1664 = arith.addi %mul3A_1662, %add3A_1663 : i32
        %swap3A_1665 = arith.constant 0 : i32
        %swap3A_1666 = arith.index_cast %swap3A_1665 : i32 to index
        %swap3A_1667 = arith.index_cast %add3A_1664 : i32 to index
        %swap3A_1668 = arith.constant 32 : index
        %swap3A_1669 = tpu.vector_load %arg8[%swap3A_1666, %swap3A_1667, %swap3A_1668] {strides = array<i32>} : memref<4x200x64xf32, #tpu.memory_space<vmem>>, vector<1x1x16xf32>,
        %swap3A_1670 = vector.shape_cast %swap3A_1669 : vector<1x1x16xf32> to vector<16xf32>
        %swap3A_1671 = vector.shape_cast %broadcast_in_dim3A_1638 : vector<16xf32> to vector<1x1x16xf32>
        tpu.vector_store %arg8[%swap3A_1666, %swap3A_1667, %swap3A_1668], %swap3A_1671 {strides = array<i32>} : memref<4x200x64xf32, #tpu.memory_space<vmem>>, vector<1x1x16xf32>,
        %mul3A_1672 = arith.constant 8 : i32
        %mul3A_1673 = arith.muli %mul3A_1672, %scan3A_1443 : i32
        %add3A_1674 = arith.constant 4 : i32
        %add3A_1675 = arith.addi %mul3A_1673, %add3A_1674 : i32
        %swap3A_1676 = arith.constant 0 : i32
        %swap3A_1677 = arith.index_cast %swap3A_1676 : i32 to index
        %swap3A_1678 = arith.index_cast %add3A_1675 : i32 to index
        %swap3A_1679 = arith.constant 48 : index
        %swap3A_1680 = tpu.vector_load %arg8[%swap3A_1677, %swap3A_1678, %swap3A_1679] {strides = array<i32>} : memref<4x200x64xf32, #tpu.memory_space<vmem>>, vector<1x1x16xf32>,
        %swap3A_1681 = vector.shape_cast %swap3A_1680 : vector<1x1x16xf32> to vector<16xf32>
        %swap3A_1682 = vector.shape_cast %broadcast_in_dim3A_1638 : vector<16xf32> to vector<1x1x16xf32>
        tpu.vector_store %arg8[%swap3A_1677, %swap3A_1678, %swap3A_1679], %swap3A_1682 {strides = array<i32>} : memref<4x200x64xf32, #tpu.memory_space<vmem>>, vector<1x1x16xf32>,
        %slice3A_1683 = vector.extract_strided_slice %get3A_1450 {offsets = [5], sizes = [1], strides = [1]} : vector<16xf32> to vector<1xf32>
        %squeeze3A_1684 = vector.extract %slice3A_1683[0] : f32 from vector<1xf32>
        %broadcast_in_dim3A_1685 = vector.broadcast %squeeze3A_1684 : f32 to vector<16xf32>
        %mul3A_1686 = arith.constant 8 : i32
        %mul3A_1687 = arith.muli %mul3A_1686, %scan3A_1443 : i32
        %add3A_1688 = arith.constant 5 : i32
        %add3A_1689 = arith.addi %mul3A_1687, %add3A_1688 : i32
        %swap3A_1690 = arith.constant 0 : i32
        %swap3A_1691 = arith.index_cast %swap3A_1690 : i32 to index
        %swap3A_1692 = arith.index_cast %add3A_1689 : i32 to index
        %swap3A_1693 = arith.constant 0 : index
        %swap3A_1694 = tpu.vector_load %arg8[%swap3A_1691, %swap3A_1692, %swap3A_1693] {strides = array<i32>} : memref<4x200x64xf32, #tpu.memory_space<vmem>>, vector<1x1x16xf32>,
        %swap3A_1695 = vector.shape_cast %swap3A_1694 : vector<1x1x16xf32> to vector<16xf32>
        %swap3A_1696 = vector.shape_cast %broadcast_in_dim3A_1685 : vector<16xf32> to vector<1x1x16xf32>
        tpu.vector_store %arg8[%swap3A_1691, %swap3A_1692, %swap3A_1693], %swap3A_1696 {strides = array<i32>} : memref<4x200x64xf32, #tpu.memory_space<vmem>>, vector<1x1x16xf32>,
        %mul3A_1697 = arith.constant 8 : i32
        %mul3A_1698 = arith.muli %mul3A_1697, %scan3A_1443 : i32
        %add3A_1699 = arith.constant 5 : i32
        %add3A_1700 = arith.addi %mul3A_1698, %add3A_1699 : i32
        %swap3A_1701 = arith.constant 0 : i32
        %swap3A_1702 = arith.index_cast %swap3A_1701 : i32 to index
        %swap3A_1703 = arith.index_cast %add3A_1700 : i32 to index
        %swap3A_1704 = arith.constant 16 : index
        %swap3A_1705 = tpu.vector_load %arg8[%swap3A_1702, %swap3A_1703, %swap3A_1704] {strides = array<i32>} : memref<4x200x64xf32, #tpu.memory_space<vmem>>, vector<1x1x16xf32>,
        %swap3A_1706 = vector.shape_cast %swap3A_1705 : vector<1x1x16xf32> to vector<16xf32>
        %swap3A_1707 = vector.shape_cast %broadcast_in_dim3A_1685 : vector<16xf32> to vector<1x1x16xf32>
        tpu.vector_store %arg8[%swap3A_1702, %swap3A_1703, %swap3A_1704], %swap3A_1707 {strides = array<i32>} : memref<4x200x64xf32, #tpu.memory_space<vmem>>, vector<1x1x16xf32>,
        %mul3A_1708 = arith.constant 8 : i32
        %mul3A_1709 = arith.muli %mul3A_1708, %scan3A_1443 : i32
        %add3A_1710 = arith.constant 5 : i32
        %add3A_1711 = arith.addi %mul3A_1709, %add3A_1710 : i32
        %swap3A_1712 = arith.constant 0 : i32
        %swap3A_1713 = arith.index_cast %swap3A_1712 : i32 to index
        %swap3A_1714 = arith.index_cast %add3A_1711 : i32 to index
        %swap3A_1715 = arith.constant 32 : index
        %swap3A_1716 = tpu.vector_load %arg8[%swap3A_1713, %swap3A_1714, %swap3A_1715] {strides = array<i32>} : memref<4x200x64xf32, #tpu.memory_space<vmem>>, vector<1x1x16xf32>,
        %swap3A_1717 = vector.shape_cast %swap3A_1716 : vector<1x1x16xf32> to vector<16xf32>
        %swap3A_1718 = vector.shape_cast %broadcast_in_dim3A_1685 : vector<16xf32> to vector<1x1x16xf32>
        tpu.vector_store %arg8[%swap3A_1713, %swap3A_1714, %swap3A_1715], %swap3A_1718 {strides = array<i32>} : memref<4x200x64xf32, #tpu.memory_space<vmem>>, vector<1x1x16xf32>,
        %mul3A_1719 = arith.constant 8 : i32
        %mul3A_1720 = arith.muli %mul3A_1719, %scan3A_1443 : i32
        %add3A_1721 = arith.constant 5 : i32
        %add3A_1722 = arith.addi %mul3A_1720, %add3A_1721 : i32
        %swap3A_1723 = arith.constant 0 : i32
        %swap3A_1724 = arith.index_cast %swap3A_1723 : i32 to index
        %swap3A_1725 = arith.index_cast %add3A_1722 : i32 to index
        %swap3A_1726 = arith.constant 48 : index
        %swap3A_1727 = tpu.vector_load %arg8[%swap3A_1724, %swap3A_1725, %swap3A_1726] {strides = array<i32>} : memref<4x200x64xf32, #tpu.memory_space<vmem>>, vector<1x1x16xf32>,
        %swap3A_1728 = vector.shape_cast %swap3A_1727 : vector<1x1x16xf32> to vector<16xf32>
        %swap3A_1729 = vector.shape_cast %broadcast_in_dim3A_1685 : vector<16xf32> to vector<1x1x16xf32>
        tpu.vector_store %arg8[%swap3A_1724, %swap3A_1725, %swap3A_1726], %swap3A_1729 {strides = array<i32>} : memref<4x200x64xf32, #tpu.memory_space<vmem>>, vector<1x1x16xf32>,
        %slice3A_1730 = vector.extract_strided_slice %get3A_1450 {offsets = [6], sizes = [1], strides = [1]} : vector<16xf32> to vector<1xf32>
        %squeeze3A_1731 = vector.extract %slice3A_1730[0] : f32 from vector<1xf32>
        %broadcast_in_dim3A_1732 = vector.broadcast %squeeze3A_1731 : f32 to vector<16xf32>
        %mul3A_1733 = arith.constant 8 : i32
        %mul3A_1734 = arith.muli %mul3A_1733, %scan3A_1443 : i32
        %add3A_1735 = arith.constant 6 : i32
        %add3A_1736 = arith.addi %mul3A_1734, %add3A_1735 : i32
        %swap3A_1737 = arith.constant 0 : i32
        %swap3A_1738 = arith.index_cast %swap3A_1737 : i32 to index
        %swap3A_1739 = arith.index_cast %add3A_1736 : i32 to index
        %swap3A_1740 = arith.constant 0 : index
        %swap3A_1741 = tpu.vector_load %arg8[%swap3A_1738, %swap3A_1739, %swap3A_1740] {strides = array<i32>} : memref<4x200x64xf32, #tpu.memory_space<vmem>>, vector<1x1x16xf32>,
        %swap3A_1742 = vector.shape_cast %swap3A_1741 : vector<1x1x16xf32> to vector<16xf32>
        %swap3A_1743 = vector.shape_cast %broadcast_in_dim3A_1732 : vector<16xf32> to vector<1x1x16xf32>
        tpu.vector_store %arg8[%swap3A_1738, %swap3A_1739, %swap3A_1740], %swap3A_1743 {strides = array<i32>} : memref<4x200x64xf32, #tpu.memory_space<vmem>>, vector<1x1x16xf32>,
        %mul3A_1744 = arith.constant 8 : i32
        %mul3A_1745 = arith.muli %mul3A_1744, %scan3A_1443 : i32
        %add3A_1746 = arith.constant 6 : i32
        %add3A_1747 = arith.addi %mul3A_1745, %add3A_1746 : i32
        %swap3A_1748 = arith.constant 0 : i32
        %swap3A_1749 = arith.index_cast %swap3A_1748 : i32 to index
        %swap3A_1750 = arith.index_cast %add3A_1747 : i32 to index
        %swap3A_1751 = arith.constant 16 : index
        %swap3A_1752 = tpu.vector_load %arg8[%swap3A_1749, %swap3A_1750, %swap3A_1751] {strides = array<i32>} : memref<4x200x64xf32, #tpu.memory_space<vmem>>, vector<1x1x16xf32>,
        %swap3A_1753 = vector.shape_cast %swap3A_1752 : vector<1x1x16xf32> to vector<16xf32>
        %swap3A_1754 = vector.shape_cast %broadcast_in_dim3A_1732 : vector<16xf32> to vector<1x1x16xf32>
        tpu.vector_store %arg8[%swap3A_1749, %swap3A_1750, %swap3A_1751], %swap3A_1754 {strides = array<i32>} : memref<4x200x64xf32, #tpu.memory_space<vmem>>, vector<1x1x16xf32>,
        %mul3A_1755 = arith.constant 8 : i32
        %mul3A_1756 = arith.muli %mul3A_1755, %scan3A_1443 : i32
        %add3A_1757 = arith.constant 6 : i32
        %add3A_1758 = arith.addi %mul3A_1756, %add3A_1757 : i32
        %swap3A_1759 = arith.constant 0 : i32
        %swap3A_1760 = arith.index_cast %swap3A_1759 : i32 to index
        %swap3A_1761 = arith.index_cast %add3A_1758 : i32 to index
        %swap3A_1762 = arith.constant 32 : index
        %swap3A_1763 = tpu.vector_load %arg8[%swap3A_1760, %swap3A_1761, %swap3A_1762] {strides = array<i32>} : memref<4x200x64xf32, #tpu.memory_space<vmem>>, vector<1x1x16xf32>,
        %swap3A_1764 = vector.shape_cast %swap3A_1763 : vector<1x1x16xf32> to vector<16xf32>
        %swap3A_1765 = vector.shape_cast %broadcast_in_dim3A_1732 : vector<16xf32> to vector<1x1x16xf32>
        tpu.vector_store %arg8[%swap3A_1760, %swap3A_1761, %swap3A_1762], %swap3A_1765 {strides = array<i32>} : memref<4x200x64xf32, #tpu.memory_space<vmem>>, vector<1x1x16xf32>,
        %mul3A_1766 = arith.constant 8 : i32
        %mul3A_1767 = arith.muli %mul3A_1766, %scan3A_1443 : i32
        %add3A_1768 = arith.constant 6 : i32
        %add3A_1769 = arith.addi %mul3A_1767, %add3A_1768 : i32
        %swap3A_1770 = arith.constant 0 : i32
        %swap3A_1771 = arith.index_cast %swap3A_1770 : i32 to index
        %swap3A_1772 = arith.index_cast %add3A_1769 : i32 to index
        %swap3A_1773 = arith.constant 48 : index
        %swap3A_1774 = tpu.vector_load %arg8[%swap3A_1771, %swap3A_1772, %swap3A_1773] {strides = array<i32>} : memref<4x200x64xf32, #tpu.memory_space<vmem>>, vector<1x1x16xf32>,
        %swap3A_1775 = vector.shape_cast %swap3A_1774 : vector<1x1x16xf32> to vector<16xf32>
        %swap3A_1776 = vector.shape_cast %broadcast_in_dim3A_1732 : vector<16xf32> to vector<1x1x16xf32>
        tpu.vector_store %arg8[%swap3A_1771, %swap3A_1772, %swap3A_1773], %swap3A_1776 {strides = array<i32>} : memref<4x200x64xf32, #tpu.memory_space<vmem>>, vector<1x1x16xf32>,
        %slice3A_1777 = vector.extract_strided_slice %get3A_1450 {offsets = [7], sizes = [1], strides = [1]} : vector<16xf32> to vector<1xf32>
        %squeeze3A_1778 = vector.extract %slice3A_1777[0] : f32 from vector<1xf32>
        %broadcast_in_dim3A_1779 = vector.broadcast %squeeze3A_1778 : f32 to vector<16xf32>
        %mul3A_1780 = arith.constant 8 : i32
        %mul3A_1781 = arith.muli %mul3A_1780, %scan3A_1443 : i32
        %add3A_1782 = arith.constant 7 : i32
        %add3A_1783 = arith.addi %mul3A_1781, %add3A_1782 : i32
        %swap3A_1784 = arith.constant 0 : i32
        %swap3A_1785 = arith.index_cast %swap3A_1784 : i32 to index
        %swap3A_1786 = arith.index_cast %add3A_1783 : i32 to index
        %swap3A_1787 = arith.constant 0 : index
        %swap3A_1788 = tpu.vector_load %arg8[%swap3A_1785, %swap3A_1786, %swap3A_1787] {strides = array<i32>} : memref<4x200x64xf32, #tpu.memory_space<vmem>>, vector<1x1x16xf32>,
        %swap3A_1789 = vector.shape_cast %swap3A_1788 : vector<1x1x16xf32> to vector<16xf32>
        %swap3A_1790 = vector.shape_cast %broadcast_in_dim3A_1779 : vector<16xf32> to vector<1x1x16xf32>
        tpu.vector_store %arg8[%swap3A_1785, %swap3A_1786, %swap3A_1787], %swap3A_1790 {strides = array<i32>} : memref<4x200x64xf32, #tpu.memory_space<vmem>>, vector<1x1x16xf32>,
        %mul3A_1791 = arith.constant 8 : i32
        %mul3A_1792 = arith.muli %mul3A_1791, %scan3A_1443 : i32
        %add3A_1793 = arith.constant 7 : i32
        %add3A_1794 = arith.addi %mul3A_1792, %add3A_1793 : i32
        %swap3A_1795 = arith.constant 0 : i32
        %swap3A_1796 = arith.index_cast %swap3A_1795 : i32 to index
        %swap3A_1797 = arith.index_cast %add3A_1794 : i32 to index
        %swap3A_1798 = arith.constant 16 : index
        %swap3A_1799 = tpu.vector_load %arg8[%swap3A_1796, %swap3A_1797, %swap3A_1798] {strides = array<i32>} : memref<4x200x64xf32, #tpu.memory_space<vmem>>, vector<1x1x16xf32>,
        %swap3A_1800 = vector.shape_cast %swap3A_1799 : vector<1x1x16xf32> to vector<16xf32>
        %swap3A_1801 = vector.shape_cast %broadcast_in_dim3A_1779 : vector<16xf32> to vector<1x1x16xf32>
        tpu.vector_store %arg8[%swap3A_1796, %swap3A_1797, %swap3A_1798], %swap3A_1801 {strides = array<i32>} : memref<4x200x64xf32, #tpu.memory_space<vmem>>, vector<1x1x16xf32>,
        %mul3A_1802 = arith.constant 8 : i32
        %mul3A_1803 = arith.muli %mul3A_1802, %scan3A_1443 : i32
        %add3A_1804 = arith.constant 7 : i32
        %add3A_1805 = arith.addi %mul3A_1803, %add3A_1804 : i32
        %swap3A_1806 = arith.constant 0 : i32
        %swap3A_1807 = arith.index_cast %swap3A_1806 : i32 to index
        %swap3A_1808 = arith.index_cast %add3A_1805 : i32 to index
        %swap3A_1809 = arith.constant 32 : index
        %swap3A_1810 = tpu.vector_load %arg8[%swap3A_1807, %swap3A_1808, %swap3A_1809] {strides = array<i32>} : memref<4x200x64xf32, #tpu.memory_space<vmem>>, vector<1x1x16xf32>,
        %swap3A_1811 = vector.shape_cast %swap3A_1810 : vector<1x1x16xf32> to vector<16xf32>
        %swap3A_1812 = vector.shape_cast %broadcast_in_dim3A_1779 : vector<16xf32> to vector<1x1x16xf32>
        tpu.vector_store %arg8[%swap3A_1807, %swap3A_1808, %swap3A_1809], %swap3A_1812 {strides = array<i32>} : memref<4x200x64xf32, #tpu.memory_space<vmem>>, vector<1x1x16xf32>,
        %mul3A_1813 = arith.constant 8 : i32
        %mul3A_1814 = arith.muli %mul3A_1813, %scan3A_1443 : i32
        %add3A_1815 = arith.constant 7 : i32
        %add3A_1816 = arith.addi %mul3A_1814, %add3A_1815 : i32
        %swap3A_1817 = arith.constant 0 : i32
        %swap3A_1818 = arith.index_cast %swap3A_1817 : i32 to index
        %swap3A_1819 = arith.index_cast %add3A_1816 : i32 to index
        %swap3A_1820 = arith.constant 48 : index
        %swap3A_1821 = tpu.vector_load %arg8[%swap3A_1818, %swap3A_1819, %swap3A_1820] {strides = array<i32>} : memref<4x200x64xf32, #tpu.memory_space<vmem>>, vector<1x1x16xf32>,
        %swap3A_1822 = vector.shape_cast %swap3A_1821 : vector<1x1x16xf32> to vector<16xf32>
        %swap3A_1823 = vector.shape_cast %broadcast_in_dim3A_1779 : vector<16xf32> to vector<1x1x16xf32>
        tpu.vector_store %arg8[%swap3A_1818, %swap3A_1819, %swap3A_1820], %swap3A_1823 {strides = array<i32>} : memref<4x200x64xf32, #tpu.memory_space<vmem>>, vector<1x1x16xf32>,
      }
      %scan3A_799 = arith.constant 25 : i32
      %dma_wait3A_800 = arith.constant 2 : i32
      %dma_wait3A_801 = arith.constant 0 : i32
      %dma_wait3A_802 = arith.constant 0 : i32
      %dma_wait3A_803 = tpu.memref_slice %arg7[%dma_wait3A_800, %dma_wait3A_801, %dma_wait3A_802] : memref<4x200x64xf32, #tpu.memory_space<vmem>> -> memref<1x104x64xf32, #tpu.memory_space<vmem>>
      %dma_wait3A_804 = tpu.memref_squeeze %dma_wait3A_803 : memref<1x104x64xf32, #tpu.memory_space<vmem>> -> memref<104x64xf32, #tpu.memory_space<vmem>>
      %dma_wait3A_805 = arith.constant 0 : i32
      %dma_wait3A_806 = tpu.memref_slice %arg5[%dma_wait3A_805] : memref<12800xi32, #tpu.memory_space<vmem>> -> memref<104xi32, #tpu.memory_space<vmem>>
      %dma_wait3A_807 = arith.constant 0 : i32
      %dma_wait3A_808 = arith.constant 0 : i32
      %dma_wait3A_809 = tpu.memref_slice %arg3[%dma_wait3A_807, %dma_wait3A_808] : memref<100000x64xf32, #tpu.memory_space<hbm>> -> memref<100000x64xf32, #tpu.memory_space<hbm>>
      tpu.wait_indirect_dma semaphore(%arg11 : memref<!tpu.dma_semaphore, #tpu.memory_space<semaphore_mem>>) src(%dma_wait3A_809 : memref<100000x64xf32, #tpu.memory_space<hbm>>) dst(%dma_wait3A_804 : memref<104x64xf32, #tpu.memory_space<vmem>>)
      %dma_wait3A_810 = arith.constant 2 : i32
      %dma_wait3A_811 = arith.constant 104 : i32
      %dma_wait3A_812 = arith.constant 0 : i32
      %dma_wait3A_813 = tpu.memref_slice %arg7[%dma_wait3A_810, %dma_wait3A_811, %dma_wait3A_812] : memref<4x200x64xf32, #tpu.memory_space<vmem>> -> memref<1x96x64xf32, #tpu.memory_space<vmem>>
      %dma_wait3A_814 = tpu.memref_squeeze %dma_wait3A_813 : memref<1x96x64xf32, #tpu.memory_space<vmem>> -> memref<96x64xf32, #tpu.memory_space<vmem>>
      %dma_wait3A_815 = arith.constant 104 : i32
      %dma_wait3A_816 = tpu.memref_slice %arg5[%dma_wait3A_815] : memref<12800xi32, #tpu.memory_space<vmem>> -> memref<96xi32, #tpu.memory_space<vmem>>
      %dma_wait3A_817 = arith.constant 0 : i32
      %dma_wait3A_818 = arith.constant 0 : i32
      %dma_wait3A_819 = tpu.memref_slice %arg3[%dma_wait3A_817, %dma_wait3A_818] : memref<100000x64xf32, #tpu.memory_space<hbm>> -> memref<100000x64xf32, #tpu.memory_space<hbm>>
      tpu.wait_indirect_dma semaphore(%arg11 : memref<!tpu.dma_semaphore, #tpu.memory_space<semaphore_mem>>) src(%dma_wait3A_819 : memref<100000x64xf32, #tpu.memory_space<hbm>>) dst(%dma_wait3A_814 : memref<96x64xf32, #tpu.memory_space<vmem>>)
      %sub3A = arith.constant 2 : i32
      %sub3A_820 = arith.subi %add3A_707, %sub3A : i32
      %mul3A_821 = arith.constant 128 : i32
      %mul3A_822 = arith.muli %add3A, %mul3A_821 : i32
      %mul3A_823 = arith.constant 2 : i32
      %mul3A_824 = arith.muli %mul3A_823, %sub3A_820 : i32
      %add3A_825 = arith.addi %mul3A_822, %mul3A_824 : i32
      %mul3A_826 = arith.constant 2 : i32
      %mul3A_827 = arith.muli %add3A_825, %mul3A_826 : i32
      %mul3A_828 = arith.constant 100 : i32
      %mul3A_829 = arith.muli %mul3A_827, %mul3A_828 : i32
      %dma_start3A_830 = arith.constant 2 : i32
      %dma_start3A_831 = arith.constant 0 : i32
      %dma_start3A_832 = arith.constant 0 : i32
      %dma_start3A_833 = tpu.memref_slice %arg7[%dma_start3A_830, %dma_start3A_831, %dma_start3A_832] : memref<4x200x64xf32, #tpu.memory_space<vmem>> -> memref<1x100x64xf32, #tpu.memory_space<vmem>>
      %dma_start3A_834 = tpu.memref_squeeze %dma_start3A_833 : memref<1x100x64xf32, #tpu.memory_space<vmem>> -> memref<100x64xf32, #tpu.memory_space<vmem>>
      %dma_start3A_835 = arith.constant 0 : i32
      %dma_start3A_836 = tpu.memref_slice %arg4[%mul3A_829, %dma_start3A_835] : memref<819200x64xf32, #tpu.memory_space<hbm>> -> memref<100x64xf32, #tpu.memory_space<hbm>>
      %dma_start3A_837 = arith.constant 0 : i32
      %dma_start3A_838 = tpu.memref_slice %arg4[%mul3A_829, %dma_start3A_837] : memref<819200x64xf32, #tpu.memory_space<hbm>> -> memref<100x64xf32, #tpu.memory_space<hbm>>
      %dma_start3A_839 = arith.constant 0 : i32
      %dma_start3A_840 = arith.constant 0 : i32
      %dma_start3A_841 = tpu.memref_slice %arg7[%dma_start3A_830, %dma_start3A_839, %dma_start3A_840] : memref<4x200x64xf32, #tpu.memory_space<vmem>> -> memref<1x100x64xf32, #tpu.memory_space<vmem>>
      %dma_start3A_842 = tpu.memref_squeeze %dma_start3A_841 : memref<1x100x64xf32, #tpu.memory_space<vmem>> -> memref<100x64xf32, #tpu.memory_space<vmem>>
      tpu.enqueue_dma source(%dma_start3A_842 : memref<100x64xf32, #tpu.memory_space<vmem>>) target(%dma_start3A_838 : memref<100x64xf32, #tpu.memory_space<hbm>>) target_semaphore(%arg15 : memref<!tpu.dma_semaphore, #tpu.memory_space<semaphore_mem>>)
      %add3A_843 = arith.constant 100 : i32
      %add3A_844 = arith.addi %mul3A_829, %add3A_843 : i32
      %dma_start3A_845 = arith.constant 2 : i32
      %dma_start3A_846 = arith.constant 0 : i32
      %dma_start3A_847 = arith.constant 0 : i32
      %dma_start3A_848 = tpu.memref_slice %arg8[%dma_start3A_845, %dma_start3A_846, %dma_start3A_847] : memref<4x200x64xf32, #tpu.memory_space<vmem>> -> memref<1x100x64xf32, #tpu.memory_space<vmem>>
      %dma_start3A_849 = tpu.memref_squeeze %dma_start3A_848 : memref<1x100x64xf32, #tpu.memory_space<vmem>> -> memref<100x64xf32, #tpu.memory_space<vmem>>
      %dma_start3A_850 = arith.constant 0 : i32
      %dma_start3A_851 = tpu.memref_slice %arg4[%add3A_844, %dma_start3A_850] : memref<819200x64xf32, #tpu.memory_space<hbm>> -> memref<100x64xf32, #tpu.memory_space<hbm>>
      %dma_start3A_852 = arith.constant 0 : i32
      %dma_start3A_853 = tpu.memref_slice %arg4[%add3A_844, %dma_start3A_852] : memref<819200x64xf32, #tpu.memory_space<hbm>> -> memref<100x64xf32, #tpu.memory_space<hbm>>
      %dma_start3A_854 = arith.constant 0 : i32
      %dma_start3A_855 = arith.constant 0 : i32
      %dma_start3A_856 = tpu.memref_slice %arg8[%dma_start3A_845, %dma_start3A_854, %dma_start3A_855] : memref<4x200x64xf32, #tpu.memory_space<vmem>> -> memref<1x100x64xf32, #tpu.memory_space<vmem>>
      %dma_start3A_857 = tpu.memref_squeeze %dma_start3A_856 : memref<1x100x64xf32, #tpu.memory_space<vmem>> -> memref<100x64xf32, #tpu.memory_space<vmem>>
      tpu.enqueue_dma source(%dma_start3A_857 : memref<100x64xf32, #tpu.memory_space<vmem>>) target(%dma_start3A_853 : memref<100x64xf32, #tpu.memory_space<hbm>>) target_semaphore(%arg15 : memref<!tpu.dma_semaphore, #tpu.memory_space<semaphore_mem>>)
      %add3A_858 = arith.constant 200 : i32
      %add3A_859 = arith.addi %mul3A_829, %add3A_858 : i32
      %dma_start3A_860 = arith.constant 2 : i32
      %dma_start3A_861 = arith.constant 100 : i32
      %dma_start3A_862 = arith.constant 0 : i32
      %dma_start3A_863 = tpu.memref_slice %arg7[%dma_start3A_860, %dma_start3A_861, %dma_start3A_862] : memref<4x200x64xf32, #tpu.memory_space<vmem>> -> memref<1x100x64xf32, #tpu.memory_space<vmem>>
      %dma_start3A_864 = tpu.memref_squeeze %dma_start3A_863 : memref<1x100x64xf32, #tpu.memory_space<vmem>> -> memref<100x64xf32, #tpu.memory_space<vmem>>
      %dma_start3A_865 = arith.constant 0 : i32
      %dma_start3A_866 = tpu.memref_slice %arg4[%add3A_859, %dma_start3A_865] : memref<819200x64xf32, #tpu.memory_space<hbm>> -> memref<100x64xf32, #tpu.memory_space<hbm>>
      %dma_start3A_867 = arith.constant 0 : i32
      %dma_start3A_868 = tpu.memref_slice %arg4[%add3A_859, %dma_start3A_867] : memref<819200x64xf32, #tpu.memory_space<hbm>> -> memref<100x64xf32, #tpu.memory_space<hbm>>
      %dma_start3A_869 = arith.constant 100 : i32
      %dma_start3A_870 = arith.constant 0 : i32
      %dma_start3A_871 = tpu.memref_slice %arg7[%dma_start3A_860, %dma_start3A_869, %dma_start3A_870] : memref<4x200x64xf32, #tpu.memory_space<vmem>> -> memref<1x100x64xf32, #tpu.memory_space<vmem>>
      %dma_start3A_872 = tpu.memref_squeeze %dma_start3A_871 : memref<1x100x64xf32, #tpu.memory_space<vmem>> -> memref<100x64xf32, #tpu.memory_space<vmem>>
      tpu.enqueue_dma source(%dma_start3A_872 : memref<100x64xf32, #tpu.memory_space<vmem>>) target(%dma_start3A_868 : memref<100x64xf32, #tpu.memory_space<hbm>>) target_semaphore(%arg15 : memref<!tpu.dma_semaphore, #tpu.memory_space<semaphore_mem>>)
      %add3A_873 = arith.constant 300 : i32
      %add3A_874 = arith.addi %mul3A_829, %add3A_873 : i32
      %dma_start3A_875 = arith.constant 2 : i32
      %dma_start3A_876 = arith.constant 100 : i32
      %dma_start3A_877 = arith.constant 0 : i32
      %dma_start3A_878 = tpu.memref_slice %arg8[%dma_start3A_875, %dma_start3A_876, %dma_start3A_877] : memref<4x200x64xf32, #tpu.memory_space<vmem>> -> memref<1x100x64xf32, #tpu.memory_space<vmem>>
      %dma_start3A_879 = tpu.memref_squeeze %dma_start3A_878 : memref<1x100x64xf32, #tpu.memory_space<vmem>> -> memref<100x64xf32, #tpu.memory_space<vmem>>
      %dma_start3A_880 = arith.constant 0 : i32
      %dma_start3A_881 = tpu.memref_slice %arg4[%add3A_874, %dma_start3A_880] : memref<819200x64xf32, #tpu.memory_space<hbm>> -> memref<100x64xf32, #tpu.memory_space<hbm>>
      %dma_start3A_882 = arith.constant 0 : i32
      %dma_start3A_883 = tpu.memref_slice %arg4[%add3A_874, %dma_start3A_882] : memref<819200x64xf32, #tpu.memory_space<hbm>> -> memref<100x64xf32, #tpu.memory_space<hbm>>
      %dma_start3A_884 = arith.constant 100 : i32
      %dma_start3A_885 = arith.constant 0 : i32
      %dma_start3A_886 = tpu.memref_slice %arg8[%dma_start3A_875, %dma_start3A_884, %dma_start3A_885] : memref<4x200x64xf32, #tpu.memory_space<vmem>> -> memref<1x100x64xf32, #tpu.memory_space<vmem>>
      %dma_start3A_887 = tpu.memref_squeeze %dma_start3A_886 : memref<1x100x64xf32, #tpu.memory_space<vmem>> -> memref<100x64xf32, #tpu.memory_space<vmem>>
      tpu.enqueue_dma source(%dma_start3A_887 : memref<100x64xf32, #tpu.memory_space<vmem>>) target(%dma_start3A_883 : memref<100x64xf32, #tpu.memory_space<hbm>>) target_semaphore(%arg15 : memref<!tpu.dma_semaphore, #tpu.memory_space<semaphore_mem>>)
      %mul3A_888 = arith.constant 4 : i32
      %mul3A_889 = arith.muli %mul3A_888, %scan3A_703 : i32
      %add3A_890 = arith.constant 1 : i32
      %add3A_891 = arith.addi %mul3A_889, %add3A_890 : i32
      %dma_wait3A_892 = arith.constant 1 : i32
      %dma_wait3A_893 = arith.constant 0 : i32
      %dma_wait3A_894 = arith.constant 0 : i32
      %dma_wait3A_895 = tpu.memref_slice %arg7[%dma_wait3A_892, %dma_wait3A_893, %dma_wait3A_894] : memref<4x200x64xf32, #tpu.memory_space<vmem>> -> memref<1x100x64xf32, #tpu.memory_space<vmem>>
      %dma_wait3A_896 = tpu.memref_squeeze %dma_wait3A_895 : memref<1x100x64xf32, #tpu.memory_space<vmem>> -> memref<100x64xf32, #tpu.memory_space<vmem>>
      %dma_wait3A_897 = arith.constant 0 : i32
      %dma_wait3A_898 = arith.constant 0 : i32
      %dma_wait3A_899 = tpu.memref_slice %arg4[%dma_wait3A_897, %dma_wait3A_898] : memref<819200x64xf32, #tpu.memory_space<hbm>> -> memref<100x64xf32, #tpu.memory_space<hbm>>
      %dma_wait3A_900 = arith.constant 0 : i32
      %dma_wait3A_901 = arith.constant 0 : i32
      %dma_wait3A_902 = tpu.memref_slice %arg4[%dma_wait3A_900, %dma_wait3A_901] : memref<819200x64xf32, #tpu.memory_space<hbm>> -> memref<100x64xf32, #tpu.memory_space<hbm>>
      %dma_wait3A_903 = arith.constant 0 : i32
      %dma_wait3A_904 = arith.constant 0 : i32
      %dma_wait3A_905 = tpu.memref_slice %arg7[%dma_wait3A_892, %dma_wait3A_903, %dma_wait3A_904] : memref<4x200x64xf32, #tpu.memory_space<vmem>> -> memref<1x100x64xf32, #tpu.memory_space<vmem>>
      %dma_wait3A_906 = tpu.memref_squeeze %dma_wait3A_905 : memref<1x100x64xf32, #tpu.memory_space<vmem>> -> memref<100x64xf32, #tpu.memory_space<vmem>>
      tpu.wait_dma2 semaphore(%arg14 : memref<!tpu.dma_semaphore, #tpu.memory_space<semaphore_mem>>) src(%dma_wait3A_906 : memref<100x64xf32, #tpu.memory_space<vmem>>) dst(%dma_wait3A_902 : memref<100x64xf32, #tpu.memory_space<hbm>>)
      %dma_wait3A_907 = arith.constant 1 : i32
      %dma_wait3A_908 = arith.constant 0 : i32
      %dma_wait3A_909 = arith.constant 0 : i32
      %dma_wait3A_910 = tpu.memref_slice %arg8[%dma_wait3A_907, %dma_wait3A_908, %dma_wait3A_909] : memref<4x200x64xf32, #tpu.memory_space<vmem>> -> memref<1x100x64xf32, #tpu.memory_space<vmem>>
      %dma_wait3A_911 = tpu.memref_squeeze %dma_wait3A_910 : memref<1x100x64xf32, #tpu.memory_space<vmem>> -> memref<100x64xf32, #tpu.memory_space<vmem>>
      %dma_wait3A_912 = arith.constant 0 : i32
      %dma_wait3A_913 = arith.constant 0 : i32
      %dma_wait3A_914 = tpu.memref_slice %arg4[%dma_wait3A_912, %dma_wait3A_913] : memref<819200x64xf32, #tpu.memory_space<hbm>> -> memref<100x64xf32, #tpu.memory_space<hbm>>
      %dma_wait3A_915 = arith.constant 0 : i32
      %dma_wait3A_916 = arith.constant 0 : i32
      %dma_wait3A_917 = tpu.memref_slice %arg4[%dma_wait3A_915, %dma_wait3A_916] : memref<819200x64xf32, #tpu.memory_space<hbm>> -> memref<100x64xf32, #tpu.memory_space<hbm>>
      %dma_wait3A_918 = arith.constant 0 : i32
      %dma_wait3A_919 = arith.constant 0 : i32
      %dma_wait3A_920 = tpu.memref_slice %arg8[%dma_wait3A_907, %dma_wait3A_918, %dma_wait3A_919] : memref<4x200x64xf32, #tpu.memory_space<vmem>> -> memref<1x100x64xf32, #tpu.memory_space<vmem>>
      %dma_wait3A_921 = tpu.memref_squeeze %dma_wait3A_920 : memref<1x100x64xf32, #tpu.memory_space<vmem>> -> memref<100x64xf32, #tpu.memory_space<vmem>>
      tpu.wait_dma2 semaphore(%arg14 : memref<!tpu.dma_semaphore, #tpu.memory_space<semaphore_mem>>) src(%dma_wait3A_921 : memref<100x64xf32, #tpu.memory_space<vmem>>) dst(%dma_wait3A_917 : memref<100x64xf32, #tpu.memory_space<hbm>>)
      %dma_wait3A_922 = arith.constant 1 : i32
      %dma_wait3A_923 = arith.constant 0 : i32
      %dma_wait3A_924 = arith.constant 0 : i32
      %dma_wait3A_925 = tpu.memref_slice %arg7[%dma_wait3A_922, %dma_wait3A_923, %dma_wait3A_924] : memref<4x200x64xf32, #tpu.memory_space<vmem>> -> memref<1x100x64xf32, #tpu.memory_space<vmem>>
      %dma_wait3A_926 = tpu.memref_squeeze %dma_wait3A_925 : memref<1x100x64xf32, #tpu.memory_space<vmem>> -> memref<100x64xf32, #tpu.memory_space<vmem>>
      %dma_wait3A_927 = arith.constant 0 : i32
      %dma_wait3A_928 = arith.constant 0 : i32
      %dma_wait3A_929 = tpu.memref_slice %arg4[%dma_wait3A_927, %dma_wait3A_928] : memref<819200x64xf32, #tpu.memory_space<hbm>> -> memref<100x64xf32, #tpu.memory_space<hbm>>
      %dma_wait3A_930 = arith.constant 0 : i32
      %dma_wait3A_931 = arith.constant 0 : i32
      %dma_wait3A_932 = tpu.memref_slice %arg4[%dma_wait3A_930, %dma_wait3A_931] : memref<819200x64xf32, #tpu.memory_space<hbm>> -> memref<100x64xf32, #tpu.memory_space<hbm>>
      %dma_wait3A_933 = arith.constant 0 : i32
      %dma_wait3A_934 = arith.constant 0 : i32
      %dma_wait3A_935 = tpu.memref_slice %arg7[%dma_wait3A_922, %dma_wait3A_933, %dma_wait3A_934] : memref<4x200x64xf32, #tpu.memory_space<vmem>> -> memref<1x100x64xf32, #tpu.memory_space<vmem>>
      %dma_wait3A_936 = tpu.memref_squeeze %dma_wait3A_935 : memref<1x100x64xf32, #tpu.memory_space<vmem>> -> memref<100x64xf32, #tpu.memory_space<vmem>>
      tpu.wait_dma2 semaphore(%arg14 : memref<!tpu.dma_semaphore, #tpu.memory_space<semaphore_mem>>) src(%dma_wait3A_936 : memref<100x64xf32, #tpu.memory_space<vmem>>) dst(%dma_wait3A_932 : memref<100x64xf32, #tpu.memory_space<hbm>>)
      %dma_wait3A_937 = arith.constant 1 : i32
      %dma_wait3A_938 = arith.constant 0 : i32
      %dma_wait3A_939 = arith.constant 0 : i32
      %dma_wait3A_940 = tpu.memref_slice %arg8[%dma_wait3A_937, %dma_wait3A_938, %dma_wait3A_939] : memref<4x200x64xf32, #tpu.memory_space<vmem>> -> memref<1x100x64xf32, #tpu.memory_space<vmem>>
      %dma_wait3A_941 = tpu.memref_squeeze %dma_wait3A_940 : memref<1x100x64xf32, #tpu.memory_space<vmem>> -> memref<100x64xf32, #tpu.memory_space<vmem>>
      %dma_wait3A_942 = arith.constant 0 : i32
      %dma_wait3A_943 = arith.constant 0 : i32
      %dma_wait3A_944 = tpu.memref_slice %arg4[%dma_wait3A_942, %dma_wait3A_943] : memref<819200x64xf32, #tpu.memory_space<hbm>> -> memref<100x64xf32, #tpu.memory_space<hbm>>
      %dma_wait3A_945 = arith.constant 0 : i32
      %dma_wait3A_946 = arith.constant 0 : i32
      %dma_wait3A_947 = tpu.memref_slice %arg4[%dma_wait3A_945, %dma_wait3A_946] : memref<819200x64xf32, #tpu.memory_space<hbm>> -> memref<100x64xf32, #tpu.memory_space<hbm>>
      %dma_wait3A_948 = arith.constant 0 : i32
      %dma_wait3A_949 = arith.constant 0 : i32
      %dma_wait3A_950 = tpu.memref_slice %arg8[%dma_wait3A_937, %dma_wait3A_948, %dma_wait3A_949] : memref<4x200x64xf32, #tpu.memory_space<vmem>> -> memref<1x100x64xf32, #tpu.memory_space<vmem>>
      %dma_wait3A_951 = tpu.memref_squeeze %dma_wait3A_950 : memref<1x100x64xf32, #tpu.memory_space<vmem>> -> memref<100x64xf32, #tpu.memory_space<vmem>>
      tpu.wait_dma2 semaphore(%arg14 : memref<!tpu.dma_semaphore, #tpu.memory_space<semaphore_mem>>) src(%dma_wait3A_951 : memref<100x64xf32, #tpu.memory_space<vmem>>) dst(%dma_wait3A_947 : memref<100x64xf32, #tpu.memory_space<hbm>>)
      %mul3A_952 = arith.constant 200 : i32
      %mul3A_953 = arith.muli %mul3A_952, %add3A_891 : i32
      %add3A_954 = arith.constant 0 : i32
      %add3A_955 = arith.addi %mul3A_953, %add3A_954 : i32
      %dma_start3A_956 = arith.constant 1 : i32
      %dma_start3A_957 = arith.constant 0 : i32
      %dma_start3A_958 = arith.constant 0 : i32
      %dma_start3A_959 = tpu.memref_slice %arg7[%dma_start3A_956, %dma_start3A_957, %dma_start3A_958] : memref<4x200x64xf32, #tpu.memory_space<vmem>> -> memref<1x104x64xf32, #tpu.memory_space<vmem>>
      %dma_start3A_960 = tpu.memref_squeeze %dma_start3A_959 : memref<1x104x64xf32, #tpu.memory_space<vmem>> -> memref<104x64xf32, #tpu.memory_space<vmem>>
      %dma_start3A_961 = tpu.memref_slice %arg5[%add3A_955] : memref<12800xi32, #tpu.memory_space<vmem>> -> memref<104xi32, #tpu.memory_space<vmem>>
      %dma_start3A_962 = arith.constant 0 : i32
      %dma_start3A_963 = arith.constant 0 : i32
      %dma_start3A_964 = tpu.memref_slice %arg3[%dma_start3A_962, %dma_start3A_963] : memref<100000x64xf32, #tpu.memory_space<hbm>> -> memref<100000x64xf32, #tpu.memory_space<hbm>>
      tpu.enqueue_indirect_dma source(%dma_start3A_964 : memref<100000x64xf32, #tpu.memory_space<hbm>>) target(%dma_start3A_960 : memref<104x64xf32, #tpu.memory_space<vmem>>) offsets(%dma_start3A_961 : memref<104xi32, #tpu.memory_space<vmem>>) semaphore(%arg10 : memref<!tpu.dma_semaphore, #tpu.memory_space<semaphore_mem>>)
      %mul3A_965 = arith.constant 200 : i32
      %mul3A_966 = arith.muli %mul3A_965, %add3A_891 : i32
      %add3A_967 = arith.constant 104 : i32
      %add3A_968 = arith.addi %mul3A_966, %add3A_967 : i32
      %dma_start3A_969 = arith.constant 1 : i32
      %dma_start3A_970 = arith.constant 104 : i32
      %dma_start3A_971 = arith.constant 0 : i32
      %dma_start3A_972 = tpu.memref_slice %arg7[%dma_start3A_969, %dma_start3A_970, %dma_start3A_971] : memref<4x200x64xf32, #tpu.memory_space<vmem>> -> memref<1x96x64xf32, #tpu.memory_space<vmem>>
      %dma_start3A_973 = tpu.memref_squeeze %dma_start3A_972 : memref<1x96x64xf32, #tpu.memory_space<vmem>> -> memref<96x64xf32, #tpu.memory_space<vmem>>
      %dma_start3A_974 = tpu.memref_slice %arg5[%add3A_968] : memref<12800xi32, #tpu.memory_space<vmem>> -> memref<96xi32, #tpu.memory_space<vmem>>
      %dma_start3A_975 = arith.constant 0 : i32
      %dma_start3A_976 = arith.constant 0 : i32
      %dma_start3A_977 = tpu.memref_slice %arg3[%dma_start3A_975, %dma_start3A_976] : memref<100000x64xf32, #tpu.memory_space<hbm>> -> memref<100000x64xf32, #tpu.memory_space<hbm>>
      tpu.enqueue_indirect_dma source(%dma_start3A_977 : memref<100000x64xf32, #tpu.memory_space<hbm>>) target(%dma_start3A_973 : memref<96x64xf32, #tpu.memory_space<vmem>>) offsets(%dma_start3A_974 : memref<96xi32, #tpu.memory_space<vmem>>) semaphore(%arg10 : memref<!tpu.dma_semaphore, #tpu.memory_space<semaphore_mem>>)
      %scan3A_978 = arith.constant 0 : i32
      %scan3A_979 = arith.constant 0 : i32
      %scan3A_980 = arith.constant 25 : i32
      %scan3A_981 = arith.addi %scan3A_979, %scan3A_980 : i32
      %scan3A_982 = arith.constant 1 : i32
      scf.for %scan3A_1443 = %scan3A_979 to %scan3A_981 step %scan3A_982  : i32 {
        %mul3A_1444 = arith.constant 200 : i32
        %mul3A_1445 = arith.muli %mul3A_1444, %add3A_891 : i32
        %mul3A_1446 = arith.constant 8 : i32
        %mul3A_1447 = arith.muli %mul3A_1446, %scan3A_1443 : i32
        %add3A_1448 = arith.addi %mul3A_1445, %mul3A_1447 : i32
        %get3A = arith.index_cast %add3A_1448 : i32 to index
        %get3A_1449 = tpu.vector_load %arg6[%get3A] {strides = array<i32>} : memref<12816xf32, #tpu.memory_space<vmem>>, vector<16xf32>,
        %get3A_1450 = vector.shape_cast %get3A_1449 : vector<16xf32> to vector<16xf32>
        %slice3A = vector.extract_strided_slice %get3A_1450 {offsets = [0], sizes = [1], strides = [1]} : vector<16xf32> to vector<1xf32>
        %squeeze3A = vector.extract %slice3A[0] : f32 from vector<1xf32>
        %broadcast_in_dim3A_1451 = vector.broadcast %squeeze3A : f32 to vector<16xf32>
        %mul3A_1452 = arith.constant 8 : i32
        %mul3A_1453 = arith.muli %mul3A_1452, %scan3A_1443 : i32
        %add3A_1454 = arith.constant 0 : i32
        %add3A_1455 = arith.addi %mul3A_1453, %add3A_1454 : i32
        %swap3A = arith.constant 1 : i32
        %swap3A_1456 = arith.index_cast %swap3A : i32 to index
        %swap3A_1457 = arith.index_cast %add3A_1455 : i32 to index
        %swap3A_1458 = arith.constant 0 : index
        %swap3A_1459 = tpu.vector_load %arg8[%swap3A_1456, %swap3A_1457, %swap3A_1458] {strides = array<i32>} : memref<4x200x64xf32, #tpu.memory_space<vmem>>, vector<1x1x16xf32>,
        %swap3A_1460 = vector.shape_cast %swap3A_1459 : vector<1x1x16xf32> to vector<16xf32>
        %swap3A_1461 = vector.shape_cast %broadcast_in_dim3A_1451 : vector<16xf32> to vector<1x1x16xf32>
        tpu.vector_store %arg8[%swap3A_1456, %swap3A_1457, %swap3A_1458], %swap3A_1461 {strides = array<i32>} : memref<4x200x64xf32, #tpu.memory_space<vmem>>, vector<1x1x16xf32>,
        %mul3A_1462 = arith.constant 8 : i32
        %mul3A_1463 = arith.muli %mul3A_1462, %scan3A_1443 : i32
        %add3A_1464 = arith.constant 0 : i32
        %add3A_1465 = arith.addi %mul3A_1463, %add3A_1464 : i32
        %swap3A_1466 = arith.constant 1 : i32
        %swap3A_1467 = arith.index_cast %swap3A_1466 : i32 to index
        %swap3A_1468 = arith.index_cast %add3A_1465 : i32 to index
        %swap3A_1469 = arith.constant 16 : index
        %swap3A_1470 = tpu.vector_load %arg8[%swap3A_1467, %swap3A_1468, %swap3A_1469] {strides = array<i32>} : memref<4x200x64xf32, #tpu.memory_space<vmem>>, vector<1x1x16xf32>,
        %swap3A_1471 = vector.shape_cast %swap3A_1470 : vector<1x1x16xf32> to vector<16xf32>
        %swap3A_1472 = vector.shape_cast %broadcast_in_dim3A_1451 : vector<16xf32> to vector<1x1x16xf32>
        tpu.vector_store %arg8[%swap3A_1467, %swap3A_1468, %swap3A_1469], %swap3A_1472 {strides = array<i32>} : memref<4x200x64xf32, #tpu.memory_space<vmem>>, vector<1x1x16xf32>,
        %mul3A_1473 = arith.constant 8 : i32
        %mul3A_1474 = arith.muli %mul3A_1473, %scan3A_1443 : i32
        %add3A_1475 = arith.constant 0 : i32
        %add3A_1476 = arith.addi %mul3A_1474, %add3A_1475 : i32
        %swap3A_1477 = arith.constant 1 : i32
        %swap3A_1478 = arith.index_cast %swap3A_1477 : i32 to index
        %swap3A_1479 = arith.index_cast %add3A_1476 : i32 to index
        %swap3A_1480 = arith.constant 32 : index
        %swap3A_1481 = tpu.vector_load %arg8[%swap3A_1478, %swap3A_1479, %swap3A_1480] {strides = array<i32>} : memref<4x200x64xf32, #tpu.memory_space<vmem>>, vector<1x1x16xf32>,
        %swap3A_1482 = vector.shape_cast %swap3A_1481 : vector<1x1x16xf32> to vector<16xf32>
        %swap3A_1483 = vector.shape_cast %broadcast_in_dim3A_1451 : vector<16xf32> to vector<1x1x16xf32>
        tpu.vector_store %arg8[%swap3A_1478, %swap3A_1479, %swap3A_1480], %swap3A_1483 {strides = array<i32>} : memref<4x200x64xf32, #tpu.memory_space<vmem>>, vector<1x1x16xf32>,
        %mul3A_1484 = arith.constant 8 : i32
        %mul3A_1485 = arith.muli %mul3A_1484, %scan3A_1443 : i32
        %add3A_1486 = arith.constant 0 : i32
        %add3A_1487 = arith.addi %mul3A_1485, %add3A_1486 : i32
        %swap3A_1488 = arith.constant 1 : i32
        %swap3A_1489 = arith.index_cast %swap3A_1488 : i32 to index
        %swap3A_1490 = arith.index_cast %add3A_1487 : i32 to index
        %swap3A_1491 = arith.constant 48 : index
        %swap3A_1492 = tpu.vector_load %arg8[%swap3A_1489, %swap3A_1490, %swap3A_1491] {strides = array<i32>} : memref<4x200x64xf32, #tpu.memory_space<vmem>>, vector<1x1x16xf32>,
        %swap3A_1493 = vector.shape_cast %swap3A_1492 : vector<1x1x16xf32> to vector<16xf32>
        %swap3A_1494 = vector.shape_cast %broadcast_in_dim3A_1451 : vector<16xf32> to vector<1x1x16xf32>
        tpu.vector_store %arg8[%swap3A_1489, %swap3A_1490, %swap3A_1491], %swap3A_1494 {strides = array<i32>} : memref<4x200x64xf32, #tpu.memory_space<vmem>>, vector<1x1x16xf32>,
        %slice3A_1495 = vector.extract_strided_slice %get3A_1450 {offsets = [1], sizes = [1], strides = [1]} : vector<16xf32> to vector<1xf32>
        %squeeze3A_1496 = vector.extract %slice3A_1495[0] : f32 from vector<1xf32>
        %broadcast_in_dim3A_1497 = vector.broadcast %squeeze3A_1496 : f32 to vector<16xf32>
        %mul3A_1498 = arith.constant 8 : i32
        %mul3A_1499 = arith.muli %mul3A_1498, %scan3A_1443 : i32
        %add3A_1500 = arith.constant 1 : i32
        %add3A_1501 = arith.addi %mul3A_1499, %add3A_1500 : i32
        %swap3A_1502 = arith.constant 1 : i32
        %swap3A_1503 = arith.index_cast %swap3A_1502 : i32 to index
        %swap3A_1504 = arith.index_cast %add3A_1501 : i32 to index
        %swap3A_1505 = arith.constant 0 : index
        %swap3A_1506 = tpu.vector_load %arg8[%swap3A_1503, %swap3A_1504, %swap3A_1505] {strides = array<i32>} : memref<4x200x64xf32, #tpu.memory_space<vmem>>, vector<1x1x16xf32>,
        %swap3A_1507 = vector.shape_cast %swap3A_1506 : vector<1x1x16xf32> to vector<16xf32>
        %swap3A_1508 = vector.shape_cast %broadcast_in_dim3A_1497 : vector<16xf32> to vector<1x1x16xf32>
        tpu.vector_store %arg8[%swap3A_1503, %swap3A_1504, %swap3A_1505], %swap3A_1508 {strides = array<i32>} : memref<4x200x64xf32, #tpu.memory_space<vmem>>, vector<1x1x16xf32>,
        %mul3A_1509 = arith.constant 8 : i32
        %mul3A_1510 = arith.muli %mul3A_1509, %scan3A_1443 : i32
        %add3A_1511 = arith.constant 1 : i32
        %add3A_1512 = arith.addi %mul3A_1510, %add3A_1511 : i32
        %swap3A_1513 = arith.constant 1 : i32
        %swap3A_1514 = arith.index_cast %swap3A_1513 : i32 to index
        %swap3A_1515 = arith.index_cast %add3A_1512 : i32 to index
        %swap3A_1516 = arith.constant 16 : index
        %swap3A_1517 = tpu.vector_load %arg8[%swap3A_1514, %swap3A_1515, %swap3A_1516] {strides = array<i32>} : memref<4x200x64xf32, #tpu.memory_space<vmem>>, vector<1x1x16xf32>,
        %swap3A_1518 = vector.shape_cast %swap3A_1517 : vector<1x1x16xf32> to vector<16xf32>
        %swap3A_1519 = vector.shape_cast %broadcast_in_dim3A_1497 : vector<16xf32> to vector<1x1x16xf32>
        tpu.vector_store %arg8[%swap3A_1514, %swap3A_1515, %swap3A_1516], %swap3A_1519 {strides = array<i32>} : memref<4x200x64xf32, #tpu.memory_space<vmem>>, vector<1x1x16xf32>,
        %mul3A_1520 = arith.constant 8 : i32
        %mul3A_1521 = arith.muli %mul3A_1520, %scan3A_1443 : i32
        %add3A_1522 = arith.constant 1 : i32
        %add3A_1523 = arith.addi %mul3A_1521, %add3A_1522 : i32
        %swap3A_1524 = arith.constant 1 : i32
        %swap3A_1525 = arith.index_cast %swap3A_1524 : i32 to index
        %swap3A_1526 = arith.index_cast %add3A_1523 : i32 to index
        %swap3A_1527 = arith.constant 32 : index
        %swap3A_1528 = tpu.vector_load %arg8[%swap3A_1525, %swap3A_1526, %swap3A_1527] {strides = array<i32>} : memref<4x200x64xf32, #tpu.memory_space<vmem>>, vector<1x1x16xf32>,
        %swap3A_1529 = vector.shape_cast %swap3A_1528 : vector<1x1x16xf32> to vector<16xf32>
        %swap3A_1530 = vector.shape_cast %broadcast_in_dim3A_1497 : vector<16xf32> to vector<1x1x16xf32>
        tpu.vector_store %arg8[%swap3A_1525, %swap3A_1526, %swap3A_1527], %swap3A_1530 {strides = array<i32>} : memref<4x200x64xf32, #tpu.memory_space<vmem>>, vector<1x1x16xf32>,
        %mul3A_1531 = arith.constant 8 : i32
        %mul3A_1532 = arith.muli %mul3A_1531, %scan3A_1443 : i32
        %add3A_1533 = arith.constant 1 : i32
        %add3A_1534 = arith.addi %mul3A_1532, %add3A_1533 : i32
        %swap3A_1535 = arith.constant 1 : i32
        %swap3A_1536 = arith.index_cast %swap3A_1535 : i32 to index
        %swap3A_1537 = arith.index_cast %add3A_1534 : i32 to index
        %swap3A_1538 = arith.constant 48 : index
        %swap3A_1539 = tpu.vector_load %arg8[%swap3A_1536, %swap3A_1537, %swap3A_1538] {strides = array<i32>} : memref<4x200x64xf32, #tpu.memory_space<vmem>>, vector<1x1x16xf32>,
        %swap3A_1540 = vector.shape_cast %swap3A_1539 : vector<1x1x16xf32> to vector<16xf32>
        %swap3A_1541 = vector.shape_cast %broadcast_in_dim3A_1497 : vector<16xf32> to vector<1x1x16xf32>
        tpu.vector_store %arg8[%swap3A_1536, %swap3A_1537, %swap3A_1538], %swap3A_1541 {strides = array<i32>} : memref<4x200x64xf32, #tpu.memory_space<vmem>>, vector<1x1x16xf32>,
        %slice3A_1542 = vector.extract_strided_slice %get3A_1450 {offsets = [2], sizes = [1], strides = [1]} : vector<16xf32> to vector<1xf32>
        %squeeze3A_1543 = vector.extract %slice3A_1542[0] : f32 from vector<1xf32>
        %broadcast_in_dim3A_1544 = vector.broadcast %squeeze3A_1543 : f32 to vector<16xf32>
        %mul3A_1545 = arith.constant 8 : i32
        %mul3A_1546 = arith.muli %mul3A_1545, %scan3A_1443 : i32
        %add3A_1547 = arith.constant 2 : i32
        %add3A_1548 = arith.addi %mul3A_1546, %add3A_1547 : i32
        %swap3A_1549 = arith.constant 1 : i32
        %swap3A_1550 = arith.index_cast %swap3A_1549 : i32 to index
        %swap3A_1551 = arith.index_cast %add3A_1548 : i32 to index
        %swap3A_1552 = arith.constant 0 : index
        %swap3A_1553 = tpu.vector_load %arg8[%swap3A_1550, %swap3A_1551, %swap3A_1552] {strides = array<i32>} : memref<4x200x64xf32, #tpu.memory_space<vmem>>, vector<1x1x16xf32>,
        %swap3A_1554 = vector.shape_cast %swap3A_1553 : vector<1x1x16xf32> to vector<16xf32>
        %swap3A_1555 = vector.shape_cast %broadcast_in_dim3A_1544 : vector<16xf32> to vector<1x1x16xf32>
        tpu.vector_store %arg8[%swap3A_1550, %swap3A_1551, %swap3A_1552], %swap3A_1555 {strides = array<i32>} : memref<4x200x64xf32, #tpu.memory_space<vmem>>, vector<1x1x16xf32>,
        %mul3A_1556 = arith.constant 8 : i32
        %mul3A_1557 = arith.muli %mul3A_1556, %scan3A_1443 : i32
        %add3A_1558 = arith.constant 2 : i32
        %add3A_1559 = arith.addi %mul3A_1557, %add3A_1558 : i32
        %swap3A_1560 = arith.constant 1 : i32
        %swap3A_1561 = arith.index_cast %swap3A_1560 : i32 to index
        %swap3A_1562 = arith.index_cast %add3A_1559 : i32 to index
        %swap3A_1563 = arith.constant 16 : index
        %swap3A_1564 = tpu.vector_load %arg8[%swap3A_1561, %swap3A_1562, %swap3A_1563] {strides = array<i32>} : memref<4x200x64xf32, #tpu.memory_space<vmem>>, vector<1x1x16xf32>,
        %swap3A_1565 = vector.shape_cast %swap3A_1564 : vector<1x1x16xf32> to vector<16xf32>
        %swap3A_1566 = vector.shape_cast %broadcast_in_dim3A_1544 : vector<16xf32> to vector<1x1x16xf32>
        tpu.vector_store %arg8[%swap3A_1561, %swap3A_1562, %swap3A_1563], %swap3A_1566 {strides = array<i32>} : memref<4x200x64xf32, #tpu.memory_space<vmem>>, vector<1x1x16xf32>,
        %mul3A_1567 = arith.constant 8 : i32
        %mul3A_1568 = arith.muli %mul3A_1567, %scan3A_1443 : i32
        %add3A_1569 = arith.constant 2 : i32
        %add3A_1570 = arith.addi %mul3A_1568, %add3A_1569 : i32
        %swap3A_1571 = arith.constant 1 : i32
        %swap3A_1572 = arith.index_cast %swap3A_1571 : i32 to index
        %swap3A_1573 = arith.index_cast %add3A_1570 : i32 to index
        %swap3A_1574 = arith.constant 32 : index
        %swap3A_1575 = tpu.vector_load %arg8[%swap3A_1572, %swap3A_1573, %swap3A_1574] {strides = array<i32>} : memref<4x200x64xf32, #tpu.memory_space<vmem>>, vector<1x1x16xf32>,
        %swap3A_1576 = vector.shape_cast %swap3A_1575 : vector<1x1x16xf32> to vector<16xf32>
        %swap3A_1577 = vector.shape_cast %broadcast_in_dim3A_1544 : vector<16xf32> to vector<1x1x16xf32>
        tpu.vector_store %arg8[%swap3A_1572, %swap3A_1573, %swap3A_1574], %swap3A_1577 {strides = array<i32>} : memref<4x200x64xf32, #tpu.memory_space<vmem>>, vector<1x1x16xf32>,
        %mul3A_1578 = arith.constant 8 : i32
        %mul3A_1579 = arith.muli %mul3A_1578, %scan3A_1443 : i32
        %add3A_1580 = arith.constant 2 : i32
        %add3A_1581 = arith.addi %mul3A_1579, %add3A_1580 : i32
        %swap3A_1582 = arith.constant 1 : i32
        %swap3A_1583 = arith.index_cast %swap3A_1582 : i32 to index
        %swap3A_1584 = arith.index_cast %add3A_1581 : i32 to index
        %swap3A_1585 = arith.constant 48 : index
        %swap3A_1586 = tpu.vector_load %arg8[%swap3A_1583, %swap3A_1584, %swap3A_1585] {strides = array<i32>} : memref<4x200x64xf32, #tpu.memory_space<vmem>>, vector<1x1x16xf32>,
        %swap3A_1587 = vector.shape_cast %swap3A_1586 : vector<1x1x16xf32> to vector<16xf32>
        %swap3A_1588 = vector.shape_cast %broadcast_in_dim3A_1544 : vector<16xf32> to vector<1x1x16xf32>
        tpu.vector_store %arg8[%swap3A_1583, %swap3A_1584, %swap3A_1585], %swap3A_1588 {strides = array<i32>} : memref<4x200x64xf32, #tpu.memory_space<vmem>>, vector<1x1x16xf32>,
        %slice3A_1589 = vector.extract_strided_slice %get3A_1450 {offsets = [3], sizes = [1], strides = [1]} : vector<16xf32> to vector<1xf32>
        %squeeze3A_1590 = vector.extract %slice3A_1589[0] : f32 from vector<1xf32>
        %broadcast_in_dim3A_1591 = vector.broadcast %squeeze3A_1590 : f32 to vector<16xf32>
        %mul3A_1592 = arith.constant 8 : i32
        %mul3A_1593 = arith.muli %mul3A_1592, %scan3A_1443 : i32
        %add3A_1594 = arith.constant 3 : i32
        %add3A_1595 = arith.addi %mul3A_1593, %add3A_1594 : i32
        %swap3A_1596 = arith.constant 1 : i32
        %swap3A_1597 = arith.index_cast %swap3A_1596 : i32 to index
        %swap3A_1598 = arith.index_cast %add3A_1595 : i32 to index
        %swap3A_1599 = arith.constant 0 : index
        %swap3A_1600 = tpu.vector_load %arg8[%swap3A_1597, %swap3A_1598, %swap3A_1599] {strides = array<i32>} : memref<4x200x64xf32, #tpu.memory_space<vmem>>, vector<1x1x16xf32>,
        %swap3A_1601 = vector.shape_cast %swap3A_1600 : vector<1x1x16xf32> to vector<16xf32>
        %swap3A_1602 = vector.shape_cast %broadcast_in_dim3A_1591 : vector<16xf32> to vector<1x1x16xf32>
        tpu.vector_store %arg8[%swap3A_1597, %swap3A_1598, %swap3A_1599], %swap3A_1602 {strides = array<i32>} : memref<4x200x64xf32, #tpu.memory_space<vmem>>, vector<1x1x16xf32>,
        %mul3A_1603 = arith.constant 8 : i32
        %mul3A_1604 = arith.muli %mul3A_1603, %scan3A_1443 : i32
        %add3A_1605 = arith.constant 3 : i32
        %add3A_1606 = arith.addi %mul3A_1604, %add3A_1605 : i32
        %swap3A_1607 = arith.constant 1 : i32
        %swap3A_1608 = arith.index_cast %swap3A_1607 : i32 to index
        %swap3A_1609 = arith.index_cast %add3A_1606 : i32 to index
        %swap3A_1610 = arith.constant 16 : index
        %swap3A_1611 = tpu.vector_load %arg8[%swap3A_1608, %swap3A_1609, %swap3A_1610] {strides = array<i32>} : memref<4x200x64xf32, #tpu.memory_space<vmem>>, vector<1x1x16xf32>,
        %swap3A_1612 = vector.shape_cast %swap3A_1611 : vector<1x1x16xf32> to vector<16xf32>
        %swap3A_1613 = vector.shape_cast %broadcast_in_dim3A_1591 : vector<16xf32> to vector<1x1x16xf32>
        tpu.vector_store %arg8[%swap3A_1608, %swap3A_1609, %swap3A_1610], %swap3A_1613 {strides = array<i32>} : memref<4x200x64xf32, #tpu.memory_space<vmem>>, vector<1x1x16xf32>,
        %mul3A_1614 = arith.constant 8 : i32
        %mul3A_1615 = arith.muli %mul3A_1614, %scan3A_1443 : i32
        %add3A_1616 = arith.constant 3 : i32
        %add3A_1617 = arith.addi %mul3A_1615, %add3A_1616 : i32
        %swap3A_1618 = arith.constant 1 : i32
        %swap3A_1619 = arith.index_cast %swap3A_1618 : i32 to index
        %swap3A_1620 = arith.index_cast %add3A_1617 : i32 to index
        %swap3A_1621 = arith.constant 32 : index
        %swap3A_1622 = tpu.vector_load %arg8[%swap3A_1619, %swap3A_1620, %swap3A_1621] {strides = array<i32>} : memref<4x200x64xf32, #tpu.memory_space<vmem>>, vector<1x1x16xf32>,
        %swap3A_1623 = vector.shape_cast %swap3A_1622 : vector<1x1x16xf32> to vector<16xf32>
        %swap3A_1624 = vector.shape_cast %broadcast_in_dim3A_1591 : vector<16xf32> to vector<1x1x16xf32>
        tpu.vector_store %arg8[%swap3A_1619, %swap3A_1620, %swap3A_1621], %swap3A_1624 {strides = array<i32>} : memref<4x200x64xf32, #tpu.memory_space<vmem>>, vector<1x1x16xf32>,
        %mul3A_1625 = arith.constant 8 : i32
        %mul3A_1626 = arith.muli %mul3A_1625, %scan3A_1443 : i32
        %add3A_1627 = arith.constant 3 : i32
        %add3A_1628 = arith.addi %mul3A_1626, %add3A_1627 : i32
        %swap3A_1629 = arith.constant 1 : i32
        %swap3A_1630 = arith.index_cast %swap3A_1629 : i32 to index
        %swap3A_1631 = arith.index_cast %add3A_1628 : i32 to index
        %swap3A_1632 = arith.constant 48 : index
        %swap3A_1633 = tpu.vector_load %arg8[%swap3A_1630, %swap3A_1631, %swap3A_1632] {strides = array<i32>} : memref<4x200x64xf32, #tpu.memory_space<vmem>>, vector<1x1x16xf32>,
        %swap3A_1634 = vector.shape_cast %swap3A_1633 : vector<1x1x16xf32> to vector<16xf32>
        %swap3A_1635 = vector.shape_cast %broadcast_in_dim3A_1591 : vector<16xf32> to vector<1x1x16xf32>
        tpu.vector_store %arg8[%swap3A_1630, %swap3A_1631, %swap3A_1632], %swap3A_1635 {strides = array<i32>} : memref<4x200x64xf32, #tpu.memory_space<vmem>>, vector<1x1x16xf32>,
        %slice3A_1636 = vector.extract_strided_slice %get3A_1450 {offsets = [4], sizes = [1], strides = [1]} : vector<16xf32> to vector<1xf32>
        %squeeze3A_1637 = vector.extract %slice3A_1636[0] : f32 from vector<1xf32>
        %broadcast_in_dim3A_1638 = vector.broadcast %squeeze3A_1637 : f32 to vector<16xf32>
        %mul3A_1639 = arith.constant 8 : i32
        %mul3A_1640 = arith.muli %mul3A_1639, %scan3A_1443 : i32
        %add3A_1641 = arith.constant 4 : i32
        %add3A_1642 = arith.addi %mul3A_1640, %add3A_1641 : i32
        %swap3A_1643 = arith.constant 1 : i32
        %swap3A_1644 = arith.index_cast %swap3A_1643 : i32 to index
        %swap3A_1645 = arith.index_cast %add3A_1642 : i32 to index
        %swap3A_1646 = arith.constant 0 : index
        %swap3A_1647 = tpu.vector_load %arg8[%swap3A_1644, %swap3A_1645, %swap3A_1646] {strides = array<i32>} : memref<4x200x64xf32, #tpu.memory_space<vmem>>, vector<1x1x16xf32>,
        %swap3A_1648 = vector.shape_cast %swap3A_1647 : vector<1x1x16xf32> to vector<16xf32>
        %swap3A_1649 = vector.shape_cast %broadcast_in_dim3A_1638 : vector<16xf32> to vector<1x1x16xf32>
        tpu.vector_store %arg8[%swap3A_1644, %swap3A_1645, %swap3A_1646], %swap3A_1649 {strides = array<i32>} : memref<4x200x64xf32, #tpu.memory_space<vmem>>, vector<1x1x16xf32>,
        %mul3A_1650 = arith.constant 8 : i32
        %mul3A_1651 = arith.muli %mul3A_1650, %scan3A_1443 : i32
        %add3A_1652 = arith.constant 4 : i32
        %add3A_1653 = arith.addi %mul3A_1651, %add3A_1652 : i32
        %swap3A_1654 = arith.constant 1 : i32
        %swap3A_1655 = arith.index_cast %swap3A_1654 : i32 to index
        %swap3A_1656 = arith.index_cast %add3A_1653 : i32 to index
        %swap3A_1657 = arith.constant 16 : index
        %swap3A_1658 = tpu.vector_load %arg8[%swap3A_1655, %swap3A_1656, %swap3A_1657] {strides = array<i32>} : memref<4x200x64xf32, #tpu.memory_space<vmem>>, vector<1x1x16xf32>,
        %swap3A_1659 = vector.shape_cast %swap3A_1658 : vector<1x1x16xf32> to vector<16xf32>
        %swap3A_1660 = vector.shape_cast %broadcast_in_dim3A_1638 : vector<16xf32> to vector<1x1x16xf32>
        tpu.vector_store %arg8[%swap3A_1655, %swap3A_1656, %swap3A_1657], %swap3A_1660 {strides = array<i32>} : memref<4x200x64xf32, #tpu.memory_space<vmem>>, vector<1x1x16xf32>,
        %mul3A_1661 = arith.constant 8 : i32
        %mul3A_1662 = arith.muli %mul3A_1661, %scan3A_1443 : i32
        %add3A_1663 = arith.constant 4 : i32
        %add3A_1664 = arith.addi %mul3A_1662, %add3A_1663 : i32
        %swap3A_1665 = arith.constant 1 : i32
        %swap3A_1666 = arith.index_cast %swap3A_1665 : i32 to index
        %swap3A_1667 = arith.index_cast %add3A_1664 : i32 to index
        %swap3A_1668 = arith.constant 32 : index
        %swap3A_1669 = tpu.vector_load %arg8[%swap3A_1666, %swap3A_1667, %swap3A_1668] {strides = array<i32>} : memref<4x200x64xf32, #tpu.memory_space<vmem>>, vector<1x1x16xf32>,
        %swap3A_1670 = vector.shape_cast %swap3A_1669 : vector<1x1x16xf32> to vector<16xf32>
        %swap3A_1671 = vector.shape_cast %broadcast_in_dim3A_1638 : vector<16xf32> to vector<1x1x16xf32>
        tpu.vector_store %arg8[%swap3A_1666, %swap3A_1667, %swap3A_1668], %swap3A_1671 {strides = array<i32>} : memref<4x200x64xf32, #tpu.memory_space<vmem>>, vector<1x1x16xf32>,
        %mul3A_1672 = arith.constant 8 : i32
        %mul3A_1673 = arith.muli %mul3A_1672, %scan3A_1443 : i32
        %add3A_1674 = arith.constant 4 : i32
        %add3A_1675 = arith.addi %mul3A_1673, %add3A_1674 : i32
        %swap3A_1676 = arith.constant 1 : i32
        %swap3A_1677 = arith.index_cast %swap3A_1676 : i32 to index
        %swap3A_1678 = arith.index_cast %add3A_1675 : i32 to index
        %swap3A_1679 = arith.constant 48 : index
        %swap3A_1680 = tpu.vector_load %arg8[%swap3A_1677, %swap3A_1678, %swap3A_1679] {strides = array<i32>} : memref<4x200x64xf32, #tpu.memory_space<vmem>>, vector<1x1x16xf32>,
        %swap3A_1681 = vector.shape_cast %swap3A_1680 : vector<1x1x16xf32> to vector<16xf32>
        %swap3A_1682 = vector.shape_cast %broadcast_in_dim3A_1638 : vector<16xf32> to vector<1x1x16xf32>
        tpu.vector_store %arg8[%swap3A_1677, %swap3A_1678, %swap3A_1679], %swap3A_1682 {strides = array<i32>} : memref<4x200x64xf32, #tpu.memory_space<vmem>>, vector<1x1x16xf32>,
        %slice3A_1683 = vector.extract_strided_slice %get3A_1450 {offsets = [5], sizes = [1], strides = [1]} : vector<16xf32> to vector<1xf32>
        %squeeze3A_1684 = vector.extract %slice3A_1683[0] : f32 from vector<1xf32>
        %broadcast_in_dim3A_1685 = vector.broadcast %squeeze3A_1684 : f32 to vector<16xf32>
        %mul3A_1686 = arith.constant 8 : i32
        %mul3A_1687 = arith.muli %mul3A_1686, %scan3A_1443 : i32
        %add3A_1688 = arith.constant 5 : i32
        %add3A_1689 = arith.addi %mul3A_1687, %add3A_1688 : i32
        %swap3A_1690 = arith.constant 1 : i32
        %swap3A_1691 = arith.index_cast %swap3A_1690 : i32 to index
        %swap3A_1692 = arith.index_cast %add3A_1689 : i32 to index
        %swap3A_1693 = arith.constant 0 : index
        %swap3A_1694 = tpu.vector_load %arg8[%swap3A_1691, %swap3A_1692, %swap3A_1693] {strides = array<i32>} : memref<4x200x64xf32, #tpu.memory_space<vmem>>, vector<1x1x16xf32>,
        %swap3A_1695 = vector.shape_cast %swap3A_1694 : vector<1x1x16xf32> to vector<16xf32>
        %swap3A_1696 = vector.shape_cast %broadcast_in_dim3A_1685 : vector<16xf32> to vector<1x1x16xf32>
        tpu.vector_store %arg8[%swap3A_1691, %swap3A_1692, %swap3A_1693], %swap3A_1696 {strides = array<i32>} : memref<4x200x64xf32, #tpu.memory_space<vmem>>, vector<1x1x16xf32>,
        %mul3A_1697 = arith.constant 8 : i32
        %mul3A_1698 = arith.muli %mul3A_1697, %scan3A_1443 : i32
        %add3A_1699 = arith.constant 5 : i32
        %add3A_1700 = arith.addi %mul3A_1698, %add3A_1699 : i32
        %swap3A_1701 = arith.constant 1 : i32
        %swap3A_1702 = arith.index_cast %swap3A_1701 : i32 to index
        %swap3A_1703 = arith.index_cast %add3A_1700 : i32 to index
        %swap3A_1704 = arith.constant 16 : index
        %swap3A_1705 = tpu.vector_load %arg8[%swap3A_1702, %swap3A_1703, %swap3A_1704] {strides = array<i32>} : memref<4x200x64xf32, #tpu.memory_space<vmem>>, vector<1x1x16xf32>,
        %swap3A_1706 = vector.shape_cast %swap3A_1705 : vector<1x1x16xf32> to vector<16xf32>
        %swap3A_1707 = vector.shape_cast %broadcast_in_dim3A_1685 : vector<16xf32> to vector<1x1x16xf32>
        tpu.vector_store %arg8[%swap3A_1702, %swap3A_1703, %swap3A_1704], %swap3A_1707 {strides = array<i32>} : memref<4x200x64xf32, #tpu.memory_space<vmem>>, vector<1x1x16xf32>,
        %mul3A_1708 = arith.constant 8 : i32
        %mul3A_1709 = arith.muli %mul3A_1708, %scan3A_1443 : i32
        %add3A_1710 = arith.constant 5 : i32
        %add3A_1711 = arith.addi %mul3A_1709, %add3A_1710 : i32
        %swap3A_1712 = arith.constant 1 : i32
        %swap3A_1713 = arith.index_cast %swap3A_1712 : i32 to index
        %swap3A_1714 = arith.index_cast %add3A_1711 : i32 to index
        %swap3A_1715 = arith.constant 32 : index
        %swap3A_1716 = tpu.vector_load %arg8[%swap3A_1713, %swap3A_1714, %swap3A_1715] {strides = array<i32>} : memref<4x200x64xf32, #tpu.memory_space<vmem>>, vector<1x1x16xf32>,
        %swap3A_1717 = vector.shape_cast %swap3A_1716 : vector<1x1x16xf32> to vector<16xf32>
        %swap3A_1718 = vector.shape_cast %broadcast_in_dim3A_1685 : vector<16xf32> to vector<1x1x16xf32>
        tpu.vector_store %arg8[%swap3A_1713, %swap3A_1714, %swap3A_1715], %swap3A_1718 {strides = array<i32>} : memref<4x200x64xf32, #tpu.memory_space<vmem>>, vector<1x1x16xf32>,
        %mul3A_1719 = arith.constant 8 : i32
        %mul3A_1720 = arith.muli %mul3A_1719, %scan3A_1443 : i32
        %add3A_1721 = arith.constant 5 : i32
        %add3A_1722 = arith.addi %mul3A_1720, %add3A_1721 : i32
        %swap3A_1723 = arith.constant 1 : i32
        %swap3A_1724 = arith.index_cast %swap3A_1723 : i32 to index
        %swap3A_1725 = arith.index_cast %add3A_1722 : i32 to index
        %swap3A_1726 = arith.constant 48 : index
        %swap3A_1727 = tpu.vector_load %arg8[%swap3A_1724, %swap3A_1725, %swap3A_1726] {strides = array<i32>} : memref<4x200x64xf32, #tpu.memory_space<vmem>>, vector<1x1x16xf32>,
        %swap3A_1728 = vector.shape_cast %swap3A_1727 : vector<1x1x16xf32> to vector<16xf32>
        %swap3A_1729 = vector.shape_cast %broadcast_in_dim3A_1685 : vector<16xf32> to vector<1x1x16xf32>
        tpu.vector_store %arg8[%swap3A_1724, %swap3A_1725, %swap3A_1726], %swap3A_1729 {strides = array<i32>} : memref<4x200x64xf32, #tpu.memory_space<vmem>>, vector<1x1x16xf32>,
        %slice3A_1730 = vector.extract_strided_slice %get3A_1450 {offsets = [6], sizes = [1], strides = [1]} : vector<16xf32> to vector<1xf32>
        %squeeze3A_1731 = vector.extract %slice3A_1730[0] : f32 from vector<1xf32>
        %broadcast_in_dim3A_1732 = vector.broadcast %squeeze3A_1731 : f32 to vector<16xf32>
        %mul3A_1733 = arith.constant 8 : i32
        %mul3A_1734 = arith.muli %mul3A_1733, %scan3A_1443 : i32
        %add3A_1735 = arith.constant 6 : i32
        %add3A_1736 = arith.addi %mul3A_1734, %add3A_1735 : i32
        %swap3A_1737 = arith.constant 1 : i32
        %swap3A_1738 = arith.index_cast %swap3A_1737 : i32 to index
        %swap3A_1739 = arith.index_cast %add3A_1736 : i32 to index
        %swap3A_1740 = arith.constant 0 : index
        %swap3A_1741 = tpu.vector_load %arg8[%swap3A_1738, %swap3A_1739, %swap3A_1740] {strides = array<i32>} : memref<4x200x64xf32, #tpu.memory_space<vmem>>, vector<1x1x16xf32>,
        %swap3A_1742 = vector.shape_cast %swap3A_1741 : vector<1x1x16xf32> to vector<16xf32>
        %swap3A_1743 = vector.shape_cast %broadcast_in_dim3A_1732 : vector<16xf32> to vector<1x1x16xf32>
        tpu.vector_store %arg8[%swap3A_1738, %swap3A_1739, %swap3A_1740], %swap3A_1743 {strides = array<i32>} : memref<4x200x64xf32, #tpu.memory_space<vmem>>, vector<1x1x16xf32>,
        %mul3A_1744 = arith.constant 8 : i32
        %mul3A_1745 = arith.muli %mul3A_1744, %scan3A_1443 : i32
        %add3A_1746 = arith.constant 6 : i32
        %add3A_1747 = arith.addi %mul3A_1745, %add3A_1746 : i32
        %swap3A_1748 = arith.constant 1 : i32
        %swap3A_1749 = arith.index_cast %swap3A_1748 : i32 to index
        %swap3A_1750 = arith.index_cast %add3A_1747 : i32 to index
        %swap3A_1751 = arith.constant 16 : index
        %swap3A_1752 = tpu.vector_load %arg8[%swap3A_1749, %swap3A_1750, %swap3A_1751] {strides = array<i32>} : memref<4x200x64xf32, #tpu.memory_space<vmem>>, vector<1x1x16xf32>,
        %swap3A_1753 = vector.shape_cast %swap3A_1752 : vector<1x1x16xf32> to vector<16xf32>
        %swap3A_1754 = vector.shape_cast %broadcast_in_dim3A_1732 : vector<16xf32> to vector<1x1x16xf32>
        tpu.vector_store %arg8[%swap3A_1749, %swap3A_1750, %swap3A_1751], %swap3A_1754 {strides = array<i32>} : memref<4x200x64xf32, #tpu.memory_space<vmem>>, vector<1x1x16xf32>,
        %mul3A_1755 = arith.constant 8 : i32
        %mul3A_1756 = arith.muli %mul3A_1755, %scan3A_1443 : i32
        %add3A_1757 = arith.constant 6 : i32
        %add3A_1758 = arith.addi %mul3A_1756, %add3A_1757 : i32
        %swap3A_1759 = arith.constant 1 : i32
        %swap3A_1760 = arith.index_cast %swap3A_1759 : i32 to index
        %swap3A_1761 = arith.index_cast %add3A_1758 : i32 to index
        %swap3A_1762 = arith.constant 32 : index
        %swap3A_1763 = tpu.vector_load %arg8[%swap3A_1760, %swap3A_1761, %swap3A_1762] {strides = array<i32>} : memref<4x200x64xf32, #tpu.memory_space<vmem>>, vector<1x1x16xf32>,
        %swap3A_1764 = vector.shape_cast %swap3A_1763 : vector<1x1x16xf32> to vector<16xf32>
        %swap3A_1765 = vector.shape_cast %broadcast_in_dim3A_1732 : vector<16xf32> to vector<1x1x16xf32>
        tpu.vector_store %arg8[%swap3A_1760, %swap3A_1761, %swap3A_1762], %swap3A_1765 {strides = array<i32>} : memref<4x200x64xf32, #tpu.memory_space<vmem>>, vector<1x1x16xf32>,
        %mul3A_1766 = arith.constant 8 : i32
        %mul3A_1767 = arith.muli %mul3A_1766, %scan3A_1443 : i32
        %add3A_1768 = arith.constant 6 : i32
        %add3A_1769 = arith.addi %mul3A_1767, %add3A_1768 : i32
        %swap3A_1770 = arith.constant 1 : i32
        %swap3A_1771 = arith.index_cast %swap3A_1770 : i32 to index
        %swap3A_1772 = arith.index_cast %add3A_1769 : i32 to index
        %swap3A_1773 = arith.constant 48 : index
        %swap3A_1774 = tpu.vector_load %arg8[%swap3A_1771, %swap3A_1772, %swap3A_1773] {strides = array<i32>} : memref<4x200x64xf32, #tpu.memory_space<vmem>>, vector<1x1x16xf32>,
        %swap3A_1775 = vector.shape_cast %swap3A_1774 : vector<1x1x16xf32> to vector<16xf32>
        %swap3A_1776 = vector.shape_cast %broadcast_in_dim3A_1732 : vector<16xf32> to vector<1x1x16xf32>
        tpu.vector_store %arg8[%swap3A_1771, %swap3A_1772, %swap3A_1773], %swap3A_1776 {strides = array<i32>} : memref<4x200x64xf32, #tpu.memory_space<vmem>>, vector<1x1x16xf32>,
        %slice3A_1777 = vector.extract_strided_slice %get3A_1450 {offsets = [7], sizes = [1], strides = [1]} : vector<16xf32> to vector<1xf32>
        %squeeze3A_1778 = vector.extract %slice3A_1777[0] : f32 from vector<1xf32>
        %broadcast_in_dim3A_1779 = vector.broadcast %squeeze3A_1778 : f32 to vector<16xf32>
        %mul3A_1780 = arith.constant 8 : i32
        %mul3A_1781 = arith.muli %mul3A_1780, %scan3A_1443 : i32
        %add3A_1782 = arith.constant 7 : i32
        %add3A_1783 = arith.addi %mul3A_1781, %add3A_1782 : i32
        %swap3A_1784 = arith.constant 1 : i32
        %swap3A_1785 = arith.index_cast %swap3A_1784 : i32 to index
        %swap3A_1786 = arith.index_cast %add3A_1783 : i32 to index
        %swap3A_1787 = arith.constant 0 : index
        %swap3A_1788 = tpu.vector_load %arg8[%swap3A_1785, %swap3A_1786, %swap3A_1787] {strides = array<i32>} : memref<4x200x64xf32, #tpu.memory_space<vmem>>, vector<1x1x16xf32>,
        %swap3A_1789 = vector.shape_cast %swap3A_1788 : vector<1x1x16xf32> to vector<16xf32>
        %swap3A_1790 = vector.shape_cast %broadcast_in_dim3A_1779 : vector<16xf32> to vector<1x1x16xf32>
        tpu.vector_store %arg8[%swap3A_1785, %swap3A_1786, %swap3A_1787], %swap3A_1790 {strides = array<i32>} : memref<4x200x64xf32, #tpu.memory_space<vmem>>, vector<1x1x16xf32>,
        %mul3A_1791 = arith.constant 8 : i32
        %mul3A_1792 = arith.muli %mul3A_1791, %scan3A_1443 : i32
        %add3A_1793 = arith.constant 7 : i32
        %add3A_1794 = arith.addi %mul3A_1792, %add3A_1793 : i32
        %swap3A_1795 = arith.constant 1 : i32
        %swap3A_1796 = arith.index_cast %swap3A_1795 : i32 to index
        %swap3A_1797 = arith.index_cast %add3A_1794 : i32 to index
        %swap3A_1798 = arith.constant 16 : index
        %swap3A_1799 = tpu.vector_load %arg8[%swap3A_1796, %swap3A_1797, %swap3A_1798] {strides = array<i32>} : memref<4x200x64xf32, #tpu.memory_space<vmem>>, vector<1x1x16xf32>,
        %swap3A_1800 = vector.shape_cast %swap3A_1799 : vector<1x1x16xf32> to vector<16xf32>
        %swap3A_1801 = vector.shape_cast %broadcast_in_dim3A_1779 : vector<16xf32> to vector<1x1x16xf32>
        tpu.vector_store %arg8[%swap3A_1796, %swap3A_1797, %swap3A_1798], %swap3A_1801 {strides = array<i32>} : memref<4x200x64xf32, #tpu.memory_space<vmem>>, vector<1x1x16xf32>,
        %mul3A_1802 = arith.constant 8 : i32
        %mul3A_1803 = arith.muli %mul3A_1802, %scan3A_1443 : i32
        %add3A_1804 = arith.constant 7 : i32
        %add3A_1805 = arith.addi %mul3A_1803, %add3A_1804 : i32
        %swap3A_1806 = arith.constant 1 : i32
        %swap3A_1807 = arith.index_cast %swap3A_1806 : i32 to index
        %swap3A_1808 = arith.index_cast %add3A_1805 : i32 to index
        %swap3A_1809 = arith.constant 32 : index
        %swap3A_1810 = tpu.vector_load %arg8[%swap3A_1807, %swap3A_1808, %swap3A_1809] {strides = array<i32>} : memref<4x200x64xf32, #tpu.memory_space<vmem>>, vector<1x1x16xf32>,
        %swap3A_1811 = vector.shape_cast %swap3A_1810 : vector<1x1x16xf32> to vector<16xf32>
        %swap3A_1812 = vector.shape_cast %broadcast_in_dim3A_1779 : vector<16xf32> to vector<1x1x16xf32>
        tpu.vector_store %arg8[%swap3A_1807, %swap3A_1808, %swap3A_1809], %swap3A_1812 {strides = array<i32>} : memref<4x200x64xf32, #tpu.memory_space<vmem>>, vector<1x1x16xf32>,
        %mul3A_1813 = arith.constant 8 : i32
        %mul3A_1814 = arith.muli %mul3A_1813, %scan3A_1443 : i32
        %add3A_1815 = arith.constant 7 : i32
        %add3A_1816 = arith.addi %mul3A_1814, %add3A_1815 : i32
        %swap3A_1817 = arith.constant 1 : i32
        %swap3A_1818 = arith.index_cast %swap3A_1817 : i32 to index
        %swap3A_1819 = arith.index_cast %add3A_1816 : i32 to index
        %swap3A_1820 = arith.constant 48 : index
        %swap3A_1821 = tpu.vector_load %arg8[%swap3A_1818, %swap3A_1819, %swap3A_1820] {strides = array<i32>} : memref<4x200x64xf32, #tpu.memory_space<vmem>>, vector<1x1x16xf32>,
        %swap3A_1822 = vector.shape_cast %swap3A_1821 : vector<1x1x16xf32> to vector<16xf32>
        %swap3A_1823 = vector.shape_cast %broadcast_in_dim3A_1779 : vector<16xf32> to vector<1x1x16xf32>
        tpu.vector_store %arg8[%swap3A_1818, %swap3A_1819, %swap3A_1820], %swap3A_1823 {strides = array<i32>} : memref<4x200x64xf32, #tpu.memory_space<vmem>>, vector<1x1x16xf32>,
      }
      %scan3A_983 = arith.constant 25 : i32
      %dma_wait3A_984 = arith.constant 3 : i32
      %dma_wait3A_985 = arith.constant 0 : i32
      %dma_wait3A_986 = arith.constant 0 : i32
      %dma_wait3A_987 = tpu.memref_slice %arg7[%dma_wait3A_984, %dma_wait3A_985, %dma_wait3A_986] : memref<4x200x64xf32, #tpu.memory_space<vmem>> -> memref<1x104x64xf32, #tpu.memory_space<vmem>>
      %dma_wait3A_988 = tpu.memref_squeeze %dma_wait3A_987 : memref<1x104x64xf32, #tpu.memory_space<vmem>> -> memref<104x64xf32, #tpu.memory_space<vmem>>
      %dma_wait3A_989 = arith.constant 0 : i32
      %dma_wait3A_990 = tpu.memref_slice %arg5[%dma_wait3A_989] : memref<12800xi32, #tpu.memory_space<vmem>> -> memref<104xi32, #tpu.memory_space<vmem>>
      %dma_wait3A_991 = arith.constant 0 : i32
      %dma_wait3A_992 = arith.constant 0 : i32
      %dma_wait3A_993 = tpu.memref_slice %arg3[%dma_wait3A_991, %dma_wait3A_992] : memref<100000x64xf32, #tpu.memory_space<hbm>> -> memref<100000x64xf32, #tpu.memory_space<hbm>>
      tpu.wait_indirect_dma semaphore(%arg12 : memref<!tpu.dma_semaphore, #tpu.memory_space<semaphore_mem>>) src(%dma_wait3A_993 : memref<100000x64xf32, #tpu.memory_space<hbm>>) dst(%dma_wait3A_988 : memref<104x64xf32, #tpu.memory_space<vmem>>)
      %dma_wait3A_994 = arith.constant 3 : i32
      %dma_wait3A_995 = arith.constant 104 : i32
      %dma_wait3A_996 = arith.constant 0 : i32
      %dma_wait3A_997 = tpu.memref_slice %arg7[%dma_wait3A_994, %dma_wait3A_995, %dma_wait3A_996] : memref<4x200x64xf32, #tpu.memory_space<vmem>> -> memref<1x96x64xf32, #tpu.memory_space<vmem>>
      %dma_wait3A_998 = tpu.memref_squeeze %dma_wait3A_997 : memref<1x96x64xf32, #tpu.memory_space<vmem>> -> memref<96x64xf32, #tpu.memory_space<vmem>>
      %dma_wait3A_999 = arith.constant 104 : i32
      %dma_wait3A_1000 = tpu.memref_slice %arg5[%dma_wait3A_999] : memref<12800xi32, #tpu.memory_space<vmem>> -> memref<96xi32, #tpu.memory_space<vmem>>
      %dma_wait3A_1001 = arith.constant 0 : i32
      %dma_wait3A_1002 = arith.constant 0 : i32
      %dma_wait3A_1003 = tpu.memref_slice %arg3[%dma_wait3A_1001, %dma_wait3A_1002] : memref<100000x64xf32, #tpu.memory_space<hbm>> -> memref<100000x64xf32, #tpu.memory_space<hbm>>
      tpu.wait_indirect_dma semaphore(%arg12 : memref<!tpu.dma_semaphore, #tpu.memory_space<semaphore_mem>>) src(%dma_wait3A_1003 : memref<100000x64xf32, #tpu.memory_space<hbm>>) dst(%dma_wait3A_998 : memref<96x64xf32, #tpu.memory_space<vmem>>)
      %sub3A_1004 = arith.constant 2 : i32
      %sub3A_1005 = arith.subi %add3A_891, %sub3A_1004 : i32
      %mul3A_1006 = arith.constant 128 : i32
      %mul3A_1007 = arith.muli %add3A, %mul3A_1006 : i32
      %mul3A_1008 = arith.constant 2 : i32
      %mul3A_1009 = arith.muli %mul3A_1008, %sub3A_1005 : i32
      %add3A_1010 = arith.addi %mul3A_1007, %mul3A_1009 : i32
      %mul3A_1011 = arith.constant 2 : i32
      %mul3A_1012 = arith.muli %add3A_1010, %mul3A_1011 : i32
      %mul3A_1013 = arith.constant 100 : i32
      %mul3A_1014 = arith.muli %mul3A_1012, %mul3A_1013 : i32
      %dma_start3A_1015 = arith.constant 3 : i32
      %dma_start3A_1016 = arith.constant 0 : i32
      %dma_start3A_1017 = arith.constant 0 : i32
      %dma_start3A_1018 = tpu.memref_slice %arg7[%dma_start3A_1015, %dma_start3A_1016, %dma_start3A_1017] : memref<4x200x64xf32, #tpu.memory_space<vmem>> -> memref<1x100x64xf32, #tpu.memory_space<vmem>>
      %dma_start3A_1019 = tpu.memref_squeeze %dma_start3A_1018 : memref<1x100x64xf32, #tpu.memory_space<vmem>> -> memref<100x64xf32, #tpu.memory_space<vmem>>
      %dma_start3A_1020 = arith.constant 0 : i32
      %dma_start3A_1021 = tpu.memref_slice %arg4[%mul3A_1014, %dma_start3A_1020] : memref<819200x64xf32, #tpu.memory_space<hbm>> -> memref<100x64xf32, #tpu.memory_space<hbm>>
      %dma_start3A_1022 = arith.constant 0 : i32
      %dma_start3A_1023 = tpu.memref_slice %arg4[%mul3A_1014, %dma_start3A_1022] : memref<819200x64xf32, #tpu.memory_space<hbm>> -> memref<100x64xf32, #tpu.memory_space<hbm>>
      %dma_start3A_1024 = arith.constant 0 : i32
      %dma_start3A_1025 = arith.constant 0 : i32
      %dma_start3A_1026 = tpu.memref_slice %arg7[%dma_start3A_1015, %dma_start3A_1024, %dma_start3A_1025] : memref<4x200x64xf32, #tpu.memory_space<vmem>> -> memref<1x100x64xf32, #tpu.memory_space<vmem>>
      %dma_start3A_1027 = tpu.memref_squeeze %dma_start3A_1026 : memref<1x100x64xf32, #tpu.memory_space<vmem>> -> memref<100x64xf32, #tpu.memory_space<vmem>>
      tpu.enqueue_dma source(%dma_start3A_1027 : memref<100x64xf32, #tpu.memory_space<vmem>>) target(%dma_start3A_1023 : memref<100x64xf32, #tpu.memory_space<hbm>>) target_semaphore(%arg16 : memref<!tpu.dma_semaphore, #tpu.memory_space<semaphore_mem>>)
      %add3A_1028 = arith.constant 100 : i32
      %add3A_1029 = arith.addi %mul3A_1014, %add3A_1028 : i32
      %dma_start3A_1030 = arith.constant 3 : i32
      %dma_start3A_1031 = arith.constant 0 : i32
      %dma_start3A_1032 = arith.constant 0 : i32
      %dma_start3A_1033 = tpu.memref_slice %arg8[%dma_start3A_1030, %dma_start3A_1031, %dma_start3A_1032] : memref<4x200x64xf32, #tpu.memory_space<vmem>> -> memref<1x100x64xf32, #tpu.memory_space<vmem>>
      %dma_start3A_1034 = tpu.memref_squeeze %dma_start3A_1033 : memref<1x100x64xf32, #tpu.memory_space<vmem>> -> memref<100x64xf32, #tpu.memory_space<vmem>>
      %dma_start3A_1035 = arith.constant 0 : i32
      %dma_start3A_1036 = tpu.memref_slice %arg4[%add3A_1029, %dma_start3A_1035] : memref<819200x64xf32, #tpu.memory_space<hbm>> -> memref<100x64xf32, #tpu.memory_space<hbm>>
      %dma_start3A_1037 = arith.constant 0 : i32
      %dma_start3A_1038 = tpu.memref_slice %arg4[%add3A_1029, %dma_start3A_1037] : memref<819200x64xf32, #tpu.memory_space<hbm>> -> memref<100x64xf32, #tpu.memory_space<hbm>>
      %dma_start3A_1039 = arith.constant 0 : i32
      %dma_start3A_1040 = arith.constant 0 : i32
      %dma_start3A_1041 = tpu.memref_slice %arg8[%dma_start3A_1030, %dma_start3A_1039, %dma_start3A_1040] : memref<4x200x64xf32, #tpu.memory_space<vmem>> -> memref<1x100x64xf32, #tpu.memory_space<vmem>>
      %dma_start3A_1042 = tpu.memref_squeeze %dma_start3A_1041 : memref<1x100x64xf32, #tpu.memory_space<vmem>> -> memref<100x64xf32, #tpu.memory_space<vmem>>
      tpu.enqueue_dma source(%dma_start3A_1042 : memref<100x64xf32, #tpu.memory_space<vmem>>) target(%dma_start3A_1038 : memref<100x64xf32, #tpu.memory_space<hbm>>) target_semaphore(%arg16 : memref<!tpu.dma_semaphore, #tpu.memory_space<semaphore_mem>>)
      %add3A_1043 = arith.constant 200 : i32
      %add3A_1044 = arith.addi %mul3A_1014, %add3A_1043 : i32
      %dma_start3A_1045 = arith.constant 3 : i32
      %dma_start3A_1046 = arith.constant 100 : i32
      %dma_start3A_1047 = arith.constant 0 : i32
      %dma_start3A_1048 = tpu.memref_slice %arg7[%dma_start3A_1045, %dma_start3A_1046, %dma_start3A_1047] : memref<4x200x64xf32, #tpu.memory_space<vmem>> -> memref<1x100x64xf32, #tpu.memory_space<vmem>>
      %dma_start3A_1049 = tpu.memref_squeeze %dma_start3A_1048 : memref<1x100x64xf32, #tpu.memory_space<vmem>> -> memref<100x64xf32, #tpu.memory_space<vmem>>
      %dma_start3A_1050 = arith.constant 0 : i32
      %dma_start3A_1051 = tpu.memref_slice %arg4[%add3A_1044, %dma_start3A_1050] : memref<819200x64xf32, #tpu.memory_space<hbm>> -> memref<100x64xf32, #tpu.memory_space<hbm>>
      %dma_start3A_1052 = arith.constant 0 : i32
      %dma_start3A_1053 = tpu.memref_slice %arg4[%add3A_1044, %dma_start3A_1052] : memref<819200x64xf32, #tpu.memory_space<hbm>> -> memref<100x64xf32, #tpu.memory_space<hbm>>
      %dma_start3A_1054 = arith.constant 100 : i32
      %dma_start3A_1055 = arith.constant 0 : i32
      %dma_start3A_1056 = tpu.memref_slice %arg7[%dma_start3A_1045, %dma_start3A_1054, %dma_start3A_1055] : memref<4x200x64xf32, #tpu.memory_space<vmem>> -> memref<1x100x64xf32, #tpu.memory_space<vmem>>
      %dma_start3A_1057 = tpu.memref_squeeze %dma_start3A_1056 : memref<1x100x64xf32, #tpu.memory_space<vmem>> -> memref<100x64xf32, #tpu.memory_space<vmem>>
      tpu.enqueue_dma source(%dma_start3A_1057 : memref<100x64xf32, #tpu.memory_space<vmem>>) target(%dma_start3A_1053 : memref<100x64xf32, #tpu.memory_space<hbm>>) target_semaphore(%arg16 : memref<!tpu.dma_semaphore, #tpu.memory_space<semaphore_mem>>)
      %add3A_1058 = arith.constant 300 : i32
      %add3A_1059 = arith.addi %mul3A_1014, %add3A_1058 : i32
      %dma_start3A_1060 = arith.constant 3 : i32
      %dma_start3A_1061 = arith.constant 100 : i32
      %dma_start3A_1062 = arith.constant 0 : i32
      %dma_start3A_1063 = tpu.memref_slice %arg8[%dma_start3A_1060, %dma_start3A_1061, %dma_start3A_1062] : memref<4x200x64xf32, #tpu.memory_space<vmem>> -> memref<1x100x64xf32, #tpu.memory_space<vmem>>
      %dma_start3A_1064 = tpu.memref_squeeze %dma_start3A_1063 : memref<1x100x64xf32, #tpu.memory_space<vmem>> -> memref<100x64xf32, #tpu.memory_space<vmem>>
      %dma_start3A_1065 = arith.constant 0 : i32
      %dma_start3A_1066 = tpu.memref_slice %arg4[%add3A_1059, %dma_start3A_1065] : memref<819200x64xf32, #tpu.memory_space<hbm>> -> memref<100x64xf32, #tpu.memory_space<hbm>>
      %dma_start3A_1067 = arith.constant 0 : i32
      %dma_start3A_1068 = tpu.memref_slice %arg4[%add3A_1059, %dma_start3A_1067] : memref<819200x64xf32, #tpu.memory_space<hbm>> -> memref<100x64xf32, #tpu.memory_space<hbm>>
      %dma_start3A_1069 = arith.constant 100 : i32
      %dma_start3A_1070 = arith.constant 0 : i32
      %dma_start3A_1071 = tpu.memref_slice %arg8[%dma_start3A_1060, %dma_start3A_1069, %dma_start3A_1070] : memref<4x200x64xf32, #tpu.memory_space<vmem>> -> memref<1x100x64xf32, #tpu.memory_space<vmem>>
      %dma_start3A_1072 = tpu.memref_squeeze %dma_start3A_1071 : memref<1x100x64xf32, #tpu.memory_space<vmem>> -> memref<100x64xf32, #tpu.memory_space<vmem>>
      tpu.enqueue_dma source(%dma_start3A_1072 : memref<100x64xf32, #tpu.memory_space<vmem>>) target(%dma_start3A_1068 : memref<100x64xf32, #tpu.memory_space<hbm>>) target_semaphore(%arg16 : memref<!tpu.dma_semaphore, #tpu.memory_space<semaphore_mem>>)
      %mul3A_1073 = arith.constant 4 : i32
      %mul3A_1074 = arith.muli %mul3A_1073, %scan3A_703 : i32
      %add3A_1075 = arith.constant 2 : i32
      %add3A_1076 = arith.addi %mul3A_1074, %add3A_1075 : i32
      %dma_wait3A_1077 = arith.constant 2 : i32
      %dma_wait3A_1078 = arith.constant 0 : i32
      %dma_wait3A_1079 = arith.constant 0 : i32
      %dma_wait3A_1080 = tpu.memref_slice %arg7[%dma_wait3A_1077, %dma_wait3A_1078, %dma_wait3A_1079] : memref<4x200x64xf32, #tpu.memory_space<vmem>> -> memref<1x100x64xf32, #tpu.memory_space<vmem>>
      %dma_wait3A_1081 = tpu.memref_squeeze %dma_wait3A_1080 : memref<1x100x64xf32, #tpu.memory_space<vmem>> -> memref<100x64xf32, #tpu.memory_space<vmem>>
      %dma_wait3A_1082 = arith.constant 0 : i32
      %dma_wait3A_1083 = arith.constant 0 : i32
      %dma_wait3A_1084 = tpu.memref_slice %arg4[%dma_wait3A_1082, %dma_wait3A_1083] : memref<819200x64xf32, #tpu.memory_space<hbm>> -> memref<100x64xf32, #tpu.memory_space<hbm>>
      %dma_wait3A_1085 = arith.constant 0 : i32
      %dma_wait3A_1086 = arith.constant 0 : i32
      %dma_wait3A_1087 = tpu.memref_slice %arg4[%dma_wait3A_1085, %dma_wait3A_1086] : memref<819200x64xf32, #tpu.memory_space<hbm>> -> memref<100x64xf32, #tpu.memory_space<hbm>>
      %dma_wait3A_1088 = arith.constant 0 : i32
      %dma_wait3A_1089 = arith.constant 0 : i32
      %dma_wait3A_1090 = tpu.memref_slice %arg7[%dma_wait3A_1077, %dma_wait3A_1088, %dma_wait3A_1089] : memref<4x200x64xf32, #tpu.memory_space<vmem>> -> memref<1x100x64xf32, #tpu.memory_space<vmem>>
      %dma_wait3A_1091 = tpu.memref_squeeze %dma_wait3A_1090 : memref<1x100x64xf32, #tpu.memory_space<vmem>> -> memref<100x64xf32, #tpu.memory_space<vmem>>
      tpu.wait_dma2 semaphore(%arg15 : memref<!tpu.dma_semaphore, #tpu.memory_space<semaphore_mem>>) src(%dma_wait3A_1091 : memref<100x64xf32, #tpu.memory_space<vmem>>) dst(%dma_wait3A_1087 : memref<100x64xf32, #tpu.memory_space<hbm>>)
      %dma_wait3A_1092 = arith.constant 2 : i32
      %dma_wait3A_1093 = arith.constant 0 : i32
      %dma_wait3A_1094 = arith.constant 0 : i32
      %dma_wait3A_1095 = tpu.memref_slice %arg8[%dma_wait3A_1092, %dma_wait3A_1093, %dma_wait3A_1094] : memref<4x200x64xf32, #tpu.memory_space<vmem>> -> memref<1x100x64xf32, #tpu.memory_space<vmem>>
      %dma_wait3A_1096 = tpu.memref_squeeze %dma_wait3A_1095 : memref<1x100x64xf32, #tpu.memory_space<vmem>> -> memref<100x64xf32, #tpu.memory_space<vmem>>
      %dma_wait3A_1097 = arith.constant 0 : i32
      %dma_wait3A_1098 = arith.constant 0 : i32
      %dma_wait3A_1099 = tpu.memref_slice %arg4[%dma_wait3A_1097, %dma_wait3A_1098] : memref<819200x64xf32, #tpu.memory_space<hbm>> -> memref<100x64xf32, #tpu.memory_space<hbm>>
      %dma_wait3A_1100 = arith.constant 0 : i32
      %dma_wait3A_1101 = arith.constant 0 : i32
      %dma_wait3A_1102 = tpu.memref_slice %arg4[%dma_wait3A_1100, %dma_wait3A_1101] : memref<819200x64xf32, #tpu.memory_space<hbm>> -> memref<100x64xf32, #tpu.memory_space<hbm>>
      %dma_wait3A_1103 = arith.constant 0 : i32
      %dma_wait3A_1104 = arith.constant 0 : i32
      %dma_wait3A_1105 = tpu.memref_slice %arg8[%dma_wait3A_1092, %dma_wait3A_1103, %dma_wait3A_1104] : memref<4x200x64xf32, #tpu.memory_space<vmem>> -> memref<1x100x64xf32, #tpu.memory_space<vmem>>
      %dma_wait3A_1106 = tpu.memref_squeeze %dma_wait3A_1105 : memref<1x100x64xf32, #tpu.memory_space<vmem>> -> memref<100x64xf32, #tpu.memory_space<vmem>>
      tpu.wait_dma2 semaphore(%arg15 : memref<!tpu.dma_semaphore, #tpu.memory_space<semaphore_mem>>) src(%dma_wait3A_1106 : memref<100x64xf32, #tpu.memory_space<vmem>>) dst(%dma_wait3A_1102 : memref<100x64xf32, #tpu.memory_space<hbm>>)
      %dma_wait3A_1107 = arith.constant 2 : i32
      %dma_wait3A_1108 = arith.constant 0 : i32
      %dma_wait3A_1109 = arith.constant 0 : i32
      %dma_wait3A_1110 = tpu.memref_slice %arg7[%dma_wait3A_1107, %dma_wait3A_1108, %dma_wait3A_1109] : memref<4x200x64xf32, #tpu.memory_space<vmem>> -> memref<1x100x64xf32, #tpu.memory_space<vmem>>
      %dma_wait3A_1111 = tpu.memref_squeeze %dma_wait3A_1110 : memref<1x100x64xf32, #tpu.memory_space<vmem>> -> memref<100x64xf32, #tpu.memory_space<vmem>>
      %dma_wait3A_1112 = arith.constant 0 : i32
      %dma_wait3A_1113 = arith.constant 0 : i32
      %dma_wait3A_1114 = tpu.memref_slice %arg4[%dma_wait3A_1112, %dma_wait3A_1113] : memref<819200x64xf32, #tpu.memory_space<hbm>> -> memref<100x64xf32, #tpu.memory_space<hbm>>
      %dma_wait3A_1115 = arith.constant 0 : i32
      %dma_wait3A_1116 = arith.constant 0 : i32
      %dma_wait3A_1117 = tpu.memref_slice %arg4[%dma_wait3A_1115, %dma_wait3A_1116] : memref<819200x64xf32, #tpu.memory_space<hbm>> -> memref<100x64xf32, #tpu.memory_space<hbm>>
      %dma_wait3A_1118 = arith.constant 0 : i32
      %dma_wait3A_1119 = arith.constant 0 : i32
      %dma_wait3A_1120 = tpu.memref_slice %arg7[%dma_wait3A_1107, %dma_wait3A_1118, %dma_wait3A_1119] : memref<4x200x64xf32, #tpu.memory_space<vmem>> -> memref<1x100x64xf32, #tpu.memory_space<vmem>>
      %dma_wait3A_1121 = tpu.memref_squeeze %dma_wait3A_1120 : memref<1x100x64xf32, #tpu.memory_space<vmem>> -> memref<100x64xf32, #tpu.memory_space<vmem>>
      tpu.wait_dma2 semaphore(%arg15 : memref<!tpu.dma_semaphore, #tpu.memory_space<semaphore_mem>>) src(%dma_wait3A_1121 : memref<100x64xf32, #tpu.memory_space<vmem>>) dst(%dma_wait3A_1117 : memref<100x64xf32, #tpu.memory_space<hbm>>)
      %dma_wait3A_1122 = arith.constant 2 : i32
      %dma_wait3A_1123 = arith.constant 0 : i32
      %dma_wait3A_1124 = arith.constant 0 : i32
      %dma_wait3A_1125 = tpu.memref_slice %arg8[%dma_wait3A_1122, %dma_wait3A_1123, %dma_wait3A_1124] : memref<4x200x64xf32, #tpu.memory_space<vmem>> -> memref<1x100x64xf32, #tpu.memory_space<vmem>>
      %dma_wait3A_1126 = tpu.memref_squeeze %dma_wait3A_1125 : memref<1x100x64xf32, #tpu.memory_space<vmem>> -> memref<100x64xf32, #tpu.memory_space<vmem>>
      %dma_wait3A_1127 = arith.constant 0 : i32
      %dma_wait3A_1128 = arith.constant 0 : i32
      %dma_wait3A_1129 = tpu.memref_slice %arg4[%dma_wait3A_1127, %dma_wait3A_1128] : memref<819200x64xf32, #tpu.memory_space<hbm>> -> memref<100x64xf32, #tpu.memory_space<hbm>>
      %dma_wait3A_1130 = arith.constant 0 : i32
      %dma_wait3A_1131 = arith.constant 0 : i32
      %dma_wait3A_1132 = tpu.memref_slice %arg4[%dma_wait3A_1130, %dma_wait3A_1131] : memref<819200x64xf32, #tpu.memory_space<hbm>> -> memref<100x64xf32, #tpu.memory_space<hbm>>
      %dma_wait3A_1133 = arith.constant 0 : i32
      %dma_wait3A_1134 = arith.constant 0 : i32
      %dma_wait3A_1135 = tpu.memref_slice %arg8[%dma_wait3A_1122, %dma_wait3A_1133, %dma_wait3A_1134] : memref<4x200x64xf32, #tpu.memory_space<vmem>> -> memref<1x100x64xf32, #tpu.memory_space<vmem>>
      %dma_wait3A_1136 = tpu.memref_squeeze %dma_wait3A_1135 : memref<1x100x64xf32, #tpu.memory_space<vmem>> -> memref<100x64xf32, #tpu.memory_space<vmem>>
      tpu.wait_dma2 semaphore(%arg15 : memref<!tpu.dma_semaphore, #tpu.memory_space<semaphore_mem>>) src(%dma_wait3A_1136 : memref<100x64xf32, #tpu.memory_space<vmem>>) dst(%dma_wait3A_1132 : memref<100x64xf32, #tpu.memory_space<hbm>>)
      %mul3A_1137 = arith.constant 200 : i32
      %mul3A_1138 = arith.muli %mul3A_1137, %add3A_1076 : i32
      %add3A_1139 = arith.constant 0 : i32
      %add3A_1140 = arith.addi %mul3A_1138, %add3A_1139 : i32
      %dma_start3A_1141 = arith.constant 2 : i32
      %dma_start3A_1142 = arith.constant 0 : i32
      %dma_start3A_1143 = arith.constant 0 : i32
      %dma_start3A_1144 = tpu.memref_slice %arg7[%dma_start3A_1141, %dma_start3A_1142, %dma_start3A_1143] : memref<4x200x64xf32, #tpu.memory_space<vmem>> -> memref<1x104x64xf32, #tpu.memory_space<vmem>>
      %dma_start3A_1145 = tpu.memref_squeeze %dma_start3A_1144 : memref<1x104x64xf32, #tpu.memory_space<vmem>> -> memref<104x64xf32, #tpu.memory_space<vmem>>
      %dma_start3A_1146 = tpu.memref_slice %arg5[%add3A_1140] : memref<12800xi32, #tpu.memory_space<vmem>> -> memref<104xi32, #tpu.memory_space<vmem>>
      %dma_start3A_1147 = arith.constant 0 : i32
      %dma_start3A_1148 = arith.constant 0 : i32
      %dma_start3A_1149 = tpu.memref_slice %arg3[%dma_start3A_1147, %dma_start3A_1148] : memref<100000x64xf32, #tpu.memory_space<hbm>> -> memref<100000x64xf32, #tpu.memory_space<hbm>>
      tpu.enqueue_indirect_dma source(%dma_start3A_1149 : memref<100000x64xf32, #tpu.memory_space<hbm>>) target(%dma_start3A_1145 : memref<104x64xf32, #tpu.memory_space<vmem>>) offsets(%dma_start3A_1146 : memref<104xi32, #tpu.memory_space<vmem>>) semaphore(%arg11 : memref<!tpu.dma_semaphore, #tpu.memory_space<semaphore_mem>>)
      %mul3A_1150 = arith.constant 200 : i32
      %mul3A_1151 = arith.muli %mul3A_1150, %add3A_1076 : i32
      %add3A_1152 = arith.constant 104 : i32
      %add3A_1153 = arith.addi %mul3A_1151, %add3A_1152 : i32
      %dma_start3A_1154 = arith.constant 2 : i32
      %dma_start3A_1155 = arith.constant 104 : i32
      %dma_start3A_1156 = arith.constant 0 : i32
      %dma_start3A_1157 = tpu.memref_slice %arg7[%dma_start3A_1154, %dma_start3A_1155, %dma_start3A_1156] : memref<4x200x64xf32, #tpu.memory_space<vmem>> -> memref<1x96x64xf32, #tpu.memory_space<vmem>>
      %dma_start3A_1158 = tpu.memref_squeeze %dma_start3A_1157 : memref<1x96x64xf32, #tpu.memory_space<vmem>> -> memref<96x64xf32, #tpu.memory_space<vmem>>
      %dma_start3A_1159 = tpu.memref_slice %arg5[%add3A_1153] : memref<12800xi32, #tpu.memory_space<vmem>> -> memref<96xi32, #tpu.memory_space<vmem>>
      %dma_start3A_1160 = arith.constant 0 : i32
      %dma_start3A_1161 = arith.constant 0 : i32
      %dma_start3A_1162 = tpu.memref_slice %arg3[%dma_start3A_1160, %dma_start3A_1161] : memref<100000x64xf32, #tpu.memory_space<hbm>> -> memref<100000x64xf32, #tpu.memory_space<hbm>>
      tpu.enqueue_indirect_dma source(%dma_start3A_1162 : memref<100000x64xf32, #tpu.memory_space<hbm>>) target(%dma_start3A_1158 : memref<96x64xf32, #tpu.memory_space<vmem>>) offsets(%dma_start3A_1159 : memref<96xi32, #tpu.memory_space<vmem>>) semaphore(%arg11 : memref<!tpu.dma_semaphore, #tpu.memory_space<semaphore_mem>>)
      %scan3A_1163 = arith.constant 0 : i32
      %scan3A_1164 = arith.constant 0 : i32
      %scan3A_1165 = arith.constant 25 : i32
      %scan3A_1166 = arith.addi %scan3A_1164, %scan3A_1165 : i32
      %scan3A_1167 = arith.constant 1 : i32
      scf.for %scan3A_1443 = %scan3A_1164 to %scan3A_1166 step %scan3A_1167  : i32 {
        %mul3A_1444 = arith.constant 200 : i32
        %mul3A_1445 = arith.muli %mul3A_1444, %add3A_1076 : i32
        %mul3A_1446 = arith.constant 8 : i32
        %mul3A_1447 = arith.muli %mul3A_1446, %scan3A_1443 : i32
        %add3A_1448 = arith.addi %mul3A_1445, %mul3A_1447 : i32
        %get3A = arith.index_cast %add3A_1448 : i32 to index
        %get3A_1449 = tpu.vector_load %arg6[%get3A] {strides = array<i32>} : memref<12816xf32, #tpu.memory_space<vmem>>, vector<16xf32>,
        %get3A_1450 = vector.shape_cast %get3A_1449 : vector<16xf32> to vector<16xf32>
        %slice3A = vector.extract_strided_slice %get3A_1450 {offsets = [0], sizes = [1], strides = [1]} : vector<16xf32> to vector<1xf32>
        %squeeze3A = vector.extract %slice3A[0] : f32 from vector<1xf32>
        %broadcast_in_dim3A_1451 = vector.broadcast %squeeze3A : f32 to vector<16xf32>
        %mul3A_1452 = arith.constant 8 : i32
        %mul3A_1453 = arith.muli %mul3A_1452, %scan3A_1443 : i32
        %add3A_1454 = arith.constant 0 : i32
        %add3A_1455 = arith.addi %mul3A_1453, %add3A_1454 : i32
        %swap3A = arith.constant 2 : i32
        %swap3A_1456 = arith.index_cast %swap3A : i32 to index
        %swap3A_1457 = arith.index_cast %add3A_1455 : i32 to index
        %swap3A_1458 = arith.constant 0 : index
        %swap3A_1459 = tpu.vector_load %arg8[%swap3A_1456, %swap3A_1457, %swap3A_1458] {strides = array<i32>} : memref<4x200x64xf32, #tpu.memory_space<vmem>>, vector<1x1x16xf32>,
        %swap3A_1460 = vector.shape_cast %swap3A_1459 : vector<1x1x16xf32> to vector<16xf32>
        %swap3A_1461 = vector.shape_cast %broadcast_in_dim3A_1451 : vector<16xf32> to vector<1x1x16xf32>
        tpu.vector_store %arg8[%swap3A_1456, %swap3A_1457, %swap3A_1458], %swap3A_1461 {strides = array<i32>} : memref<4x200x64xf32, #tpu.memory_space<vmem>>, vector<1x1x16xf32>,
        %mul3A_1462 = arith.constant 8 : i32
        %mul3A_1463 = arith.muli %mul3A_1462, %scan3A_1443 : i32
        %add3A_1464 = arith.constant 0 : i32
        %add3A_1465 = arith.addi %mul3A_1463, %add3A_1464 : i32
        %swap3A_1466 = arith.constant 2 : i32
        %swap3A_1467 = arith.index_cast %swap3A_1466 : i32 to index
        %swap3A_1468 = arith.index_cast %add3A_1465 : i32 to index
        %swap3A_1469 = arith.constant 16 : index
        %swap3A_1470 = tpu.vector_load %arg8[%swap3A_1467, %swap3A_1468, %swap3A_1469] {strides = array<i32>} : memref<4x200x64xf32, #tpu.memory_space<vmem>>, vector<1x1x16xf32>,
        %swap3A_1471 = vector.shape_cast %swap3A_1470 : vector<1x1x16xf32> to vector<16xf32>
        %swap3A_1472 = vector.shape_cast %broadcast_in_dim3A_1451 : vector<16xf32> to vector<1x1x16xf32>
        tpu.vector_store %arg8[%swap3A_1467, %swap3A_1468, %swap3A_1469], %swap3A_1472 {strides = array<i32>} : memref<4x200x64xf32, #tpu.memory_space<vmem>>, vector<1x1x16xf32>,
        %mul3A_1473 = arith.constant 8 : i32
        %mul3A_1474 = arith.muli %mul3A_1473, %scan3A_1443 : i32
        %add3A_1475 = arith.constant 0 : i32
        %add3A_1476 = arith.addi %mul3A_1474, %add3A_1475 : i32
        %swap3A_1477 = arith.constant 2 : i32
        %swap3A_1478 = arith.index_cast %swap3A_1477 : i32 to index
        %swap3A_1479 = arith.index_cast %add3A_1476 : i32 to index
        %swap3A_1480 = arith.constant 32 : index
        %swap3A_1481 = tpu.vector_load %arg8[%swap3A_1478, %swap3A_1479, %swap3A_1480] {strides = array<i32>} : memref<4x200x64xf32, #tpu.memory_space<vmem>>, vector<1x1x16xf32>,
        %swap3A_1482 = vector.shape_cast %swap3A_1481 : vector<1x1x16xf32> to vector<16xf32>
        %swap3A_1483 = vector.shape_cast %broadcast_in_dim3A_1451 : vector<16xf32> to vector<1x1x16xf32>
        tpu.vector_store %arg8[%swap3A_1478, %swap3A_1479, %swap3A_1480], %swap3A_1483 {strides = array<i32>} : memref<4x200x64xf32, #tpu.memory_space<vmem>>, vector<1x1x16xf32>,
        %mul3A_1484 = arith.constant 8 : i32
        %mul3A_1485 = arith.muli %mul3A_1484, %scan3A_1443 : i32
        %add3A_1486 = arith.constant 0 : i32
        %add3A_1487 = arith.addi %mul3A_1485, %add3A_1486 : i32
        %swap3A_1488 = arith.constant 2 : i32
        %swap3A_1489 = arith.index_cast %swap3A_1488 : i32 to index
        %swap3A_1490 = arith.index_cast %add3A_1487 : i32 to index
        %swap3A_1491 = arith.constant 48 : index
        %swap3A_1492 = tpu.vector_load %arg8[%swap3A_1489, %swap3A_1490, %swap3A_1491] {strides = array<i32>} : memref<4x200x64xf32, #tpu.memory_space<vmem>>, vector<1x1x16xf32>,
        %swap3A_1493 = vector.shape_cast %swap3A_1492 : vector<1x1x16xf32> to vector<16xf32>
        %swap3A_1494 = vector.shape_cast %broadcast_in_dim3A_1451 : vector<16xf32> to vector<1x1x16xf32>
        tpu.vector_store %arg8[%swap3A_1489, %swap3A_1490, %swap3A_1491], %swap3A_1494 {strides = array<i32>} : memref<4x200x64xf32, #tpu.memory_space<vmem>>, vector<1x1x16xf32>,
        %slice3A_1495 = vector.extract_strided_slice %get3A_1450 {offsets = [1], sizes = [1], strides = [1]} : vector<16xf32> to vector<1xf32>
        %squeeze3A_1496 = vector.extract %slice3A_1495[0] : f32 from vector<1xf32>
        %broadcast_in_dim3A_1497 = vector.broadcast %squeeze3A_1496 : f32 to vector<16xf32>
        %mul3A_1498 = arith.constant 8 : i32
        %mul3A_1499 = arith.muli %mul3A_1498, %scan3A_1443 : i32
        %add3A_1500 = arith.constant 1 : i32
        %add3A_1501 = arith.addi %mul3A_1499, %add3A_1500 : i32
        %swap3A_1502 = arith.constant 2 : i32
        %swap3A_1503 = arith.index_cast %swap3A_1502 : i32 to index
        %swap3A_1504 = arith.index_cast %add3A_1501 : i32 to index
        %swap3A_1505 = arith.constant 0 : index
        %swap3A_1506 = tpu.vector_load %arg8[%swap3A_1503, %swap3A_1504, %swap3A_1505] {strides = array<i32>} : memref<4x200x64xf32, #tpu.memory_space<vmem>>, vector<1x1x16xf32>,
        %swap3A_1507 = vector.shape_cast %swap3A_1506 : vector<1x1x16xf32> to vector<16xf32>
        %swap3A_1508 = vector.shape_cast %broadcast_in_dim3A_1497 : vector<16xf32> to vector<1x1x16xf32>
        tpu.vector_store %arg8[%swap3A_1503, %swap3A_1504, %swap3A_1505], %swap3A_1508 {strides = array<i32>} : memref<4x200x64xf32, #tpu.memory_space<vmem>>, vector<1x1x16xf32>,
        %mul3A_1509 = arith.constant 8 : i32
        %mul3A_1510 = arith.muli %mul3A_1509, %scan3A_1443 : i32
        %add3A_1511 = arith.constant 1 : i32
        %add3A_1512 = arith.addi %mul3A_1510, %add3A_1511 : i32
        %swap3A_1513 = arith.constant 2 : i32
        %swap3A_1514 = arith.index_cast %swap3A_1513 : i32 to index
        %swap3A_1515 = arith.index_cast %add3A_1512 : i32 to index
        %swap3A_1516 = arith.constant 16 : index
        %swap3A_1517 = tpu.vector_load %arg8[%swap3A_1514, %swap3A_1515, %swap3A_1516] {strides = array<i32>} : memref<4x200x64xf32, #tpu.memory_space<vmem>>, vector<1x1x16xf32>,
        %swap3A_1518 = vector.shape_cast %swap3A_1517 : vector<1x1x16xf32> to vector<16xf32>
        %swap3A_1519 = vector.shape_cast %broadcast_in_dim3A_1497 : vector<16xf32> to vector<1x1x16xf32>
        tpu.vector_store %arg8[%swap3A_1514, %swap3A_1515, %swap3A_1516], %swap3A_1519 {strides = array<i32>} : memref<4x200x64xf32, #tpu.memory_space<vmem>>, vector<1x1x16xf32>,
        %mul3A_1520 = arith.constant 8 : i32
        %mul3A_1521 = arith.muli %mul3A_1520, %scan3A_1443 : i32
        %add3A_1522 = arith.constant 1 : i32
        %add3A_1523 = arith.addi %mul3A_1521, %add3A_1522 : i32
        %swap3A_1524 = arith.constant 2 : i32
        %swap3A_1525 = arith.index_cast %swap3A_1524 : i32 to index
        %swap3A_1526 = arith.index_cast %add3A_1523 : i32 to index
        %swap3A_1527 = arith.constant 32 : index
        %swap3A_1528 = tpu.vector_load %arg8[%swap3A_1525, %swap3A_1526, %swap3A_1527] {strides = array<i32>} : memref<4x200x64xf32, #tpu.memory_space<vmem>>, vector<1x1x16xf32>,
        %swap3A_1529 = vector.shape_cast %swap3A_1528 : vector<1x1x16xf32> to vector<16xf32>
        %swap3A_1530 = vector.shape_cast %broadcast_in_dim3A_1497 : vector<16xf32> to vector<1x1x16xf32>
        tpu.vector_store %arg8[%swap3A_1525, %swap3A_1526, %swap3A_1527], %swap3A_1530 {strides = array<i32>} : memref<4x200x64xf32, #tpu.memory_space<vmem>>, vector<1x1x16xf32>,
        %mul3A_1531 = arith.constant 8 : i32
        %mul3A_1532 = arith.muli %mul3A_1531, %scan3A_1443 : i32
        %add3A_1533 = arith.constant 1 : i32
        %add3A_1534 = arith.addi %mul3A_1532, %add3A_1533 : i32
        %swap3A_1535 = arith.constant 2 : i32
        %swap3A_1536 = arith.index_cast %swap3A_1535 : i32 to index
        %swap3A_1537 = arith.index_cast %add3A_1534 : i32 to index
        %swap3A_1538 = arith.constant 48 : index
        %swap3A_1539 = tpu.vector_load %arg8[%swap3A_1536, %swap3A_1537, %swap3A_1538] {strides = array<i32>} : memref<4x200x64xf32, #tpu.memory_space<vmem>>, vector<1x1x16xf32>,
        %swap3A_1540 = vector.shape_cast %swap3A_1539 : vector<1x1x16xf32> to vector<16xf32>
        %swap3A_1541 = vector.shape_cast %broadcast_in_dim3A_1497 : vector<16xf32> to vector<1x1x16xf32>
        tpu.vector_store %arg8[%swap3A_1536, %swap3A_1537, %swap3A_1538], %swap3A_1541 {strides = array<i32>} : memref<4x200x64xf32, #tpu.memory_space<vmem>>, vector<1x1x16xf32>,
        %slice3A_1542 = vector.extract_strided_slice %get3A_1450 {offsets = [2], sizes = [1], strides = [1]} : vector<16xf32> to vector<1xf32>
        %squeeze3A_1543 = vector.extract %slice3A_1542[0] : f32 from vector<1xf32>
        %broadcast_in_dim3A_1544 = vector.broadcast %squeeze3A_1543 : f32 to vector<16xf32>
        %mul3A_1545 = arith.constant 8 : i32
        %mul3A_1546 = arith.muli %mul3A_1545, %scan3A_1443 : i32
        %add3A_1547 = arith.constant 2 : i32
        %add3A_1548 = arith.addi %mul3A_1546, %add3A_1547 : i32
        %swap3A_1549 = arith.constant 2 : i32
        %swap3A_1550 = arith.index_cast %swap3A_1549 : i32 to index
        %swap3A_1551 = arith.index_cast %add3A_1548 : i32 to index
        %swap3A_1552 = arith.constant 0 : index
        %swap3A_1553 = tpu.vector_load %arg8[%swap3A_1550, %swap3A_1551, %swap3A_1552] {strides = array<i32>} : memref<4x200x64xf32, #tpu.memory_space<vmem>>, vector<1x1x16xf32>,
        %swap3A_1554 = vector.shape_cast %swap3A_1553 : vector<1x1x16xf32> to vector<16xf32>
        %swap3A_1555 = vector.shape_cast %broadcast_in_dim3A_1544 : vector<16xf32> to vector<1x1x16xf32>
        tpu.vector_store %arg8[%swap3A_1550, %swap3A_1551, %swap3A_1552], %swap3A_1555 {strides = array<i32>} : memref<4x200x64xf32, #tpu.memory_space<vmem>>, vector<1x1x16xf32>,
        %mul3A_1556 = arith.constant 8 : i32
        %mul3A_1557 = arith.muli %mul3A_1556, %scan3A_1443 : i32
        %add3A_1558 = arith.constant 2 : i32
        %add3A_1559 = arith.addi %mul3A_1557, %add3A_1558 : i32
        %swap3A_1560 = arith.constant 2 : i32
        %swap3A_1561 = arith.index_cast %swap3A_1560 : i32 to index
        %swap3A_1562 = arith.index_cast %add3A_1559 : i32 to index
        %swap3A_1563 = arith.constant 16 : index
        %swap3A_1564 = tpu.vector_load %arg8[%swap3A_1561, %swap3A_1562, %swap3A_1563] {strides = array<i32>} : memref<4x200x64xf32, #tpu.memory_space<vmem>>, vector<1x1x16xf32>,
        %swap3A_1565 = vector.shape_cast %swap3A_1564 : vector<1x1x16xf32> to vector<16xf32>
        %swap3A_1566 = vector.shape_cast %broadcast_in_dim3A_1544 : vector<16xf32> to vector<1x1x16xf32>
        tpu.vector_store %arg8[%swap3A_1561, %swap3A_1562, %swap3A_1563], %swap3A_1566 {strides = array<i32>} : memref<4x200x64xf32, #tpu.memory_space<vmem>>, vector<1x1x16xf32>,
        %mul3A_1567 = arith.constant 8 : i32
        %mul3A_1568 = arith.muli %mul3A_1567, %scan3A_1443 : i32
        %add3A_1569 = arith.constant 2 : i32
        %add3A_1570 = arith.addi %mul3A_1568, %add3A_1569 : i32
        %swap3A_1571 = arith.constant 2 : i32
        %swap3A_1572 = arith.index_cast %swap3A_1571 : i32 to index
        %swap3A_1573 = arith.index_cast %add3A_1570 : i32 to index
        %swap3A_1574 = arith.constant 32 : index
        %swap3A_1575 = tpu.vector_load %arg8[%swap3A_1572, %swap3A_1573, %swap3A_1574] {strides = array<i32>} : memref<4x200x64xf32, #tpu.memory_space<vmem>>, vector<1x1x16xf32>,
        %swap3A_1576 = vector.shape_cast %swap3A_1575 : vector<1x1x16xf32> to vector<16xf32>
        %swap3A_1577 = vector.shape_cast %broadcast_in_dim3A_1544 : vector<16xf32> to vector<1x1x16xf32>
        tpu.vector_store %arg8[%swap3A_1572, %swap3A_1573, %swap3A_1574], %swap3A_1577 {strides = array<i32>} : memref<4x200x64xf32, #tpu.memory_space<vmem>>, vector<1x1x16xf32>,
        %mul3A_1578 = arith.constant 8 : i32
        %mul3A_1579 = arith.muli %mul3A_1578, %scan3A_1443 : i32
        %add3A_1580 = arith.constant 2 : i32
        %add3A_1581 = arith.addi %mul3A_1579, %add3A_1580 : i32
        %swap3A_1582 = arith.constant 2 : i32
        %swap3A_1583 = arith.index_cast %swap3A_1582 : i32 to index
        %swap3A_1584 = arith.index_cast %add3A_1581 : i32 to index
        %swap3A_1585 = arith.constant 48 : index
        %swap3A_1586 = tpu.vector_load %arg8[%swap3A_1583, %swap3A_1584, %swap3A_1585] {strides = array<i32>} : memref<4x200x64xf32, #tpu.memory_space<vmem>>, vector<1x1x16xf32>,
        %swap3A_1587 = vector.shape_cast %swap3A_1586 : vector<1x1x16xf32> to vector<16xf32>
        %swap3A_1588 = vector.shape_cast %broadcast_in_dim3A_1544 : vector<16xf32> to vector<1x1x16xf32>
        tpu.vector_store %arg8[%swap3A_1583, %swap3A_1584, %swap3A_1585], %swap3A_1588 {strides = array<i32>} : memref<4x200x64xf32, #tpu.memory_space<vmem>>, vector<1x1x16xf32>,
        %slice3A_1589 = vector.extract_strided_slice %get3A_1450 {offsets = [3], sizes = [1], strides = [1]} : vector<16xf32> to vector<1xf32>
        %squeeze3A_1590 = vector.extract %slice3A_1589[0] : f32 from vector<1xf32>
        %broadcast_in_dim3A_1591 = vector.broadcast %squeeze3A_1590 : f32 to vector<16xf32>
        %mul3A_1592 = arith.constant 8 : i32
        %mul3A_1593 = arith.muli %mul3A_1592, %scan3A_1443 : i32
        %add3A_1594 = arith.constant 3 : i32
        %add3A_1595 = arith.addi %mul3A_1593, %add3A_1594 : i32
        %swap3A_1596 = arith.constant 2 : i32
        %swap3A_1597 = arith.index_cast %swap3A_1596 : i32 to index
        %swap3A_1598 = arith.index_cast %add3A_1595 : i32 to index
        %swap3A_1599 = arith.constant 0 : index
        %swap3A_1600 = tpu.vector_load %arg8[%swap3A_1597, %swap3A_1598, %swap3A_1599] {strides = array<i32>} : memref<4x200x64xf32, #tpu.memory_space<vmem>>, vector<1x1x16xf32>,
        %swap3A_1601 = vector.shape_cast %swap3A_1600 : vector<1x1x16xf32> to vector<16xf32>
        %swap3A_1602 = vector.shape_cast %broadcast_in_dim3A_1591 : vector<16xf32> to vector<1x1x16xf32>
        tpu.vector_store %arg8[%swap3A_1597, %swap3A_1598, %swap3A_1599], %swap3A_1602 {strides = array<i32>} : memref<4x200x64xf32, #tpu.memory_space<vmem>>, vector<1x1x16xf32>,
        %mul3A_1603 = arith.constant 8 : i32
        %mul3A_1604 = arith.muli %mul3A_1603, %scan3A_1443 : i32
        %add3A_1605 = arith.constant 3 : i32
        %add3A_1606 = arith.addi %mul3A_1604, %add3A_1605 : i32
        %swap3A_1607 = arith.constant 2 : i32
        %swap3A_1608 = arith.index_cast %swap3A_1607 : i32 to index
        %swap3A_1609 = arith.index_cast %add3A_1606 : i32 to index
        %swap3A_1610 = arith.constant 16 : index
        %swap3A_1611 = tpu.vector_load %arg8[%swap3A_1608, %swap3A_1609, %swap3A_1610] {strides = array<i32>} : memref<4x200x64xf32, #tpu.memory_space<vmem>>, vector<1x1x16xf32>,
        %swap3A_1612 = vector.shape_cast %swap3A_1611 : vector<1x1x16xf32> to vector<16xf32>
        %swap3A_1613 = vector.shape_cast %broadcast_in_dim3A_1591 : vector<16xf32> to vector<1x1x16xf32>
        tpu.vector_store %arg8[%swap3A_1608, %swap3A_1609, %swap3A_1610], %swap3A_1613 {strides = array<i32>} : memref<4x200x64xf32, #tpu.memory_space<vmem>>, vector<1x1x16xf32>,
        %mul3A_1614 = arith.constant 8 : i32
        %mul3A_1615 = arith.muli %mul3A_1614, %scan3A_1443 : i32
        %add3A_1616 = arith.constant 3 : i32
        %add3A_1617 = arith.addi %mul3A_1615, %add3A_1616 : i32
        %swap3A_1618 = arith.constant 2 : i32
        %swap3A_1619 = arith.index_cast %swap3A_1618 : i32 to index
        %swap3A_1620 = arith.index_cast %add3A_1617 : i32 to index
        %swap3A_1621 = arith.constant 32 : index
        %swap3A_1622 = tpu.vector_load %arg8[%swap3A_1619, %swap3A_1620, %swap3A_1621] {strides = array<i32>} : memref<4x200x64xf32, #tpu.memory_space<vmem>>, vector<1x1x16xf32>,
        %swap3A_1623 = vector.shape_cast %swap3A_1622 : vector<1x1x16xf32> to vector<16xf32>
        %swap3A_1624 = vector.shape_cast %broadcast_in_dim3A_1591 : vector<16xf32> to vector<1x1x16xf32>
        tpu.vector_store %arg8[%swap3A_1619, %swap3A_1620, %swap3A_1621], %swap3A_1624 {strides = array<i32>} : memref<4x200x64xf32, #tpu.memory_space<vmem>>, vector<1x1x16xf32>,
        %mul3A_1625 = arith.constant 8 : i32
        %mul3A_1626 = arith.muli %mul3A_1625, %scan3A_1443 : i32
        %add3A_1627 = arith.constant 3 : i32
        %add3A_1628 = arith.addi %mul3A_1626, %add3A_1627 : i32
        %swap3A_1629 = arith.constant 2 : i32
        %swap3A_1630 = arith.index_cast %swap3A_1629 : i32 to index
        %swap3A_1631 = arith.index_cast %add3A_1628 : i32 to index
        %swap3A_1632 = arith.constant 48 : index
        %swap3A_1633 = tpu.vector_load %arg8[%swap3A_1630, %swap3A_1631, %swap3A_1632] {strides = array<i32>} : memref<4x200x64xf32, #tpu.memory_space<vmem>>, vector<1x1x16xf32>,
        %swap3A_1634 = vector.shape_cast %swap3A_1633 : vector<1x1x16xf32> to vector<16xf32>
        %swap3A_1635 = vector.shape_cast %broadcast_in_dim3A_1591 : vector<16xf32> to vector<1x1x16xf32>
        tpu.vector_store %arg8[%swap3A_1630, %swap3A_1631, %swap3A_1632], %swap3A_1635 {strides = array<i32>} : memref<4x200x64xf32, #tpu.memory_space<vmem>>, vector<1x1x16xf32>,
        %slice3A_1636 = vector.extract_strided_slice %get3A_1450 {offsets = [4], sizes = [1], strides = [1]} : vector<16xf32> to vector<1xf32>
        %squeeze3A_1637 = vector.extract %slice3A_1636[0] : f32 from vector<1xf32>
        %broadcast_in_dim3A_1638 = vector.broadcast %squeeze3A_1637 : f32 to vector<16xf32>
        %mul3A_1639 = arith.constant 8 : i32
        %mul3A_1640 = arith.muli %mul3A_1639, %scan3A_1443 : i32
        %add3A_1641 = arith.constant 4 : i32
        %add3A_1642 = arith.addi %mul3A_1640, %add3A_1641 : i32
        %swap3A_1643 = arith.constant 2 : i32
        %swap3A_1644 = arith.index_cast %swap3A_1643 : i32 to index
        %swap3A_1645 = arith.index_cast %add3A_1642 : i32 to index
        %swap3A_1646 = arith.constant 0 : index
        %swap3A_1647 = tpu.vector_load %arg8[%swap3A_1644, %swap3A_1645, %swap3A_1646] {strides = array<i32>} : memref<4x200x64xf32, #tpu.memory_space<vmem>>, vector<1x1x16xf32>,
        %swap3A_1648 = vector.shape_cast %swap3A_1647 : vector<1x1x16xf32> to vector<16xf32>
        %swap3A_1649 = vector.shape_cast %broadcast_in_dim3A_1638 : vector<16xf32> to vector<1x1x16xf32>
        tpu.vector_store %arg8[%swap3A_1644, %swap3A_1645, %swap3A_1646], %swap3A_1649 {strides = array<i32>} : memref<4x200x64xf32, #tpu.memory_space<vmem>>, vector<1x1x16xf32>,
        %mul3A_1650 = arith.constant 8 : i32
        %mul3A_1651 = arith.muli %mul3A_1650, %scan3A_1443 : i32
        %add3A_1652 = arith.constant 4 : i32
        %add3A_1653 = arith.addi %mul3A_1651, %add3A_1652 : i32
        %swap3A_1654 = arith.constant 2 : i32
        %swap3A_1655 = arith.index_cast %swap3A_1654 : i32 to index
        %swap3A_1656 = arith.index_cast %add3A_1653 : i32 to index
        %swap3A_1657 = arith.constant 16 : index
        %swap3A_1658 = tpu.vector_load %arg8[%swap3A_1655, %swap3A_1656, %swap3A_1657] {strides = array<i32>} : memref<4x200x64xf32, #tpu.memory_space<vmem>>, vector<1x1x16xf32>,
        %swap3A_1659 = vector.shape_cast %swap3A_1658 : vector<1x1x16xf32> to vector<16xf32>
        %swap3A_1660 = vector.shape_cast %broadcast_in_dim3A_1638 : vector<16xf32> to vector<1x1x16xf32>
        tpu.vector_store %arg8[%swap3A_1655, %swap3A_1656, %swap3A_1657], %swap3A_1660 {strides = array<i32>} : memref<4x200x64xf32, #tpu.memory_space<vmem>>, vector<1x1x16xf32>,
        %mul3A_1661 = arith.constant 8 : i32
        %mul3A_1662 = arith.muli %mul3A_1661, %scan3A_1443 : i32
        %add3A_1663 = arith.constant 4 : i32
        %add3A_1664 = arith.addi %mul3A_1662, %add3A_1663 : i32
        %swap3A_1665 = arith.constant 2 : i32
        %swap3A_1666 = arith.index_cast %swap3A_1665 : i32 to index
        %swap3A_1667 = arith.index_cast %add3A_1664 : i32 to index
        %swap3A_1668 = arith.constant 32 : index
        %swap3A_1669 = tpu.vector_load %arg8[%swap3A_1666, %swap3A_1667, %swap3A_1668] {strides = array<i32>} : memref<4x200x64xf32, #tpu.memory_space<vmem>>, vector<1x1x16xf32>,
        %swap3A_1670 = vector.shape_cast %swap3A_1669 : vector<1x1x16xf32> to vector<16xf32>
        %swap3A_1671 = vector.shape_cast %broadcast_in_dim3A_1638 : vector<16xf32> to vector<1x1x16xf32>
        tpu.vector_store %arg8[%swap3A_1666, %swap3A_1667, %swap3A_1668], %swap3A_1671 {strides = array<i32>} : memref<4x200x64xf32, #tpu.memory_space<vmem>>, vector<1x1x16xf32>,
        %mul3A_1672 = arith.constant 8 : i32
        %mul3A_1673 = arith.muli %mul3A_1672, %scan3A_1443 : i32
        %add3A_1674 = arith.constant 4 : i32
        %add3A_1675 = arith.addi %mul3A_1673, %add3A_1674 : i32
        %swap3A_1676 = arith.constant 2 : i32
        %swap3A_1677 = arith.index_cast %swap3A_1676 : i32 to index
        %swap3A_1678 = arith.index_cast %add3A_1675 : i32 to index
        %swap3A_1679 = arith.constant 48 : index
        %swap3A_1680 = tpu.vector_load %arg8[%swap3A_1677, %swap3A_1678, %swap3A_1679] {strides = array<i32>} : memref<4x200x64xf32, #tpu.memory_space<vmem>>, vector<1x1x16xf32>,
        %swap3A_1681 = vector.shape_cast %swap3A_1680 : vector<1x1x16xf32> to vector<16xf32>
        %swap3A_1682 = vector.shape_cast %broadcast_in_dim3A_1638 : vector<16xf32> to vector<1x1x16xf32>
        tpu.vector_store %arg8[%swap3A_1677, %swap3A_1678, %swap3A_1679], %swap3A_1682 {strides = array<i32>} : memref<4x200x64xf32, #tpu.memory_space<vmem>>, vector<1x1x16xf32>,
        %slice3A_1683 = vector.extract_strided_slice %get3A_1450 {offsets = [5], sizes = [1], strides = [1]} : vector<16xf32> to vector<1xf32>
        %squeeze3A_1684 = vector.extract %slice3A_1683[0] : f32 from vector<1xf32>
        %broadcast_in_dim3A_1685 = vector.broadcast %squeeze3A_1684 : f32 to vector<16xf32>
        %mul3A_1686 = arith.constant 8 : i32
        %mul3A_1687 = arith.muli %mul3A_1686, %scan3A_1443 : i32
        %add3A_1688 = arith.constant 5 : i32
        %add3A_1689 = arith.addi %mul3A_1687, %add3A_1688 : i32
        %swap3A_1690 = arith.constant 2 : i32
        %swap3A_1691 = arith.index_cast %swap3A_1690 : i32 to index
        %swap3A_1692 = arith.index_cast %add3A_1689 : i32 to index
        %swap3A_1693 = arith.constant 0 : index
        %swap3A_1694 = tpu.vector_load %arg8[%swap3A_1691, %swap3A_1692, %swap3A_1693] {strides = array<i32>} : memref<4x200x64xf32, #tpu.memory_space<vmem>>, vector<1x1x16xf32>,
        %swap3A_1695 = vector.shape_cast %swap3A_1694 : vector<1x1x16xf32> to vector<16xf32>
        %swap3A_1696 = vector.shape_cast %broadcast_in_dim3A_1685 : vector<16xf32> to vector<1x1x16xf32>
        tpu.vector_store %arg8[%swap3A_1691, %swap3A_1692, %swap3A_1693], %swap3A_1696 {strides = array<i32>} : memref<4x200x64xf32, #tpu.memory_space<vmem>>, vector<1x1x16xf32>,
        %mul3A_1697 = arith.constant 8 : i32
        %mul3A_1698 = arith.muli %mul3A_1697, %scan3A_1443 : i32
        %add3A_1699 = arith.constant 5 : i32
        %add3A_1700 = arith.addi %mul3A_1698, %add3A_1699 : i32
        %swap3A_1701 = arith.constant 2 : i32
        %swap3A_1702 = arith.index_cast %swap3A_1701 : i32 to index
        %swap3A_1703 = arith.index_cast %add3A_1700 : i32 to index
        %swap3A_1704 = arith.constant 16 : index
        %swap3A_1705 = tpu.vector_load %arg8[%swap3A_1702, %swap3A_1703, %swap3A_1704] {strides = array<i32>} : memref<4x200x64xf32, #tpu.memory_space<vmem>>, vector<1x1x16xf32>,
        %swap3A_1706 = vector.shape_cast %swap3A_1705 : vector<1x1x16xf32> to vector<16xf32>
        %swap3A_1707 = vector.shape_cast %broadcast_in_dim3A_1685 : vector<16xf32> to vector<1x1x16xf32>
        tpu.vector_store %arg8[%swap3A_1702, %swap3A_1703, %swap3A_1704], %swap3A_1707 {strides = array<i32>} : memref<4x200x64xf32, #tpu.memory_space<vmem>>, vector<1x1x16xf32>,
        %mul3A_1708 = arith.constant 8 : i32
        %mul3A_1709 = arith.muli %mul3A_1708, %scan3A_1443 : i32
        %add3A_1710 = arith.constant 5 : i32
        %add3A_1711 = arith.addi %mul3A_1709, %add3A_1710 : i32
        %swap3A_1712 = arith.constant 2 : i32
        %swap3A_1713 = arith.index_cast %swap3A_1712 : i32 to index
        %swap3A_1714 = arith.index_cast %add3A_1711 : i32 to index
        %swap3A_1715 = arith.constant 32 : index
        %swap3A_1716 = tpu.vector_load %arg8[%swap3A_1713, %swap3A_1714, %swap3A_1715] {strides = array<i32>} : memref<4x200x64xf32, #tpu.memory_space<vmem>>, vector<1x1x16xf32>,
        %swap3A_1717 = vector.shape_cast %swap3A_1716 : vector<1x1x16xf32> to vector<16xf32>
        %swap3A_1718 = vector.shape_cast %broadcast_in_dim3A_1685 : vector<16xf32> to vector<1x1x16xf32>
        tpu.vector_store %arg8[%swap3A_1713, %swap3A_1714, %swap3A_1715], %swap3A_1718 {strides = array<i32>} : memref<4x200x64xf32, #tpu.memory_space<vmem>>, vector<1x1x16xf32>,
        %mul3A_1719 = arith.constant 8 : i32
        %mul3A_1720 = arith.muli %mul3A_1719, %scan3A_1443 : i32
        %add3A_1721 = arith.constant 5 : i32
        %add3A_1722 = arith.addi %mul3A_1720, %add3A_1721 : i32
        %swap3A_1723 = arith.constant 2 : i32
        %swap3A_1724 = arith.index_cast %swap3A_1723 : i32 to index
        %swap3A_1725 = arith.index_cast %add3A_1722 : i32 to index
        %swap3A_1726 = arith.constant 48 : index
        %swap3A_1727 = tpu.vector_load %arg8[%swap3A_1724, %swap3A_1725, %swap3A_1726] {strides = array<i32>} : memref<4x200x64xf32, #tpu.memory_space<vmem>>, vector<1x1x16xf32>,
        %swap3A_1728 = vector.shape_cast %swap3A_1727 : vector<1x1x16xf32> to vector<16xf32>
        %swap3A_1729 = vector.shape_cast %broadcast_in_dim3A_1685 : vector<16xf32> to vector<1x1x16xf32>
        tpu.vector_store %arg8[%swap3A_1724, %swap3A_1725, %swap3A_1726], %swap3A_1729 {strides = array<i32>} : memref<4x200x64xf32, #tpu.memory_space<vmem>>, vector<1x1x16xf32>,
        %slice3A_1730 = vector.extract_strided_slice %get3A_1450 {offsets = [6], sizes = [1], strides = [1]} : vector<16xf32> to vector<1xf32>
        %squeeze3A_1731 = vector.extract %slice3A_1730[0] : f32 from vector<1xf32>
        %broadcast_in_dim3A_1732 = vector.broadcast %squeeze3A_1731 : f32 to vector<16xf32>
        %mul3A_1733 = arith.constant 8 : i32
        %mul3A_1734 = arith.muli %mul3A_1733, %scan3A_1443 : i32
        %add3A_1735 = arith.constant 6 : i32
        %add3A_1736 = arith.addi %mul3A_1734, %add3A_1735 : i32
        %swap3A_1737 = arith.constant 2 : i32
        %swap3A_1738 = arith.index_cast %swap3A_1737 : i32 to index
        %swap3A_1739 = arith.index_cast %add3A_1736 : i32 to index
        %swap3A_1740 = arith.constant 0 : index
        %swap3A_1741 = tpu.vector_load %arg8[%swap3A_1738, %swap3A_1739, %swap3A_1740] {strides = array<i32>} : memref<4x200x64xf32, #tpu.memory_space<vmem>>, vector<1x1x16xf32>,
        %swap3A_1742 = vector.shape_cast %swap3A_1741 : vector<1x1x16xf32> to vector<16xf32>
        %swap3A_1743 = vector.shape_cast %broadcast_in_dim3A_1732 : vector<16xf32> to vector<1x1x16xf32>
        tpu.vector_store %arg8[%swap3A_1738, %swap3A_1739, %swap3A_1740], %swap3A_1743 {strides = array<i32>} : memref<4x200x64xf32, #tpu.memory_space<vmem>>, vector<1x1x16xf32>,
        %mul3A_1744 = arith.constant 8 : i32
        %mul3A_1745 = arith.muli %mul3A_1744, %scan3A_1443 : i32
        %add3A_1746 = arith.constant 6 : i32
        %add3A_1747 = arith.addi %mul3A_1745, %add3A_1746 : i32
        %swap3A_1748 = arith.constant 2 : i32
        %swap3A_1749 = arith.index_cast %swap3A_1748 : i32 to index
        %swap3A_1750 = arith.index_cast %add3A_1747 : i32 to index
        %swap3A_1751 = arith.constant 16 : index
        %swap3A_1752 = tpu.vector_load %arg8[%swap3A_1749, %swap3A_1750, %swap3A_1751] {strides = array<i32>} : memref<4x200x64xf32, #tpu.memory_space<vmem>>, vector<1x1x16xf32>,
        %swap3A_1753 = vector.shape_cast %swap3A_1752 : vector<1x1x16xf32> to vector<16xf32>
        %swap3A_1754 = vector.shape_cast %broadcast_in_dim3A_1732 : vector<16xf32> to vector<1x1x16xf32>
        tpu.vector_store %arg8[%swap3A_1749, %swap3A_1750, %swap3A_1751], %swap3A_1754 {strides = array<i32>} : memref<4x200x64xf32, #tpu.memory_space<vmem>>, vector<1x1x16xf32>,
        %mul3A_1755 = arith.constant 8 : i32
        %mul3A_1756 = arith.muli %mul3A_1755, %scan3A_1443 : i32
        %add3A_1757 = arith.constant 6 : i32
        %add3A_1758 = arith.addi %mul3A_1756, %add3A_1757 : i32
        %swap3A_1759 = arith.constant 2 : i32
        %swap3A_1760 = arith.index_cast %swap3A_1759 : i32 to index
        %swap3A_1761 = arith.index_cast %add3A_1758 : i32 to index
        %swap3A_1762 = arith.constant 32 : index
        %swap3A_1763 = tpu.vector_load %arg8[%swap3A_1760, %swap3A_1761, %swap3A_1762] {strides = array<i32>} : memref<4x200x64xf32, #tpu.memory_space<vmem>>, vector<1x1x16xf32>,
        %swap3A_1764 = vector.shape_cast %swap3A_1763 : vector<1x1x16xf32> to vector<16xf32>
        %swap3A_1765 = vector.shape_cast %broadcast_in_dim3A_1732 : vector<16xf32> to vector<1x1x16xf32>
        tpu.vector_store %arg8[%swap3A_1760, %swap3A_1761, %swap3A_1762], %swap3A_1765 {strides = array<i32>} : memref<4x200x64xf32, #tpu.memory_space<vmem>>, vector<1x1x16xf32>,
        %mul3A_1766 = arith.constant 8 : i32
        %mul3A_1767 = arith.muli %mul3A_1766, %scan3A_1443 : i32
        %add3A_1768 = arith.constant 6 : i32
        %add3A_1769 = arith.addi %mul3A_1767, %add3A_1768 : i32
        %swap3A_1770 = arith.constant 2 : i32
        %swap3A_1771 = arith.index_cast %swap3A_1770 : i32 to index
        %swap3A_1772 = arith.index_cast %add3A_1769 : i32 to index
        %swap3A_1773 = arith.constant 48 : index
        %swap3A_1774 = tpu.vector_load %arg8[%swap3A_1771, %swap3A_1772, %swap3A_1773] {strides = array<i32>} : memref<4x200x64xf32, #tpu.memory_space<vmem>>, vector<1x1x16xf32>,
        %swap3A_1775 = vector.shape_cast %swap3A_1774 : vector<1x1x16xf32> to vector<16xf32>
        %swap3A_1776 = vector.shape_cast %broadcast_in_dim3A_1732 : vector<16xf32> to vector<1x1x16xf32>
        tpu.vector_store %arg8[%swap3A_1771, %swap3A_1772, %swap3A_1773], %swap3A_1776 {strides = array<i32>} : memref<4x200x64xf32, #tpu.memory_space<vmem>>, vector<1x1x16xf32>,
        %slice3A_1777 = vector.extract_strided_slice %get3A_1450 {offsets = [7], sizes = [1], strides = [1]} : vector<16xf32> to vector<1xf32>
        %squeeze3A_1778 = vector.extract %slice3A_1777[0] : f32 from vector<1xf32>
        %broadcast_in_dim3A_1779 = vector.broadcast %squeeze3A_1778 : f32 to vector<16xf32>
        %mul3A_1780 = arith.constant 8 : i32
        %mul3A_1781 = arith.muli %mul3A_1780, %scan3A_1443 : i32
        %add3A_1782 = arith.constant 7 : i32
        %add3A_1783 = arith.addi %mul3A_1781, %add3A_1782 : i32
        %swap3A_1784 = arith.constant 2 : i32
        %swap3A_1785 = arith.index_cast %swap3A_1784 : i32 to index
        %swap3A_1786 = arith.index_cast %add3A_1783 : i32 to index
        %swap3A_1787 = arith.constant 0 : index
        %swap3A_1788 = tpu.vector_load %arg8[%swap3A_1785, %swap3A_1786, %swap3A_1787] {strides = array<i32>} : memref<4x200x64xf32, #tpu.memory_space<vmem>>, vector<1x1x16xf32>,
        %swap3A_1789 = vector.shape_cast %swap3A_1788 : vector<1x1x16xf32> to vector<16xf32>
        %swap3A_1790 = vector.shape_cast %broadcast_in_dim3A_1779 : vector<16xf32> to vector<1x1x16xf32>
        tpu.vector_store %arg8[%swap3A_1785, %swap3A_1786, %swap3A_1787], %swap3A_1790 {strides = array<i32>} : memref<4x200x64xf32, #tpu.memory_space<vmem>>, vector<1x1x16xf32>,
        %mul3A_1791 = arith.constant 8 : i32
        %mul3A_1792 = arith.muli %mul3A_1791, %scan3A_1443 : i32
        %add3A_1793 = arith.constant 7 : i32
        %add3A_1794 = arith.addi %mul3A_1792, %add3A_1793 : i32
        %swap3A_1795 = arith.constant 2 : i32
        %swap3A_1796 = arith.index_cast %swap3A_1795 : i32 to index
        %swap3A_1797 = arith.index_cast %add3A_1794 : i32 to index
        %swap3A_1798 = arith.constant 16 : index
        %swap3A_1799 = tpu.vector_load %arg8[%swap3A_1796, %swap3A_1797, %swap3A_1798] {strides = array<i32>} : memref<4x200x64xf32, #tpu.memory_space<vmem>>, vector<1x1x16xf32>,
        %swap3A_1800 = vector.shape_cast %swap3A_1799 : vector<1x1x16xf32> to vector<16xf32>
        %swap3A_1801 = vector.shape_cast %broadcast_in_dim3A_1779 : vector<16xf32> to vector<1x1x16xf32>
        tpu.vector_store %arg8[%swap3A_1796, %swap3A_1797, %swap3A_1798], %swap3A_1801 {strides = array<i32>} : memref<4x200x64xf32, #tpu.memory_space<vmem>>, vector<1x1x16xf32>,
        %mul3A_1802 = arith.constant 8 : i32
        %mul3A_1803 = arith.muli %mul3A_1802, %scan3A_1443 : i32
        %add3A_1804 = arith.constant 7 : i32
        %add3A_1805 = arith.addi %mul3A_1803, %add3A_1804 : i32
        %swap3A_1806 = arith.constant 2 : i32
        %swap3A_1807 = arith.index_cast %swap3A_1806 : i32 to index
        %swap3A_1808 = arith.index_cast %add3A_1805 : i32 to index
        %swap3A_1809 = arith.constant 32 : index
        %swap3A_1810 = tpu.vector_load %arg8[%swap3A_1807, %swap3A_1808, %swap3A_1809] {strides = array<i32>} : memref<4x200x64xf32, #tpu.memory_space<vmem>>, vector<1x1x16xf32>,
        %swap3A_1811 = vector.shape_cast %swap3A_1810 : vector<1x1x16xf32> to vector<16xf32>
        %swap3A_1812 = vector.shape_cast %broadcast_in_dim3A_1779 : vector<16xf32> to vector<1x1x16xf32>
        tpu.vector_store %arg8[%swap3A_1807, %swap3A_1808, %swap3A_1809], %swap3A_1812 {strides = array<i32>} : memref<4x200x64xf32, #tpu.memory_space<vmem>>, vector<1x1x16xf32>,
        %mul3A_1813 = arith.constant 8 : i32
        %mul3A_1814 = arith.muli %mul3A_1813, %scan3A_1443 : i32
        %add3A_1815 = arith.constant 7 : i32
        %add3A_1816 = arith.addi %mul3A_1814, %add3A_1815 : i32
        %swap3A_1817 = arith.constant 2 : i32
        %swap3A_1818 = arith.index_cast %swap3A_1817 : i32 to index
        %swap3A_1819 = arith.index_cast %add3A_1816 : i32 to index
        %swap3A_1820 = arith.constant 48 : index
        %swap3A_1821 = tpu.vector_load %arg8[%swap3A_1818, %swap3A_1819, %swap3A_1820] {strides = array<i32>} : memref<4x200x64xf32, #tpu.memory_space<vmem>>, vector<1x1x16xf32>,
        %swap3A_1822 = vector.shape_cast %swap3A_1821 : vector<1x1x16xf32> to vector<16xf32>
        %swap3A_1823 = vector.shape_cast %broadcast_in_dim3A_1779 : vector<16xf32> to vector<1x1x16xf32>
        tpu.vector_store %arg8[%swap3A_1818, %swap3A_1819, %swap3A_1820], %swap3A_1823 {strides = array<i32>} : memref<4x200x64xf32, #tpu.memory_space<vmem>>, vector<1x1x16xf32>,
      }
      %scan3A_1168 = arith.constant 25 : i32
      %dma_wait3A_1169 = arith.constant 0 : i32
      %dma_wait3A_1170 = arith.constant 0 : i32
      %dma_wait3A_1171 = arith.constant 0 : i32
      %dma_wait3A_1172 = tpu.memref_slice %arg7[%dma_wait3A_1169, %dma_wait3A_1170, %dma_wait3A_1171] : memref<4x200x64xf32, #tpu.memory_space<vmem>> -> memref<1x104x64xf32, #tpu.memory_space<vmem>>
      %dma_wait3A_1173 = tpu.memref_squeeze %dma_wait3A_1172 : memref<1x104x64xf32, #tpu.memory_space<vmem>> -> memref<104x64xf32, #tpu.memory_space<vmem>>
      %dma_wait3A_1174 = arith.constant 0 : i32
      %dma_wait3A_1175 = tpu.memref_slice %arg5[%dma_wait3A_1174] : memref<12800xi32, #tpu.memory_space<vmem>> -> memref<104xi32, #tpu.memory_space<vmem>>
      %dma_wait3A_1176 = arith.constant 0 : i32
      %dma_wait3A_1177 = arith.constant 0 : i32
      %dma_wait3A_1178 = tpu.memref_slice %arg3[%dma_wait3A_1176, %dma_wait3A_1177] : memref<100000x64xf32, #tpu.memory_space<hbm>> -> memref<100000x64xf32, #tpu.memory_space<hbm>>
      tpu.wait_indirect_dma semaphore(%arg9 : memref<!tpu.dma_semaphore, #tpu.memory_space<semaphore_mem>>) src(%dma_wait3A_1178 : memref<100000x64xf32, #tpu.memory_space<hbm>>) dst(%dma_wait3A_1173 : memref<104x64xf32, #tpu.memory_space<vmem>>)
      %dma_wait3A_1179 = arith.constant 0 : i32
      %dma_wait3A_1180 = arith.constant 104 : i32
      %dma_wait3A_1181 = arith.constant 0 : i32
      %dma_wait3A_1182 = tpu.memref_slice %arg7[%dma_wait3A_1179, %dma_wait3A_1180, %dma_wait3A_1181] : memref<4x200x64xf32, #tpu.memory_space<vmem>> -> memref<1x96x64xf32, #tpu.memory_space<vmem>>
      %dma_wait3A_1183 = tpu.memref_squeeze %dma_wait3A_1182 : memref<1x96x64xf32, #tpu.memory_space<vmem>> -> memref<96x64xf32, #tpu.memory_space<vmem>>
      %dma_wait3A_1184 = arith.constant 104 : i32
      %dma_wait3A_1185 = tpu.memref_slice %arg5[%dma_wait3A_1184] : memref<12800xi32, #tpu.memory_space<vmem>> -> memref<96xi32, #tpu.memory_space<vmem>>
      %dma_wait3A_1186 = arith.constant 0 : i32
      %dma_wait3A_1187 = arith.constant 0 : i32
      %dma_wait3A_1188 = tpu.memref_slice %arg3[%dma_wait3A_1186, %dma_wait3A_1187] : memref<100000x64xf32, #tpu.memory_space<hbm>> -> memref<100000x64xf32, #tpu.memory_space<hbm>>
      tpu.wait_indirect_dma semaphore(%arg9 : memref<!tpu.dma_semaphore, #tpu.memory_space<semaphore_mem>>) src(%dma_wait3A_1188 : memref<100000x64xf32, #tpu.memory_space<hbm>>) dst(%dma_wait3A_1183 : memref<96x64xf32, #tpu.memory_space<vmem>>)
      %sub3A_1189 = arith.constant 2 : i32
      %sub3A_1190 = arith.subi %add3A_1076, %sub3A_1189 : i32
      %mul3A_1191 = arith.constant 128 : i32
      %mul3A_1192 = arith.muli %add3A, %mul3A_1191 : i32
      %mul3A_1193 = arith.constant 2 : i32
      %mul3A_1194 = arith.muli %mul3A_1193, %sub3A_1190 : i32
      %add3A_1195 = arith.addi %mul3A_1192, %mul3A_1194 : i32
      %mul3A_1196 = arith.constant 2 : i32
      %mul3A_1197 = arith.muli %add3A_1195, %mul3A_1196 : i32
      %mul3A_1198 = arith.constant 100 : i32
      %mul3A_1199 = arith.muli %mul3A_1197, %mul3A_1198 : i32
      %dma_start3A_1200 = arith.constant 0 : i32
      %dma_start3A_1201 = arith.constant 0 : i32
      %dma_start3A_1202 = arith.constant 0 : i32
      %dma_start3A_1203 = tpu.memref_slice %arg7[%dma_start3A_1200, %dma_start3A_1201, %dma_start3A_1202] : memref<4x200x64xf32, #tpu.memory_space<vmem>> -> memref<1x100x64xf32, #tpu.memory_space<vmem>>
      %dma_start3A_1204 = tpu.memref_squeeze %dma_start3A_1203 : memref<1x100x64xf32, #tpu.memory_space<vmem>> -> memref<100x64xf32, #tpu.memory_space<vmem>>
      %dma_start3A_1205 = arith.constant 0 : i32
      %dma_start3A_1206 = tpu.memref_slice %arg4[%mul3A_1199, %dma_start3A_1205] : memref<819200x64xf32, #tpu.memory_space<hbm>> -> memref<100x64xf32, #tpu.memory_space<hbm>>
      %dma_start3A_1207 = arith.constant 0 : i32
      %dma_start3A_1208 = tpu.memref_slice %arg4[%mul3A_1199, %dma_start3A_1207] : memref<819200x64xf32, #tpu.memory_space<hbm>> -> memref<100x64xf32, #tpu.memory_space<hbm>>
      %dma_start3A_1209 = arith.constant 0 : i32
      %dma_start3A_1210 = arith.constant 0 : i32
      %dma_start3A_1211 = tpu.memref_slice %arg7[%dma_start3A_1200, %dma_start3A_1209, %dma_start3A_1210] : memref<4x200x64xf32, #tpu.memory_space<vmem>> -> memref<1x100x64xf32, #tpu.memory_space<vmem>>
      %dma_start3A_1212 = tpu.memref_squeeze %dma_start3A_1211 : memref<1x100x64xf32, #tpu.memory_space<vmem>> -> memref<100x64xf32, #tpu.memory_space<vmem>>
      tpu.enqueue_dma source(%dma_start3A_1212 : memref<100x64xf32, #tpu.memory_space<vmem>>) target(%dma_start3A_1208 : memref<100x64xf32, #tpu.memory_space<hbm>>) target_semaphore(%arg13 : memref<!tpu.dma_semaphore, #tpu.memory_space<semaphore_mem>>)
      %add3A_1213 = arith.constant 100 : i32
      %add3A_1214 = arith.addi %mul3A_1199, %add3A_1213 : i32
      %dma_start3A_1215 = arith.constant 0 : i32
      %dma_start3A_1216 = arith.constant 0 : i32
      %dma_start3A_1217 = arith.constant 0 : i32
      %dma_start3A_1218 = tpu.memref_slice %arg8[%dma_start3A_1215, %dma_start3A_1216, %dma_start3A_1217] : memref<4x200x64xf32, #tpu.memory_space<vmem>> -> memref<1x100x64xf32, #tpu.memory_space<vmem>>
      %dma_start3A_1219 = tpu.memref_squeeze %dma_start3A_1218 : memref<1x100x64xf32, #tpu.memory_space<vmem>> -> memref<100x64xf32, #tpu.memory_space<vmem>>
      %dma_start3A_1220 = arith.constant 0 : i32
      %dma_start3A_1221 = tpu.memref_slice %arg4[%add3A_1214, %dma_start3A_1220] : memref<819200x64xf32, #tpu.memory_space<hbm>> -> memref<100x64xf32, #tpu.memory_space<hbm>>
      %dma_start3A_1222 = arith.constant 0 : i32
      %dma_start3A_1223 = tpu.memref_slice %arg4[%add3A_1214, %dma_start3A_1222] : memref<819200x64xf32, #tpu.memory_space<hbm>> -> memref<100x64xf32, #tpu.memory_space<hbm>>
      %dma_start3A_1224 = arith.constant 0 : i32
      %dma_start3A_1225 = arith.constant 0 : i32
      %dma_start3A_1226 = tpu.memref_slice %arg8[%dma_start3A_1215, %dma_start3A_1224, %dma_start3A_1225] : memref<4x200x64xf32, #tpu.memory_space<vmem>> -> memref<1x100x64xf32, #tpu.memory_space<vmem>>
      %dma_start3A_1227 = tpu.memref_squeeze %dma_start3A_1226 : memref<1x100x64xf32, #tpu.memory_space<vmem>> -> memref<100x64xf32, #tpu.memory_space<vmem>>
      tpu.enqueue_dma source(%dma_start3A_1227 : memref<100x64xf32, #tpu.memory_space<vmem>>) target(%dma_start3A_1223 : memref<100x64xf32, #tpu.memory_space<hbm>>) target_semaphore(%arg13 : memref<!tpu.dma_semaphore, #tpu.memory_space<semaphore_mem>>)
      %add3A_1228 = arith.constant 200 : i32
      %add3A_1229 = arith.addi %mul3A_1199, %add3A_1228 : i32
      %dma_start3A_1230 = arith.constant 0 : i32
      %dma_start3A_1231 = arith.constant 100 : i32
      %dma_start3A_1232 = arith.constant 0 : i32
      %dma_start3A_1233 = tpu.memref_slice %arg7[%dma_start3A_1230, %dma_start3A_1231, %dma_start3A_1232] : memref<4x200x64xf32, #tpu.memory_space<vmem>> -> memref<1x100x64xf32, #tpu.memory_space<vmem>>
      %dma_start3A_1234 = tpu.memref_squeeze %dma_start3A_1233 : memref<1x100x64xf32, #tpu.memory_space<vmem>> -> memref<100x64xf32, #tpu.memory_space<vmem>>
      %dma_start3A_1235 = arith.constant 0 : i32
      %dma_start3A_1236 = tpu.memref_slice %arg4[%add3A_1229, %dma_start3A_1235] : memref<819200x64xf32, #tpu.memory_space<hbm>> -> memref<100x64xf32, #tpu.memory_space<hbm>>
      %dma_start3A_1237 = arith.constant 0 : i32
      %dma_start3A_1238 = tpu.memref_slice %arg4[%add3A_1229, %dma_start3A_1237] : memref<819200x64xf32, #tpu.memory_space<hbm>> -> memref<100x64xf32, #tpu.memory_space<hbm>>
      %dma_start3A_1239 = arith.constant 100 : i32
      %dma_start3A_1240 = arith.constant 0 : i32
      %dma_start3A_1241 = tpu.memref_slice %arg7[%dma_start3A_1230, %dma_start3A_1239, %dma_start3A_1240] : memref<4x200x64xf32, #tpu.memory_space<vmem>> -> memref<1x100x64xf32, #tpu.memory_space<vmem>>
      %dma_start3A_1242 = tpu.memref_squeeze %dma_start3A_1241 : memref<1x100x64xf32, #tpu.memory_space<vmem>> -> memref<100x64xf32, #tpu.memory_space<vmem>>
      tpu.enqueue_dma source(%dma_start3A_1242 : memref<100x64xf32, #tpu.memory_space<vmem>>) target(%dma_start3A_1238 : memref<100x64xf32, #tpu.memory_space<hbm>>) target_semaphore(%arg13 : memref<!tpu.dma_semaphore, #tpu.memory_space<semaphore_mem>>)
      %add3A_1243 = arith.constant 300 : i32
      %add3A_1244 = arith.addi %mul3A_1199, %add3A_1243 : i32
      %dma_start3A_1245 = arith.constant 0 : i32
      %dma_start3A_1246 = arith.constant 100 : i32
      %dma_start3A_1247 = arith.constant 0 : i32
      %dma_start3A_1248 = tpu.memref_slice %arg8[%dma_start3A_1245, %dma_start3A_1246, %dma_start3A_1247] : memref<4x200x64xf32, #tpu.memory_space<vmem>> -> memref<1x100x64xf32, #tpu.memory_space<vmem>>
      %dma_start3A_1249 = tpu.memref_squeeze %dma_start3A_1248 : memref<1x100x64xf32, #tpu.memory_space<vmem>> -> memref<100x64xf32, #tpu.memory_space<vmem>>
      %dma_start3A_1250 = arith.constant 0 : i32
      %dma_start3A_1251 = tpu.memref_slice %arg4[%add3A_1244, %dma_start3A_1250] : memref<819200x64xf32, #tpu.memory_space<hbm>> -> memref<100x64xf32, #tpu.memory_space<hbm>>
      %dma_start3A_1252 = arith.constant 0 : i32
      %dma_start3A_1253 = tpu.memref_slice %arg4[%add3A_1244, %dma_start3A_1252] : memref<819200x64xf32, #tpu.memory_space<hbm>> -> memref<100x64xf32, #tpu.memory_space<hbm>>
      %dma_start3A_1254 = arith.constant 100 : i32
      %dma_start3A_1255 = arith.constant 0 : i32
      %dma_start3A_1256 = tpu.memref_slice %arg8[%dma_start3A_1245, %dma_start3A_1254, %dma_start3A_1255] : memref<4x200x64xf32, #tpu.memory_space<vmem>> -> memref<1x100x64xf32, #tpu.memory_space<vmem>>
      %dma_start3A_1257 = tpu.memref_squeeze %dma_start3A_1256 : memref<1x100x64xf32, #tpu.memory_space<vmem>> -> memref<100x64xf32, #tpu.memory_space<vmem>>
      tpu.enqueue_dma source(%dma_start3A_1257 : memref<100x64xf32, #tpu.memory_space<vmem>>) target(%dma_start3A_1253 : memref<100x64xf32, #tpu.memory_space<hbm>>) target_semaphore(%arg13 : memref<!tpu.dma_semaphore, #tpu.memory_space<semaphore_mem>>)
      %mul3A_1258 = arith.constant 4 : i32
      %mul3A_1259 = arith.muli %mul3A_1258, %scan3A_703 : i32
      %add3A_1260 = arith.constant 3 : i32
      %add3A_1261 = arith.addi %mul3A_1259, %add3A_1260 : i32
      %dma_wait3A_1262 = arith.constant 3 : i32
      %dma_wait3A_1263 = arith.constant 0 : i32
      %dma_wait3A_1264 = arith.constant 0 : i32
      %dma_wait3A_1265 = tpu.memref_slice %arg7[%dma_wait3A_1262, %dma_wait3A_1263, %dma_wait3A_1264] : memref<4x200x64xf32, #tpu.memory_space<vmem>> -> memref<1x100x64xf32, #tpu.memory_space<vmem>>
      %dma_wait3A_1266 = tpu.memref_squeeze %dma_wait3A_1265 : memref<1x100x64xf32, #tpu.memory_space<vmem>> -> memref<100x64xf32, #tpu.memory_space<vmem>>
      %dma_wait3A_1267 = arith.constant 0 : i32
      %dma_wait3A_1268 = arith.constant 0 : i32
      %dma_wait3A_1269 = tpu.memref_slice %arg4[%dma_wait3A_1267, %dma_wait3A_1268] : memref<819200x64xf32, #tpu.memory_space<hbm>> -> memref<100x64xf32, #tpu.memory_space<hbm>>
      %dma_wait3A_1270 = arith.constant 0 : i32
      %dma_wait3A_1271 = arith.constant 0 : i32
      %dma_wait3A_1272 = tpu.memref_slice %arg4[%dma_wait3A_1270, %dma_wait3A_1271] : memref<819200x64xf32, #tpu.memory_space<hbm>> -> memref<100x64xf32, #tpu.memory_space<hbm>>
      %dma_wait3A_1273 = arith.constant 0 : i32
      %dma_wait3A_1274 = arith.constant 0 : i32
      %dma_wait3A_1275 = tpu.memref_slice %arg7[%dma_wait3A_1262, %dma_wait3A_1273, %dma_wait3A_1274] : memref<4x200x64xf32, #tpu.memory_space<vmem>> -> memref<1x100x64xf32, #tpu.memory_space<vmem>>
      %dma_wait3A_1276 = tpu.memref_squeeze %dma_wait3A_1275 : memref<1x100x64xf32, #tpu.memory_space<vmem>> -> memref<100x64xf32, #tpu.memory_space<vmem>>
      tpu.wait_dma2 semaphore(%arg16 : memref<!tpu.dma_semaphore, #tpu.memory_space<semaphore_mem>>) src(%dma_wait3A_1276 : memref<100x64xf32, #tpu.memory_space<vmem>>) dst(%dma_wait3A_1272 : memref<100x64xf32, #tpu.memory_space<hbm>>)
      %dma_wait3A_1277 = arith.constant 3 : i32
      %dma_wait3A_1278 = arith.constant 0 : i32
      %dma_wait3A_1279 = arith.constant 0 : i32
      %dma_wait3A_1280 = tpu.memref_slice %arg8[%dma_wait3A_1277, %dma_wait3A_1278, %dma_wait3A_1279] : memref<4x200x64xf32, #tpu.memory_space<vmem>> -> memref<1x100x64xf32, #tpu.memory_space<vmem>>
      %dma_wait3A_1281 = tpu.memref_squeeze %dma_wait3A_1280 : memref<1x100x64xf32, #tpu.memory_space<vmem>> -> memref<100x64xf32, #tpu.memory_space<vmem>>
      %dma_wait3A_1282 = arith.constant 0 : i32
      %dma_wait3A_1283 = arith.constant 0 : i32
      %dma_wait3A_1284 = tpu.memref_slice %arg4[%dma_wait3A_1282, %dma_wait3A_1283] : memref<819200x64xf32, #tpu.memory_space<hbm>> -> memref<100x64xf32, #tpu.memory_space<hbm>>
      %dma_wait3A_1285 = arith.constant 0 : i32
      %dma_wait3A_1286 = arith.constant 0 : i32
      %dma_wait3A_1287 = tpu.memref_slice %arg4[%dma_wait3A_1285, %dma_wait3A_1286] : memref<819200x64xf32, #tpu.memory_space<hbm>> -> memref<100x64xf32, #tpu.memory_space<hbm>>
      %dma_wait3A_1288 = arith.constant 0 : i32
      %dma_wait3A_1289 = arith.constant 0 : i32
      %dma_wait3A_1290 = tpu.memref_slice %arg8[%dma_wait3A_1277, %dma_wait3A_1288, %dma_wait3A_1289] : memref<4x200x64xf32, #tpu.memory_space<vmem>> -> memref<1x100x64xf32, #tpu.memory_space<vmem>>
      %dma_wait3A_1291 = tpu.memref_squeeze %dma_wait3A_1290 : memref<1x100x64xf32, #tpu.memory_space<vmem>> -> memref<100x64xf32, #tpu.memory_space<vmem>>
      tpu.wait_dma2 semaphore(%arg16 : memref<!tpu.dma_semaphore, #tpu.memory_space<semaphore_mem>>) src(%dma_wait3A_1291 : memref<100x64xf32, #tpu.memory_space<vmem>>) dst(%dma_wait3A_1287 : memref<100x64xf32, #tpu.memory_space<hbm>>)
      %dma_wait3A_1292 = arith.constant 3 : i32
      %dma_wait3A_1293 = arith.constant 0 : i32
      %dma_wait3A_1294 = arith.constant 0 : i32
      %dma_wait3A_1295 = tpu.memref_slice %arg7[%dma_wait3A_1292, %dma_wait3A_1293, %dma_wait3A_1294] : memref<4x200x64xf32, #tpu.memory_space<vmem>> -> memref<1x100x64xf32, #tpu.memory_space<vmem>>
      %dma_wait3A_1296 = tpu.memref_squeeze %dma_wait3A_1295 : memref<1x100x64xf32, #tpu.memory_space<vmem>> -> memref<100x64xf32, #tpu.memory_space<vmem>>
      %dma_wait3A_1297 = arith.constant 0 : i32
      %dma_wait3A_1298 = arith.constant 0 : i32
      %dma_wait3A_1299 = tpu.memref_slice %arg4[%dma_wait3A_1297, %dma_wait3A_1298] : memref<819200x64xf32, #tpu.memory_space<hbm>> -> memref<100x64xf32, #tpu.memory_space<hbm>>
      %dma_wait3A_1300 = arith.constant 0 : i32
      %dma_wait3A_1301 = arith.constant 0 : i32
      %dma_wait3A_1302 = tpu.memref_slice %arg4[%dma_wait3A_1300, %dma_wait3A_1301] : memref<819200x64xf32, #tpu.memory_space<hbm>> -> memref<100x64xf32, #tpu.memory_space<hbm>>
      %dma_wait3A_1303 = arith.constant 0 : i32
      %dma_wait3A_1304 = arith.constant 0 : i32
      %dma_wait3A_1305 = tpu.memref_slice %arg7[%dma_wait3A_1292, %dma_wait3A_1303, %dma_wait3A_1304] : memref<4x200x64xf32, #tpu.memory_space<vmem>> -> memref<1x100x64xf32, #tpu.memory_space<vmem>>
      %dma_wait3A_1306 = tpu.memref_squeeze %dma_wait3A_1305 : memref<1x100x64xf32, #tpu.memory_space<vmem>> -> memref<100x64xf32, #tpu.memory_space<vmem>>
      tpu.wait_dma2 semaphore(%arg16 : memref<!tpu.dma_semaphore, #tpu.memory_space<semaphore_mem>>) src(%dma_wait3A_1306 : memref<100x64xf32, #tpu.memory_space<vmem>>) dst(%dma_wait3A_1302 : memref<100x64xf32, #tpu.memory_space<hbm>>)
      %dma_wait3A_1307 = arith.constant 3 : i32
      %dma_wait3A_1308 = arith.constant 0 : i32
      %dma_wait3A_1309 = arith.constant 0 : i32
      %dma_wait3A_1310 = tpu.memref_slice %arg8[%dma_wait3A_1307, %dma_wait3A_1308, %dma_wait3A_1309] : memref<4x200x64xf32, #tpu.memory_space<vmem>> -> memref<1x100x64xf32, #tpu.memory_space<vmem>>
      %dma_wait3A_1311 = tpu.memref_squeeze %dma_wait3A_1310 : memref<1x100x64xf32, #tpu.memory_space<vmem>> -> memref<100x64xf32, #tpu.memory_space<vmem>>
      %dma_wait3A_1312 = arith.constant 0 : i32
      %dma_wait3A_1313 = arith.constant 0 : i32
      %dma_wait3A_1314 = tpu.memref_slice %arg4[%dma_wait3A_1312, %dma_wait3A_1313] : memref<819200x64xf32, #tpu.memory_space<hbm>> -> memref<100x64xf32, #tpu.memory_space<hbm>>
      %dma_wait3A_1315 = arith.constant 0 : i32
      %dma_wait3A_1316 = arith.constant 0 : i32
      %dma_wait3A_1317 = tpu.memref_slice %arg4[%dma_wait3A_1315, %dma_wait3A_1316] : memref<819200x64xf32, #tpu.memory_space<hbm>> -> memref<100x64xf32, #tpu.memory_space<hbm>>
      %dma_wait3A_1318 = arith.constant 0 : i32
      %dma_wait3A_1319 = arith.constant 0 : i32
      %dma_wait3A_1320 = tpu.memref_slice %arg8[%dma_wait3A_1307, %dma_wait3A_1318, %dma_wait3A_1319] : memref<4x200x64xf32, #tpu.memory_space<vmem>> -> memref<1x100x64xf32, #tpu.memory_space<vmem>>
      %dma_wait3A_1321 = tpu.memref_squeeze %dma_wait3A_1320 : memref<1x100x64xf32, #tpu.memory_space<vmem>> -> memref<100x64xf32, #tpu.memory_space<vmem>>
      tpu.wait_dma2 semaphore(%arg16 : memref<!tpu.dma_semaphore, #tpu.memory_space<semaphore_mem>>) src(%dma_wait3A_1321 : memref<100x64xf32, #tpu.memory_space<vmem>>) dst(%dma_wait3A_1317 : memref<100x64xf32, #tpu.memory_space<hbm>>)
      %mul3A_1322 = arith.constant 200 : i32
      %mul3A_1323 = arith.muli %mul3A_1322, %add3A_1261 : i32
      %add3A_1324 = arith.constant 0 : i32
      %add3A_1325 = arith.addi %mul3A_1323, %add3A_1324 : i32
      %dma_start3A_1326 = arith.constant 3 : i32
      %dma_start3A_1327 = arith.constant 0 : i32
      %dma_start3A_1328 = arith.constant 0 : i32
      %dma_start3A_1329 = tpu.memref_slice %arg7[%dma_start3A_1326, %dma_start3A_1327, %dma_start3A_1328] : memref<4x200x64xf32, #tpu.memory_space<vmem>> -> memref<1x104x64xf32, #tpu.memory_space<vmem>>
      %dma_start3A_1330 = tpu.memref_squeeze %dma_start3A_1329 : memref<1x104x64xf32, #tpu.memory_space<vmem>> -> memref<104x64xf32, #tpu.memory_space<vmem>>
      %dma_start3A_1331 = tpu.memref_slice %arg5[%add3A_1325] : memref<12800xi32, #tpu.memory_space<vmem>> -> memref<104xi32, #tpu.memory_space<vmem>>
      %dma_start3A_1332 = arith.constant 0 : i32
      %dma_start3A_1333 = arith.constant 0 : i32
      %dma_start3A_1334 = tpu.memref_slice %arg3[%dma_start3A_1332, %dma_start3A_1333] : memref<100000x64xf32, #tpu.memory_space<hbm>> -> memref<100000x64xf32, #tpu.memory_space<hbm>>
      tpu.enqueue_indirect_dma source(%dma_start3A_1334 : memref<100000x64xf32, #tpu.memory_space<hbm>>) target(%dma_start3A_1330 : memref<104x64xf32, #tpu.memory_space<vmem>>) offsets(%dma_start3A_1331 : memref<104xi32, #tpu.memory_space<vmem>>) semaphore(%arg12 : memref<!tpu.dma_semaphore, #tpu.memory_space<semaphore_mem>>)
      %mul3A_1335 = arith.constant 200 : i32
      %mul3A_1336 = arith.muli %mul3A_1335, %add3A_1261 : i32
      %add3A_1337 = arith.constant 104 : i32
      %add3A_1338 = arith.addi %mul3A_1336, %add3A_1337 : i32
      %dma_start3A_1339 = arith.constant 3 : i32
      %dma_start3A_1340 = arith.constant 104 : i32
      %dma_start3A_1341 = arith.constant 0 : i32
      %dma_start3A_1342 = tpu.memref_slice %arg7[%dma_start3A_1339, %dma_start3A_1340, %dma_start3A_1341] : memref<4x200x64xf32, #tpu.memory_space<vmem>> -> memref<1x96x64xf32, #tpu.memory_space<vmem>>
      %dma_start3A_1343 = tpu.memref_squeeze %dma_start3A_1342 : memref<1x96x64xf32, #tpu.memory_space<vmem>> -> memref<96x64xf32, #tpu.memory_space<vmem>>
      %dma_start3A_1344 = tpu.memref_slice %arg5[%add3A_1338] : memref<12800xi32, #tpu.memory_space<vmem>> -> memref<96xi32, #tpu.memory_space<vmem>>
      %dma_start3A_1345 = arith.constant 0 : i32
      %dma_start3A_1346 = arith.constant 0 : i32
      %dma_start3A_1347 = tpu.memref_slice %arg3[%dma_start3A_1345, %dma_start3A_1346] : memref<100000x64xf32, #tpu.memory_space<hbm>> -> memref<100000x64xf32, #tpu.memory_space<hbm>>
      tpu.enqueue_indirect_dma source(%dma_start3A_1347 : memref<100000x64xf32, #tpu.memory_space<hbm>>) target(%dma_start3A_1343 : memref<96x64xf32, #tpu.memory_space<vmem>>) offsets(%dma_start3A_1344 : memref<96xi32, #tpu.memory_space<vmem>>) semaphore(%arg12 : memref<!tpu.dma_semaphore, #tpu.memory_space<semaphore_mem>>)
      %scan3A_1348 = arith.constant 0 : i32
      %scan3A_1349 = arith.constant 0 : i32
      %scan3A_1350 = arith.constant 25 : i32
      %scan3A_1351 = arith.addi %scan3A_1349, %scan3A_1350 : i32
      %scan3A_1352 = arith.constant 1 : i32
      scf.for %scan3A_1443 = %scan3A_1349 to %scan3A_1351 step %scan3A_1352  : i32 {
        %mul3A_1444 = arith.constant 200 : i32
        %mul3A_1445 = arith.muli %mul3A_1444, %add3A_1261 : i32
        %mul3A_1446 = arith.constant 8 : i32
        %mul3A_1447 = arith.muli %mul3A_1446, %scan3A_1443 : i32
        %add3A_1448 = arith.addi %mul3A_1445, %mul3A_1447 : i32
        %get3A = arith.index_cast %add3A_1448 : i32 to index
        %get3A_1449 = tpu.vector_load %arg6[%get3A] {strides = array<i32>} : memref<12816xf32, #tpu.memory_space<vmem>>, vector<16xf32>,
        %get3A_1450 = vector.shape_cast %get3A_1449 : vector<16xf32> to vector<16xf32>
        %slice3A = vector.extract_strided_slice %get3A_1450 {offsets = [0], sizes = [1], strides = [1]} : vector<16xf32> to vector<1xf32>
        %squeeze3A = vector.extract %slice3A[0] : f32 from vector<1xf32>
        %broadcast_in_dim3A_1451 = vector.broadcast %squeeze3A : f32 to vector<16xf32>
        %mul3A_1452 = arith.constant 8 : i32
        %mul3A_1453 = arith.muli %mul3A_1452, %scan3A_1443 : i32
        %add3A_1454 = arith.constant 0 : i32
        %add3A_1455 = arith.addi %mul3A_1453, %add3A_1454 : i32
        %swap3A = arith.constant 3 : i32
        %swap3A_1456 = arith.index_cast %swap3A : i32 to index
        %swap3A_1457 = arith.index_cast %add3A_1455 : i32 to index
        %swap3A_1458 = arith.constant 0 : index
        %swap3A_1459 = tpu.vector_load %arg8[%swap3A_1456, %swap3A_1457, %swap3A_1458] {strides = array<i32>} : memref<4x200x64xf32, #tpu.memory_space<vmem>>, vector<1x1x16xf32>,
        %swap3A_1460 = vector.shape_cast %swap3A_1459 : vector<1x1x16xf32> to vector<16xf32>
        %swap3A_1461 = vector.shape_cast %broadcast_in_dim3A_1451 : vector<16xf32> to vector<1x1x16xf32>
        tpu.vector_store %arg8[%swap3A_1456, %swap3A_1457, %swap3A_1458], %swap3A_1461 {strides = array<i32>} : memref<4x200x64xf32, #tpu.memory_space<vmem>>, vector<1x1x16xf32>,
        %mul3A_1462 = arith.constant 8 : i32
        %mul3A_1463 = arith.muli %mul3A_1462, %scan3A_1443 : i32
        %add3A_1464 = arith.constant 0 : i32
        %add3A_1465 = arith.addi %mul3A_1463, %add3A_1464 : i32
        %swap3A_1466 = arith.constant 3 : i32
        %swap3A_1467 = arith.index_cast %swap3A_1466 : i32 to index
        %swap3A_1468 = arith.index_cast %add3A_1465 : i32 to index
        %swap3A_1469 = arith.constant 16 : index
        %swap3A_1470 = tpu.vector_load %arg8[%swap3A_1467, %swap3A_1468, %swap3A_1469] {strides = array<i32>} : memref<4x200x64xf32, #tpu.memory_space<vmem>>, vector<1x1x16xf32>,
        %swap3A_1471 = vector.shape_cast %swap3A_1470 : vector<1x1x16xf32> to vector<16xf32>
        %swap3A_1472 = vector.shape_cast %broadcast_in_dim3A_1451 : vector<16xf32> to vector<1x1x16xf32>
        tpu.vector_store %arg8[%swap3A_1467, %swap3A_1468, %swap3A_1469], %swap3A_1472 {strides = array<i32>} : memref<4x200x64xf32, #tpu.memory_space<vmem>>, vector<1x1x16xf32>,
        %mul3A_1473 = arith.constant 8 : i32
        %mul3A_1474 = arith.muli %mul3A_1473, %scan3A_1443 : i32
        %add3A_1475 = arith.constant 0 : i32
        %add3A_1476 = arith.addi %mul3A_1474, %add3A_1475 : i32
        %swap3A_1477 = arith.constant 3 : i32
        %swap3A_1478 = arith.index_cast %swap3A_1477 : i32 to index
        %swap3A_1479 = arith.index_cast %add3A_1476 : i32 to index
        %swap3A_1480 = arith.constant 32 : index
        %swap3A_1481 = tpu.vector_load %arg8[%swap3A_1478, %swap3A_1479, %swap3A_1480] {strides = array<i32>} : memref<4x200x64xf32, #tpu.memory_space<vmem>>, vector<1x1x16xf32>,
        %swap3A_1482 = vector.shape_cast %swap3A_1481 : vector<1x1x16xf32> to vector<16xf32>
        %swap3A_1483 = vector.shape_cast %broadcast_in_dim3A_1451 : vector<16xf32> to vector<1x1x16xf32>
        tpu.vector_store %arg8[%swap3A_1478, %swap3A_1479, %swap3A_1480], %swap3A_1483 {strides = array<i32>} : memref<4x200x64xf32, #tpu.memory_space<vmem>>, vector<1x1x16xf32>,
        %mul3A_1484 = arith.constant 8 : i32
        %mul3A_1485 = arith.muli %mul3A_1484, %scan3A_1443 : i32
        %add3A_1486 = arith.constant 0 : i32
        %add3A_1487 = arith.addi %mul3A_1485, %add3A_1486 : i32
        %swap3A_1488 = arith.constant 3 : i32
        %swap3A_1489 = arith.index_cast %swap3A_1488 : i32 to index
        %swap3A_1490 = arith.index_cast %add3A_1487 : i32 to index
        %swap3A_1491 = arith.constant 48 : index
        %swap3A_1492 = tpu.vector_load %arg8[%swap3A_1489, %swap3A_1490, %swap3A_1491] {strides = array<i32>} : memref<4x200x64xf32, #tpu.memory_space<vmem>>, vector<1x1x16xf32>,
        %swap3A_1493 = vector.shape_cast %swap3A_1492 : vector<1x1x16xf32> to vector<16xf32>
        %swap3A_1494 = vector.shape_cast %broadcast_in_dim3A_1451 : vector<16xf32> to vector<1x1x16xf32>
        tpu.vector_store %arg8[%swap3A_1489, %swap3A_1490, %swap3A_1491], %swap3A_1494 {strides = array<i32>} : memref<4x200x64xf32, #tpu.memory_space<vmem>>, vector<1x1x16xf32>,
        %slice3A_1495 = vector.extract_strided_slice %get3A_1450 {offsets = [1], sizes = [1], strides = [1]} : vector<16xf32> to vector<1xf32>
        %squeeze3A_1496 = vector.extract %slice3A_1495[0] : f32 from vector<1xf32>
        %broadcast_in_dim3A_1497 = vector.broadcast %squeeze3A_1496 : f32 to vector<16xf32>
        %mul3A_1498 = arith.constant 8 : i32
        %mul3A_1499 = arith.muli %mul3A_1498, %scan3A_1443 : i32
        %add3A_1500 = arith.constant 1 : i32
        %add3A_1501 = arith.addi %mul3A_1499, %add3A_1500 : i32
        %swap3A_1502 = arith.constant 3 : i32
        %swap3A_1503 = arith.index_cast %swap3A_1502 : i32 to index
        %swap3A_1504 = arith.index_cast %add3A_1501 : i32 to index
        %swap3A_1505 = arith.constant 0 : index
        %swap3A_1506 = tpu.vector_load %arg8[%swap3A_1503, %swap3A_1504, %swap3A_1505] {strides = array<i32>} : memref<4x200x64xf32, #tpu.memory_space<vmem>>, vector<1x1x16xf32>,
        %swap3A_1507 = vector.shape_cast %swap3A_1506 : vector<1x1x16xf32> to vector<16xf32>
        %swap3A_1508 = vector.shape_cast %broadcast_in_dim3A_1497 : vector<16xf32> to vector<1x1x16xf32>
        tpu.vector_store %arg8[%swap3A_1503, %swap3A_1504, %swap3A_1505], %swap3A_1508 {strides = array<i32>} : memref<4x200x64xf32, #tpu.memory_space<vmem>>, vector<1x1x16xf32>,
        %mul3A_1509 = arith.constant 8 : i32
        %mul3A_1510 = arith.muli %mul3A_1509, %scan3A_1443 : i32
        %add3A_1511 = arith.constant 1 : i32
        %add3A_1512 = arith.addi %mul3A_1510, %add3A_1511 : i32
        %swap3A_1513 = arith.constant 3 : i32
        %swap3A_1514 = arith.index_cast %swap3A_1513 : i32 to index
        %swap3A_1515 = arith.index_cast %add3A_1512 : i32 to index
        %swap3A_1516 = arith.constant 16 : index
        %swap3A_1517 = tpu.vector_load %arg8[%swap3A_1514, %swap3A_1515, %swap3A_1516] {strides = array<i32>} : memref<4x200x64xf32, #tpu.memory_space<vmem>>, vector<1x1x16xf32>,
        %swap3A_1518 = vector.shape_cast %swap3A_1517 : vector<1x1x16xf32> to vector<16xf32>
        %swap3A_1519 = vector.shape_cast %broadcast_in_dim3A_1497 : vector<16xf32> to vector<1x1x16xf32>
        tpu.vector_store %arg8[%swap3A_1514, %swap3A_1515, %swap3A_1516], %swap3A_1519 {strides = array<i32>} : memref<4x200x64xf32, #tpu.memory_space<vmem>>, vector<1x1x16xf32>,
        %mul3A_1520 = arith.constant 8 : i32
        %mul3A_1521 = arith.muli %mul3A_1520, %scan3A_1443 : i32
        %add3A_1522 = arith.constant 1 : i32
        %add3A_1523 = arith.addi %mul3A_1521, %add3A_1522 : i32
        %swap3A_1524 = arith.constant 3 : i32
        %swap3A_1525 = arith.index_cast %swap3A_1524 : i32 to index
        %swap3A_1526 = arith.index_cast %add3A_1523 : i32 to index
        %swap3A_1527 = arith.constant 32 : index
        %swap3A_1528 = tpu.vector_load %arg8[%swap3A_1525, %swap3A_1526, %swap3A_1527] {strides = array<i32>} : memref<4x200x64xf32, #tpu.memory_space<vmem>>, vector<1x1x16xf32>,
        %swap3A_1529 = vector.shape_cast %swap3A_1528 : vector<1x1x16xf32> to vector<16xf32>
        %swap3A_1530 = vector.shape_cast %broadcast_in_dim3A_1497 : vector<16xf32> to vector<1x1x16xf32>
        tpu.vector_store %arg8[%swap3A_1525, %swap3A_1526, %swap3A_1527], %swap3A_1530 {strides = array<i32>} : memref<4x200x64xf32, #tpu.memory_space<vmem>>, vector<1x1x16xf32>,
        %mul3A_1531 = arith.constant 8 : i32
        %mul3A_1532 = arith.muli %mul3A_1531, %scan3A_1443 : i32
        %add3A_1533 = arith.constant 1 : i32
        %add3A_1534 = arith.addi %mul3A_1532, %add3A_1533 : i32
        %swap3A_1535 = arith.constant 3 : i32
        %swap3A_1536 = arith.index_cast %swap3A_1535 : i32 to index
        %swap3A_1537 = arith.index_cast %add3A_1534 : i32 to index
        %swap3A_1538 = arith.constant 48 : index
        %swap3A_1539 = tpu.vector_load %arg8[%swap3A_1536, %swap3A_1537, %swap3A_1538] {strides = array<i32>} : memref<4x200x64xf32, #tpu.memory_space<vmem>>, vector<1x1x16xf32>,
        %swap3A_1540 = vector.shape_cast %swap3A_1539 : vector<1x1x16xf32> to vector<16xf32>
        %swap3A_1541 = vector.shape_cast %broadcast_in_dim3A_1497 : vector<16xf32> to vector<1x1x16xf32>
        tpu.vector_store %arg8[%swap3A_1536, %swap3A_1537, %swap3A_1538], %swap3A_1541 {strides = array<i32>} : memref<4x200x64xf32, #tpu.memory_space<vmem>>, vector<1x1x16xf32>,
        %slice3A_1542 = vector.extract_strided_slice %get3A_1450 {offsets = [2], sizes = [1], strides = [1]} : vector<16xf32> to vector<1xf32>
        %squeeze3A_1543 = vector.extract %slice3A_1542[0] : f32 from vector<1xf32>
        %broadcast_in_dim3A_1544 = vector.broadcast %squeeze3A_1543 : f32 to vector<16xf32>
        %mul3A_1545 = arith.constant 8 : i32
        %mul3A_1546 = arith.muli %mul3A_1545, %scan3A_1443 : i32
        %add3A_1547 = arith.constant 2 : i32
        %add3A_1548 = arith.addi %mul3A_1546, %add3A_1547 : i32
        %swap3A_1549 = arith.constant 3 : i32
        %swap3A_1550 = arith.index_cast %swap3A_1549 : i32 to index
        %swap3A_1551 = arith.index_cast %add3A_1548 : i32 to index
        %swap3A_1552 = arith.constant 0 : index
        %swap3A_1553 = tpu.vector_load %arg8[%swap3A_1550, %swap3A_1551, %swap3A_1552] {strides = array<i32>} : memref<4x200x64xf32, #tpu.memory_space<vmem>>, vector<1x1x16xf32>,
        %swap3A_1554 = vector.shape_cast %swap3A_1553 : vector<1x1x16xf32> to vector<16xf32>
        %swap3A_1555 = vector.shape_cast %broadcast_in_dim3A_1544 : vector<16xf32> to vector<1x1x16xf32>
        tpu.vector_store %arg8[%swap3A_1550, %swap3A_1551, %swap3A_1552], %swap3A_1555 {strides = array<i32>} : memref<4x200x64xf32, #tpu.memory_space<vmem>>, vector<1x1x16xf32>,
        %mul3A_1556 = arith.constant 8 : i32
        %mul3A_1557 = arith.muli %mul3A_1556, %scan3A_1443 : i32
        %add3A_1558 = arith.constant 2 : i32
        %add3A_1559 = arith.addi %mul3A_1557, %add3A_1558 : i32
        %swap3A_1560 = arith.constant 3 : i32
        %swap3A_1561 = arith.index_cast %swap3A_1560 : i32 to index
        %swap3A_1562 = arith.index_cast %add3A_1559 : i32 to index
        %swap3A_1563 = arith.constant 16 : index
        %swap3A_1564 = tpu.vector_load %arg8[%swap3A_1561, %swap3A_1562, %swap3A_1563] {strides = array<i32>} : memref<4x200x64xf32, #tpu.memory_space<vmem>>, vector<1x1x16xf32>,
        %swap3A_1565 = vector.shape_cast %swap3A_1564 : vector<1x1x16xf32> to vector<16xf32>
        %swap3A_1566 = vector.shape_cast %broadcast_in_dim3A_1544 : vector<16xf32> to vector<1x1x16xf32>
        tpu.vector_store %arg8[%swap3A_1561, %swap3A_1562, %swap3A_1563], %swap3A_1566 {strides = array<i32>} : memref<4x200x64xf32, #tpu.memory_space<vmem>>, vector<1x1x16xf32>,
        %mul3A_1567 = arith.constant 8 : i32
        %mul3A_1568 = arith.muli %mul3A_1567, %scan3A_1443 : i32
        %add3A_1569 = arith.constant 2 : i32
        %add3A_1570 = arith.addi %mul3A_1568, %add3A_1569 : i32
        %swap3A_1571 = arith.constant 3 : i32
        %swap3A_1572 = arith.index_cast %swap3A_1571 : i32 to index
        %swap3A_1573 = arith.index_cast %add3A_1570 : i32 to index
        %swap3A_1574 = arith.constant 32 : index
        %swap3A_1575 = tpu.vector_load %arg8[%swap3A_1572, %swap3A_1573, %swap3A_1574] {strides = array<i32>} : memref<4x200x64xf32, #tpu.memory_space<vmem>>, vector<1x1x16xf32>,
        %swap3A_1576 = vector.shape_cast %swap3A_1575 : vector<1x1x16xf32> to vector<16xf32>
        %swap3A_1577 = vector.shape_cast %broadcast_in_dim3A_1544 : vector<16xf32> to vector<1x1x16xf32>
        tpu.vector_store %arg8[%swap3A_1572, %swap3A_1573, %swap3A_1574], %swap3A_1577 {strides = array<i32>} : memref<4x200x64xf32, #tpu.memory_space<vmem>>, vector<1x1x16xf32>,
        %mul3A_1578 = arith.constant 8 : i32
        %mul3A_1579 = arith.muli %mul3A_1578, %scan3A_1443 : i32
        %add3A_1580 = arith.constant 2 : i32
        %add3A_1581 = arith.addi %mul3A_1579, %add3A_1580 : i32
        %swap3A_1582 = arith.constant 3 : i32
        %swap3A_1583 = arith.index_cast %swap3A_1582 : i32 to index
        %swap3A_1584 = arith.index_cast %add3A_1581 : i32 to index
        %swap3A_1585 = arith.constant 48 : index
        %swap3A_1586 = tpu.vector_load %arg8[%swap3A_1583, %swap3A_1584, %swap3A_1585] {strides = array<i32>} : memref<4x200x64xf32, #tpu.memory_space<vmem>>, vector<1x1x16xf32>,
        %swap3A_1587 = vector.shape_cast %swap3A_1586 : vector<1x1x16xf32> to vector<16xf32>
        %swap3A_1588 = vector.shape_cast %broadcast_in_dim3A_1544 : vector<16xf32> to vector<1x1x16xf32>
        tpu.vector_store %arg8[%swap3A_1583, %swap3A_1584, %swap3A_1585], %swap3A_1588 {strides = array<i32>} : memref<4x200x64xf32, #tpu.memory_space<vmem>>, vector<1x1x16xf32>,
        %slice3A_1589 = vector.extract_strided_slice %get3A_1450 {offsets = [3], sizes = [1], strides = [1]} : vector<16xf32> to vector<1xf32>
        %squeeze3A_1590 = vector.extract %slice3A_1589[0] : f32 from vector<1xf32>
        %broadcast_in_dim3A_1591 = vector.broadcast %squeeze3A_1590 : f32 to vector<16xf32>
        %mul3A_1592 = arith.constant 8 : i32
        %mul3A_1593 = arith.muli %mul3A_1592, %scan3A_1443 : i32
        %add3A_1594 = arith.constant 3 : i32
        %add3A_1595 = arith.addi %mul3A_1593, %add3A_1594 : i32
        %swap3A_1596 = arith.constant 3 : i32
        %swap3A_1597 = arith.index_cast %swap3A_1596 : i32 to index
        %swap3A_1598 = arith.index_cast %add3A_1595 : i32 to index
        %swap3A_1599 = arith.constant 0 : index
        %swap3A_1600 = tpu.vector_load %arg8[%swap3A_1597, %swap3A_1598, %swap3A_1599] {strides = array<i32>} : memref<4x200x64xf32, #tpu.memory_space<vmem>>, vector<1x1x16xf32>,
        %swap3A_1601 = vector.shape_cast %swap3A_1600 : vector<1x1x16xf32> to vector<16xf32>
        %swap3A_1602 = vector.shape_cast %broadcast_in_dim3A_1591 : vector<16xf32> to vector<1x1x16xf32>
        tpu.vector_store %arg8[%swap3A_1597, %swap3A_1598, %swap3A_1599], %swap3A_1602 {strides = array<i32>} : memref<4x200x64xf32, #tpu.memory_space<vmem>>, vector<1x1x16xf32>,
        %mul3A_1603 = arith.constant 8 : i32
        %mul3A_1604 = arith.muli %mul3A_1603, %scan3A_1443 : i32
        %add3A_1605 = arith.constant 3 : i32
        %add3A_1606 = arith.addi %mul3A_1604, %add3A_1605 : i32
        %swap3A_1607 = arith.constant 3 : i32
        %swap3A_1608 = arith.index_cast %swap3A_1607 : i32 to index
        %swap3A_1609 = arith.index_cast %add3A_1606 : i32 to index
        %swap3A_1610 = arith.constant 16 : index
        %swap3A_1611 = tpu.vector_load %arg8[%swap3A_1608, %swap3A_1609, %swap3A_1610] {strides = array<i32>} : memref<4x200x64xf32, #tpu.memory_space<vmem>>, vector<1x1x16xf32>,
        %swap3A_1612 = vector.shape_cast %swap3A_1611 : vector<1x1x16xf32> to vector<16xf32>
        %swap3A_1613 = vector.shape_cast %broadcast_in_dim3A_1591 : vector<16xf32> to vector<1x1x16xf32>
        tpu.vector_store %arg8[%swap3A_1608, %swap3A_1609, %swap3A_1610], %swap3A_1613 {strides = array<i32>} : memref<4x200x64xf32, #tpu.memory_space<vmem>>, vector<1x1x16xf32>,
        %mul3A_1614 = arith.constant 8 : i32
        %mul3A_1615 = arith.muli %mul3A_1614, %scan3A_1443 : i32
        %add3A_1616 = arith.constant 3 : i32
        %add3A_1617 = arith.addi %mul3A_1615, %add3A_1616 : i32
        %swap3A_1618 = arith.constant 3 : i32
        %swap3A_1619 = arith.index_cast %swap3A_1618 : i32 to index
        %swap3A_1620 = arith.index_cast %add3A_1617 : i32 to index
        %swap3A_1621 = arith.constant 32 : index
        %swap3A_1622 = tpu.vector_load %arg8[%swap3A_1619, %swap3A_1620, %swap3A_1621] {strides = array<i32>} : memref<4x200x64xf32, #tpu.memory_space<vmem>>, vector<1x1x16xf32>,
        %swap3A_1623 = vector.shape_cast %swap3A_1622 : vector<1x1x16xf32> to vector<16xf32>
        %swap3A_1624 = vector.shape_cast %broadcast_in_dim3A_1591 : vector<16xf32> to vector<1x1x16xf32>
        tpu.vector_store %arg8[%swap3A_1619, %swap3A_1620, %swap3A_1621], %swap3A_1624 {strides = array<i32>} : memref<4x200x64xf32, #tpu.memory_space<vmem>>, vector<1x1x16xf32>,
        %mul3A_1625 = arith.constant 8 : i32
        %mul3A_1626 = arith.muli %mul3A_1625, %scan3A_1443 : i32
        %add3A_1627 = arith.constant 3 : i32
        %add3A_1628 = arith.addi %mul3A_1626, %add3A_1627 : i32
        %swap3A_1629 = arith.constant 3 : i32
        %swap3A_1630 = arith.index_cast %swap3A_1629 : i32 to index
        %swap3A_1631 = arith.index_cast %add3A_1628 : i32 to index
        %swap3A_1632 = arith.constant 48 : index
        %swap3A_1633 = tpu.vector_load %arg8[%swap3A_1630, %swap3A_1631, %swap3A_1632] {strides = array<i32>} : memref<4x200x64xf32, #tpu.memory_space<vmem>>, vector<1x1x16xf32>,
        %swap3A_1634 = vector.shape_cast %swap3A_1633 : vector<1x1x16xf32> to vector<16xf32>
        %swap3A_1635 = vector.shape_cast %broadcast_in_dim3A_1591 : vector<16xf32> to vector<1x1x16xf32>
        tpu.vector_store %arg8[%swap3A_1630, %swap3A_1631, %swap3A_1632], %swap3A_1635 {strides = array<i32>} : memref<4x200x64xf32, #tpu.memory_space<vmem>>, vector<1x1x16xf32>,
        %slice3A_1636 = vector.extract_strided_slice %get3A_1450 {offsets = [4], sizes = [1], strides = [1]} : vector<16xf32> to vector<1xf32>
        %squeeze3A_1637 = vector.extract %slice3A_1636[0] : f32 from vector<1xf32>
        %broadcast_in_dim3A_1638 = vector.broadcast %squeeze3A_1637 : f32 to vector<16xf32>
        %mul3A_1639 = arith.constant 8 : i32
        %mul3A_1640 = arith.muli %mul3A_1639, %scan3A_1443 : i32
        %add3A_1641 = arith.constant 4 : i32
        %add3A_1642 = arith.addi %mul3A_1640, %add3A_1641 : i32
        %swap3A_1643 = arith.constant 3 : i32
        %swap3A_1644 = arith.index_cast %swap3A_1643 : i32 to index
        %swap3A_1645 = arith.index_cast %add3A_1642 : i32 to index
        %swap3A_1646 = arith.constant 0 : index
        %swap3A_1647 = tpu.vector_load %arg8[%swap3A_1644, %swap3A_1645, %swap3A_1646] {strides = array<i32>} : memref<4x200x64xf32, #tpu.memory_space<vmem>>, vector<1x1x16xf32>,
        %swap3A_1648 = vector.shape_cast %swap3A_1647 : vector<1x1x16xf32> to vector<16xf32>
        %swap3A_1649 = vector.shape_cast %broadcast_in_dim3A_1638 : vector<16xf32> to vector<1x1x16xf32>
        tpu.vector_store %arg8[%swap3A_1644, %swap3A_1645, %swap3A_1646], %swap3A_1649 {strides = array<i32>} : memref<4x200x64xf32, #tpu.memory_space<vmem>>, vector<1x1x16xf32>,
        %mul3A_1650 = arith.constant 8 : i32
        %mul3A_1651 = arith.muli %mul3A_1650, %scan3A_1443 : i32
        %add3A_1652 = arith.constant 4 : i32
        %add3A_1653 = arith.addi %mul3A_1651, %add3A_1652 : i32
        %swap3A_1654 = arith.constant 3 : i32
        %swap3A_1655 = arith.index_cast %swap3A_1654 : i32 to index
        %swap3A_1656 = arith.index_cast %add3A_1653 : i32 to index
        %swap3A_1657 = arith.constant 16 : index
        %swap3A_1658 = tpu.vector_load %arg8[%swap3A_1655, %swap3A_1656, %swap3A_1657] {strides = array<i32>} : memref<4x200x64xf32, #tpu.memory_space<vmem>>, vector<1x1x16xf32>,
        %swap3A_1659 = vector.shape_cast %swap3A_1658 : vector<1x1x16xf32> to vector<16xf32>
        %swap3A_1660 = vector.shape_cast %broadcast_in_dim3A_1638 : vector<16xf32> to vector<1x1x16xf32>
        tpu.vector_store %arg8[%swap3A_1655, %swap3A_1656, %swap3A_1657], %swap3A_1660 {strides = array<i32>} : memref<4x200x64xf32, #tpu.memory_space<vmem>>, vector<1x1x16xf32>,
        %mul3A_1661 = arith.constant 8 : i32
        %mul3A_1662 = arith.muli %mul3A_1661, %scan3A_1443 : i32
        %add3A_1663 = arith.constant 4 : i32
        %add3A_1664 = arith.addi %mul3A_1662, %add3A_1663 : i32
        %swap3A_1665 = arith.constant 3 : i32
        %swap3A_1666 = arith.index_cast %swap3A_1665 : i32 to index
        %swap3A_1667 = arith.index_cast %add3A_1664 : i32 to index
        %swap3A_1668 = arith.constant 32 : index
        %swap3A_1669 = tpu.vector_load %arg8[%swap3A_1666, %swap3A_1667, %swap3A_1668] {strides = array<i32>} : memref<4x200x64xf32, #tpu.memory_space<vmem>>, vector<1x1x16xf32>,
        %swap3A_1670 = vector.shape_cast %swap3A_1669 : vector<1x1x16xf32> to vector<16xf32>
        %swap3A_1671 = vector.shape_cast %broadcast_in_dim3A_1638 : vector<16xf32> to vector<1x1x16xf32>
        tpu.vector_store %arg8[%swap3A_1666, %swap3A_1667, %swap3A_1668], %swap3A_1671 {strides = array<i32>} : memref<4x200x64xf32, #tpu.memory_space<vmem>>, vector<1x1x16xf32>,
        %mul3A_1672 = arith.constant 8 : i32
        %mul3A_1673 = arith.muli %mul3A_1672, %scan3A_1443 : i32
        %add3A_1674 = arith.constant 4 : i32
        %add3A_1675 = arith.addi %mul3A_1673, %add3A_1674 : i32
        %swap3A_1676 = arith.constant 3 : i32
        %swap3A_1677 = arith.index_cast %swap3A_1676 : i32 to index
        %swap3A_1678 = arith.index_cast %add3A_1675 : i32 to index
        %swap3A_1679 = arith.constant 48 : index
        %swap3A_1680 = tpu.vector_load %arg8[%swap3A_1677, %swap3A_1678, %swap3A_1679] {strides = array<i32>} : memref<4x200x64xf32, #tpu.memory_space<vmem>>, vector<1x1x16xf32>,
        %swap3A_1681 = vector.shape_cast %swap3A_1680 : vector<1x1x16xf32> to vector<16xf32>
        %swap3A_1682 = vector.shape_cast %broadcast_in_dim3A_1638 : vector<16xf32> to vector<1x1x16xf32>
        tpu.vector_store %arg8[%swap3A_1677, %swap3A_1678, %swap3A_1679], %swap3A_1682 {strides = array<i32>} : memref<4x200x64xf32, #tpu.memory_space<vmem>>, vector<1x1x16xf32>,
        %slice3A_1683 = vector.extract_strided_slice %get3A_1450 {offsets = [5], sizes = [1], strides = [1]} : vector<16xf32> to vector<1xf32>
        %squeeze3A_1684 = vector.extract %slice3A_1683[0] : f32 from vector<1xf32>
        %broadcast_in_dim3A_1685 = vector.broadcast %squeeze3A_1684 : f32 to vector<16xf32>
        %mul3A_1686 = arith.constant 8 : i32
        %mul3A_1687 = arith.muli %mul3A_1686, %scan3A_1443 : i32
        %add3A_1688 = arith.constant 5 : i32
        %add3A_1689 = arith.addi %mul3A_1687, %add3A_1688 : i32
        %swap3A_1690 = arith.constant 3 : i32
        %swap3A_1691 = arith.index_cast %swap3A_1690 : i32 to index
        %swap3A_1692 = arith.index_cast %add3A_1689 : i32 to index
        %swap3A_1693 = arith.constant 0 : index
        %swap3A_1694 = tpu.vector_load %arg8[%swap3A_1691, %swap3A_1692, %swap3A_1693] {strides = array<i32>} : memref<4x200x64xf32, #tpu.memory_space<vmem>>, vector<1x1x16xf32>,
        %swap3A_1695 = vector.shape_cast %swap3A_1694 : vector<1x1x16xf32> to vector<16xf32>
        %swap3A_1696 = vector.shape_cast %broadcast_in_dim3A_1685 : vector<16xf32> to vector<1x1x16xf32>
        tpu.vector_store %arg8[%swap3A_1691, %swap3A_1692, %swap3A_1693], %swap3A_1696 {strides = array<i32>} : memref<4x200x64xf32, #tpu.memory_space<vmem>>, vector<1x1x16xf32>,
        %mul3A_1697 = arith.constant 8 : i32
        %mul3A_1698 = arith.muli %mul3A_1697, %scan3A_1443 : i32
        %add3A_1699 = arith.constant 5 : i32
        %add3A_1700 = arith.addi %mul3A_1698, %add3A_1699 : i32
        %swap3A_1701 = arith.constant 3 : i32
        %swap3A_1702 = arith.index_cast %swap3A_1701 : i32 to index
        %swap3A_1703 = arith.index_cast %add3A_1700 : i32 to index
        %swap3A_1704 = arith.constant 16 : index
        %swap3A_1705 = tpu.vector_load %arg8[%swap3A_1702, %swap3A_1703, %swap3A_1704] {strides = array<i32>} : memref<4x200x64xf32, #tpu.memory_space<vmem>>, vector<1x1x16xf32>,
        %swap3A_1706 = vector.shape_cast %swap3A_1705 : vector<1x1x16xf32> to vector<16xf32>
        %swap3A_1707 = vector.shape_cast %broadcast_in_dim3A_1685 : vector<16xf32> to vector<1x1x16xf32>
        tpu.vector_store %arg8[%swap3A_1702, %swap3A_1703, %swap3A_1704], %swap3A_1707 {strides = array<i32>} : memref<4x200x64xf32, #tpu.memory_space<vmem>>, vector<1x1x16xf32>,
        %mul3A_1708 = arith.constant 8 : i32
        %mul3A_1709 = arith.muli %mul3A_1708, %scan3A_1443 : i32
        %add3A_1710 = arith.constant 5 : i32
        %add3A_1711 = arith.addi %mul3A_1709, %add3A_1710 : i32
        %swap3A_1712 = arith.constant 3 : i32
        %swap3A_1713 = arith.index_cast %swap3A_1712 : i32 to index
        %swap3A_1714 = arith.index_cast %add3A_1711 : i32 to index
        %swap3A_1715 = arith.constant 32 : index
        %swap3A_1716 = tpu.vector_load %arg8[%swap3A_1713, %swap3A_1714, %swap3A_1715] {strides = array<i32>} : memref<4x200x64xf32, #tpu.memory_space<vmem>>, vector<1x1x16xf32>,
        %swap3A_1717 = vector.shape_cast %swap3A_1716 : vector<1x1x16xf32> to vector<16xf32>
        %swap3A_1718 = vector.shape_cast %broadcast_in_dim3A_1685 : vector<16xf32> to vector<1x1x16xf32>
        tpu.vector_store %arg8[%swap3A_1713, %swap3A_1714, %swap3A_1715], %swap3A_1718 {strides = array<i32>} : memref<4x200x64xf32, #tpu.memory_space<vmem>>, vector<1x1x16xf32>,
        %mul3A_1719 = arith.constant 8 : i32
        %mul3A_1720 = arith.muli %mul3A_1719, %scan3A_1443 : i32
        %add3A_1721 = arith.constant 5 : i32
        %add3A_1722 = arith.addi %mul3A_1720, %add3A_1721 : i32
        %swap3A_1723 = arith.constant 3 : i32
        %swap3A_1724 = arith.index_cast %swap3A_1723 : i32 to index
        %swap3A_1725 = arith.index_cast %add3A_1722 : i32 to index
        %swap3A_1726 = arith.constant 48 : index
        %swap3A_1727 = tpu.vector_load %arg8[%swap3A_1724, %swap3A_1725, %swap3A_1726] {strides = array<i32>} : memref<4x200x64xf32, #tpu.memory_space<vmem>>, vector<1x1x16xf32>,
        %swap3A_1728 = vector.shape_cast %swap3A_1727 : vector<1x1x16xf32> to vector<16xf32>
        %swap3A_1729 = vector.shape_cast %broadcast_in_dim3A_1685 : vector<16xf32> to vector<1x1x16xf32>
        tpu.vector_store %arg8[%swap3A_1724, %swap3A_1725, %swap3A_1726], %swap3A_1729 {strides = array<i32>} : memref<4x200x64xf32, #tpu.memory_space<vmem>>, vector<1x1x16xf32>,
        %slice3A_1730 = vector.extract_strided_slice %get3A_1450 {offsets = [6], sizes = [1], strides = [1]} : vector<16xf32> to vector<1xf32>
        %squeeze3A_1731 = vector.extract %slice3A_1730[0] : f32 from vector<1xf32>
        %broadcast_in_dim3A_1732 = vector.broadcast %squeeze3A_1731 : f32 to vector<16xf32>
        %mul3A_1733 = arith.constant 8 : i32
        %mul3A_1734 = arith.muli %mul3A_1733, %scan3A_1443 : i32
        %add3A_1735 = arith.constant 6 : i32
        %add3A_1736 = arith.addi %mul3A_1734, %add3A_1735 : i32
        %swap3A_1737 = arith.constant 3 : i32
        %swap3A_1738 = arith.index_cast %swap3A_1737 : i32 to index
        %swap3A_1739 = arith.index_cast %add3A_1736 : i32 to index
        %swap3A_1740 = arith.constant 0 : index
        %swap3A_1741 = tpu.vector_load %arg8[%swap3A_1738, %swap3A_1739, %swap3A_1740] {strides = array<i32>} : memref<4x200x64xf32, #tpu.memory_space<vmem>>, vector<1x1x16xf32>,
        %swap3A_1742 = vector.shape_cast %swap3A_1741 : vector<1x1x16xf32> to vector<16xf32>
        %swap3A_1743 = vector.shape_cast %broadcast_in_dim3A_1732 : vector<16xf32> to vector<1x1x16xf32>
        tpu.vector_store %arg8[%swap3A_1738, %swap3A_1739, %swap3A_1740], %swap3A_1743 {strides = array<i32>} : memref<4x200x64xf32, #tpu.memory_space<vmem>>, vector<1x1x16xf32>,
        %mul3A_1744 = arith.constant 8 : i32
        %mul3A_1745 = arith.muli %mul3A_1744, %scan3A_1443 : i32
        %add3A_1746 = arith.constant 6 : i32
        %add3A_1747 = arith.addi %mul3A_1745, %add3A_1746 : i32
        %swap3A_1748 = arith.constant 3 : i32
        %swap3A_1749 = arith.index_cast %swap3A_1748 : i32 to index
        %swap3A_1750 = arith.index_cast %add3A_1747 : i32 to index
        %swap3A_1751 = arith.constant 16 : index
        %swap3A_1752 = tpu.vector_load %arg8[%swap3A_1749, %swap3A_1750, %swap3A_1751] {strides = array<i32>} : memref<4x200x64xf32, #tpu.memory_space<vmem>>, vector<1x1x16xf32>,
        %swap3A_1753 = vector.shape_cast %swap3A_1752 : vector<1x1x16xf32> to vector<16xf32>
        %swap3A_1754 = vector.shape_cast %broadcast_in_dim3A_1732 : vector<16xf32> to vector<1x1x16xf32>
        tpu.vector_store %arg8[%swap3A_1749, %swap3A_1750, %swap3A_1751], %swap3A_1754 {strides = array<i32>} : memref<4x200x64xf32, #tpu.memory_space<vmem>>, vector<1x1x16xf32>,
        %mul3A_1755 = arith.constant 8 : i32
        %mul3A_1756 = arith.muli %mul3A_1755, %scan3A_1443 : i32
        %add3A_1757 = arith.constant 6 : i32
        %add3A_1758 = arith.addi %mul3A_1756, %add3A_1757 : i32
        %swap3A_1759 = arith.constant 3 : i32
        %swap3A_1760 = arith.index_cast %swap3A_1759 : i32 to index
        %swap3A_1761 = arith.index_cast %add3A_1758 : i32 to index
        %swap3A_1762 = arith.constant 32 : index
        %swap3A_1763 = tpu.vector_load %arg8[%swap3A_1760, %swap3A_1761, %swap3A_1762] {strides = array<i32>} : memref<4x200x64xf32, #tpu.memory_space<vmem>>, vector<1x1x16xf32>,
        %swap3A_1764 = vector.shape_cast %swap3A_1763 : vector<1x1x16xf32> to vector<16xf32>
        %swap3A_1765 = vector.shape_cast %broadcast_in_dim3A_1732 : vector<16xf32> to vector<1x1x16xf32>
        tpu.vector_store %arg8[%swap3A_1760, %swap3A_1761, %swap3A_1762], %swap3A_1765 {strides = array<i32>} : memref<4x200x64xf32, #tpu.memory_space<vmem>>, vector<1x1x16xf32>,
        %mul3A_1766 = arith.constant 8 : i32
        %mul3A_1767 = arith.muli %mul3A_1766, %scan3A_1443 : i32
        %add3A_1768 = arith.constant 6 : i32
        %add3A_1769 = arith.addi %mul3A_1767, %add3A_1768 : i32
        %swap3A_1770 = arith.constant 3 : i32
        %swap3A_1771 = arith.index_cast %swap3A_1770 : i32 to index
        %swap3A_1772 = arith.index_cast %add3A_1769 : i32 to index
        %swap3A_1773 = arith.constant 48 : index
        %swap3A_1774 = tpu.vector_load %arg8[%swap3A_1771, %swap3A_1772, %swap3A_1773] {strides = array<i32>} : memref<4x200x64xf32, #tpu.memory_space<vmem>>, vector<1x1x16xf32>,
        %swap3A_1775 = vector.shape_cast %swap3A_1774 : vector<1x1x16xf32> to vector<16xf32>
        %swap3A_1776 = vector.shape_cast %broadcast_in_dim3A_1732 : vector<16xf32> to vector<1x1x16xf32>
        tpu.vector_store %arg8[%swap3A_1771, %swap3A_1772, %swap3A_1773], %swap3A_1776 {strides = array<i32>} : memref<4x200x64xf32, #tpu.memory_space<vmem>>, vector<1x1x16xf32>,
        %slice3A_1777 = vector.extract_strided_slice %get3A_1450 {offsets = [7], sizes = [1], strides = [1]} : vector<16xf32> to vector<1xf32>
        %squeeze3A_1778 = vector.extract %slice3A_1777[0] : f32 from vector<1xf32>
        %broadcast_in_dim3A_1779 = vector.broadcast %squeeze3A_1778 : f32 to vector<16xf32>
        %mul3A_1780 = arith.constant 8 : i32
        %mul3A_1781 = arith.muli %mul3A_1780, %scan3A_1443 : i32
        %add3A_1782 = arith.constant 7 : i32
        %add3A_1783 = arith.addi %mul3A_1781, %add3A_1782 : i32
        %swap3A_1784 = arith.constant 3 : i32
        %swap3A_1785 = arith.index_cast %swap3A_1784 : i32 to index
        %swap3A_1786 = arith.index_cast %add3A_1783 : i32 to index
        %swap3A_1787 = arith.constant 0 : index
        %swap3A_1788 = tpu.vector_load %arg8[%swap3A_1785, %swap3A_1786, %swap3A_1787] {strides = array<i32>} : memref<4x200x64xf32, #tpu.memory_space<vmem>>, vector<1x1x16xf32>,
        %swap3A_1789 = vector.shape_cast %swap3A_1788 : vector<1x1x16xf32> to vector<16xf32>
        %swap3A_1790 = vector.shape_cast %broadcast_in_dim3A_1779 : vector<16xf32> to vector<1x1x16xf32>
        tpu.vector_store %arg8[%swap3A_1785, %swap3A_1786, %swap3A_1787], %swap3A_1790 {strides = array<i32>} : memref<4x200x64xf32, #tpu.memory_space<vmem>>, vector<1x1x16xf32>,
        %mul3A_1791 = arith.constant 8 : i32
        %mul3A_1792 = arith.muli %mul3A_1791, %scan3A_1443 : i32
        %add3A_1793 = arith.constant 7 : i32
        %add3A_1794 = arith.addi %mul3A_1792, %add3A_1793 : i32
        %swap3A_1795 = arith.constant 3 : i32
        %swap3A_1796 = arith.index_cast %swap3A_1795 : i32 to index
        %swap3A_1797 = arith.index_cast %add3A_1794 : i32 to index
        %swap3A_1798 = arith.constant 16 : index
        %swap3A_1799 = tpu.vector_load %arg8[%swap3A_1796, %swap3A_1797, %swap3A_1798] {strides = array<i32>} : memref<4x200x64xf32, #tpu.memory_space<vmem>>, vector<1x1x16xf32>,
        %swap3A_1800 = vector.shape_cast %swap3A_1799 : vector<1x1x16xf32> to vector<16xf32>
        %swap3A_1801 = vector.shape_cast %broadcast_in_dim3A_1779 : vector<16xf32> to vector<1x1x16xf32>
        tpu.vector_store %arg8[%swap3A_1796, %swap3A_1797, %swap3A_1798], %swap3A_1801 {strides = array<i32>} : memref<4x200x64xf32, #tpu.memory_space<vmem>>, vector<1x1x16xf32>,
        %mul3A_1802 = arith.constant 8 : i32
        %mul3A_1803 = arith.muli %mul3A_1802, %scan3A_1443 : i32
        %add3A_1804 = arith.constant 7 : i32
        %add3A_1805 = arith.addi %mul3A_1803, %add3A_1804 : i32
        %swap3A_1806 = arith.constant 3 : i32
        %swap3A_1807 = arith.index_cast %swap3A_1806 : i32 to index
        %swap3A_1808 = arith.index_cast %add3A_1805 : i32 to index
        %swap3A_1809 = arith.constant 32 : index
        %swap3A_1810 = tpu.vector_load %arg8[%swap3A_1807, %swap3A_1808, %swap3A_1809] {strides = array<i32>} : memref<4x200x64xf32, #tpu.memory_space<vmem>>, vector<1x1x16xf32>,
        %swap3A_1811 = vector.shape_cast %swap3A_1810 : vector<1x1x16xf32> to vector<16xf32>
        %swap3A_1812 = vector.shape_cast %broadcast_in_dim3A_1779 : vector<16xf32> to vector<1x1x16xf32>
        tpu.vector_store %arg8[%swap3A_1807, %swap3A_1808, %swap3A_1809], %swap3A_1812 {strides = array<i32>} : memref<4x200x64xf32, #tpu.memory_space<vmem>>, vector<1x1x16xf32>,
        %mul3A_1813 = arith.constant 8 : i32
        %mul3A_1814 = arith.muli %mul3A_1813, %scan3A_1443 : i32
        %add3A_1815 = arith.constant 7 : i32
        %add3A_1816 = arith.addi %mul3A_1814, %add3A_1815 : i32
        %swap3A_1817 = arith.constant 3 : i32
        %swap3A_1818 = arith.index_cast %swap3A_1817 : i32 to index
        %swap3A_1819 = arith.index_cast %add3A_1816 : i32 to index
        %swap3A_1820 = arith.constant 48 : index
        %swap3A_1821 = tpu.vector_load %arg8[%swap3A_1818, %swap3A_1819, %swap3A_1820] {strides = array<i32>} : memref<4x200x64xf32, #tpu.memory_space<vmem>>, vector<1x1x16xf32>,
        %swap3A_1822 = vector.shape_cast %swap3A_1821 : vector<1x1x16xf32> to vector<16xf32>
        %swap3A_1823 = vector.shape_cast %broadcast_in_dim3A_1779 : vector<16xf32> to vector<1x1x16xf32>
        tpu.vector_store %arg8[%swap3A_1818, %swap3A_1819, %swap3A_1820], %swap3A_1823 {strides = array<i32>} : memref<4x200x64xf32, #tpu.memory_space<vmem>>, vector<1x1x16xf32>,
      }
      %scan3A_1353 = arith.constant 25 : i32
      %dma_wait3A_1354 = arith.constant 1 : i32
      %dma_wait3A_1355 = arith.constant 0 : i32
      %dma_wait3A_1356 = arith.constant 0 : i32
      %dma_wait3A_1357 = tpu.memref_slice %arg7[%dma_wait3A_1354, %dma_wait3A_1355, %dma_wait3A_1356] : memref<4x200x64xf32, #tpu.memory_space<vmem>> -> memref<1x104x64xf32, #tpu.memory_space<vmem>>
      %dma_wait3A_1358 = tpu.memref_squeeze %dma_wait3A_1357 : memref<1x104x64xf32, #tpu.memory_space<vmem>> -> memref<104x64xf32, #tpu.memory_space<vmem>>
      %dma_wait3A_1359 = arith.constant 0 : i32
      %dma_wait3A_1360 = tpu.memref_slice %arg5[%dma_wait3A_1359] : memref<12800xi32, #tpu.memory_space<vmem>> -> memref<104xi32, #tpu.memory_space<vmem>>
      %dma_wait3A_1361 = arith.constant 0 : i32
      %dma_wait3A_1362 = arith.constant 0 : i32
      %dma_wait3A_1363 = tpu.memref_slice %arg3[%dma_wait3A_1361, %dma_wait3A_1362] : memref<100000x64xf32, #tpu.memory_space<hbm>> -> memref<100000x64xf32, #tpu.memory_space<hbm>>
      tpu.wait_indirect_dma semaphore(%arg10 : memref<!tpu.dma_semaphore, #tpu.memory_space<semaphore_mem>>) src(%dma_wait3A_1363 : memref<100000x64xf32, #tpu.memory_space<hbm>>) dst(%dma_wait3A_1358 : memref<104x64xf32, #tpu.memory_space<vmem>>)
      %dma_wait3A_1364 = arith.constant 1 : i32
      %dma_wait3A_1365 = arith.constant 104 : i32
      %dma_wait3A_1366 = arith.constant 0 : i32
      %dma_wait3A_1367 = tpu.memref_slice %arg7[%dma_wait3A_1364, %dma_wait3A_1365, %dma_wait3A_1366] : memref<4x200x64xf32, #tpu.memory_space<vmem>> -> memref<1x96x64xf32, #tpu.memory_space<vmem>>
      %dma_wait3A_1368 = tpu.memref_squeeze %dma_wait3A_1367 : memref<1x96x64xf32, #tpu.memory_space<vmem>> -> memref<96x64xf32, #tpu.memory_space<vmem>>
      %dma_wait3A_1369 = arith.constant 104 : i32
      %dma_wait3A_1370 = tpu.memref_slice %arg5[%dma_wait3A_1369] : memref<12800xi32, #tpu.memory_space<vmem>> -> memref<96xi32, #tpu.memory_space<vmem>>
      %dma_wait3A_1371 = arith.constant 0 : i32
      %dma_wait3A_1372 = arith.constant 0 : i32
      %dma_wait3A_1373 = tpu.memref_slice %arg3[%dma_wait3A_1371, %dma_wait3A_1372] : memref<100000x64xf32, #tpu.memory_space<hbm>> -> memref<100000x64xf32, #tpu.memory_space<hbm>>
      tpu.wait_indirect_dma semaphore(%arg10 : memref<!tpu.dma_semaphore, #tpu.memory_space<semaphore_mem>>) src(%dma_wait3A_1373 : memref<100000x64xf32, #tpu.memory_space<hbm>>) dst(%dma_wait3A_1368 : memref<96x64xf32, #tpu.memory_space<vmem>>)
      %sub3A_1374 = arith.constant 2 : i32
      %sub3A_1375 = arith.subi %add3A_1261, %sub3A_1374 : i32
      %mul3A_1376 = arith.constant 128 : i32
      %mul3A_1377 = arith.muli %add3A, %mul3A_1376 : i32
      %mul3A_1378 = arith.constant 2 : i32
      %mul3A_1379 = arith.muli %mul3A_1378, %sub3A_1375 : i32
      %add3A_1380 = arith.addi %mul3A_1377, %mul3A_1379 : i32
      %mul3A_1381 = arith.constant 2 : i32
      %mul3A_1382 = arith.muli %add3A_1380, %mul3A_1381 : i32
      %mul3A_1383 = arith.constant 100 : i32
      %mul3A_1384 = arith.muli %mul3A_1382, %mul3A_1383 : i32
      %dma_start3A_1385 = arith.constant 1 : i32
      %dma_start3A_1386 = arith.constant 0 : i32
      %dma_start3A_1387 = arith.constant 0 : i32
      %dma_start3A_1388 = tpu.memref_slice %arg7[%dma_start3A_1385, %dma_start3A_1386, %dma_start3A_1387] : memref<4x200x64xf32, #tpu.memory_space<vmem>> -> memref<1x100x64xf32, #tpu.memory_space<vmem>>
      %dma_start3A_1389 = tpu.memref_squeeze %dma_start3A_1388 : memref<1x100x64xf32, #tpu.memory_space<vmem>> -> memref<100x64xf32, #tpu.memory_space<vmem>>
      %dma_start3A_1390 = arith.constant 0 : i32
      %dma_start3A_1391 = tpu.memref_slice %arg4[%mul3A_1384, %dma_start3A_1390] : memref<819200x64xf32, #tpu.memory_space<hbm>> -> memref<100x64xf32, #tpu.memory_space<hbm>>
      %dma_start3A_1392 = arith.constant 0 : i32
      %dma_start3A_1393 = tpu.memref_slice %arg4[%mul3A_1384, %dma_start3A_1392] : memref<819200x64xf32, #tpu.memory_space<hbm>> -> memref<100x64xf32, #tpu.memory_space<hbm>>
      %dma_start3A_1394 = arith.constant 0 : i32
      %dma_start3A_1395 = arith.constant 0 : i32
      %dma_start3A_1396 = tpu.memref_slice %arg7[%dma_start3A_1385, %dma_start3A_1394, %dma_start3A_1395] : memref<4x200x64xf32, #tpu.memory_space<vmem>> -> memref<1x100x64xf32, #tpu.memory_space<vmem>>
      %dma_start3A_1397 = tpu.memref_squeeze %dma_start3A_1396 : memref<1x100x64xf32, #tpu.memory_space<vmem>> -> memref<100x64xf32, #tpu.memory_space<vmem>>
      tpu.enqueue_dma source(%dma_start3A_1397 : memref<100x64xf32, #tpu.memory_space<vmem>>) target(%dma_start3A_1393 : memref<100x64xf32, #tpu.memory_space<hbm>>) target_semaphore(%arg14 : memref<!tpu.dma_semaphore, #tpu.memory_space<semaphore_mem>>)
      %add3A_1398 = arith.constant 100 : i32
      %add3A_1399 = arith.addi %mul3A_1384, %add3A_1398 : i32
      %dma_start3A_1400 = arith.constant 1 : i32
      %dma_start3A_1401 = arith.constant 0 : i32
      %dma_start3A_1402 = arith.constant 0 : i32
      %dma_start3A_1403 = tpu.memref_slice %arg8[%dma_start3A_1400, %dma_start3A_1401, %dma_start3A_1402] : memref<4x200x64xf32, #tpu.memory_space<vmem>> -> memref<1x100x64xf32, #tpu.memory_space<vmem>>
      %dma_start3A_1404 = tpu.memref_squeeze %dma_start3A_1403 : memref<1x100x64xf32, #tpu.memory_space<vmem>> -> memref<100x64xf32, #tpu.memory_space<vmem>>
      %dma_start3A_1405 = arith.constant 0 : i32
      %dma_start3A_1406 = tpu.memref_slice %arg4[%add3A_1399, %dma_start3A_1405] : memref<819200x64xf32, #tpu.memory_space<hbm>> -> memref<100x64xf32, #tpu.memory_space<hbm>>
      %dma_start3A_1407 = arith.constant 0 : i32
      %dma_start3A_1408 = tpu.memref_slice %arg4[%add3A_1399, %dma_start3A_1407] : memref<819200x64xf32, #tpu.memory_space<hbm>> -> memref<100x64xf32, #tpu.memory_space<hbm>>
      %dma_start3A_1409 = arith.constant 0 : i32
      %dma_start3A_1410 = arith.constant 0 : i32
      %dma_start3A_1411 = tpu.memref_slice %arg8[%dma_start3A_1400, %dma_start3A_1409, %dma_start3A_1410] : memref<4x200x64xf32, #tpu.memory_space<vmem>> -> memref<1x100x64xf32, #tpu.memory_space<vmem>>
      %dma_start3A_1412 = tpu.memref_squeeze %dma_start3A_1411 : memref<1x100x64xf32, #tpu.memory_space<vmem>> -> memref<100x64xf32, #tpu.memory_space<vmem>>
      tpu.enqueue_dma source(%dma_start3A_1412 : memref<100x64xf32, #tpu.memory_space<vmem>>) target(%dma_start3A_1408 : memref<100x64xf32, #tpu.memory_space<hbm>>) target_semaphore(%arg14 : memref<!tpu.dma_semaphore, #tpu.memory_space<semaphore_mem>>)
      %add3A_1413 = arith.constant 200 : i32
      %add3A_1414 = arith.addi %mul3A_1384, %add3A_1413 : i32
      %dma_start3A_1415 = arith.constant 1 : i32
      %dma_start3A_1416 = arith.constant 100 : i32
      %dma_start3A_1417 = arith.constant 0 : i32
      %dma_start3A_1418 = tpu.memref_slice %arg7[%dma_start3A_1415, %dma_start3A_1416, %dma_start3A_1417] : memref<4x200x64xf32, #tpu.memory_space<vmem>> -> memref<1x100x64xf32, #tpu.memory_space<vmem>>
      %dma_start3A_1419 = tpu.memref_squeeze %dma_start3A_1418 : memref<1x100x64xf32, #tpu.memory_space<vmem>> -> memref<100x64xf32, #tpu.memory_space<vmem>>
      %dma_start3A_1420 = arith.constant 0 : i32
      %dma_start3A_1421 = tpu.memref_slice %arg4[%add3A_1414, %dma_start3A_1420] : memref<819200x64xf32, #tpu.memory_space<hbm>> -> memref<100x64xf32, #tpu.memory_space<hbm>>
      %dma_start3A_1422 = arith.constant 0 : i32
      %dma_start3A_1423 = tpu.memref_slice %arg4[%add3A_1414, %dma_start3A_1422] : memref<819200x64xf32, #tpu.memory_space<hbm>> -> memref<100x64xf32, #tpu.memory_space<hbm>>
      %dma_start3A_1424 = arith.constant 100 : i32
      %dma_start3A_1425 = arith.constant 0 : i32
      %dma_start3A_1426 = tpu.memref_slice %arg7[%dma_start3A_1415, %dma_start3A_1424, %dma_start3A_1425] : memref<4x200x64xf32, #tpu.memory_space<vmem>> -> memref<1x100x64xf32, #tpu.memory_space<vmem>>
      %dma_start3A_1427 = tpu.memref_squeeze %dma_start3A_1426 : memref<1x100x64xf32, #tpu.memory_space<vmem>> -> memref<100x64xf32, #tpu.memory_space<vmem>>
      tpu.enqueue_dma source(%dma_start3A_1427 : memref<100x64xf32, #tpu.memory_space<vmem>>) target(%dma_start3A_1423 : memref<100x64xf32, #tpu.memory_space<hbm>>) target_semaphore(%arg14 : memref<!tpu.dma_semaphore, #tpu.memory_space<semaphore_mem>>)
      %add3A_1428 = arith.constant 300 : i32
      %add3A_1429 = arith.addi %mul3A_1384, %add3A_1428 : i32
      %dma_start3A_1430 = arith.constant 1 : i32
      %dma_start3A_1431 = arith.constant 100 : i32
      %dma_start3A_1432 = arith.constant 0 : i32
      %dma_start3A_1433 = tpu.memref_slice %arg8[%dma_start3A_1430, %dma_start3A_1431, %dma_start3A_1432] : memref<4x200x64xf32, #tpu.memory_space<vmem>> -> memref<1x100x64xf32, #tpu.memory_space<vmem>>
      %dma_start3A_1434 = tpu.memref_squeeze %dma_start3A_1433 : memref<1x100x64xf32, #tpu.memory_space<vmem>> -> memref<100x64xf32, #tpu.memory_space<vmem>>
      %dma_start3A_1435 = arith.constant 0 : i32
      %dma_start3A_1436 = tpu.memref_slice %arg4[%add3A_1429, %dma_start3A_1435] : memref<819200x64xf32, #tpu.memory_space<hbm>> -> memref<100x64xf32, #tpu.memory_space<hbm>>
      %dma_start3A_1437 = arith.constant 0 : i32
      %dma_start3A_1438 = tpu.memref_slice %arg4[%add3A_1429, %dma_start3A_1437] : memref<819200x64xf32, #tpu.memory_space<hbm>> -> memref<100x64xf32, #tpu.memory_space<hbm>>
      %dma_start3A_1439 = arith.constant 100 : i32
      %dma_start3A_1440 = arith.constant 0 : i32
      %dma_start3A_1441 = tpu.memref_slice %arg8[%dma_start3A_1430, %dma_start3A_1439, %dma_start3A_1440] : memref<4x200x64xf32, #tpu.memory_space<vmem>> -> memref<1x100x64xf32, #tpu.memory_space<vmem>>
      %dma_start3A_1442 = tpu.memref_squeeze %dma_start3A_1441 : memref<1x100x64xf32, #tpu.memory_space<vmem>> -> memref<100x64xf32, #tpu.memory_space<vmem>>
      tpu.enqueue_dma source(%dma_start3A_1442 : memref<100x64xf32, #tpu.memory_space<vmem>>) target(%dma_start3A_1438 : memref<100x64xf32, #tpu.memory_space<hbm>>) target_semaphore(%arg14 : memref<!tpu.dma_semaphore, #tpu.memory_space<semaphore_mem>>)
    }
    %scan3A_290 = arith.constant 15 : i32
    %dma_wait3A_291 = arith.constant 2 : i32
    %dma_wait3A_292 = arith.constant 0 : i32
    %dma_wait3A_293 = arith.constant 0 : i32
    %dma_wait3A_294 = tpu.memref_slice %arg7[%dma_wait3A_291, %dma_wait3A_292, %dma_wait3A_293] : memref<4x200x64xf32, #tpu.memory_space<vmem>> -> memref<1x104x64xf32, #tpu.memory_space<vmem>>
    %dma_wait3A_295 = tpu.memref_squeeze %dma_wait3A_294 : memref<1x104x64xf32, #tpu.memory_space<vmem>> -> memref<104x64xf32, #tpu.memory_space<vmem>>
    %dma_wait3A_296 = arith.constant 0 : i32
    %dma_wait3A_297 = tpu.memref_slice %arg5[%dma_wait3A_296] : memref<12800xi32, #tpu.memory_space<vmem>> -> memref<104xi32, #tpu.memory_space<vmem>>
    %dma_wait3A_298 = arith.constant 0 : i32
    %dma_wait3A_299 = arith.constant 0 : i32
    %dma_wait3A_300 = tpu.memref_slice %arg3[%dma_wait3A_298, %dma_wait3A_299] : memref<100000x64xf32, #tpu.memory_space<hbm>> -> memref<100000x64xf32, #tpu.memory_space<hbm>>
    tpu.wait_indirect_dma semaphore(%arg11 : memref<!tpu.dma_semaphore, #tpu.memory_space<semaphore_mem>>) src(%dma_wait3A_300 : memref<100000x64xf32, #tpu.memory_space<hbm>>) dst(%dma_wait3A_295 : memref<104x64xf32, #tpu.memory_space<vmem>>)
    %dma_wait3A_301 = arith.constant 2 : i32
    %dma_wait3A_302 = arith.constant 104 : i32
    %dma_wait3A_303 = arith.constant 0 : i32
    %dma_wait3A_304 = tpu.memref_slice %arg7[%dma_wait3A_301, %dma_wait3A_302, %dma_wait3A_303] : memref<4x200x64xf32, #tpu.memory_space<vmem>> -> memref<1x96x64xf32, #tpu.memory_space<vmem>>
    %dma_wait3A_305 = tpu.memref_squeeze %dma_wait3A_304 : memref<1x96x64xf32, #tpu.memory_space<vmem>> -> memref<96x64xf32, #tpu.memory_space<vmem>>
    %dma_wait3A_306 = arith.constant 104 : i32
    %dma_wait3A_307 = tpu.memref_slice %arg5[%dma_wait3A_306] : memref<12800xi32, #tpu.memory_space<vmem>> -> memref<96xi32, #tpu.memory_space<vmem>>
    %dma_wait3A_308 = arith.constant 0 : i32
    %dma_wait3A_309 = arith.constant 0 : i32
    %dma_wait3A_310 = tpu.memref_slice %arg3[%dma_wait3A_308, %dma_wait3A_309] : memref<100000x64xf32, #tpu.memory_space<hbm>> -> memref<100000x64xf32, #tpu.memory_space<hbm>>
    tpu.wait_indirect_dma semaphore(%arg11 : memref<!tpu.dma_semaphore, #tpu.memory_space<semaphore_mem>>) src(%dma_wait3A_310 : memref<100000x64xf32, #tpu.memory_space<hbm>>) dst(%dma_wait3A_305 : memref<96x64xf32, #tpu.memory_space<vmem>>)
    %mul3A_311 = arith.constant 128 : i32
    %mul3A_312 = arith.muli %add3A, %mul3A_311 : i32
    %add3A_313 = arith.constant 124 : i32
    %add3A_314 = arith.addi %mul3A_312, %add3A_313 : i32
    %mul3A_315 = arith.constant 2 : i32
    %mul3A_316 = arith.muli %add3A_314, %mul3A_315 : i32
    %mul3A_317 = arith.constant 100 : i32
    %mul3A_318 = arith.muli %mul3A_316, %mul3A_317 : i32
    %dma_start3A_319 = arith.constant 2 : i32
    %dma_start3A_320 = arith.constant 0 : i32
    %dma_start3A_321 = arith.constant 0 : i32
    %dma_start3A_322 = tpu.memref_slice %arg7[%dma_start3A_319, %dma_start3A_320, %dma_start3A_321] : memref<4x200x64xf32, #tpu.memory_space<vmem>> -> memref<1x100x64xf32, #tpu.memory_space<vmem>>
    %dma_start3A_323 = tpu.memref_squeeze %dma_start3A_322 : memref<1x100x64xf32, #tpu.memory_space<vmem>> -> memref<100x64xf32, #tpu.memory_space<vmem>>
    %dma_start3A_324 = arith.constant 0 : i32
    %dma_start3A_325 = tpu.memref_slice %arg4[%mul3A_318, %dma_start3A_324] : memref<819200x64xf32, #tpu.memory_space<hbm>> -> memref<100x64xf32, #tpu.memory_space<hbm>>
    %dma_start3A_326 = arith.constant 0 : i32
    %dma_start3A_327 = tpu.memref_slice %arg4[%mul3A_318, %dma_start3A_326] : memref<819200x64xf32, #tpu.memory_space<hbm>> -> memref<100x64xf32, #tpu.memory_space<hbm>>
    %dma_start3A_328 = arith.constant 0 : i32
    %dma_start3A_329 = arith.constant 0 : i32
    %dma_start3A_330 = tpu.memref_slice %arg7[%dma_start3A_319, %dma_start3A_328, %dma_start3A_329] : memref<4x200x64xf32, #tpu.memory_space<vmem>> -> memref<1x100x64xf32, #tpu.memory_space<vmem>>
    %dma_start3A_331 = tpu.memref_squeeze %dma_start3A_330 : memref<1x100x64xf32, #tpu.memory_space<vmem>> -> memref<100x64xf32, #tpu.memory_space<vmem>>
    tpu.enqueue_dma source(%dma_start3A_331 : memref<100x64xf32, #tpu.memory_space<vmem>>) target(%dma_start3A_327 : memref<100x64xf32, #tpu.memory_space<hbm>>) target_semaphore(%arg15 : memref<!tpu.dma_semaphore, #tpu.memory_space<semaphore_mem>>)
    %add3A_332 = arith.constant 100 : i32
    %add3A_333 = arith.addi %mul3A_318, %add3A_332 : i32
    %dma_start3A_334 = arith.constant 2 : i32
    %dma_start3A_335 = arith.constant 0 : i32
    %dma_start3A_336 = arith.constant 0 : i32
    %dma_start3A_337 = tpu.memref_slice %arg8[%dma_start3A_334, %dma_start3A_335, %dma_start3A_336] : memref<4x200x64xf32, #tpu.memory_space<vmem>> -> memref<1x100x64xf32, #tpu.memory_space<vmem>>
    %dma_start3A_338 = tpu.memref_squeeze %dma_start3A_337 : memref<1x100x64xf32, #tpu.memory_space<vmem>> -> memref<100x64xf32, #tpu.memory_space<vmem>>
    %dma_start3A_339 = arith.constant 0 : i32
    %dma_start3A_340 = tpu.memref_slice %arg4[%add3A_333, %dma_start3A_339] : memref<819200x64xf32, #tpu.memory_space<hbm>> -> memref<100x64xf32, #tpu.memory_space<hbm>>
    %dma_start3A_341 = arith.constant 0 : i32
    %dma_start3A_342 = tpu.memref_slice %arg4[%add3A_333, %dma_start3A_341] : memref<819200x64xf32, #tpu.memory_space<hbm>> -> memref<100x64xf32, #tpu.memory_space<hbm>>
    %dma_start3A_343 = arith.constant 0 : i32
    %dma_start3A_344 = arith.constant 0 : i32
    %dma_start3A_345 = tpu.memref_slice %arg8[%dma_start3A_334, %dma_start3A_343, %dma_start3A_344] : memref<4x200x64xf32, #tpu.memory_space<vmem>> -> memref<1x100x64xf32, #tpu.memory_space<vmem>>
    %dma_start3A_346 = tpu.memref_squeeze %dma_start3A_345 : memref<1x100x64xf32, #tpu.memory_space<vmem>> -> memref<100x64xf32, #tpu.memory_space<vmem>>
    tpu.enqueue_dma source(%dma_start3A_346 : memref<100x64xf32, #tpu.memory_space<vmem>>) target(%dma_start3A_342 : memref<100x64xf32, #tpu.memory_space<hbm>>) target_semaphore(%arg15 : memref<!tpu.dma_semaphore, #tpu.memory_space<semaphore_mem>>)
    %add3A_347 = arith.constant 200 : i32
    %add3A_348 = arith.addi %mul3A_318, %add3A_347 : i32
    %dma_start3A_349 = arith.constant 2 : i32
    %dma_start3A_350 = arith.constant 100 : i32
    %dma_start3A_351 = arith.constant 0 : i32
    %dma_start3A_352 = tpu.memref_slice %arg7[%dma_start3A_349, %dma_start3A_350, %dma_start3A_351] : memref<4x200x64xf32, #tpu.memory_space<vmem>> -> memref<1x100x64xf32, #tpu.memory_space<vmem>>
    %dma_start3A_353 = tpu.memref_squeeze %dma_start3A_352 : memref<1x100x64xf32, #tpu.memory_space<vmem>> -> memref<100x64xf32, #tpu.memory_space<vmem>>
    %dma_start3A_354 = arith.constant 0 : i32
    %dma_start3A_355 = tpu.memref_slice %arg4[%add3A_348, %dma_start3A_354] : memref<819200x64xf32, #tpu.memory_space<hbm>> -> memref<100x64xf32, #tpu.memory_space<hbm>>
    %dma_start3A_356 = arith.constant 0 : i32
    %dma_start3A_357 = tpu.memref_slice %arg4[%add3A_348, %dma_start3A_356] : memref<819200x64xf32, #tpu.memory_space<hbm>> -> memref<100x64xf32, #tpu.memory_space<hbm>>
    %dma_start3A_358 = arith.constant 100 : i32
    %dma_start3A_359 = arith.constant 0 : i32
    %dma_start3A_360 = tpu.memref_slice %arg7[%dma_start3A_349, %dma_start3A_358, %dma_start3A_359] : memref<4x200x64xf32, #tpu.memory_space<vmem>> -> memref<1x100x64xf32, #tpu.memory_space<vmem>>
    %dma_start3A_361 = tpu.memref_squeeze %dma_start3A_360 : memref<1x100x64xf32, #tpu.memory_space<vmem>> -> memref<100x64xf32, #tpu.memory_space<vmem>>
    tpu.enqueue_dma source(%dma_start3A_361 : memref<100x64xf32, #tpu.memory_space<vmem>>) target(%dma_start3A_357 : memref<100x64xf32, #tpu.memory_space<hbm>>) target_semaphore(%arg15 : memref<!tpu.dma_semaphore, #tpu.memory_space<semaphore_mem>>)
    %add3A_362 = arith.constant 300 : i32
    %add3A_363 = arith.addi %mul3A_318, %add3A_362 : i32
    %dma_start3A_364 = arith.constant 2 : i32
    %dma_start3A_365 = arith.constant 100 : i32
    %dma_start3A_366 = arith.constant 0 : i32
    %dma_start3A_367 = tpu.memref_slice %arg8[%dma_start3A_364, %dma_start3A_365, %dma_start3A_366] : memref<4x200x64xf32, #tpu.memory_space<vmem>> -> memref<1x100x64xf32, #tpu.memory_space<vmem>>
    %dma_start3A_368 = tpu.memref_squeeze %dma_start3A_367 : memref<1x100x64xf32, #tpu.memory_space<vmem>> -> memref<100x64xf32, #tpu.memory_space<vmem>>
    %dma_start3A_369 = arith.constant 0 : i32
    %dma_start3A_370 = tpu.memref_slice %arg4[%add3A_363, %dma_start3A_369] : memref<819200x64xf32, #tpu.memory_space<hbm>> -> memref<100x64xf32, #tpu.memory_space<hbm>>
    %dma_start3A_371 = arith.constant 0 : i32
    %dma_start3A_372 = tpu.memref_slice %arg4[%add3A_363, %dma_start3A_371] : memref<819200x64xf32, #tpu.memory_space<hbm>> -> memref<100x64xf32, #tpu.memory_space<hbm>>
    %dma_start3A_373 = arith.constant 100 : i32
    %dma_start3A_374 = arith.constant 0 : i32
    %dma_start3A_375 = tpu.memref_slice %arg8[%dma_start3A_364, %dma_start3A_373, %dma_start3A_374] : memref<4x200x64xf32, #tpu.memory_space<vmem>> -> memref<1x100x64xf32, #tpu.memory_space<vmem>>
    %dma_start3A_376 = tpu.memref_squeeze %dma_start3A_375 : memref<1x100x64xf32, #tpu.memory_space<vmem>> -> memref<100x64xf32, #tpu.memory_space<vmem>>
    tpu.enqueue_dma source(%dma_start3A_376 : memref<100x64xf32, #tpu.memory_space<vmem>>) target(%dma_start3A_372 : memref<100x64xf32, #tpu.memory_space<hbm>>) target_semaphore(%arg15 : memref<!tpu.dma_semaphore, #tpu.memory_space<semaphore_mem>>)
    %dma_wait3A_377 = arith.constant 3 : i32
    %dma_wait3A_378 = arith.constant 0 : i32
    %dma_wait3A_379 = arith.constant 0 : i32
    %dma_wait3A_380 = tpu.memref_slice %arg7[%dma_wait3A_377, %dma_wait3A_378, %dma_wait3A_379] : memref<4x200x64xf32, #tpu.memory_space<vmem>> -> memref<1x104x64xf32, #tpu.memory_space<vmem>>
    %dma_wait3A_381 = tpu.memref_squeeze %dma_wait3A_380 : memref<1x104x64xf32, #tpu.memory_space<vmem>> -> memref<104x64xf32, #tpu.memory_space<vmem>>
    %dma_wait3A_382 = arith.constant 0 : i32
    %dma_wait3A_383 = tpu.memref_slice %arg5[%dma_wait3A_382] : memref<12800xi32, #tpu.memory_space<vmem>> -> memref<104xi32, #tpu.memory_space<vmem>>
    %dma_wait3A_384 = arith.constant 0 : i32
    %dma_wait3A_385 = arith.constant 0 : i32
    %dma_wait3A_386 = tpu.memref_slice %arg3[%dma_wait3A_384, %dma_wait3A_385] : memref<100000x64xf32, #tpu.memory_space<hbm>> -> memref<100000x64xf32, #tpu.memory_space<hbm>>
    tpu.wait_indirect_dma semaphore(%arg12 : memref<!tpu.dma_semaphore, #tpu.memory_space<semaphore_mem>>) src(%dma_wait3A_386 : memref<100000x64xf32, #tpu.memory_space<hbm>>) dst(%dma_wait3A_381 : memref<104x64xf32, #tpu.memory_space<vmem>>)
    %dma_wait3A_387 = arith.constant 3 : i32
    %dma_wait3A_388 = arith.constant 104 : i32
    %dma_wait3A_389 = arith.constant 0 : i32
    %dma_wait3A_390 = tpu.memref_slice %arg7[%dma_wait3A_387, %dma_wait3A_388, %dma_wait3A_389] : memref<4x200x64xf32, #tpu.memory_space<vmem>> -> memref<1x96x64xf32, #tpu.memory_space<vmem>>
    %dma_wait3A_391 = tpu.memref_squeeze %dma_wait3A_390 : memref<1x96x64xf32, #tpu.memory_space<vmem>> -> memref<96x64xf32, #tpu.memory_space<vmem>>
    %dma_wait3A_392 = arith.constant 104 : i32
    %dma_wait3A_393 = tpu.memref_slice %arg5[%dma_wait3A_392] : memref<12800xi32, #tpu.memory_space<vmem>> -> memref<96xi32, #tpu.memory_space<vmem>>
    %dma_wait3A_394 = arith.constant 0 : i32
    %dma_wait3A_395 = arith.constant 0 : i32
    %dma_wait3A_396 = tpu.memref_slice %arg3[%dma_wait3A_394, %dma_wait3A_395] : memref<100000x64xf32, #tpu.memory_space<hbm>> -> memref<100000x64xf32, #tpu.memory_space<hbm>>
    tpu.wait_indirect_dma semaphore(%arg12 : memref<!tpu.dma_semaphore, #tpu.memory_space<semaphore_mem>>) src(%dma_wait3A_396 : memref<100000x64xf32, #tpu.memory_space<hbm>>) dst(%dma_wait3A_391 : memref<96x64xf32, #tpu.memory_space<vmem>>)
    %mul3A_397 = arith.constant 128 : i32
    %mul3A_398 = arith.muli %add3A, %mul3A_397 : i32
    %add3A_399 = arith.constant 126 : i32
    %add3A_400 = arith.addi %mul3A_398, %add3A_399 : i32
    %mul3A_401 = arith.constant 2 : i32
    %mul3A_402 = arith.muli %add3A_400, %mul3A_401 : i32
    %mul3A_403 = arith.constant 100 : i32
    %mul3A_404 = arith.muli %mul3A_402, %mul3A_403 : i32
    %dma_start3A_405 = arith.constant 3 : i32
    %dma_start3A_406 = arith.constant 0 : i32
    %dma_start3A_407 = arith.constant 0 : i32
    %dma_start3A_408 = tpu.memref_slice %arg7[%dma_start3A_405, %dma_start3A_406, %dma_start3A_407] : memref<4x200x64xf32, #tpu.memory_space<vmem>> -> memref<1x100x64xf32, #tpu.memory_space<vmem>>
    %dma_start3A_409 = tpu.memref_squeeze %dma_start3A_408 : memref<1x100x64xf32, #tpu.memory_space<vmem>> -> memref<100x64xf32, #tpu.memory_space<vmem>>
    %dma_start3A_410 = arith.constant 0 : i32
    %dma_start3A_411 = tpu.memref_slice %arg4[%mul3A_404, %dma_start3A_410] : memref<819200x64xf32, #tpu.memory_space<hbm>> -> memref<100x64xf32, #tpu.memory_space<hbm>>
    %dma_start3A_412 = arith.constant 0 : i32
    %dma_start3A_413 = tpu.memref_slice %arg4[%mul3A_404, %dma_start3A_412] : memref<819200x64xf32, #tpu.memory_space<hbm>> -> memref<100x64xf32, #tpu.memory_space<hbm>>
    %dma_start3A_414 = arith.constant 0 : i32
    %dma_start3A_415 = arith.constant 0 : i32
    %dma_start3A_416 = tpu.memref_slice %arg7[%dma_start3A_405, %dma_start3A_414, %dma_start3A_415] : memref<4x200x64xf32, #tpu.memory_space<vmem>> -> memref<1x100x64xf32, #tpu.memory_space<vmem>>
    %dma_start3A_417 = tpu.memref_squeeze %dma_start3A_416 : memref<1x100x64xf32, #tpu.memory_space<vmem>> -> memref<100x64xf32, #tpu.memory_space<vmem>>
    tpu.enqueue_dma source(%dma_start3A_417 : memref<100x64xf32, #tpu.memory_space<vmem>>) target(%dma_start3A_413 : memref<100x64xf32, #tpu.memory_space<hbm>>) target_semaphore(%arg16 : memref<!tpu.dma_semaphore, #tpu.memory_space<semaphore_mem>>)
    %add3A_418 = arith.constant 100 : i32
    %add3A_419 = arith.addi %mul3A_404, %add3A_418 : i32
    %dma_start3A_420 = arith.constant 3 : i32
    %dma_start3A_421 = arith.constant 0 : i32
    %dma_start3A_422 = arith.constant 0 : i32
    %dma_start3A_423 = tpu.memref_slice %arg8[%dma_start3A_420, %dma_start3A_421, %dma_start3A_422] : memref<4x200x64xf32, #tpu.memory_space<vmem>> -> memref<1x100x64xf32, #tpu.memory_space<vmem>>
    %dma_start3A_424 = tpu.memref_squeeze %dma_start3A_423 : memref<1x100x64xf32, #tpu.memory_space<vmem>> -> memref<100x64xf32, #tpu.memory_space<vmem>>
    %dma_start3A_425 = arith.constant 0 : i32
    %dma_start3A_426 = tpu.memref_slice %arg4[%add3A_419, %dma_start3A_425] : memref<819200x64xf32, #tpu.memory_space<hbm>> -> memref<100x64xf32, #tpu.memory_space<hbm>>
    %dma_start3A_427 = arith.constant 0 : i32
    %dma_start3A_428 = tpu.memref_slice %arg4[%add3A_419, %dma_start3A_427] : memref<819200x64xf32, #tpu.memory_space<hbm>> -> memref<100x64xf32, #tpu.memory_space<hbm>>
    %dma_start3A_429 = arith.constant 0 : i32
    %dma_start3A_430 = arith.constant 0 : i32
    %dma_start3A_431 = tpu.memref_slice %arg8[%dma_start3A_420, %dma_start3A_429, %dma_start3A_430] : memref<4x200x64xf32, #tpu.memory_space<vmem>> -> memref<1x100x64xf32, #tpu.memory_space<vmem>>
    %dma_start3A_432 = tpu.memref_squeeze %dma_start3A_431 : memref<1x100x64xf32, #tpu.memory_space<vmem>> -> memref<100x64xf32, #tpu.memory_space<vmem>>
    tpu.enqueue_dma source(%dma_start3A_432 : memref<100x64xf32, #tpu.memory_space<vmem>>) target(%dma_start3A_428 : memref<100x64xf32, #tpu.memory_space<hbm>>) target_semaphore(%arg16 : memref<!tpu.dma_semaphore, #tpu.memory_space<semaphore_mem>>)
    %add3A_433 = arith.constant 200 : i32
    %add3A_434 = arith.addi %mul3A_404, %add3A_433 : i32
    %dma_start3A_435 = arith.constant 3 : i32
    %dma_start3A_436 = arith.constant 100 : i32
    %dma_start3A_437 = arith.constant 0 : i32
    %dma_start3A_438 = tpu.memref_slice %arg7[%dma_start3A_435, %dma_start3A_436, %dma_start3A_437] : memref<4x200x64xf32, #tpu.memory_space<vmem>> -> memref<1x100x64xf32, #tpu.memory_space<vmem>>
    %dma_start3A_439 = tpu.memref_squeeze %dma_start3A_438 : memref<1x100x64xf32, #tpu.memory_space<vmem>> -> memref<100x64xf32, #tpu.memory_space<vmem>>
    %dma_start3A_440 = arith.constant 0 : i32
    %dma_start3A_441 = tpu.memref_slice %arg4[%add3A_434, %dma_start3A_440] : memref<819200x64xf32, #tpu.memory_space<hbm>> -> memref<100x64xf32, #tpu.memory_space<hbm>>
    %dma_start3A_442 = arith.constant 0 : i32
    %dma_start3A_443 = tpu.memref_slice %arg4[%add3A_434, %dma_start3A_442] : memref<819200x64xf32, #tpu.memory_space<hbm>> -> memref<100x64xf32, #tpu.memory_space<hbm>>
    %dma_start3A_444 = arith.constant 100 : i32
    %dma_start3A_445 = arith.constant 0 : i32
    %dma_start3A_446 = tpu.memref_slice %arg7[%dma_start3A_435, %dma_start3A_444, %dma_start3A_445] : memref<4x200x64xf32, #tpu.memory_space<vmem>> -> memref<1x100x64xf32, #tpu.memory_space<vmem>>
    %dma_start3A_447 = tpu.memref_squeeze %dma_start3A_446 : memref<1x100x64xf32, #tpu.memory_space<vmem>> -> memref<100x64xf32, #tpu.memory_space<vmem>>
    tpu.enqueue_dma source(%dma_start3A_447 : memref<100x64xf32, #tpu.memory_space<vmem>>) target(%dma_start3A_443 : memref<100x64xf32, #tpu.memory_space<hbm>>) target_semaphore(%arg16 : memref<!tpu.dma_semaphore, #tpu.memory_space<semaphore_mem>>)
    %add3A_448 = arith.constant 300 : i32
    %add3A_449 = arith.addi %mul3A_404, %add3A_448 : i32
    %dma_start3A_450 = arith.constant 3 : i32
    %dma_start3A_451 = arith.constant 100 : i32
    %dma_start3A_452 = arith.constant 0 : i32
    %dma_start3A_453 = tpu.memref_slice %arg8[%dma_start3A_450, %dma_start3A_451, %dma_start3A_452] : memref<4x200x64xf32, #tpu.memory_space<vmem>> -> memref<1x100x64xf32, #tpu.memory_space<vmem>>
    %dma_start3A_454 = tpu.memref_squeeze %dma_start3A_453 : memref<1x100x64xf32, #tpu.memory_space<vmem>> -> memref<100x64xf32, #tpu.memory_space<vmem>>
    %dma_start3A_455 = arith.constant 0 : i32
    %dma_start3A_456 = tpu.memref_slice %arg4[%add3A_449, %dma_start3A_455] : memref<819200x64xf32, #tpu.memory_space<hbm>> -> memref<100x64xf32, #tpu.memory_space<hbm>>
    %dma_start3A_457 = arith.constant 0 : i32
    %dma_start3A_458 = tpu.memref_slice %arg4[%add3A_449, %dma_start3A_457] : memref<819200x64xf32, #tpu.memory_space<hbm>> -> memref<100x64xf32, #tpu.memory_space<hbm>>
    %dma_start3A_459 = arith.constant 100 : i32
    %dma_start3A_460 = arith.constant 0 : i32
    %dma_start3A_461 = tpu.memref_slice %arg8[%dma_start3A_450, %dma_start3A_459, %dma_start3A_460] : memref<4x200x64xf32, #tpu.memory_space<vmem>> -> memref<1x100x64xf32, #tpu.memory_space<vmem>>
    %dma_start3A_462 = tpu.memref_squeeze %dma_start3A_461 : memref<1x100x64xf32, #tpu.memory_space<vmem>> -> memref<100x64xf32, #tpu.memory_space<vmem>>
    tpu.enqueue_dma source(%dma_start3A_462 : memref<100x64xf32, #tpu.memory_space<vmem>>) target(%dma_start3A_458 : memref<100x64xf32, #tpu.memory_space<hbm>>) target_semaphore(%arg16 : memref<!tpu.dma_semaphore, #tpu.memory_space<semaphore_mem>>)
    %dma_wait3A_463 = arith.constant 0 : i32
    %dma_wait3A_464 = arith.constant 0 : i32
    %dma_wait3A_465 = arith.constant 0 : i32
    %dma_wait3A_466 = tpu.memref_slice %arg7[%dma_wait3A_463, %dma_wait3A_464, %dma_wait3A_465] : memref<4x200x64xf32, #tpu.memory_space<vmem>> -> memref<1x100x64xf32, #tpu.memory_space<vmem>>
    %dma_wait3A_467 = tpu.memref_squeeze %dma_wait3A_466 : memref<1x100x64xf32, #tpu.memory_space<vmem>> -> memref<100x64xf32, #tpu.memory_space<vmem>>
    %dma_wait3A_468 = arith.constant 0 : i32
    %dma_wait3A_469 = arith.constant 0 : i32
    %dma_wait3A_470 = tpu.memref_slice %arg4[%dma_wait3A_468, %dma_wait3A_469] : memref<819200x64xf32, #tpu.memory_space<hbm>> -> memref<100x64xf32, #tpu.memory_space<hbm>>
    %dma_wait3A_471 = arith.constant 0 : i32
    %dma_wait3A_472 = arith.constant 0 : i32
    %dma_wait3A_473 = tpu.memref_slice %arg4[%dma_wait3A_471, %dma_wait3A_472] : memref<819200x64xf32, #tpu.memory_space<hbm>> -> memref<100x64xf32, #tpu.memory_space<hbm>>
    %dma_wait3A_474 = arith.constant 0 : i32
    %dma_wait3A_475 = arith.constant 0 : i32
    %dma_wait3A_476 = tpu.memref_slice %arg7[%dma_wait3A_463, %dma_wait3A_474, %dma_wait3A_475] : memref<4x200x64xf32, #tpu.memory_space<vmem>> -> memref<1x100x64xf32, #tpu.memory_space<vmem>>
    %dma_wait3A_477 = tpu.memref_squeeze %dma_wait3A_476 : memref<1x100x64xf32, #tpu.memory_space<vmem>> -> memref<100x64xf32, #tpu.memory_space<vmem>>
    tpu.wait_dma2 semaphore(%arg13 : memref<!tpu.dma_semaphore, #tpu.memory_space<semaphore_mem>>) src(%dma_wait3A_477 : memref<100x64xf32, #tpu.memory_space<vmem>>) dst(%dma_wait3A_473 : memref<100x64xf32, #tpu.memory_space<hbm>>)
    %dma_wait3A_478 = arith.constant 0 : i32
    %dma_wait3A_479 = arith.constant 0 : i32
    %dma_wait3A_480 = arith.constant 0 : i32
    %dma_wait3A_481 = tpu.memref_slice %arg8[%dma_wait3A_478, %dma_wait3A_479, %dma_wait3A_480] : memref<4x200x64xf32, #tpu.memory_space<vmem>> -> memref<1x100x64xf32, #tpu.memory_space<vmem>>
    %dma_wait3A_482 = tpu.memref_squeeze %dma_wait3A_481 : memref<1x100x64xf32, #tpu.memory_space<vmem>> -> memref<100x64xf32, #tpu.memory_space<vmem>>
    %dma_wait3A_483 = arith.constant 0 : i32
    %dma_wait3A_484 = arith.constant 0 : i32
    %dma_wait3A_485 = tpu.memref_slice %arg4[%dma_wait3A_483, %dma_wait3A_484] : memref<819200x64xf32, #tpu.memory_space<hbm>> -> memref<100x64xf32, #tpu.memory_space<hbm>>
    %dma_wait3A_486 = arith.constant 0 : i32
    %dma_wait3A_487 = arith.constant 0 : i32
    %dma_wait3A_488 = tpu.memref_slice %arg4[%dma_wait3A_486, %dma_wait3A_487] : memref<819200x64xf32, #tpu.memory_space<hbm>> -> memref<100x64xf32, #tpu.memory_space<hbm>>
    %dma_wait3A_489 = arith.constant 0 : i32
    %dma_wait3A_490 = arith.constant 0 : i32
    %dma_wait3A_491 = tpu.memref_slice %arg8[%dma_wait3A_478, %dma_wait3A_489, %dma_wait3A_490] : memref<4x200x64xf32, #tpu.memory_space<vmem>> -> memref<1x100x64xf32, #tpu.memory_space<vmem>>
    %dma_wait3A_492 = tpu.memref_squeeze %dma_wait3A_491 : memref<1x100x64xf32, #tpu.memory_space<vmem>> -> memref<100x64xf32, #tpu.memory_space<vmem>>
    tpu.wait_dma2 semaphore(%arg13 : memref<!tpu.dma_semaphore, #tpu.memory_space<semaphore_mem>>) src(%dma_wait3A_492 : memref<100x64xf32, #tpu.memory_space<vmem>>) dst(%dma_wait3A_488 : memref<100x64xf32, #tpu.memory_space<hbm>>)
    %dma_wait3A_493 = arith.constant 0 : i32
    %dma_wait3A_494 = arith.constant 0 : i32
    %dma_wait3A_495 = arith.constant 0 : i32
    %dma_wait3A_496 = tpu.memref_slice %arg7[%dma_wait3A_493, %dma_wait3A_494, %dma_wait3A_495] : memref<4x200x64xf32, #tpu.memory_space<vmem>> -> memref<1x100x64xf32, #tpu.memory_space<vmem>>
    %dma_wait3A_497 = tpu.memref_squeeze %dma_wait3A_496 : memref<1x100x64xf32, #tpu.memory_space<vmem>> -> memref<100x64xf32, #tpu.memory_space<vmem>>
    %dma_wait3A_498 = arith.constant 0 : i32
    %dma_wait3A_499 = arith.constant 0 : i32
    %dma_wait3A_500 = tpu.memref_slice %arg4[%dma_wait3A_498, %dma_wait3A_499] : memref<819200x64xf32, #tpu.memory_space<hbm>> -> memref<100x64xf32, #tpu.memory_space<hbm>>
    %dma_wait3A_501 = arith.constant 0 : i32
    %dma_wait3A_502 = arith.constant 0 : i32
    %dma_wait3A_503 = tpu.memref_slice %arg4[%dma_wait3A_501, %dma_wait3A_502] : memref<819200x64xf32, #tpu.memory_space<hbm>> -> memref<100x64xf32, #tpu.memory_space<hbm>>
    %dma_wait3A_504 = arith.constant 0 : i32
    %dma_wait3A_505 = arith.constant 0 : i32
    %dma_wait3A_506 = tpu.memref_slice %arg7[%dma_wait3A_493, %dma_wait3A_504, %dma_wait3A_505] : memref<4x200x64xf32, #tpu.memory_space<vmem>> -> memref<1x100x64xf32, #tpu.memory_space<vmem>>
    %dma_wait3A_507 = tpu.memref_squeeze %dma_wait3A_506 : memref<1x100x64xf32, #tpu.memory_space<vmem>> -> memref<100x64xf32, #tpu.memory_space<vmem>>
    tpu.wait_dma2 semaphore(%arg13 : memref<!tpu.dma_semaphore, #tpu.memory_space<semaphore_mem>>) src(%dma_wait3A_507 : memref<100x64xf32, #tpu.memory_space<vmem>>) dst(%dma_wait3A_503 : memref<100x64xf32, #tpu.memory_space<hbm>>)
    %dma_wait3A_508 = arith.constant 0 : i32
    %dma_wait3A_509 = arith.constant 0 : i32
    %dma_wait3A_510 = arith.constant 0 : i32
    %dma_wait3A_511 = tpu.memref_slice %arg8[%dma_wait3A_508, %dma_wait3A_509, %dma_wait3A_510] : memref<4x200x64xf32, #tpu.memory_space<vmem>> -> memref<1x100x64xf32, #tpu.memory_space<vmem>>
    %dma_wait3A_512 = tpu.memref_squeeze %dma_wait3A_511 : memref<1x100x64xf32, #tpu.memory_space<vmem>> -> memref<100x64xf32, #tpu.memory_space<vmem>>
    %dma_wait3A_513 = arith.constant 0 : i32
    %dma_wait3A_514 = arith.constant 0 : i32
    %dma_wait3A_515 = tpu.memref_slice %arg4[%dma_wait3A_513, %dma_wait3A_514] : memref<819200x64xf32, #tpu.memory_space<hbm>> -> memref<100x64xf32, #tpu.memory_space<hbm>>
    %dma_wait3A_516 = arith.constant 0 : i32
    %dma_wait3A_517 = arith.constant 0 : i32
    %dma_wait3A_518 = tpu.memref_slice %arg4[%dma_wait3A_516, %dma_wait3A_517] : memref<819200x64xf32, #tpu.memory_space<hbm>> -> memref<100x64xf32, #tpu.memory_space<hbm>>
    %dma_wait3A_519 = arith.constant 0 : i32
    %dma_wait3A_520 = arith.constant 0 : i32
    %dma_wait3A_521 = tpu.memref_slice %arg8[%dma_wait3A_508, %dma_wait3A_519, %dma_wait3A_520] : memref<4x200x64xf32, #tpu.memory_space<vmem>> -> memref<1x100x64xf32, #tpu.memory_space<vmem>>
    %dma_wait3A_522 = tpu.memref_squeeze %dma_wait3A_521 : memref<1x100x64xf32, #tpu.memory_space<vmem>> -> memref<100x64xf32, #tpu.memory_space<vmem>>
    tpu.wait_dma2 semaphore(%arg13 : memref<!tpu.dma_semaphore, #tpu.memory_space<semaphore_mem>>) src(%dma_wait3A_522 : memref<100x64xf32, #tpu.memory_space<vmem>>) dst(%dma_wait3A_518 : memref<100x64xf32, #tpu.memory_space<hbm>>)
    %dma_wait3A_523 = arith.constant 1 : i32
    %dma_wait3A_524 = arith.constant 0 : i32
    %dma_wait3A_525 = arith.constant 0 : i32
    %dma_wait3A_526 = tpu.memref_slice %arg7[%dma_wait3A_523, %dma_wait3A_524, %dma_wait3A_525] : memref<4x200x64xf32, #tpu.memory_space<vmem>> -> memref<1x100x64xf32, #tpu.memory_space<vmem>>
    %dma_wait3A_527 = tpu.memref_squeeze %dma_wait3A_526 : memref<1x100x64xf32, #tpu.memory_space<vmem>> -> memref<100x64xf32, #tpu.memory_space<vmem>>
    %dma_wait3A_528 = arith.constant 0 : i32
    %dma_wait3A_529 = arith.constant 0 : i32
    %dma_wait3A_530 = tpu.memref_slice %arg4[%dma_wait3A_528, %dma_wait3A_529] : memref<819200x64xf32, #tpu.memory_space<hbm>> -> memref<100x64xf32, #tpu.memory_space<hbm>>
    %dma_wait3A_531 = arith.constant 0 : i32
    %dma_wait3A_532 = arith.constant 0 : i32
    %dma_wait3A_533 = tpu.memref_slice %arg4[%dma_wait3A_531, %dma_wait3A_532] : memref<819200x64xf32, #tpu.memory_space<hbm>> -> memref<100x64xf32, #tpu.memory_space<hbm>>
    %dma_wait3A_534 = arith.constant 0 : i32
    %dma_wait3A_535 = arith.constant 0 : i32
    %dma_wait3A_536 = tpu.memref_slice %arg7[%dma_wait3A_523, %dma_wait3A_534, %dma_wait3A_535] : memref<4x200x64xf32, #tpu.memory_space<vmem>> -> memref<1x100x64xf32, #tpu.memory_space<vmem>>
    %dma_wait3A_537 = tpu.memref_squeeze %dma_wait3A_536 : memref<1x100x64xf32, #tpu.memory_space<vmem>> -> memref<100x64xf32, #tpu.memory_space<vmem>>
    tpu.wait_dma2 semaphore(%arg14 : memref<!tpu.dma_semaphore, #tpu.memory_space<semaphore_mem>>) src(%dma_wait3A_537 : memref<100x64xf32, #tpu.memory_space<vmem>>) dst(%dma_wait3A_533 : memref<100x64xf32, #tpu.memory_space<hbm>>)
    %dma_wait3A_538 = arith.constant 1 : i32
    %dma_wait3A_539 = arith.constant 0 : i32
    %dma_wait3A_540 = arith.constant 0 : i32
    %dma_wait3A_541 = tpu.memref_slice %arg8[%dma_wait3A_538, %dma_wait3A_539, %dma_wait3A_540] : memref<4x200x64xf32, #tpu.memory_space<vmem>> -> memref<1x100x64xf32, #tpu.memory_space<vmem>>
    %dma_wait3A_542 = tpu.memref_squeeze %dma_wait3A_541 : memref<1x100x64xf32, #tpu.memory_space<vmem>> -> memref<100x64xf32, #tpu.memory_space<vmem>>
    %dma_wait3A_543 = arith.constant 0 : i32
    %dma_wait3A_544 = arith.constant 0 : i32
    %dma_wait3A_545 = tpu.memref_slice %arg4[%dma_wait3A_543, %dma_wait3A_544] : memref<819200x64xf32, #tpu.memory_space<hbm>> -> memref<100x64xf32, #tpu.memory_space<hbm>>
    %dma_wait3A_546 = arith.constant 0 : i32
    %dma_wait3A_547 = arith.constant 0 : i32
    %dma_wait3A_548 = tpu.memref_slice %arg4[%dma_wait3A_546, %dma_wait3A_547] : memref<819200x64xf32, #tpu.memory_space<hbm>> -> memref<100x64xf32, #tpu.memory_space<hbm>>
    %dma_wait3A_549 = arith.constant 0 : i32
    %dma_wait3A_550 = arith.constant 0 : i32
    %dma_wait3A_551 = tpu.memref_slice %arg8[%dma_wait3A_538, %dma_wait3A_549, %dma_wait3A_550] : memref<4x200x64xf32, #tpu.memory_space<vmem>> -> memref<1x100x64xf32, #tpu.memory_space<vmem>>
    %dma_wait3A_552 = tpu.memref_squeeze %dma_wait3A_551 : memref<1x100x64xf32, #tpu.memory_space<vmem>> -> memref<100x64xf32, #tpu.memory_space<vmem>>
    tpu.wait_dma2 semaphore(%arg14 : memref<!tpu.dma_semaphore, #tpu.memory_space<semaphore_mem>>) src(%dma_wait3A_552 : memref<100x64xf32, #tpu.memory_space<vmem>>) dst(%dma_wait3A_548 : memref<100x64xf32, #tpu.memory_space<hbm>>)
    %dma_wait3A_553 = arith.constant 1 : i32
    %dma_wait3A_554 = arith.constant 0 : i32
    %dma_wait3A_555 = arith.constant 0 : i32
    %dma_wait3A_556 = tpu.memref_slice %arg7[%dma_wait3A_553, %dma_wait3A_554, %dma_wait3A_555] : memref<4x200x64xf32, #tpu.memory_space<vmem>> -> memref<1x100x64xf32, #tpu.memory_space<vmem>>
    %dma_wait3A_557 = tpu.memref_squeeze %dma_wait3A_556 : memref<1x100x64xf32, #tpu.memory_space<vmem>> -> memref<100x64xf32, #tpu.memory_space<vmem>>
    %dma_wait3A_558 = arith.constant 0 : i32
    %dma_wait3A_559 = arith.constant 0 : i32
    %dma_wait3A_560 = tpu.memref_slice %arg4[%dma_wait3A_558, %dma_wait3A_559] : memref<819200x64xf32, #tpu.memory_space<hbm>> -> memref<100x64xf32, #tpu.memory_space<hbm>>
    %dma_wait3A_561 = arith.constant 0 : i32
    %dma_wait3A_562 = arith.constant 0 : i32
    %dma_wait3A_563 = tpu.memref_slice %arg4[%dma_wait3A_561, %dma_wait3A_562] : memref<819200x64xf32, #tpu.memory_space<hbm>> -> memref<100x64xf32, #tpu.memory_space<hbm>>
    %dma_wait3A_564 = arith.constant 0 : i32
    %dma_wait3A_565 = arith.constant 0 : i32
    %dma_wait3A_566 = tpu.memref_slice %arg7[%dma_wait3A_553, %dma_wait3A_564, %dma_wait3A_565] : memref<4x200x64xf32, #tpu.memory_space<vmem>> -> memref<1x100x64xf32, #tpu.memory_space<vmem>>
    %dma_wait3A_567 = tpu.memref_squeeze %dma_wait3A_566 : memref<1x100x64xf32, #tpu.memory_space<vmem>> -> memref<100x64xf32, #tpu.memory_space<vmem>>
    tpu.wait_dma2 semaphore(%arg14 : memref<!tpu.dma_semaphore, #tpu.memory_space<semaphore_mem>>) src(%dma_wait3A_567 : memref<100x64xf32, #tpu.memory_space<vmem>>) dst(%dma_wait3A_563 : memref<100x64xf32, #tpu.memory_space<hbm>>)
    %dma_wait3A_568 = arith.constant 1 : i32
    %dma_wait3A_569 = arith.constant 0 : i32
    %dma_wait3A_570 = arith.constant 0 : i32
    %dma_wait3A_571 = tpu.memref_slice %arg8[%dma_wait3A_568, %dma_wait3A_569, %dma_wait3A_570] : memref<4x200x64xf32, #tpu.memory_space<vmem>> -> memref<1x100x64xf32, #tpu.memory_space<vmem>>
    %dma_wait3A_572 = tpu.memref_squeeze %dma_wait3A_571 : memref<1x100x64xf32, #tpu.memory_space<vmem>> -> memref<100x64xf32, #tpu.memory_space<vmem>>
    %dma_wait3A_573 = arith.constant 0 : i32
    %dma_wait3A_574 = arith.constant 0 : i32
    %dma_wait3A_575 = tpu.memref_slice %arg4[%dma_wait3A_573, %dma_wait3A_574] : memref<819200x64xf32, #tpu.memory_space<hbm>> -> memref<100x64xf32, #tpu.memory_space<hbm>>
    %dma_wait3A_576 = arith.constant 0 : i32
    %dma_wait3A_577 = arith.constant 0 : i32
    %dma_wait3A_578 = tpu.memref_slice %arg4[%dma_wait3A_576, %dma_wait3A_577] : memref<819200x64xf32, #tpu.memory_space<hbm>> -> memref<100x64xf32, #tpu.memory_space<hbm>>
    %dma_wait3A_579 = arith.constant 0 : i32
    %dma_wait3A_580 = arith.constant 0 : i32
    %dma_wait3A_581 = tpu.memref_slice %arg8[%dma_wait3A_568, %dma_wait3A_579, %dma_wait3A_580] : memref<4x200x64xf32, #tpu.memory_space<vmem>> -> memref<1x100x64xf32, #tpu.memory_space<vmem>>
    %dma_wait3A_582 = tpu.memref_squeeze %dma_wait3A_581 : memref<1x100x64xf32, #tpu.memory_space<vmem>> -> memref<100x64xf32, #tpu.memory_space<vmem>>
    tpu.wait_dma2 semaphore(%arg14 : memref<!tpu.dma_semaphore, #tpu.memory_space<semaphore_mem>>) src(%dma_wait3A_582 : memref<100x64xf32, #tpu.memory_space<vmem>>) dst(%dma_wait3A_578 : memref<100x64xf32, #tpu.memory_space<hbm>>)
    %dma_wait3A_583 = arith.constant 2 : i32
    %dma_wait3A_584 = arith.constant 0 : i32
    %dma_wait3A_585 = arith.constant 0 : i32
    %dma_wait3A_586 = tpu.memref_slice %arg7[%dma_wait3A_583, %dma_wait3A_584, %dma_wait3A_585] : memref<4x200x64xf32, #tpu.memory_space<vmem>> -> memref<1x100x64xf32, #tpu.memory_space<vmem>>
    %dma_wait3A_587 = tpu.memref_squeeze %dma_wait3A_586 : memref<1x100x64xf32, #tpu.memory_space<vmem>> -> memref<100x64xf32, #tpu.memory_space<vmem>>
    %dma_wait3A_588 = arith.constant 0 : i32
    %dma_wait3A_589 = arith.constant 0 : i32
    %dma_wait3A_590 = tpu.memref_slice %arg4[%dma_wait3A_588, %dma_wait3A_589] : memref<819200x64xf32, #tpu.memory_space<hbm>> -> memref<100x64xf32, #tpu.memory_space<hbm>>
    %dma_wait3A_591 = arith.constant 0 : i32
    %dma_wait3A_592 = arith.constant 0 : i32
    %dma_wait3A_593 = tpu.memref_slice %arg4[%dma_wait3A_591, %dma_wait3A_592] : memref<819200x64xf32, #tpu.memory_space<hbm>> -> memref<100x64xf32, #tpu.memory_space<hbm>>
    %dma_wait3A_594 = arith.constant 0 : i32
    %dma_wait3A_595 = arith.constant 0 : i32
    %dma_wait3A_596 = tpu.memref_slice %arg7[%dma_wait3A_583, %dma_wait3A_594, %dma_wait3A_595] : memref<4x200x64xf32, #tpu.memory_space<vmem>> -> memref<1x100x64xf32, #tpu.memory_space<vmem>>
    %dma_wait3A_597 = tpu.memref_squeeze %dma_wait3A_596 : memref<1x100x64xf32, #tpu.memory_space<vmem>> -> memref<100x64xf32, #tpu.memory_space<vmem>>
    tpu.wait_dma2 semaphore(%arg15 : memref<!tpu.dma_semaphore, #tpu.memory_space<semaphore_mem>>) src(%dma_wait3A_597 : memref<100x64xf32, #tpu.memory_space<vmem>>) dst(%dma_wait3A_593 : memref<100x64xf32, #tpu.memory_space<hbm>>)
    %dma_wait3A_598 = arith.constant 2 : i32
    %dma_wait3A_599 = arith.constant 0 : i32
    %dma_wait3A_600 = arith.constant 0 : i32
    %dma_wait3A_601 = tpu.memref_slice %arg8[%dma_wait3A_598, %dma_wait3A_599, %dma_wait3A_600] : memref<4x200x64xf32, #tpu.memory_space<vmem>> -> memref<1x100x64xf32, #tpu.memory_space<vmem>>
    %dma_wait3A_602 = tpu.memref_squeeze %dma_wait3A_601 : memref<1x100x64xf32, #tpu.memory_space<vmem>> -> memref<100x64xf32, #tpu.memory_space<vmem>>
    %dma_wait3A_603 = arith.constant 0 : i32
    %dma_wait3A_604 = arith.constant 0 : i32
    %dma_wait3A_605 = tpu.memref_slice %arg4[%dma_wait3A_603, %dma_wait3A_604] : memref<819200x64xf32, #tpu.memory_space<hbm>> -> memref<100x64xf32, #tpu.memory_space<hbm>>
    %dma_wait3A_606 = arith.constant 0 : i32
    %dma_wait3A_607 = arith.constant 0 : i32
    %dma_wait3A_608 = tpu.memref_slice %arg4[%dma_wait3A_606, %dma_wait3A_607] : memref<819200x64xf32, #tpu.memory_space<hbm>> -> memref<100x64xf32, #tpu.memory_space<hbm>>
    %dma_wait3A_609 = arith.constant 0 : i32
    %dma_wait3A_610 = arith.constant 0 : i32
    %dma_wait3A_611 = tpu.memref_slice %arg8[%dma_wait3A_598, %dma_wait3A_609, %dma_wait3A_610] : memref<4x200x64xf32, #tpu.memory_space<vmem>> -> memref<1x100x64xf32, #tpu.memory_space<vmem>>
    %dma_wait3A_612 = tpu.memref_squeeze %dma_wait3A_611 : memref<1x100x64xf32, #tpu.memory_space<vmem>> -> memref<100x64xf32, #tpu.memory_space<vmem>>
    tpu.wait_dma2 semaphore(%arg15 : memref<!tpu.dma_semaphore, #tpu.memory_space<semaphore_mem>>) src(%dma_wait3A_612 : memref<100x64xf32, #tpu.memory_space<vmem>>) dst(%dma_wait3A_608 : memref<100x64xf32, #tpu.memory_space<hbm>>)
    %dma_wait3A_613 = arith.constant 2 : i32
    %dma_wait3A_614 = arith.constant 0 : i32
    %dma_wait3A_615 = arith.constant 0 : i32
    %dma_wait3A_616 = tpu.memref_slice %arg7[%dma_wait3A_613, %dma_wait3A_614, %dma_wait3A_615] : memref<4x200x64xf32, #tpu.memory_space<vmem>> -> memref<1x100x64xf32, #tpu.memory_space<vmem>>
    %dma_wait3A_617 = tpu.memref_squeeze %dma_wait3A_616 : memref<1x100x64xf32, #tpu.memory_space<vmem>> -> memref<100x64xf32, #tpu.memory_space<vmem>>
    %dma_wait3A_618 = arith.constant 0 : i32
    %dma_wait3A_619 = arith.constant 0 : i32
    %dma_wait3A_620 = tpu.memref_slice %arg4[%dma_wait3A_618, %dma_wait3A_619] : memref<819200x64xf32, #tpu.memory_space<hbm>> -> memref<100x64xf32, #tpu.memory_space<hbm>>
    %dma_wait3A_621 = arith.constant 0 : i32
    %dma_wait3A_622 = arith.constant 0 : i32
    %dma_wait3A_623 = tpu.memref_slice %arg4[%dma_wait3A_621, %dma_wait3A_622] : memref<819200x64xf32, #tpu.memory_space<hbm>> -> memref<100x64xf32, #tpu.memory_space<hbm>>
    %dma_wait3A_624 = arith.constant 0 : i32
    %dma_wait3A_625 = arith.constant 0 : i32
    %dma_wait3A_626 = tpu.memref_slice %arg7[%dma_wait3A_613, %dma_wait3A_624, %dma_wait3A_625] : memref<4x200x64xf32, #tpu.memory_space<vmem>> -> memref<1x100x64xf32, #tpu.memory_space<vmem>>
    %dma_wait3A_627 = tpu.memref_squeeze %dma_wait3A_626 : memref<1x100x64xf32, #tpu.memory_space<vmem>> -> memref<100x64xf32, #tpu.memory_space<vmem>>
    tpu.wait_dma2 semaphore(%arg15 : memref<!tpu.dma_semaphore, #tpu.memory_space<semaphore_mem>>) src(%dma_wait3A_627 : memref<100x64xf32, #tpu.memory_space<vmem>>) dst(%dma_wait3A_623 : memref<100x64xf32, #tpu.memory_space<hbm>>)
    %dma_wait3A_628 = arith.constant 2 : i32
    %dma_wait3A_629 = arith.constant 0 : i32
    %dma_wait3A_630 = arith.constant 0 : i32
    %dma_wait3A_631 = tpu.memref_slice %arg8[%dma_wait3A_628, %dma_wait3A_629, %dma_wait3A_630] : memref<4x200x64xf32, #tpu.memory_space<vmem>> -> memref<1x100x64xf32, #tpu.memory_space<vmem>>
    %dma_wait3A_632 = tpu.memref_squeeze %dma_wait3A_631 : memref<1x100x64xf32, #tpu.memory_space<vmem>> -> memref<100x64xf32, #tpu.memory_space<vmem>>
    %dma_wait3A_633 = arith.constant 0 : i32
    %dma_wait3A_634 = arith.constant 0 : i32
    %dma_wait3A_635 = tpu.memref_slice %arg4[%dma_wait3A_633, %dma_wait3A_634] : memref<819200x64xf32, #tpu.memory_space<hbm>> -> memref<100x64xf32, #tpu.memory_space<hbm>>
    %dma_wait3A_636 = arith.constant 0 : i32
    %dma_wait3A_637 = arith.constant 0 : i32
    %dma_wait3A_638 = tpu.memref_slice %arg4[%dma_wait3A_636, %dma_wait3A_637] : memref<819200x64xf32, #tpu.memory_space<hbm>> -> memref<100x64xf32, #tpu.memory_space<hbm>>
    %dma_wait3A_639 = arith.constant 0 : i32
    %dma_wait3A_640 = arith.constant 0 : i32
    %dma_wait3A_641 = tpu.memref_slice %arg8[%dma_wait3A_628, %dma_wait3A_639, %dma_wait3A_640] : memref<4x200x64xf32, #tpu.memory_space<vmem>> -> memref<1x100x64xf32, #tpu.memory_space<vmem>>
    %dma_wait3A_642 = tpu.memref_squeeze %dma_wait3A_641 : memref<1x100x64xf32, #tpu.memory_space<vmem>> -> memref<100x64xf32, #tpu.memory_space<vmem>>
    tpu.wait_dma2 semaphore(%arg15 : memref<!tpu.dma_semaphore, #tpu.memory_space<semaphore_mem>>) src(%dma_wait3A_642 : memref<100x64xf32, #tpu.memory_space<vmem>>) dst(%dma_wait3A_638 : memref<100x64xf32, #tpu.memory_space<hbm>>)
    %dma_wait3A_643 = arith.constant 3 : i32
    %dma_wait3A_644 = arith.constant 0 : i32
    %dma_wait3A_645 = arith.constant 0 : i32
    %dma_wait3A_646 = tpu.memref_slice %arg7[%dma_wait3A_643, %dma_wait3A_644, %dma_wait3A_645] : memref<4x200x64xf32, #tpu.memory_space<vmem>> -> memref<1x100x64xf32, #tpu.memory_space<vmem>>
    %dma_wait3A_647 = tpu.memref_squeeze %dma_wait3A_646 : memref<1x100x64xf32, #tpu.memory_space<vmem>> -> memref<100x64xf32, #tpu.memory_space<vmem>>
    %dma_wait3A_648 = arith.constant 0 : i32
    %dma_wait3A_649 = arith.constant 0 : i32
    %dma_wait3A_650 = tpu.memref_slice %arg4[%dma_wait3A_648, %dma_wait3A_649] : memref<819200x64xf32, #tpu.memory_space<hbm>> -> memref<100x64xf32, #tpu.memory_space<hbm>>
    %dma_wait3A_651 = arith.constant 0 : i32
    %dma_wait3A_652 = arith.constant 0 : i32
    %dma_wait3A_653 = tpu.memref_slice %arg4[%dma_wait3A_651, %dma_wait3A_652] : memref<819200x64xf32, #tpu.memory_space<hbm>> -> memref<100x64xf32, #tpu.memory_space<hbm>>
    %dma_wait3A_654 = arith.constant 0 : i32
    %dma_wait3A_655 = arith.constant 0 : i32
    %dma_wait3A_656 = tpu.memref_slice %arg7[%dma_wait3A_643, %dma_wait3A_654, %dma_wait3A_655] : memref<4x200x64xf32, #tpu.memory_space<vmem>> -> memref<1x100x64xf32, #tpu.memory_space<vmem>>
    %dma_wait3A_657 = tpu.memref_squeeze %dma_wait3A_656 : memref<1x100x64xf32, #tpu.memory_space<vmem>> -> memref<100x64xf32, #tpu.memory_space<vmem>>
    tpu.wait_dma2 semaphore(%arg16 : memref<!tpu.dma_semaphore, #tpu.memory_space<semaphore_mem>>) src(%dma_wait3A_657 : memref<100x64xf32, #tpu.memory_space<vmem>>) dst(%dma_wait3A_653 : memref<100x64xf32, #tpu.memory_space<hbm>>)
    %dma_wait3A_658 = arith.constant 3 : i32
    %dma_wait3A_659 = arith.constant 0 : i32
    %dma_wait3A_660 = arith.constant 0 : i32
    %dma_wait3A_661 = tpu.memref_slice %arg8[%dma_wait3A_658, %dma_wait3A_659, %dma_wait3A_660] : memref<4x200x64xf32, #tpu.memory_space<vmem>> -> memref<1x100x64xf32, #tpu.memory_space<vmem>>
    %dma_wait3A_662 = tpu.memref_squeeze %dma_wait3A_661 : memref<1x100x64xf32, #tpu.memory_space<vmem>> -> memref<100x64xf32, #tpu.memory_space<vmem>>
    %dma_wait3A_663 = arith.constant 0 : i32
    %dma_wait3A_664 = arith.constant 0 : i32
    %dma_wait3A_665 = tpu.memref_slice %arg4[%dma_wait3A_663, %dma_wait3A_664] : memref<819200x64xf32, #tpu.memory_space<hbm>> -> memref<100x64xf32, #tpu.memory_space<hbm>>
    %dma_wait3A_666 = arith.constant 0 : i32
    %dma_wait3A_667 = arith.constant 0 : i32
    %dma_wait3A_668 = tpu.memref_slice %arg4[%dma_wait3A_666, %dma_wait3A_667] : memref<819200x64xf32, #tpu.memory_space<hbm>> -> memref<100x64xf32, #tpu.memory_space<hbm>>
    %dma_wait3A_669 = arith.constant 0 : i32
    %dma_wait3A_670 = arith.constant 0 : i32
    %dma_wait3A_671 = tpu.memref_slice %arg8[%dma_wait3A_658, %dma_wait3A_669, %dma_wait3A_670] : memref<4x200x64xf32, #tpu.memory_space<vmem>> -> memref<1x100x64xf32, #tpu.memory_space<vmem>>
    %dma_wait3A_672 = tpu.memref_squeeze %dma_wait3A_671 : memref<1x100x64xf32, #tpu.memory_space<vmem>> -> memref<100x64xf32, #tpu.memory_space<vmem>>
    tpu.wait_dma2 semaphore(%arg16 : memref<!tpu.dma_semaphore, #tpu.memory_space<semaphore_mem>>) src(%dma_wait3A_672 : memref<100x64xf32, #tpu.memory_space<vmem>>) dst(%dma_wait3A_668 : memref<100x64xf32, #tpu.memory_space<hbm>>)
    %dma_wait3A_673 = arith.constant 3 : i32
    %dma_wait3A_674 = arith.constant 0 : i32
    %dma_wait3A_675 = arith.constant 0 : i32
    %dma_wait3A_676 = tpu.memref_slice %arg7[%dma_wait3A_673, %dma_wait3A_674, %dma_wait3A_675] : memref<4x200x64xf32, #tpu.memory_space<vmem>> -> memref<1x100x64xf32, #tpu.memory_space<vmem>>
    %dma_wait3A_677 = tpu.memref_squeeze %dma_wait3A_676 : memref<1x100x64xf32, #tpu.memory_space<vmem>> -> memref<100x64xf32, #tpu.memory_space<vmem>>
    %dma_wait3A_678 = arith.constant 0 : i32
    %dma_wait3A_679 = arith.constant 0 : i32
    %dma_wait3A_680 = tpu.memref_slice %arg4[%dma_wait3A_678, %dma_wait3A_679] : memref<819200x64xf32, #tpu.memory_space<hbm>> -> memref<100x64xf32, #tpu.memory_space<hbm>>
    %dma_wait3A_681 = arith.constant 0 : i32
    %dma_wait3A_682 = arith.constant 0 : i32
    %dma_wait3A_683 = tpu.memref_slice %arg4[%dma_wait3A_681, %dma_wait3A_682] : memref<819200x64xf32, #tpu.memory_space<hbm>> -> memref<100x64xf32, #tpu.memory_space<hbm>>
    %dma_wait3A_684 = arith.constant 0 : i32
    %dma_wait3A_685 = arith.constant 0 : i32
    %dma_wait3A_686 = tpu.memref_slice %arg7[%dma_wait3A_673, %dma_wait3A_684, %dma_wait3A_685] : memref<4x200x64xf32, #tpu.memory_space<vmem>> -> memref<1x100x64xf32, #tpu.memory_space<vmem>>
    %dma_wait3A_687 = tpu.memref_squeeze %dma_wait3A_686 : memref<1x100x64xf32, #tpu.memory_space<vmem>> -> memref<100x64xf32, #tpu.memory_space<vmem>>
    tpu.wait_dma2 semaphore(%arg16 : memref<!tpu.dma_semaphore, #tpu.memory_space<semaphore_mem>>) src(%dma_wait3A_687 : memref<100x64xf32, #tpu.memory_space<vmem>>) dst(%dma_wait3A_683 : memref<100x64xf32, #tpu.memory_space<hbm>>)
    %dma_wait3A_688 = arith.constant 3 : i32
    %dma_wait3A_689 = arith.constant 0 : i32
    %dma_wait3A_690 = arith.constant 0 : i32
    %dma_wait3A_691 = tpu.memref_slice %arg8[%dma_wait3A_688, %dma_wait3A_689, %dma_wait3A_690] : memref<4x200x64xf32, #tpu.memory_space<vmem>> -> memref<1x100x64xf32, #tpu.memory_space<vmem>>
    %dma_wait3A_692 = tpu.memref_squeeze %dma_wait3A_691 : memref<1x100x64xf32, #tpu.memory_space<vmem>> -> memref<100x64xf32, #tpu.memory_space<vmem>>
    %dma_wait3A_693 = arith.constant 0 : i32
    %dma_wait3A_694 = arith.constant 0 : i32
    %dma_wait3A_695 = tpu.memref_slice %arg4[%dma_wait3A_693, %dma_wait3A_694] : memref<819200x64xf32, #tpu.memory_space<hbm>> -> memref<100x64xf32, #tpu.memory_space<hbm>>
    %dma_wait3A_696 = arith.constant 0 : i32
    %dma_wait3A_697 = arith.constant 0 : i32
    %dma_wait3A_698 = tpu.memref_slice %arg4[%dma_wait3A_696, %dma_wait3A_697] : memref<819200x64xf32, #tpu.memory_space<hbm>> -> memref<100x64xf32, #tpu.memory_space<hbm>>
    %dma_wait3A_699 = arith.constant 0 : i32
    %dma_wait3A_700 = arith.constant 0 : i32
    %dma_wait3A_701 = tpu.memref_slice %arg8[%dma_wait3A_688, %dma_wait3A_699, %dma_wait3A_700] : memref<4x200x64xf32, #tpu.memory_space<vmem>> -> memref<1x100x64xf32, #tpu.memory_space<vmem>>
    %dma_wait3A_702 = tpu.memref_squeeze %dma_wait3A_701 : memref<1x100x64xf32, #tpu.memory_space<vmem>> -> memref<100x64xf32, #tpu.memory_space<vmem>>
    tpu.wait_dma2 semaphore(%arg16 : memref<!tpu.dma_semaphore, #tpu.memory_space<semaphore_mem>>) src(%dma_wait3A_702 : memref<100x64xf32, #tpu.memory_space<vmem>>) dst(%dma_wait3A_698 : memref<100x64xf32, #tpu.memory_space<hbm>>)
    return
  }
}

</mosaic_0001>

<sc_bundles>
// kernel: kernel.3.cloned.1.call-start
scs
__scs_entry_jumppad:
0x0: {  	(pc) =	sbr.rel $0x88, $3  }
0x1: {  	(tag) =	ssettag $0x0;
	lr =	simm.s32 $0x1  }
0x2: {  	[smem:$0x3F9F] =	sst lr;
	_ =	strace $0xD0000000  }
0x3: {  	_ = 	snop  }
0x4: {  	_ = 	snop  }
0x5: {  	_ = 	snop  }
0x6: {  	_ = 	snop  }
0x7: {  	_ = 	snop  }
__scs_overlays_trampoline_lowered:
0x8: {  	[smem:$0x3FAE] =	sst s0  }
0x9: {  	[smem:$0x3FAF] =	sst s1  }
0xa: {  	[smem:$0x3FB0] =	sst s2  }
0xb: {  	[smem:$0x3FB1] =	sst s3  }
0xc: {  	[smem:$0x3FB2] =	sst s4  }
0xd: {  	[smem:$0x3FB3] =	sst s5  }
0xe: {  	[smem:$0x3FB4] =	sst s6  }
0xf: {  	[smem:$0x3FB5] =	sst s7  }
0x10: {  	[smem:$0x3FB6] =	sst s8  }
0x11: {  	[smem:$0x3FB7] =	sst s9;
	s0 =	simm.s32 @!p0 $0x0  }
0x12: {  	s1 =	sld [smem:$0x3F9D];
	s0 =	simm.s32 @p0 $0x1  }
0x13: {  	[smem:$0x3FB8] =	sst s0;
	s0 =	simm.s32 @!p1 $0x0  }
0x14: {  	s2 =	sld [smem:$0x3F9C];
	s0 =	simm.s32 @p1 $0x1  }
0x15: {  	[smem:$0x3FB9] =	sst s0;
	s0 =	simm.s32 @!p2 $0x0  }
0x16: {  	s3 =	sld [smem:$0x3FDB];
	s0 =	simm.s32 @p2 $0x1  }
0x17: {  	s4 =	simm.s32 $0x1BF5;
	[smem:$0x3FBB] =	sst s0  }
0x18: {  	s0 =	sld [smem:$0x3F9E];
	_ =	swait.ge [sflag:s4], $0x0  }
0x19: {  	s7 =	sld [smem:$0x3F9F]  }
0x1a: {  	s8 =	sadd.s32 $0xFFFFE003, lr  }
0x1b: {  	s9 =	sadd.s32 $0xFFFFFEF7, lr;
	s5 =	simm.s32 $0xFFFFFFFF;
	p2 =	slt.u32 s8, $0xFFFFF086  }
0x1c: {  	p1 =	slt.u32 s9, $0xF7A;
	s5 =	simm.s32 @!p2 $0x0  }
0x1d: {  	s5 =	simm.s32 @p1 $0x1;
	p0 =	seq.s32 s7, s2  }
0x1e: {  	s7 =	smul.u32 @!p0 $0xF7A, s2;
	p2 =	seq.s32 @!p0 s5, $0x0  }
0x1f: {  	s9 =	smul.u32 $0xF7A, s1;
	s8 =	simm.s32 @!p0 $0x1BF5;
	p2 =	por !p2, p0  }
0x20: {  	[sflag:s8] =	ssyncset.s32 @!p0 $0xFFFFF086;
	s6 =	sadd.s32 @!p0 s3, s7;
	s7 =	simm.s32 @!p0 $0x108  }
0x21: {  	s3 =	sadd.s32 s3, s9;
	s6 =	sadd.s32 @!p0 $0x88, s6;
	s7 =	simm.s32 @p2 $0x1082  }
0x22: {  	[simem:s7], [sflag:s8] =	dma.local @!p0 [hbm:s6], $0xF7A  }
0x23: {  	s9 =	sor.u32 $0xD0000000, s2;
	s6 =	simm.s32 $0x108;
	_ =	swait.ge @!p0 [sflag:s8], $0x0  }
0x24: {  	s3 =	sadd.s32 $0x88, s3;
	s6 =	simm.s32 @!p1 $0x1082;
	[sflag:s4] =	ssyncset.s32 $0xFFFFF086  }
0x25: {  	[simem:s6], [sflag:s4] =	dma.local [hbm:s3], $0xF7A  }
0x26: {  	[smem:$0x3F9F] =	sst s1;
	(tag) =	ssettag s2;
	_ =	strace s9  }
0x27: {  	s1 =	sld [smem:$0x3FAF]  }
0x28: {  	s2 =	sld [smem:$0x3FB0]  }
0x29: {  	s4 =	sld [smem:$0x3FB2]  }
0x2a: {  	p0 =	seq.s32 s5, $0x0;
	s5 =	sld [smem:$0x3FB3]  }
0x2b: {  	s6 =	sld [smem:$0x3FB4]  }
0x2c: {  	s7 =	sld [smem:$0x3FB5]  }
0x2d: {  	s3 =	simm.s32 $0x108;
	s8 =	sld [smem:$0x3FB6]  }
0x2e: {  	s3 =	simm.s32 @!p0 $0x1082;
	s9 =	sld [smem:$0x3FB7]  }
0x2f: {  	lr =	sadd.s32 s0, s3;
	s0 =	sld [smem:$0x3FAE]  }
0x30: {  	s3 =	sld [smem:$0x3FB1]  }
0x31: {  	[smem:$0x3FBA] =	sst s10  }
0x32: {  	s10 =	sld [smem:$0x3FB8];
	_ =	sdelay $0x3  }
0x33: {  	p0 =	seq.s32 s10, $0x1;
	s10 =	sld [smem:$0x3FBA];
	_ =	sdelay $0x3  }
0x34: {  	[smem:$0x3FBA] =	sst s10  }
0x35: {  	s10 =	sld [smem:$0x3FB9];
	_ =	sdelay $0x3  }
0x36: {  	p1 =	seq.s32 s10, $0x1;
	s10 =	sld [smem:$0x3FBA];
	_ =	sdelay $0x3  }
0x37: {  	[smem:$0x3FBA] =	sst s10  }
0x38: {  	s10 =	sld [smem:$0x3FBB]  }
0x39: {  	_ = 	snop;
	(pc) =	sbr.ind lr, $3  }
0x3a: {  	_ = 	snop  }
0x3b: {  	_ = 	snop  }
0x3c: {  	p2 =	seq.s32 s10, $0x1;
	s10 =	sld [smem:$0x3FBA]  }
0x3d: {  	_ =	shalt  }
0x3e: {  	_ =	shalt  }
0x3f: {  	_ =	shalt  }
0x40: {  	_ =	shalt  }
0x41: {  	_ =	shalt  }
0x42: {  	_ =	shalt  }
0x43: {  	_ =	shalt  }
0x44: {  	_ =	shalt  }
0x45: {  	_ =	shalt  }
0x46: {  	_ =	shalt  }
0x47: {  	_ =	shalt  }
0x48: {  	_ =	shalt  }
0x49: {  	_ =	shalt  }
0x4a: {  	_ =	shalt  }
0x4b: {  	_ =	shalt  }
0x4c: {  	_ =	shalt  }
0x4d: {  	_ =	shalt  }
0x4e: {  	_ =	shalt  }
0x4f: {  	_ =	shalt  }
0x50: {  	_ =	shalt  }
0x51: {  	_ =	shalt  }
0x52: {  	_ =	shalt  }
0x53: {  	_ =	shalt  }
0x54: {  	_ =	shalt  }
0x55: {  	_ =	shalt  }
0x56: {  	_ =	shalt  }
0x57: {  	_ =	shalt  }
0x58: {  	_ =	shalt  }
0x59: {  	_ =	shalt  }
0x5a: {  	_ =	shalt  }
0x5b: {  	_ =	shalt  }
0x5c: {  	_ =	shalt  }
0x5d: {  	_ =	shalt  }
0x5e: {  	_ =	shalt  }
0x5f: {  	_ =	shalt  }
0x60: {  	_ =	shalt  }
0x61: {  	_ =	shalt  }
0x62: {  	_ =	shalt  }
0x63: {  	_ =	shalt  }
0x64: {  	_ =	shalt  }
0x65: {  	_ =	shalt  }
0x66: {  	_ =	shalt  }
0x67: {  	_ =	shalt  }
0x68: {  	_ =	shalt  }
0x69: {  	_ =	shalt  }
0x6a: {  	_ =	shalt  }
0x6b: {  	_ =	shalt  }
0x6c: {  	_ =	shalt  }
0x6d: {  	_ =	shalt  }
0x6e: {  	_ =	shalt  }
0x6f: {  	_ =	shalt  }
0x70: {  	_ =	shalt  }
0x71: {  	_ =	shalt  }
0x72: {  	_ =	shalt  }
0x73: {  	_ =	shalt  }
0x74: {  	_ =	shalt  }
0x75: {  	_ =	shalt  }
0x76: {  	_ =	shalt  }
0x77: {  	_ =	shalt  }
0x78: {  	_ =	shalt  }
0x79: {  	_ =	shalt  }
0x7a: {  	_ =	shalt  }
0x7b: {  	_ =	shalt  }
0x7c: {  	_ =	shalt  }
0x7d: {  	_ =	shalt  }
0x7e: {  	_ =	shalt  }
0x7f: {  	_ =	shalt  }
0x80: {  	_ =	shalt  }
0x81: {  	_ =	shalt  }
0x82: {  	_ =	shalt  }
0x83: {  	_ =	shalt  }
0x84: {  	_ =	shalt  }
0x85: {  	_ =	shalt  }
0x86: {  	_ =	shalt  }
0x87: {  	_ =	shalt  }
.Lfunc_end0:
.L_simem_size_0:
called_computation.1_lowered:
.L_overlay_start_0:
0x88: {  	s2 =	sld [smem:$0x3FD9]  }
0x89: {  	s3 =	sld [smem:$0x3FFE];
	_ =	sdelay $0x1  }
0x8a: {  	s1 =	srdreg.scid  }
0x8b: {  	s0 =	sand.u32 $0x1, s1  }
0x8c: {  	s17 =	sshll.u32 s0, $0xA;
	s2 =	sadd.s32 s3, s2  }
0x8d: {  	s2 =	sadd.s32 s2, s17  }
0x8e: {  	[smem:$0x3FC6] =	sst s2  }
0x8f: {  	_ = 	snop  }
0x90: {  	s2 =	sld [smem:$0x3FD0];
	(tm) =	ssettm $0x1  }
0x91: {  	s18 =	sld [smem:$0x3FFB];
	_ =	sdelay $0x3  }
0x92: {  	_ =	strace s18  }
0x93: {  	s3 =	sld [smem:$0x3FFC];
	_ =	sdelay $0x3  }
0x94: {  	_ =	strace s3  }
0x95: {  	s3 =	sld [smem:$0x3FFD];
	_ =	sdelay $0x3  }
0x96: {  	_ =	strace s3  }
0x97: {  	_ =	strace $0x8FFFFFFF  }
0x98: {  	s19 =	sld [smem:$0x3FDB];
	_ =	sdelay $0x1  }
0x99: {  	s4 =	simm.s32 $_scs_section_size  }
0x9a: {  	s5 =	simm.s32 $_size__tile_overlayer_lowered;
	s6 =	simm.s32 $_tile_overlayer_lowered  }
0x9b: {  	s22 =	simm.s32 $0x1BFF;
	s21 =	sshll.u32 s6, $0x1;
	s3 =	sadd.s32 s4, s19  }
0x9c: {  	s7 =	simm.s32 $0x0;
	s20 =	sshll.u32 s5, $0x1;
	s5 =	sadd.s32 s21, s3  }
0x9d: {  	[timem:s7], [sflag:s22] =	dma.local [hbm:s5], s20  }
0x9e: {  	_ =	swait.ge [sflag:s22], s20  }
0x9f: {  	s4 =	ssub.s32 $0x0, s20;
	[sflag:s22] =	ssyncset.done $0x0  }
0xa0: {  	[sflag:s22] =	ssyncadd.s32 s4;
	_ =	sdelay $0x1  }
0xa1: {  	s23 =	simm.s32 $0x1B8B  }
0xa2: {  	_ =	swait.ge [sflag:s23], $0x1  }
0xa3: {  	[sflag:s23] =	ssyncset.done $0x0  }
0xa4: {  	s25 =	simm.s32 $0x1B8E;
	s24 =	sld [smem:$0x3FFE];
	[sflag:s23] =	ssyncadd.s32 $0xFFFFFFFF  }
0xa5: {  	s26 =	simm.s32 $execute0_lowered;
	[smem:$0x3FD2] =	sst s25  }
0xa6: {  	s5 =	sshll.u32 s26, $0x1;
	_ =	strace $0x80000046;
	[dreg:$0x1] =	wrdreg $0xFFFFFFFF  }
0xa7: {  	s28 =	simm.s32 $_size_execute0_lowered;
	s3 =	sadd.s32 s3, s5;
	[dreg:$0x0] =	wrdreg $0x0  }
0xa8: {  	s5 =	sshll.u32 s28, $0x1;
	[dreg:$0x2] =	wrdreg s3  }
0xa9: {  	[dreg:$0x3] =	wrdreg s5  }
0xaa: {  	[dreg:$0x4] =	wrdreg $0xC0  }
0xab: {  	_ =	task [dreg:s7], $0x5FFFF  }
0xac: {  	[dreg:$0x1] =	wrdreg $0xFFFFFFFF  }
0xad: {  	[dreg:$0x0] =	wrdreg $0x60  }
0xae: {  	[dreg:$0x2] =	wrdreg s24  }
0xaf: {  	[dreg:$0x3] =	wrdreg s2  }
0xb0: {  	[dreg:$0x4] =	wrdreg $0x9  }
0xb1: {  	_ =	task.clear_ibuf [dreg:s7], $0x5FFFF;
	_ =	strace $0x90000046  }
0xb2: {  	s29 =	simm.s32 $0x9;
	_ =	strace $0x80000048  }
0xb3: {  	_ =	swait.ge [sflag:s29], $0x1  }
0xb4: {  	[sflag:s29] =	ssyncadd.s32 $0xFFFFFFFF  }
0xb5: {  	_ =	strace $0x90000048  }
0xb6: {  	_ =	sfence  }
0xb7: {  	s30 =	sld [smem:$0x0];
	_ =	sdelay $0x2  }
0xb8: {  	s31 =	sshll.u32 s1, $0xD;
	s1 =	sshrl.u32 s1, $0x2  }
0xb9: {  	s3 =	sand.u32 $0x4000, s31;
	s1 =	sadd.s32 s1, s30  }
0xba: {  	s0 =	sor.u32 s3, s0;
	s1 =	sshll.u32 s1, $0x11  }
0xbb: {  	s0 =	sor.u32 s1, s0  }
0xbc: {  	s0 =	sadd.s32 $0x8F2B, s0  }
0xbd: {  	[sflag:s0] =	ssyncadd.remote.s32 $0x1  }
0xbe: {  	_ =	sfence.sel $0xFFFF  }
0xbf: {  	[dreg:$0x0] =	wrdreg $0xFFFFFFFF;
	(pc) =	sbr.abs _section_cstart, $3  }
0xc0: {  	[dreg:$0x1] =	wrdreg $0xFFFFFFFF  }
0xc1: {  	_ =	task.clear_ibuf [dreg:s7], $0x2FFFF;
	_ =	strace $0x9FFFFFFF  }
0xc2: {  	(tm) =	ssettm $0x7FFFFFFF  }
0xc3: {  	_ =	shalt  }
tec
execute0_lowered:
.L_overlay_start_1:
0x0: {  	(tag) =	ssettag $0x1  }
0x1: {  	s1 =	srdreg.scid;
	s3 =	stileid.u32  }
0x2: {  	s1 =	sand.u32 $0x1, s1;
	s4 =	sshll.u32 s3, $0x1  }
0x3: {  	s0 =	rddreg [dreg:$0x0];
	s5 =	sor.u32 s1, s4  }
0x4: {  	s2 =	rddreg [dreg:$0x1];
	s28 =	simm.s32 $0x68;
	s4 =	smul.u32 $0x640, s5  }
0x5: {  	s29 =	simm.s32 $0x6410;
	s30 =	simm.s32 $0x60;
	s6 =	smul.u32 $0x32000, s5  }
0x6: {  	s8 =	simm.s32 $0x1;
	s9 =	simm.s32 $0x7;
	s3 =	simm.s32 $0x0  }
0x7: {  	[smem:$0x7FF] =	sst s3;
	s7 =	sadd.s32 s4, s0;
	s6 =	sadd.s32 s2, s6  }
0x8: {  	_ =	strace $0x80000047;
	s11 =	sadd.s32 $0x800, s7;
	[dreg:$0x4] =	wrdreg s6  }
0x9: {  	s1 =	ssub.s32 $0x2, s1;
	s12 =	sadd.s32 $0x320, s6;
	[dreg:$0x3] =	wrdreg s11  }
0xa: {  	s10 =	sshrl.u32 s1, $0x1;
	s13 =	sadd.s32 $0x640, s6;
	[dreg:$0x5] =	wrdreg s12  }
0xb: {  	s14 =	smul.u32 $0x190000, s5;
	s15 =	sadd.s32 $0x960, s6;
	[dreg:$0x6] =	wrdreg s13  }
0xc: {  	s4 =	sadd.s32 $0xD000, s0;
	s16 =	sadd.s32 $0xC80, s6;
	[dreg:$0x7] =	wrdreg s15  }
0xd: {  	s0 =	ssub.s32 s1, s10;
	s17 =	sadd.s32 $0xFA0, s6;
	[dreg:$0x8] =	wrdreg s16  }
0xe: {  	s10 =	sshll.u32 s5, $0x7;
	s18 =	sadd.s32 $0x12C0, s6;
	[dreg:$0x9] =	wrdreg s17  }
0xf: {  	s1 =	sshrl.u32 s14, $0x3;
	s19 =	sadd.s32 $0x15E0, s6;
	[dreg:$0xa] =	wrdreg s18  }
0x10: {  	s5 =	simm.s32 $0xC810;
	s20 =	sadd.s32 $0xFFFFFFFC, s10;
	[dreg:$0xb] =	wrdreg s19  }
0x11: {  	s1 =	sadd.s32 s2, s1;
	s21 =	sadd.s32 $0x30700, s6;
	[dreg:$0xc] =	wrdreg s20  }
0x12: {  	s25 =	sadd.s32 $0x31380, s6;
	s0 =	smax.u32 s0, $0x1;
	[dreg:$0xd] =	wrdreg s21  }
0x13: {  	s6 =	simm.s32 $0x6;
	s7 =	simm.s32 $0x0;
	[dreg:$0x11] =	wrdreg s25  }
0x14: {  	s16 =	sadd.s32 $0xFFFFFFFE, s10;
	s22 =	sadd.s32 $0x30A20, s1;
	[dreg:$0x15] =	wrdreg s0  }
0x15: {  	s23 =	sadd.s32 $0x30D40, s1;
	s24 =	sadd.s32 $0x31060, s1;
	[dreg:$0xe] =	wrdreg s22  }
0x16: {  	s26 =	sadd.s32 $0x316A0, s1;
	s31 =	sadd.s32 $0x319C0, s1;
	[dreg:$0xf] =	wrdreg s23  }
0x17: {  	s1 =	sadd.s32 $0x31CE0, s1;
	s0 =	simm.s32 $0x9610;
	[dreg:$0x10] =	wrdreg s24  }
0x18: {  	s13 =	simm.s32 $0xFA10;
	s17 =	simm.s32 $0x2;
	[dreg:$0x12] =	wrdreg s26  }
0x19: {  	s21 =	simm.s32 $0x5;
	s11 =	simm.s32 $0x8;
	[dreg:$0x13] =	wrdreg s31  }
0x1a: {  	v0 =	vimm.f32 $0.0e+00;
	[dreg:$0x14] =	wrdreg s1;
	s22 =	simm.s32 $0x3;
	s26 =	simm.s32 $0x4  }
.LBB2_1:
0x1b: {  	[dreg:$0x16] =	wrdreg s7  }
0x1c: {  	s1 =	rddreg [dreg:$0x3];
	s31 =	simm.s32 $0x9  }
0x1d: {  	[tilespmem:s3], [sflag:$0x9] =	stream.linear.gather [hbm4b:s1+s3], $0x3200, $0x38;
	[tilespmem:$0x1F410] =	vst v63  }
0x1e: {  	_ =	swait.ge [sflag:s31], $0x3200  }
0x1f: {  	[sflag:s31] =	ssyncset.done $0x0  }
0x20: {  	s7 =	simm.s32 $0x40;
	s1 =	simm.s32 $0x0;
	[sflag:s31] =	ssyncadd.s32 $0xFFFFCE00  }
.LBB2_2:
0x21: {  	p0 =	sne.s32 s7, $0xC7C0;
	v1 =	vld [tilespmem:s1+$0x0];
	_ =	sdelay $0x3  }
.Ltmp0:
0x22: {  	(pc) =	sbr.rel @p0 .LBB2_2-.Ltmp0, $4  }
0x23: {  	vm0 =	vgt.s32 v1, $0xFFFFFFFF;
	vm1 =	vgt.s32 v1, $0x0  }
0x24: {  	v2 =	vsel vm0, $0x3F800000, v0;
	v1 =	vnsel vm1, $0x0, v1  }
0x25: {  	[tilespmem:s1+$0x3200] =	vst v2;
	v1 =	vmin.u32 v1, $0x1869F  }
0x26: {  	[tilespmem:s1+$0x0] =	vst v1;
	s1 =	sshra.s32 s7, $0x2;
	s7 =	sadd.s32 $0x40, s7  }
0x27: {  	v1 =	vld [tilespmem:s1+$0x0];
	_ =	sdelay $0x4  }
0x28: {  	vm0 =	vgt.s32 v1, $0xFFFFFFFF;
	vm1 =	vgt.s32 v1, $0x0  }
0x29: {  	v2 =	vsel vm0, $0x3F800000, v0;
	v1 =	vnsel vm1, $0x0, v1  }
0x2a: {  	[tilespmem:s1+$0x3200] =	vst v2;
	v1 =	vmin.u32 v1, $0x1869F  }
0x2b: {  	s24 =	simm.s32 $0x0;
	[tilespmem:s1+$0x0] =	vst v1  }
0x2c: {  	[tilespmem:s29], [sflag:$0x1] =	stream.indirect.gather [hbm4b:s4+s28], $0x40, s24, s28, $0xb8;
	[tilespmem:$0x1F410] =	vst v63  }
0x2d: {  	s25 =	simm.s32 $0x7E10;
	s31 =	simm.s32 $0x0  }
0x2e: {  	[tilespmem:s25], [sflag:$0x1] =	stream.indirect.gather [hbm4b:s4+s30], $0x40, s28, s30, $0xb8;
	[tilespmem:$0x1F410] =	vst v63  }
0x2f: {  	v1 =	vld [tilespmem:s31+$0x3200];
	_ =	sdelay $0x4  }
0x30: {  	v2 =	vbroadcast v1, $0x0  }
0x31: {  	s12 =	simm.s32 $0x12D10  }
0x32: {  	[tilespmem:s12+$0xFFFFFF00] =	vst v2  }
0x33: {  	[tilespmem:s12+$0xFFFFFF10] =	vst v2  }
0x34: {  	v3 =	vbroadcast v1, $0x1;
	[tilespmem:s12+$0xFFFFFF20] =	vst v2  }
0x35: {  	[tilespmem:s12+$0xFFFFFF30] =	vst v2  }
0x36: {  	[tilespmem:s12+$0xFFFFFF40] =	vst v3  }
0x37: {  	[tilespmem:s12+$0xFFFFFF50] =	vst v3  }
0x38: {  	v2 =	vbroadcast v1, $0x2;
	[tilespmem:s12+$0xFFFFFF60] =	vst v3  }
0x39: {  	[tilespmem:s12+$0xFFFFFF70] =	vst v3  }
0x3a: {  	[tilespmem:s12+$0xFFFFFF80] =	vst v2  }
0x3b: {  	[tilespmem:s12+$0xFFFFFF90] =	vst v2  }
0x3c: {  	v3 =	vbroadcast v1, $0x3;
	[tilespmem:s12+$0xFFFFFFA0] =	vst v2  }
0x3d: {  	[tilespmem:s12+$0xFFFFFFB0] =	vst v2  }
0x3e: {  	[tilespmem:s12+$0xFFFFFFC0] =	vst v3  }
0x3f: {  	[tilespmem:s12+$0xFFFFFFD0] =	vst v3  }
0x40: {  	v2 =	vbroadcast v1, $0x4;
	[tilespmem:s12+$0xFFFFFFE0] =	vst v3  }
0x41: {  	[tilespmem:s12+$0xFFFFFFF0] =	vst v3  }
0x42: {  	[tilespmem:s12+$0x0] =	vst v2  }
0x43: {  	[tilespmem:s12+$0x10] =	vst v2  }
0x44: {  	v3 =	vbroadcast v1, $0x5;
	[tilespmem:s12+$0x20] =	vst v2  }
0x45: {  	[tilespmem:s12+$0x30] =	vst v2  }
0x46: {  	[tilespmem:s12+$0x40] =	vst v3  }
0x47: {  	[tilespmem:s12+$0x50] =	vst v3  }
0x48: {  	v2 =	vbroadcast v1, $0x6;
	[tilespmem:s12+$0x60] =	vst v3  }
0x49: {  	[tilespmem:s12+$0x70] =	vst v3  }
0x4a: {  	[tilespmem:s12+$0x80] =	vst v2  }
0x4b: {  	[tilespmem:s12+$0x90] =	vst v2  }
0x4c: {  	v1 =	vbroadcast v1, $0x7;
	[tilespmem:s12+$0xA0] =	vst v2  }
0x4d: {  	[tilespmem:s12+$0xB0] =	vst v2  }
0x4e: {  	[tilespmem:s12+$0xC0] =	vst v1  }
0x4f: {  	[tilespmem:s12+$0xD0] =	vst v1  }
0x50: {  	[tilespmem:s12+$0xE0] =	vst v1  }
0x51: {  	s7 =	simm.s32 $0x8;
	s1 =	simm.s32 $0x40;
	[tilespmem:s12+$0xF0] =	vst v1  }
.LBB2_4:
0x52: {  	p0 =	sne.s32 s1, $0x300;
	v1 =	vld [tilespmem:s7+$0x3200];
	_ =	sdelay $0x4  }
0x53: {  	v2 =	vbroadcast v1, $0x0;
	v3 =	vbroadcast v1, $0x1  }
0x54: {  	s12 =	sadd.s32 $0x200, s12;
	v4 =	vbroadcast v1, $0x2;
	v5 =	vbroadcast v1, $0x3  }
0x55: {  	v6 =	vbroadcast v1, $0x4;
	v7 =	vbroadcast v1, $0x5;
	[tilespmem:s12+$0xFFFFFF00] =	vst v2  }
0x56: {  	v8 =	vbroadcast v1, $0x6;
	v1 =	vbroadcast v1, $0x7;
	[tilespmem:s12+$0xFFFFFF10] =	vst v2  }
0x57: {  	[tilespmem:s12+$0xFFFFFF20] =	vst v2  }
0x58: {  	[tilespmem:s12+$0xFFFFFF30] =	vst v2  }
0x59: {  	[tilespmem:s12+$0xFFFFFF40] =	vst v3  }
0x5a: {  	[tilespmem:s12+$0xFFFFFF50] =	vst v3  }
0x5b: {  	[tilespmem:s12+$0xFFFFFF60] =	vst v3  }
0x5c: {  	[tilespmem:s12+$0xFFFFFF70] =	vst v3  }
0x5d: {  	[tilespmem:s12+$0xFFFFFF80] =	vst v4  }
0x5e: {  	[tilespmem:s12+$0xFFFFFF90] =	vst v4  }
0x5f: {  	[tilespmem:s12+$0xFFFFFFA0] =	vst v4  }
0x60: {  	[tilespmem:s12+$0xFFFFFFB0] =	vst v4  }
0x61: {  	[tilespmem:s12+$0xFFFFFFC0] =	vst v5  }
0x62: {  	[tilespmem:s12+$0xFFFFFFD0] =	vst v5  }
0x63: {  	[tilespmem:s12+$0xFFFFFFE0] =	vst v5  }
0x64: {  	[tilespmem:s12+$0xFFFFFFF0] =	vst v5  }
0x65: {  	[tilespmem:s12+$0x0] =	vst v6  }
0x66: {  	[tilespmem:s12+$0x10] =	vst v6  }
0x67: {  	[tilespmem:s12+$0x20] =	vst v6  }
0x68: {  	[tilespmem:s12+$0x30] =	vst v6  }
0x69: {  	[tilespmem:s12+$0x40] =	vst v7  }
0x6a: {  	[tilespmem:s12+$0x50] =	vst v7  }
0x6b: {  	[tilespmem:s12+$0x60] =	vst v7  }
0x6c: {  	[tilespmem:s12+$0x70] =	vst v7  }
0x6d: {  	[tilespmem:s12+$0x80] =	vst v8  }
0x6e: {  	[tilespmem:s12+$0x90] =	vst v8  }
0x6f: {  	[tilespmem:s12+$0xA0] =	vst v8  }
.Ltmp1:
0x70: {  	[tilespmem:s12+$0xB0] =	vst v8;
	(pc) =	sbr.rel @p0 .LBB2_4-.Ltmp1, $4  }
0x71: {  	[tilespmem:s12+$0xC0] =	vst v1  }
0x72: {  	[tilespmem:s12+$0xD0] =	vst v1  }
0x73: {  	[tilespmem:s12+$0xE0] =	vst v1  }
0x74: {  	s7 =	sshra.s32 s1, $0x2;
	s1 =	sadd.s32 $0x20, s1;
	[tilespmem:s12+$0xF0] =	vst v1  }
0x75: {  	v1 =	vld [tilespmem:s7+$0x3200];
	_ =	sdelay $0x4  }
0x76: {  	v2 =	vbroadcast v1, $0x0  }
0x77: {  	s1 =	sadd.s32 $0x200, s12  }
0x78: {  	[tilespmem:s1+$0xFFFFFF00] =	vst v2  }
0x79: {  	[tilespmem:s1+$0xFFFFFF10] =	vst v2  }
0x7a: {  	v3 =	vbroadcast v1, $0x1;
	[tilespmem:s1+$0xFFFFFF20] =	vst v2  }
0x7b: {  	[tilespmem:s1+$0xFFFFFF30] =	vst v2  }
0x7c: {  	[tilespmem:s1+$0xFFFFFF40] =	vst v3  }
0x7d: {  	[tilespmem:s1+$0xFFFFFF50] =	vst v3  }
0x7e: {  	v2 =	vbroadcast v1, $0x2;
	[tilespmem:s1+$0xFFFFFF60] =	vst v3  }
0x7f: {  	[tilespmem:s1+$0xFFFFFF70] =	vst v3  }
0x80: {  	[tilespmem:s1+$0xFFFFFF80] =	vst v2  }
0x81: {  	[tilespmem:s1+$0xFFFFFF90] =	vst v2  }
0x82: {  	v3 =	vbroadcast v1, $0x3;
	[tilespmem:s1+$0xFFFFFFA0] =	vst v2  }
0x83: {  	[tilespmem:s1+$0xFFFFFFB0] =	vst v2  }
0x84: {  	[tilespmem:s1+$0xFFFFFFC0] =	vst v3  }
0x85: {  	[tilespmem:s1+$0xFFFFFFD0] =	vst v3  }
0x86: {  	v2 =	vbroadcast v1, $0x4;
	[tilespmem:s1+$0xFFFFFFE0] =	vst v3  }
0x87: {  	[tilespmem:s1+$0xFFFFFFF0] =	vst v3  }
0x88: {  	[tilespmem:s1+$0x0] =	vst v2  }
0x89: {  	[tilespmem:s1+$0x10] =	vst v2  }
0x8a: {  	v3 =	vbroadcast v1, $0x5;
	[tilespmem:s1+$0x20] =	vst v2  }
0x8b: {  	[tilespmem:s1+$0x30] =	vst v2  }
0x8c: {  	[tilespmem:s1+$0x40] =	vst v3  }
0x8d: {  	[tilespmem:s1+$0x50] =	vst v3  }
0x8e: {  	v2 =	vbroadcast v1, $0x6;
	[tilespmem:s1+$0x60] =	vst v3  }
0x8f: {  	[tilespmem:s1+$0x70] =	vst v3  }
0x90: {  	[tilespmem:s1+$0x80] =	vst v2  }
0x91: {  	[tilespmem:s1+$0x90] =	vst v2  }
0x92: {  	v1 =	vbroadcast v1, $0x7;
	[tilespmem:s1+$0xA0] =	vst v2  }
0x93: {  	[tilespmem:s1+$0xB0] =	vst v2  }
0x94: {  	[tilespmem:s1+$0xC0] =	vst v1  }
0x95: {  	[tilespmem:s1+$0xD0] =	vst v1  }
0x96: {  	[tilespmem:s1+$0xE0] =	vst v1  }
0x97: {  	s23 =	simm.s32 $0xC8;
	[tilespmem:s1+$0xF0] =	vst v1  }
0x98: {  	[tilespmem:s0], [sflag:$0x2] =	stream.indirect.gather [hbm4b:s4+s28], $0x40, s23, s28, $0xb8;
	[tilespmem:$0x1F410] =	vst v63  }
0x99: {  	s24 =	simm.s32 $0x130;
	s25 =	simm.s32 $0xB010;
	s31 =	simm.s32 $0x0  }
0x9a: {  	[tilespmem:s25], [sflag:$0x2] =	stream.indirect.gather [hbm4b:s4+s30], $0x40, s24, s30, $0xb8;
	[tilespmem:$0x1F410] =	vst v63  }
0x9b: {  	v1 =	vld [tilespmem:s31+$0x32C8];
	_ =	sdelay $0x4  }
0x9c: {  	v2 =	vbroadcast v1, $0x0  }
0x9d: {  	s12 =	simm.s32 $0x16000  }
0x9e: {  	[tilespmem:s12+$0xFFFFFE10] =	vst v2  }
0x9f: {  	[tilespmem:s12+$0xFFFFFE20] =	vst v2  }
0xa0: {  	v3 =	vbroadcast v1, $0x1;
	[tilespmem:s12+$0xFFFFFE30] =	vst v2  }
0xa1: {  	[tilespmem:s12+$0xFFFFFE40] =	vst v2  }
0xa2: {  	[tilespmem:s12+$0xFFFFFE50] =	vst v3  }
0xa3: {  	[tilespmem:s12+$0xFFFFFE60] =	vst v3  }
0xa4: {  	v2 =	vbroadcast v1, $0x2;
	[tilespmem:s12+$0xFFFFFE70] =	vst v3  }
0xa5: {  	[tilespmem:s12+$0xFFFFFE80] =	vst v3  }
0xa6: {  	[tilespmem:s12+$0xFFFFFE90] =	vst v2  }
0xa7: {  	[tilespmem:s12+$0xFFFFFEA0] =	vst v2  }
0xa8: {  	v3 =	vbroadcast v1, $0x3;
	[tilespmem:s12+$0xFFFFFEB0] =	vst v2  }
0xa9: {  	[tilespmem:s12+$0xFFFFFEC0] =	vst v2  }
0xaa: {  	[tilespmem:s12+$0xFFFFFED0] =	vst v3  }
0xab: {  	[tilespmem:s12+$0xFFFFFEE0] =	vst v3  }
0xac: {  	v2 =	vbroadcast v1, $0x4;
	[tilespmem:s12+$0xFFFFFEF0] =	vst v3  }
0xad: {  	[tilespmem:s12+$0xFFFFFF00] =	vst v3  }
0xae: {  	[tilespmem:s12+$0xFFFFFF10] =	vst v2  }
0xaf: {  	[tilespmem:s12+$0xFFFFFF20] =	vst v2  }
0xb0: {  	v3 =	vbroadcast v1, $0x5;
	[tilespmem:s12+$0xFFFFFF30] =	vst v2  }
0xb1: {  	[tilespmem:s12+$0xFFFFFF40] =	vst v2  }
0xb2: {  	[tilespmem:s12+$0xFFFFFF50] =	vst v3  }
0xb3: {  	[tilespmem:s12+$0xFFFFFF60] =	vst v3  }
0xb4: {  	v2 =	vbroadcast v1, $0x6;
	[tilespmem:s12+$0xFFFFFF70] =	vst v3  }
0xb5: {  	[tilespmem:s12+$0xFFFFFF80] =	vst v3  }
0xb6: {  	[tilespmem:s12+$0xFFFFFF90] =	vst v2  }
0xb7: {  	[tilespmem:s12+$0xFFFFFFA0] =	vst v2  }
0xb8: {  	v1 =	vbroadcast v1, $0x7;
	[tilespmem:s12+$0xFFFFFFB0] =	vst v2  }
0xb9: {  	[tilespmem:s12+$0xFFFFFFC0] =	vst v2  }
0xba: {  	[tilespmem:s12+$0xFFFFFFD0] =	vst v1  }
0xbb: {  	[tilespmem:s12+$0xFFFFFFE0] =	vst v1  }
0xbc: {  	[tilespmem:s12+$0xFFFFFFF0] =	vst v1  }
0xbd: {  	s7 =	simm.s32 $0x8;
	s1 =	simm.s32 $0x40;
	[tilespmem:s12+$0x0] =	vst v1  }
.LBB2_6:
0xbe: {  	p0 =	sne.s32 s1, $0x300;
	v1 =	vld [tilespmem:s7+$0x32C8];
	_ =	sdelay $0x4  }
0xbf: {  	v2 =	vbroadcast v1, $0x0;
	v3 =	vbroadcast v1, $0x1  }
0xc0: {  	s12 =	sadd.s32 $0x200, s12;
	v4 =	vbroadcast v1, $0x2;
	v5 =	vbroadcast v1, $0x3  }
0xc1: {  	v6 =	vbroadcast v1, $0x4;
	v7 =	vbroadcast v1, $0x5;
	[tilespmem:s12+$0xFFFFFE10] =	vst v2  }
0xc2: {  	v8 =	vbroadcast v1, $0x6;
	v1 =	vbroadcast v1, $0x7;
	[tilespmem:s12+$0xFFFFFE20] =	vst v2  }
0xc3: {  	[tilespmem:s12+$0xFFFFFE30] =	vst v2  }
0xc4: {  	[tilespmem:s12+$0xFFFFFE40] =	vst v2  }
0xc5: {  	[tilespmem:s12+$0xFFFFFE50] =	vst v3  }
0xc6: {  	[tilespmem:s12+$0xFFFFFE60] =	vst v3  }
0xc7: {  	[tilespmem:s12+$0xFFFFFE70] =	vst v3  }
0xc8: {  	[tilespmem:s12+$0xFFFFFE80] =	vst v3  }
0xc9: {  	[tilespmem:s12+$0xFFFFFE90] =	vst v4  }
0xca: {  	[tilespmem:s12+$0xFFFFFEA0] =	vst v4  }
0xcb: {  	[tilespmem:s12+$0xFFFFFEB0] =	vst v4  }
0xcc: {  	[tilespmem:s12+$0xFFFFFEC0] =	vst v4  }
0xcd: {  	[tilespmem:s12+$0xFFFFFED0] =	vst v5  }
0xce: {  	[tilespmem:s12+$0xFFFFFEE0] =	vst v5  }
0xcf: {  	[tilespmem:s12+$0xFFFFFEF0] =	vst v5  }
0xd0: {  	[tilespmem:s12+$0xFFFFFF00] =	vst v5  }
0xd1: {  	[tilespmem:s12+$0xFFFFFF10] =	vst v6  }
0xd2: {  	[tilespmem:s12+$0xFFFFFF20] =	vst v6  }
0xd3: {  	[tilespmem:s12+$0xFFFFFF30] =	vst v6  }
0xd4: {  	[tilespmem:s12+$0xFFFFFF40] =	vst v6  }
0xd5: {  	[tilespmem:s12+$0xFFFFFF50] =	vst v7  }
0xd6: {  	[tilespmem:s12+$0xFFFFFF60] =	vst v7  }
0xd7: {  	[tilespmem:s12+$0xFFFFFF70] =	vst v7  }
0xd8: {  	[tilespmem:s12+$0xFFFFFF80] =	vst v7  }
0xd9: {  	[tilespmem:s12+$0xFFFFFF90] =	vst v8  }
0xda: {  	[tilespmem:s12+$0xFFFFFFA0] =	vst v8  }
0xdb: {  	[tilespmem:s12+$0xFFFFFFB0] =	vst v8  }
.Ltmp2:
0xdc: {  	[tilespmem:s12+$0xFFFFFFC0] =	vst v8;
	(pc) =	sbr.rel @p0 .LBB2_6-.Ltmp2, $4  }
0xdd: {  	[tilespmem:s12+$0xFFFFFFD0] =	vst v1  }
0xde: {  	[tilespmem:s12+$0xFFFFFFE0] =	vst v1  }
0xdf: {  	[tilespmem:s12+$0xFFFFFFF0] =	vst v1  }
0xe0: {  	s7 =	sshra.s32 s1, $0x2;
	s1 =	sadd.s32 $0x20, s1;
	[tilespmem:s12+$0x0] =	vst v1  }
0xe1: {  	v1 =	vld [tilespmem:s7+$0x32C8];
	_ =	sdelay $0x4  }
0xe2: {  	v2 =	vbroadcast v1, $0x0  }
0xe3: {  	s1 =	sadd.s32 $0x200, s12  }
0xe4: {  	[tilespmem:s1+$0xFFFFFE10] =	vst v2  }
0xe5: {  	[tilespmem:s1+$0xFFFFFE20] =	vst v2  }
0xe6: {  	v3 =	vbroadcast v1, $0x1;
	[tilespmem:s1+$0xFFFFFE30] =	vst v2  }
0xe7: {  	[tilespmem:s1+$0xFFFFFE40] =	vst v2  }
0xe8: {  	[tilespmem:s1+$0xFFFFFE50] =	vst v3  }
0xe9: {  	[tilespmem:s1+$0xFFFFFE60] =	vst v3  }
0xea: {  	v2 =	vbroadcast v1, $0x2;
	[tilespmem:s1+$0xFFFFFE70] =	vst v3  }
0xeb: {  	[tilespmem:s1+$0xFFFFFE80] =	vst v3  }
0xec: {  	[tilespmem:s1+$0xFFFFFE90] =	vst v2  }
0xed: {  	[tilespmem:s1+$0xFFFFFEA0] =	vst v2  }
0xee: {  	v3 =	vbroadcast v1, $0x3;
	[tilespmem:s1+$0xFFFFFEB0] =	vst v2  }
0xef: {  	[tilespmem:s1+$0xFFFFFEC0] =	vst v2  }
0xf0: {  	[tilespmem:s1+$0xFFFFFED0] =	vst v3  }
0xf1: {  	[tilespmem:s1+$0xFFFFFEE0] =	vst v3  }
0xf2: {  	v2 =	vbroadcast v1, $0x4;
	[tilespmem:s1+$0xFFFFFEF0] =	vst v3  }
0xf3: {  	[tilespmem:s1+$0xFFFFFF00] =	vst v3  }
0xf4: {  	[tilespmem:s1+$0xFFFFFF10] =	vst v2  }
0xf5: {  	[tilespmem:s1+$0xFFFFFF20] =	vst v2  }
0xf6: {  	v3 =	vbroadcast v1, $0x5;
	[tilespmem:s1+$0xFFFFFF30] =	vst v2  }
0xf7: {  	[tilespmem:s1+$0xFFFFFF40] =	vst v2  }
0xf8: {  	[tilespmem:s1+$0xFFFFFF50] =	vst v3  }
0xf9: {  	[tilespmem:s1+$0xFFFFFF60] =	vst v3  }
0xfa: {  	v2 =	vbroadcast v1, $0x6;
	[tilespmem:s1+$0xFFFFFF70] =	vst v3  }
0xfb: {  	[tilespmem:s1+$0xFFFFFF80] =	vst v3  }
0xfc: {  	[tilespmem:s1+$0xFFFFFF90] =	vst v2  }
0xfd: {  	[tilespmem:s1+$0xFFFFFFA0] =	vst v2  }
0xfe: {  	v1 =	vbroadcast v1, $0x7;
	[tilespmem:s1+$0xFFFFFFB0] =	vst v2  }
0xff: {  	[tilespmem:s1+$0xFFFFFFC0] =	vst v2  }
0x100: {  	[tilespmem:s1+$0xFFFFFFD0] =	vst v1  }
0x101: {  	[tilespmem:s1+$0xFFFFFFE0] =	vst v1  }
0x102: {  	[tilespmem:s1+$0xFFFFFFF0] =	vst v1  }
0x103: {  	s24 =	simm.s32 $0x190;
	[tilespmem:s1+$0x0] =	vst v1  }
0x104: {  	[tilespmem:s5], [sflag:$0x3] =	stream.indirect.gather [hbm4b:s4+s28], $0x40, s24, s28, $0xb8;
	[tilespmem:$0x1F410] =	vst v63  }
0x105: {  	s25 =	simm.s32 $0x1F8;
	s31 =	simm.s32 $0xE210;
	s12 =	simm.s32 $0x3390  }
0x106: {  	[tilespmem:s31], [sflag:$0x3] =	stream.indirect.gather [hbm4b:s4+s30], $0x40, s25, s30, $0xb8;
	[tilespmem:$0x1F410] =	vst v63  }
0x107: {  	s14 =	simm.s32 $0x0;
	s1 =	simm.s32 $0x800;
	v1 =	vld [tilespmem:s12+$0x0]  }
.LBB2_8:
0x108: {  	p0 =	sne.s32 s1, $0xC000;
	_ =	sdelay $0x3  }
0x109: {  	v2 =	vbroadcast v1, $0x0;
	v3 =	vbroadcast v1, $0x1  }
0x10a: {  	s7 =	sshra.s32 s14, $0x2;
	s14 =	smov.u32 s1;
	v4 =	vbroadcast v1, $0x2;
	v5 =	vbroadcast v1, $0x3  }
0x10b: {  	v6 =	vbroadcast v1, $0x4;
	v7 =	vbroadcast v1, $0x5;
	[tilespmem:s7+$0x19010] =	vst v2  }
0x10c: {  	v8 =	vbroadcast v1, $0x6;
	v1 =	vbroadcast v1, $0x7;
	[tilespmem:s7+$0x19020] =	vst v2  }
0x10d: {  	[tilespmem:s7+$0x19030] =	vst v2  }
0x10e: {  	[tilespmem:s7+$0x19040] =	vst v2  }
0x10f: {  	[tilespmem:s7+$0x19050] =	vst v3  }
0x110: {  	[tilespmem:s7+$0x19060] =	vst v3  }
0x111: {  	[tilespmem:s7+$0x19070] =	vst v3  }
0x112: {  	[tilespmem:s7+$0x19080] =	vst v3  }
0x113: {  	[tilespmem:s7+$0x19090] =	vst v4  }
0x114: {  	[tilespmem:s7+$0x190A0] =	vst v4  }
0x115: {  	[tilespmem:s7+$0x190B0] =	vst v4  }
0x116: {  	[tilespmem:s7+$0x190C0] =	vst v4  }
0x117: {  	[tilespmem:s7+$0x190D0] =	vst v5  }
0x118: {  	[tilespmem:s7+$0x190E0] =	vst v5  }
0x119: {  	[tilespmem:s7+$0x190F0] =	vst v5  }
0x11a: {  	[tilespmem:s7+$0x19100] =	vst v5  }
0x11b: {  	[tilespmem:s7+$0x19110] =	vst v6  }
0x11c: {  	[tilespmem:s7+$0x19120] =	vst v6  }
0x11d: {  	[tilespmem:s7+$0x19130] =	vst v6  }
0x11e: {  	[tilespmem:s7+$0x19140] =	vst v6  }
0x11f: {  	[tilespmem:s7+$0x19150] =	vst v7  }
0x120: {  	[tilespmem:s7+$0x19160] =	vst v7  }
0x121: {  	[tilespmem:s7+$0x19170] =	vst v7  }
0x122: {  	[tilespmem:s7+$0x19180] =	vst v7  }
0x123: {  	[tilespmem:s7+$0x19190] =	vst v8  }
0x124: {  	[tilespmem:s7+$0x191A0] =	vst v8  }
0x125: {  	[tilespmem:s7+$0x191B0] =	vst v8  }
0x126: {  	[tilespmem:s7+$0x191C0] =	vst v8  }
.Ltmp3:
0x127: {  	[tilespmem:s7+$0x191D0] =	vst v1;
	(pc) =	sbr.rel @p0 .LBB2_8-.Ltmp3, $4  }
0x128: {  	[tilespmem:s7+$0x191E0] =	vst v1  }
0x129: {  	[tilespmem:s7+$0x191F0] =	vst v1  }
0x12a: {  	s12 =	sadd.s32 $0x8, s12;
	[tilespmem:s7+$0x19200] =	vst v1  }
0x12b: {  	s1 =	sadd.s32 $0x800, s1;
	v1 =	vld [tilespmem:s12+$0x0]  }
0x12c: {  	_ =	sdelay $0x3  }
0x12d: {  	v2 =	vbroadcast v1, $0x0  }
0x12e: {  	s1 =	sshra.s32 s14, $0x2  }
0x12f: {  	[tilespmem:s1+$0x19010] =	vst v2  }
0x130: {  	[tilespmem:s1+$0x19020] =	vst v2  }
0x131: {  	v3 =	vbroadcast v1, $0x1;
	[tilespmem:s1+$0x19030] =	vst v2  }
0x132: {  	[tilespmem:s1+$0x19040] =	vst v2  }
0x133: {  	[tilespmem:s1+$0x19050] =	vst v3  }
0x134: {  	[tilespmem:s1+$0x19060] =	vst v3  }
0x135: {  	v2 =	vbroadcast v1, $0x2;
	[tilespmem:s1+$0x19070] =	vst v3  }
0x136: {  	[tilespmem:s1+$0x19080] =	vst v3  }
0x137: {  	[tilespmem:s1+$0x19090] =	vst v2  }
0x138: {  	[tilespmem:s1+$0x190A0] =	vst v2  }
0x139: {  	v3 =	vbroadcast v1, $0x3;
	[tilespmem:s1+$0x190B0] =	vst v2  }
0x13a: {  	[tilespmem:s1+$0x190C0] =	vst v2  }
0x13b: {  	[tilespmem:s1+$0x190D0] =	vst v3  }
0x13c: {  	[tilespmem:s1+$0x190E0] =	vst v3  }
0x13d: {  	v2 =	vbroadcast v1, $0x4;
	[tilespmem:s1+$0x190F0] =	vst v3  }
0x13e: {  	[tilespmem:s1+$0x19100] =	vst v3  }
0x13f: {  	[tilespmem:s1+$0x19110] =	vst v2  }
0x140: {  	[tilespmem:s1+$0x19120] =	vst v2  }
0x141: {  	v3 =	vbroadcast v1, $0x5;
	[tilespmem:s1+$0x19130] =	vst v2  }
0x142: {  	[tilespmem:s1+$0x19140] =	vst v2  }
0x143: {  	[tilespmem:s1+$0x19150] =	vst v3  }
0x144: {  	[tilespmem:s1+$0x19160] =	vst v3  }
0x145: {  	v2 =	vbroadcast v1, $0x6;
	[tilespmem:s1+$0x19170] =	vst v3  }
0x146: {  	[tilespmem:s1+$0x19180] =	vst v3  }
0x147: {  	[tilespmem:s1+$0x19190] =	vst v2  }
0x148: {  	[tilespmem:s1+$0x191A0] =	vst v2  }
0x149: {  	v1 =	vbroadcast v1, $0x7;
	[tilespmem:s1+$0x191B0] =	vst v2  }
0x14a: {  	[tilespmem:s1+$0x191C0] =	vst v2  }
0x14b: {  	[tilespmem:s1+$0x191D0] =	vst v1  }
0x14c: {  	[tilespmem:s1+$0x191E0] =	vst v1  }
0x14d: {  	[tilespmem:s1+$0x191F0] =	vst v1  }
0x14e: {  	[tilespmem:s1+$0x19200] =	vst v1  }
0x14f: {  	_ =	swait.ge [sflag:s8], $0x1A00  }
0x150: {  	[sflag:s8] =	ssyncset.done $0x0  }
0x151: {  	[sflag:s8] =	ssyncadd.s32 $0xFFFFE600  }
0x152: {  	_ =	swait.ge [sflag:s8], $0x1800  }
0x153: {  	[sflag:s8] =	ssyncset.done $0x0  }
0x154: {  	s12 =	simm.s32 $0x0;
	s14 =	rddreg [dreg:$0x4];
	[sflag:s8] =	ssyncadd.s32 $0xFFFFE800  }
0x155: {  	[hbm4b:s14+s12] =	stream.linear.scatter [tilespmem:s29], [sflag:$0x5], $0x1900, $0x38;
	[tilespmem:$0x1F410] =	vst v63  }
0x156: {  	s7 =	simm.s32 $0x12C10;
	s15 =	rddreg [dreg:$0x5]  }
0x157: {  	[hbm4b:s15+s12] =	stream.linear.scatter [tilespmem:s7], [sflag:$0x5], $0x1900, $0x38;
	[tilespmem:$0x1F410] =	vst v63  }
0x158: {  	s19 =	simm.s32 $0x7D10;
	s18 =	rddreg [dreg:$0x6]  }
0x159: {  	[hbm4b:s18+s12] =	stream.linear.scatter [tilespmem:s19], [sflag:$0x5], $0x1900, $0x38;
	[tilespmem:$0x1F410] =	vst v63  }
0x15a: {  	s23 =	simm.s32 $0x14510;
	s20 =	rddreg [dreg:$0x7]  }
0x15b: {  	[hbm4b:s20+s12] =	stream.linear.scatter [tilespmem:s23], [sflag:$0x5], $0x1900, $0x38;
	[tilespmem:$0x1F410] =	vst v63  }
0x15c: {  	s24 =	simm.s32 $0x258  }
0x15d: {  	[tilespmem:s13], [sflag:$0x4] =	stream.indirect.gather [hbm4b:s4+s28], $0x40, s24, s28, $0xb8;
	[tilespmem:$0x1F410] =	vst v63  }
0x15e: {  	s25 =	simm.s32 $0x2C0;
	s31 =	simm.s32 $0x11410;
	s14 =	simm.s32 $0x3458  }
0x15f: {  	[tilespmem:s31], [sflag:$0x4] =	stream.indirect.gather [hbm4b:s4+s30], $0x40, s25, s30, $0xb8;
	[tilespmem:$0x1F410] =	vst v63  }
0x160: {  	s1 =	simm.s32 $0x800;
	v1 =	vld [tilespmem:s14+$0x0]  }
.LBB2_10:
0x161: {  	p0 =	sne.s32 s1, $0xC000;
	_ =	sdelay $0x3  }
0x162: {  	v2 =	vbroadcast v1, $0x0;
	v3 =	vbroadcast v1, $0x1  }
0x163: {  	s7 =	sshra.s32 s12, $0x2;
	s12 =	smov.u32 s1;
	v4 =	vbroadcast v1, $0x2;
	v5 =	vbroadcast v1, $0x3  }
0x164: {  	v6 =	vbroadcast v1, $0x4;
	v7 =	vbroadcast v1, $0x5;
	[tilespmem:s7+$0x1C210] =	vst v2  }
0x165: {  	v8 =	vbroadcast v1, $0x6;
	v1 =	vbroadcast v1, $0x7;
	[tilespmem:s7+$0x1C220] =	vst v2  }
0x166: {  	[tilespmem:s7+$0x1C230] =	vst v2  }
0x167: {  	[tilespmem:s7+$0x1C240] =	vst v2  }
0x168: {  	[tilespmem:s7+$0x1C250] =	vst v3  }
0x169: {  	[tilespmem:s7+$0x1C260] =	vst v3  }
0x16a: {  	[tilespmem:s7+$0x1C270] =	vst v3  }
0x16b: {  	[tilespmem:s7+$0x1C280] =	vst v3  }
0x16c: {  	[tilespmem:s7+$0x1C290] =	vst v4  }
0x16d: {  	[tilespmem:s7+$0x1C2A0] =	vst v4  }
0x16e: {  	[tilespmem:s7+$0x1C2B0] =	vst v4  }
0x16f: {  	[tilespmem:s7+$0x1C2C0] =	vst v4  }
0x170: {  	[tilespmem:s7+$0x1C2D0] =	vst v5  }
0x171: {  	[tilespmem:s7+$0x1C2E0] =	vst v5  }
0x172: {  	[tilespmem:s7+$0x1C2F0] =	vst v5  }
0x173: {  	[tilespmem:s7+$0x1C300] =	vst v5  }
0x174: {  	[tilespmem:s7+$0x1C310] =	vst v6  }
0x175: {  	[tilespmem:s7+$0x1C320] =	vst v6  }
0x176: {  	[tilespmem:s7+$0x1C330] =	vst v6  }
0x177: {  	[tilespmem:s7+$0x1C340] =	vst v6  }
0x178: {  	[tilespmem:s7+$0x1C350] =	vst v7  }
0x179: {  	[tilespmem:s7+$0x1C360] =	vst v7  }
0x17a: {  	[tilespmem:s7+$0x1C370] =	vst v7  }
0x17b: {  	[tilespmem:s7+$0x1C380] =	vst v7  }
0x17c: {  	[tilespmem:s7+$0x1C390] =	vst v8  }
0x17d: {  	[tilespmem:s7+$0x1C3A0] =	vst v8  }
0x17e: {  	[tilespmem:s7+$0x1C3B0] =	vst v8  }
0x17f: {  	[tilespmem:s7+$0x1C3C0] =	vst v8  }
.Ltmp4:
0x180: {  	[tilespmem:s7+$0x1C3D0] =	vst v1;
	(pc) =	sbr.rel @p0 .LBB2_10-.Ltmp4, $4  }
0x181: {  	[tilespmem:s7+$0x1C3E0] =	vst v1  }
0x182: {  	[tilespmem:s7+$0x1C3F0] =	vst v1  }
0x183: {  	s14 =	sadd.s32 $0x8, s14;
	[tilespmem:s7+$0x1C400] =	vst v1  }
0x184: {  	s1 =	sadd.s32 $0x800, s1;
	v1 =	vld [tilespmem:s14+$0x0]  }
0x185: {  	_ =	sdelay $0x3  }
0x186: {  	v2 =	vbroadcast v1, $0x0  }
0x187: {  	s1 =	sshra.s32 s12, $0x2  }
0x188: {  	[tilespmem:s1+$0x1C210] =	vst v2  }
0x189: {  	[tilespmem:s1+$0x1C220] =	vst v2  }
0x18a: {  	v3 =	vbroadcast v1, $0x1;
	[tilespmem:s1+$0x1C230] =	vst v2  }
0x18b: {  	[tilespmem:s1+$0x1C240] =	vst v2  }
0x18c: {  	[tilespmem:s1+$0x1C250] =	vst v3  }
0x18d: {  	[tilespmem:s1+$0x1C260] =	vst v3  }
0x18e: {  	v2 =	vbroadcast v1, $0x2;
	[tilespmem:s1+$0x1C270] =	vst v3  }
0x18f: {  	[tilespmem:s1+$0x1C280] =	vst v3  }
0x190: {  	[tilespmem:s1+$0x1C290] =	vst v2  }
0x191: {  	[tilespmem:s1+$0x1C2A0] =	vst v2  }
0x192: {  	v3 =	vbroadcast v1, $0x3;
	[tilespmem:s1+$0x1C2B0] =	vst v2  }
0x193: {  	[tilespmem:s1+$0x1C2C0] =	vst v2  }
0x194: {  	[tilespmem:s1+$0x1C2D0] =	vst v3  }
0x195: {  	[tilespmem:s1+$0x1C2E0] =	vst v3  }
0x196: {  	v2 =	vbroadcast v1, $0x4;
	[tilespmem:s1+$0x1C2F0] =	vst v3  }
0x197: {  	[tilespmem:s1+$0x1C300] =	vst v3  }
0x198: {  	[tilespmem:s1+$0x1C310] =	vst v2  }
0x199: {  	[tilespmem:s1+$0x1C320] =	vst v2  }
0x19a: {  	v3 =	vbroadcast v1, $0x5;
	[tilespmem:s1+$0x1C330] =	vst v2  }
0x19b: {  	[tilespmem:s1+$0x1C340] =	vst v2  }
0x19c: {  	[tilespmem:s1+$0x1C350] =	vst v3  }
0x19d: {  	[tilespmem:s1+$0x1C360] =	vst v3  }
0x19e: {  	v2 =	vbroadcast v1, $0x6;
	[tilespmem:s1+$0x1C370] =	vst v3  }
0x19f: {  	[tilespmem:s1+$0x1C380] =	vst v3  }
0x1a0: {  	[tilespmem:s1+$0x1C390] =	vst v2  }
0x1a1: {  	[tilespmem:s1+$0x1C3A0] =	vst v2  }
0x1a2: {  	v1 =	vbroadcast v1, $0x7;
	[tilespmem:s1+$0x1C3B0] =	vst v2  }
0x1a3: {  	[tilespmem:s1+$0x1C3C0] =	vst v2  }
0x1a4: {  	[tilespmem:s1+$0x1C3D0] =	vst v1  }
0x1a5: {  	[tilespmem:s1+$0x1C3E0] =	vst v1  }
0x1a6: {  	[tilespmem:s1+$0x1C3F0] =	vst v1  }
0x1a7: {  	[tilespmem:s1+$0x1C400] =	vst v1  }
0x1a8: {  	_ =	swait.ge [sflag:s17], $0x1A00  }
0x1a9: {  	[sflag:s17] =	ssyncset.done $0x0  }
0x1aa: {  	[sflag:s17] =	ssyncadd.s32 $0xFFFFE600  }
0x1ab: {  	_ =	swait.ge [sflag:s17], $0x1800  }
0x1ac: {  	s7 =	simm.s32 $0x15E10;
	[sflag:s17] =	ssyncset.done $0x0  }
0x1ad: {  	s24 =	simm.s32 $0xAF10;
	s19 =	rddreg [dreg:$0x8];
	[sflag:s17] =	ssyncadd.s32 $0xFFFFE800  }
0x1ae: {  	[hbm4b:s19+s3] =	stream.linear.scatter [tilespmem:s0], [sflag:$0x6], $0x1900, $0x38;
	[tilespmem:$0x1F410] =	vst v63  }
0x1af: {  	s31 =	simm.s32 $0x17710;
	s12 =	simm.s32 $0x1;
	s20 =	rddreg [dreg:$0x9]  }
0x1b0: {  	[hbm4b:s20+s3] =	stream.linear.scatter [tilespmem:s7], [sflag:$0x6], $0x1900, $0x38;
	[tilespmem:$0x1F410] =	vst v63  }
0x1b1: {  	s14 =	simm.s32 $0x3520;
	s18 =	simm.s32 $0x35E8;
	s23 =	rddreg [dreg:$0xa]  }
0x1b2: {  	[hbm4b:s23+s3] =	stream.linear.scatter [tilespmem:s24], [sflag:$0x6], $0x1900, $0x38;
	[tilespmem:$0x1F410] =	vst v63  }
0x1b3: {  	s25 =	rddreg [dreg:$0xb];
	s7 =	simm.s32 $0x36B0;
	s20 =	simm.s32 $0x3778  }
0x1b4: {  	[hbm4b:s25+s3] =	stream.linear.scatter [tilespmem:s31], [sflag:$0x6], $0x1900, $0x38;
	[tilespmem:$0x1F410] =	vst v63  }
.LBB2_12:
0x1b5: {  	_ =	swait.ge [sflag:s21], $0x1900  }
0x1b6: {  	[sflag:s21] =	ssyncset.done $0x0  }
0x1b7: {  	[sflag:s21] =	ssyncadd.s32 $0xFFFFE700  }
0x1b8: {  	_ =	swait.ge [sflag:s21], $0x1900  }
0x1b9: {  	[sflag:s21] =	ssyncset.done $0x0  }
0x1ba: {  	[sflag:s21] =	ssyncadd.s32 $0xFFFFE700  }
0x1bb: {  	_ =	swait.ge [sflag:s21], $0x1900  }
0x1bc: {  	[sflag:s21] =	ssyncset.done $0x0  }
0x1bd: {  	[sflag:s21] =	ssyncadd.s32 $0xFFFFE700  }
0x1be: {  	_ =	swait.ge [sflag:s21], $0x1900  }
0x1bf: {  	s23 =	smul.u32 $0x320, s12;
	v1 =	vmov s14;
	[sflag:s21] =	ssyncset.done $0x0  }
0x1c0: {  	[sflag:s21] =	ssyncadd.s32 $0xFFFFE700  }
0x1c1: {  	[tilespmem:s29], [sflag:$0x1] =	stream.indirect.gather [hbm4b:s4+s28], $0x40, s23, s28, $0xb8;
	[tilespmem:$0x1F410] =	vst v63  }
0x1c2: {  	s15 =	simm.s32 $0x7E10;
	s31 =	simm.s32 $0x0;
	s1 =	sadd.s32 $0x68, s23  }
0x1c3: {  	[tilespmem:s15], [sflag:$0x1] =	stream.indirect.gather [hbm4b:s4+s30], $0x40, s1, s30, $0xb8;
	[tilespmem:$0x1F410] =	vst v63  }
0x1c4: {  	v2 =	vld.idx.msk [tilespmem:v1+s31+$0x0 ss:$0x1], $0xffff;
	_ =	sdelay $0x4  }
0x1c5: {  	v3 =	vbroadcast v2, $0x0  }
0x1c6: {  	s24 =	simm.s32 $0x12D10  }
0x1c7: {  	[tilespmem:s24+$0xFFFFFF00] =	vst v3  }
0x1c8: {  	[tilespmem:s24+$0xFFFFFF10] =	vst v3  }
0x1c9: {  	v4 =	vbroadcast v2, $0x1;
	[tilespmem:s24+$0xFFFFFF20] =	vst v3  }
0x1ca: {  	[tilespmem:s24+$0xFFFFFF30] =	vst v3  }
0x1cb: {  	[tilespmem:s24+$0xFFFFFF40] =	vst v4  }
0x1cc: {  	[tilespmem:s24+$0xFFFFFF50] =	vst v4  }
0x1cd: {  	v62 =	vbroadcast v2, $0x3;
	[tilespmem:s24+$0xFFFFFF60] =	vst v4  }
0x1ce: {  	[tilespmem:s24+$0xFFFFFF70] =	vst v4  }
0x1cf: {  	[tilespmem:s24+$0xFFFFFFC0] =	vst v62  }
0x1d0: {  	[tilespmem:s24+$0xFFFFFFD0] =	vst v62  }
0x1d1: {  	v63 =	vbroadcast v2, $0x5;
	[tilespmem:s24+$0xFFFFFFE0] =	vst v62  }
0x1d2: {  	[tilespmem:s24+$0xFFFFFFF0] =	vst v62  }
0x1d3: {  	v3 =	vbroadcast v2, $0x2;
	[tilespmem:s24+$0x40] =	vst v63  }
0x1d4: {  	[tilespmem:s24+$0x50] =	vst v63  }
0x1d5: {  	[tilespmem:s24+$0xFFFFFF80] =	vst v3  }
0x1d6: {  	[tilespmem:s24+$0xFFFFFF90] =	vst v3  }
0x1d7: {  	[tilespmem:s24+$0xFFFFFFA0] =	vst v3  }
0x1d8: {  	[tilespmem:s24+$0xFFFFFFB0] =	vst v3;
	v3 =	vbroadcast v2, $0x4  }
0x1d9: {  	[tilespmem:s24+$0x60] =	vst v63  }
0x1da: {  	[tilespmem:s24+$0x0] =	vst v3  }
0x1db: {  	[tilespmem:s24+$0x10] =	vst v3  }
0x1dc: {  	[tilespmem:s24+$0x20] =	vst v3  }
0x1dd: {  	[tilespmem:s24+$0x30] =	vst v3;
	v3 =	vbroadcast v2, $0x6  }
0x1de: {  	[tilespmem:s24+$0x70] =	vst v63  }
0x1df: {  	[tilespmem:s24+$0x80] =	vst v3  }
0x1e0: {  	[tilespmem:s24+$0x90] =	vst v3  }
0x1e1: {  	v2 =	vbroadcast v2, $0x7;
	[tilespmem:s24+$0xA0] =	vst v3  }
0x1e2: {  	[tilespmem:s24+$0xB0] =	vst v3  }
0x1e3: {  	[tilespmem:s24+$0xC0] =	vst v2  }
0x1e4: {  	[tilespmem:s24+$0xD0] =	vst v2  }
0x1e5: {  	[tilespmem:s24+$0xE0] =	vst v2  }
0x1e6: {  	s25 =	simm.s32 $0x40;
	s1 =	simm.s32 $0x8;
	[tilespmem:s24+$0xF0] =	vst v2  }
.LBB2_13:
0x1e7: {  	p0 =	sne.s32 s25, $0x300;
	v2 =	vld.idx.msk [tilespmem:v1+s1+$0x0 ss:$0x1], $0xffff;
	_ =	sdelay $0x5  }
0x1e8: {  	v3 =	vbroadcast v2, $0x0;
	v4 =	vbroadcast v2, $0x1  }
0x1e9: {  	s24 =	sadd.s32 $0x200, s24;
	v5 =	vbroadcast v2, $0x2;
	v6 =	vbroadcast v2, $0x3  }
0x1ea: {  	v7 =	vbroadcast v2, $0x4;
	v8 =	vbroadcast v2, $0x5;
	[tilespmem:s24+$0xFFFFFF00] =	vst v3  }
0x1eb: {  	v9 =	vbroadcast v2, $0x6;
	v2 =	vbroadcast v2, $0x7;
	[tilespmem:s24+$0xFFFFFF10] =	vst v3  }
0x1ec: {  	[tilespmem:s24+$0xFFFFFF20] =	vst v3  }
0x1ed: {  	[tilespmem:s24+$0xFFFFFF30] =	vst v3  }
0x1ee: {  	[tilespmem:s24+$0xFFFFFF40] =	vst v4  }
0x1ef: {  	[tilespmem:s24+$0xFFFFFF50] =	vst v4  }
0x1f0: {  	[tilespmem:s24+$0xFFFFFF60] =	vst v4  }
0x1f1: {  	[tilespmem:s24+$0xFFFFFF70] =	vst v4  }
0x1f2: {  	[tilespmem:s24+$0xFFFFFF80] =	vst v5  }
0x1f3: {  	[tilespmem:s24+$0xFFFFFF90] =	vst v5  }
0x1f4: {  	[tilespmem:s24+$0xFFFFFFA0] =	vst v5  }
0x1f5: {  	[tilespmem:s24+$0xFFFFFFB0] =	vst v5  }
0x1f6: {  	[tilespmem:s24+$0xFFFFFFC0] =	vst v6  }
0x1f7: {  	[tilespmem:s24+$0xFFFFFFD0] =	vst v6  }
0x1f8: {  	[tilespmem:s24+$0xFFFFFFE0] =	vst v6  }
0x1f9: {  	[tilespmem:s24+$0xFFFFFFF0] =	vst v6  }
0x1fa: {  	[tilespmem:s24+$0x0] =	vst v7  }
0x1fb: {  	[tilespmem:s24+$0x10] =	vst v7  }
0x1fc: {  	[tilespmem:s24+$0x20] =	vst v7  }
0x1fd: {  	[tilespmem:s24+$0x30] =	vst v7  }
0x1fe: {  	[tilespmem:s24+$0x40] =	vst v8  }
0x1ff: {  	[tilespmem:s24+$0x50] =	vst v8  }
0x200: {  	[tilespmem:s24+$0x60] =	vst v8  }
0x201: {  	[tilespmem:s24+$0x70] =	vst v8  }
0x202: {  	[tilespmem:s24+$0x80] =	vst v9  }
0x203: {  	[tilespmem:s24+$0x90] =	vst v9  }
0x204: {  	[tilespmem:s24+$0xA0] =	vst v9  }
.Ltmp5:
0x205: {  	[tilespmem:s24+$0xB0] =	vst v9;
	(pc) =	sbr.rel @p0 .LBB2_13-.Ltmp5, $4  }
0x206: {  	[tilespmem:s24+$0xC0] =	vst v2  }
0x207: {  	[tilespmem:s24+$0xD0] =	vst v2  }
0x208: {  	[tilespmem:s24+$0xE0] =	vst v2  }
0x209: {  	s1 =	sshra.s32 s25, $0x2;
	s25 =	sadd.s32 $0x20, s25;
	[tilespmem:s24+$0xF0] =	vst v2  }
0x20a: {  	_ =	sdelay $0x3  }
0x20b: {  	v1 =	vld.idx.msk [tilespmem:v1+s1+$0x0 ss:$0x1], $0xffff;
	_ =	sdelay $0x4  }
0x20c: {  	v2 =	vbroadcast v1, $0x0  }
0x20d: {  	s15 =	sadd.s32 $0x200, s24  }
0x20e: {  	[tilespmem:s15+$0xFFFFFF00] =	vst v2  }
0x20f: {  	[tilespmem:s15+$0xFFFFFF10] =	vst v2  }
0x210: {  	v3 =	vbroadcast v1, $0x1;
	[tilespmem:s15+$0xFFFFFF20] =	vst v2  }
0x211: {  	[tilespmem:s15+$0xFFFFFF30] =	vst v2  }
0x212: {  	[tilespmem:s15+$0xFFFFFF40] =	vst v3  }
0x213: {  	[tilespmem:s15+$0xFFFFFF50] =	vst v3  }
0x214: {  	v2 =	vbroadcast v1, $0x2;
	[tilespmem:s15+$0xFFFFFF60] =	vst v3  }
0x215: {  	[tilespmem:s15+$0xFFFFFF70] =	vst v3  }
0x216: {  	[tilespmem:s15+$0xFFFFFF80] =	vst v2  }
0x217: {  	[tilespmem:s15+$0xFFFFFF90] =	vst v2  }
0x218: {  	v3 =	vbroadcast v1, $0x3;
	[tilespmem:s15+$0xFFFFFFA0] =	vst v2  }
0x219: {  	[tilespmem:s15+$0xFFFFFFB0] =	vst v2  }
0x21a: {  	[tilespmem:s15+$0xFFFFFFC0] =	vst v3  }
0x21b: {  	[tilespmem:s15+$0xFFFFFFD0] =	vst v3  }
0x21c: {  	v2 =	vbroadcast v1, $0x4;
	[tilespmem:s15+$0xFFFFFFE0] =	vst v3  }
0x21d: {  	[tilespmem:s15+$0xFFFFFFF0] =	vst v3  }
0x21e: {  	[tilespmem:s15+$0x0] =	vst v2  }
0x21f: {  	[tilespmem:s15+$0x10] =	vst v2  }
0x220: {  	v3 =	vbroadcast v1, $0x5;
	[tilespmem:s15+$0x20] =	vst v2  }
0x221: {  	[tilespmem:s15+$0x30] =	vst v2  }
0x222: {  	[tilespmem:s15+$0x40] =	vst v3  }
0x223: {  	[tilespmem:s15+$0x50] =	vst v3  }
0x224: {  	v2 =	vbroadcast v1, $0x6;
	[tilespmem:s15+$0x60] =	vst v3  }
0x225: {  	[tilespmem:s15+$0x70] =	vst v3  }
0x226: {  	[tilespmem:s15+$0x80] =	vst v2  }
0x227: {  	[tilespmem:s15+$0x90] =	vst v2  }
0x228: {  	v1 =	vbroadcast v1, $0x7;
	[tilespmem:s15+$0xA0] =	vst v2  }
0x229: {  	[tilespmem:s15+$0xB0] =	vst v2  }
0x22a: {  	[tilespmem:s15+$0xC0] =	vst v1  }
0x22b: {  	[tilespmem:s15+$0xD0] =	vst v1  }
0x22c: {  	[tilespmem:s15+$0xE0] =	vst v1  }
0x22d: {  	[tilespmem:s15+$0xF0] =	vst v1  }
0x22e: {  	_ =	swait.ge [sflag:s22], $0x1A00  }
0x22f: {  	s25 =	sshll.u32 s12, $0x3;
	s19 =	rddreg [dreg:$0xc]  }
0x230: {  	[sflag:s22] =	ssyncset.done $0x0;
	s1 =	sadd.s32 s25, s19  }
0x231: {  	[sflag:s22] =	ssyncadd.s32 $0xFFFFE600;
	s1 =	smul.u32 $0x3200, s1  }
0x232: {  	_ =	swait.ge [sflag:s22], $0x1800  }
0x233: {  	[sflag:s22] =	ssyncset.done $0x0;
	s1 =	sshrl.u32 s1, $0x3  }
0x234: {  	s15 =	simm.s32 $0x0;
	[sflag:s22] =	ssyncadd.s32 $0xFFFFE800;
	s1 =	sadd.s32 s2, s1  }
0x235: {  	[hbm4b:s1+s15] =	stream.linear.scatter [tilespmem:s5], [sflag:$0x7], $0x1900, $0x38;
	[tilespmem:$0x1F410] =	vst v63  }
0x236: {  	s24 =	simm.s32 $0x19010;
	s19 =	sadd.s32 $0x320, s1  }
0x237: {  	[hbm4b:s19+s15] =	stream.linear.scatter [tilespmem:s24], [sflag:$0x7], $0x1900, $0x38;
	[tilespmem:$0x1F410] =	vst v63  }
0x238: {  	s19 =	sadd.s32 $0x640, s1;
	s24 =	simm.s32 $0xE110  }
0x239: {  	[hbm4b:s19+s15] =	stream.linear.scatter [tilespmem:s24], [sflag:$0x7], $0x1900, $0x38;
	[tilespmem:$0x1F410] =	vst v63  }
0x23a: {  	s1 =	sadd.s32 $0x960, s1;
	s24 =	simm.s32 $0x1A910  }
0x23b: {  	[hbm4b:s1+s15] =	stream.linear.scatter [tilespmem:s24], [sflag:$0x7], $0x1900, $0x38;
	[tilespmem:$0x1F410] =	vst v63  }
0x23c: {  	_ =	swait.ge [sflag:s6], $0x1900  }
0x23d: {  	[sflag:s6] =	ssyncset.done $0x0  }
0x23e: {  	[sflag:s6] =	ssyncadd.s32 $0xFFFFE700  }
0x23f: {  	_ =	swait.ge [sflag:s6], $0x1900  }
0x240: {  	[sflag:s6] =	ssyncset.done $0x0  }
0x241: {  	[sflag:s6] =	ssyncadd.s32 $0xFFFFE700  }
0x242: {  	_ =	swait.ge [sflag:s6], $0x1900  }
0x243: {  	[sflag:s6] =	ssyncset.done $0x0  }
0x244: {  	s15 =	sshll.u32 s12, $0x2;
	[sflag:s6] =	ssyncadd.s32 $0xFFFFE700  }
0x245: {  	s24 =	sor.u32 $0x1, s15;
	_ =	swait.ge [sflag:s6], $0x1900  }
0x246: {  	s1 =	smul.u32 $0xC8, s24;
	[sflag:s6] =	ssyncset.done $0x0  }
0x247: {  	v1 =	vmov s18;
	[sflag:s6] =	ssyncadd.s32 $0xFFFFE700  }
0x248: {  	[tilespmem:s0], [sflag:$0x2] =	stream.indirect.gather [hbm4b:s4+s28], $0x40, s1, s28, $0xb8;
	[tilespmem:$0x1F410] =	vst v63  }
0x249: {  	s19 =	simm.s32 $0xB010;
	s1 =	sadd.s32 $0x68, s1  }
0x24a: {  	[tilespmem:s19], [sflag:$0x2] =	stream.indirect.gather [hbm4b:s4+s30], $0x40, s1, s30, $0xb8;
	[tilespmem:$0x1F410] =	vst v63  }
0x24b: {  	s19 =	simm.s32 $0x0  }
0x24c: {  	v2 =	vld.idx.msk [tilespmem:v1+s19+$0x0 ss:$0x1], $0xffff;
	_ =	sdelay $0x4  }
0x24d: {  	v3 =	vbroadcast v2, $0x0  }
0x24e: {  	s31 =	simm.s32 $0x16000  }
0x24f: {  	[tilespmem:s31+$0xFFFFFE10] =	vst v3  }
0x250: {  	[tilespmem:s31+$0xFFFFFE20] =	vst v3  }
0x251: {  	v4 =	vbroadcast v2, $0x1;
	[tilespmem:s31+$0xFFFFFE30] =	vst v3  }
0x252: {  	[tilespmem:s31+$0xFFFFFE40] =	vst v3  }
0x253: {  	[tilespmem:s31+$0xFFFFFE50] =	vst v4  }
0x254: {  	[tilespmem:s31+$0xFFFFFE60] =	vst v4  }
0x255: {  	v62 =	vbroadcast v2, $0x3;
	[tilespmem:s31+$0xFFFFFE70] =	vst v4  }
0x256: {  	[tilespmem:s31+$0xFFFFFE80] =	vst v4  }
0x257: {  	[tilespmem:s31+$0xFFFFFED0] =	vst v62  }
0x258: {  	[tilespmem:s31+$0xFFFFFEE0] =	vst v62  }
0x259: {  	v63 =	vbroadcast v2, $0x5;
	[tilespmem:s31+$0xFFFFFEF0] =	vst v62  }
0x25a: {  	[tilespmem:s31+$0xFFFFFF00] =	vst v62  }
0x25b: {  	v3 =	vbroadcast v2, $0x2;
	[tilespmem:s31+$0xFFFFFF50] =	vst v63  }
0x25c: {  	[tilespmem:s31+$0xFFFFFF60] =	vst v63  }
0x25d: {  	[tilespmem:s31+$0xFFFFFE90] =	vst v3  }
0x25e: {  	[tilespmem:s31+$0xFFFFFEA0] =	vst v3  }
0x25f: {  	[tilespmem:s31+$0xFFFFFEB0] =	vst v3  }
0x260: {  	[tilespmem:s31+$0xFFFFFEC0] =	vst v3;
	v3 =	vbroadcast v2, $0x4  }
0x261: {  	[tilespmem:s31+$0xFFFFFF70] =	vst v63  }
0x262: {  	[tilespmem:s31+$0xFFFFFF10] =	vst v3  }
0x263: {  	[tilespmem:s31+$0xFFFFFF20] =	vst v3  }
0x264: {  	[tilespmem:s31+$0xFFFFFF30] =	vst v3  }
0x265: {  	[tilespmem:s31+$0xFFFFFF40] =	vst v3;
	v3 =	vbroadcast v2, $0x6  }
0x266: {  	[tilespmem:s31+$0xFFFFFF80] =	vst v63  }
0x267: {  	[tilespmem:s31+$0xFFFFFF90] =	vst v3  }
0x268: {  	[tilespmem:s31+$0xFFFFFFA0] =	vst v3  }
0x269: {  	v2 =	vbroadcast v2, $0x7;
	[tilespmem:s31+$0xFFFFFFB0] =	vst v3  }
0x26a: {  	[tilespmem:s31+$0xFFFFFFC0] =	vst v3  }
0x26b: {  	[tilespmem:s31+$0xFFFFFFD0] =	vst v2  }
0x26c: {  	[tilespmem:s31+$0xFFFFFFE0] =	vst v2  }
0x26d: {  	[tilespmem:s31+$0xFFFFFFF0] =	vst v2  }
0x26e: {  	s15 =	simm.s32 $0x8;
	s1 =	simm.s32 $0x40;
	[tilespmem:s31+$0x0] =	vst v2  }
.LBB2_15:
0x26f: {  	p0 =	sne.s32 s1, $0x300;
	v2 =	vld.idx.msk [tilespmem:v1+s15+$0x0 ss:$0x1], $0xffff;
	_ =	sdelay $0x5  }
0x270: {  	v3 =	vbroadcast v2, $0x0;
	v4 =	vbroadcast v2, $0x1  }
0x271: {  	s31 =	sadd.s32 $0x200, s31;
	v5 =	vbroadcast v2, $0x2;
	v6 =	vbroadcast v2, $0x3  }
0x272: {  	v7 =	vbroadcast v2, $0x4;
	v8 =	vbroadcast v2, $0x5;
	[tilespmem:s31+$0xFFFFFE10] =	vst v3  }
0x273: {  	v9 =	vbroadcast v2, $0x6;
	v2 =	vbroadcast v2, $0x7;
	[tilespmem:s31+$0xFFFFFE20] =	vst v3  }
0x274: {  	[tilespmem:s31+$0xFFFFFE30] =	vst v3  }
0x275: {  	[tilespmem:s31+$0xFFFFFE40] =	vst v3  }
0x276: {  	[tilespmem:s31+$0xFFFFFE50] =	vst v4  }
0x277: {  	[tilespmem:s31+$0xFFFFFE60] =	vst v4  }
0x278: {  	[tilespmem:s31+$0xFFFFFE70] =	vst v4  }
0x279: {  	[tilespmem:s31+$0xFFFFFE80] =	vst v4  }
0x27a: {  	[tilespmem:s31+$0xFFFFFE90] =	vst v5  }
0x27b: {  	[tilespmem:s31+$0xFFFFFEA0] =	vst v5  }
0x27c: {  	[tilespmem:s31+$0xFFFFFEB0] =	vst v5  }
0x27d: {  	[tilespmem:s31+$0xFFFFFEC0] =	vst v5  }
0x27e: {  	[tilespmem:s31+$0xFFFFFED0] =	vst v6  }
0x27f: {  	[tilespmem:s31+$0xFFFFFEE0] =	vst v6  }
0x280: {  	[tilespmem:s31+$0xFFFFFEF0] =	vst v6  }
0x281: {  	[tilespmem:s31+$0xFFFFFF00] =	vst v6  }
0x282: {  	[tilespmem:s31+$0xFFFFFF10] =	vst v7  }
0x283: {  	[tilespmem:s31+$0xFFFFFF20] =	vst v7  }
0x284: {  	[tilespmem:s31+$0xFFFFFF30] =	vst v7  }
0x285: {  	[tilespmem:s31+$0xFFFFFF40] =	vst v7  }
0x286: {  	[tilespmem:s31+$0xFFFFFF50] =	vst v8  }
0x287: {  	[tilespmem:s31+$0xFFFFFF60] =	vst v8  }
0x288: {  	[tilespmem:s31+$0xFFFFFF70] =	vst v8  }
0x289: {  	[tilespmem:s31+$0xFFFFFF80] =	vst v8  }
0x28a: {  	[tilespmem:s31+$0xFFFFFF90] =	vst v9  }
0x28b: {  	[tilespmem:s31+$0xFFFFFFA0] =	vst v9  }
0x28c: {  	[tilespmem:s31+$0xFFFFFFB0] =	vst v9  }
.Ltmp6:
0x28d: {  	[tilespmem:s31+$0xFFFFFFC0] =	vst v9;
	(pc) =	sbr.rel @p0 .LBB2_15-.Ltmp6, $4  }
0x28e: {  	[tilespmem:s31+$0xFFFFFFD0] =	vst v2  }
0x28f: {  	[tilespmem:s31+$0xFFFFFFE0] =	vst v2  }
0x290: {  	[tilespmem:s31+$0xFFFFFFF0] =	vst v2  }
0x291: {  	s15 =	sshra.s32 s1, $0x2;
	s1 =	sadd.s32 $0x20, s1;
	[tilespmem:s31+$0x0] =	vst v2  }
0x292: {  	_ =	sdelay $0x3  }
0x293: {  	v1 =	vld.idx.msk [tilespmem:v1+s15+$0x0 ss:$0x1], $0xffff;
	_ =	sdelay $0x4  }
0x294: {  	v2 =	vbroadcast v1, $0x0  }
0x295: {  	s1 =	sadd.s32 $0x200, s31  }
0x296: {  	[tilespmem:s1+$0xFFFFFE10] =	vst v2  }
0x297: {  	[tilespmem:s1+$0xFFFFFE20] =	vst v2  }
0x298: {  	v3 =	vbroadcast v1, $0x1;
	[tilespmem:s1+$0xFFFFFE30] =	vst v2  }
0x299: {  	[tilespmem:s1+$0xFFFFFE40] =	vst v2  }
0x29a: {  	[tilespmem:s1+$0xFFFFFE50] =	vst v3  }
0x29b: {  	[tilespmem:s1+$0xFFFFFE60] =	vst v3  }
0x29c: {  	v2 =	vbroadcast v1, $0x2;
	[tilespmem:s1+$0xFFFFFE70] =	vst v3  }
0x29d: {  	[tilespmem:s1+$0xFFFFFE80] =	vst v3  }
0x29e: {  	[tilespmem:s1+$0xFFFFFE90] =	vst v2  }
0x29f: {  	[tilespmem:s1+$0xFFFFFEA0] =	vst v2  }
0x2a0: {  	v3 =	vbroadcast v1, $0x3;
	[tilespmem:s1+$0xFFFFFEB0] =	vst v2  }
0x2a1: {  	[tilespmem:s1+$0xFFFFFEC0] =	vst v2  }
0x2a2: {  	[tilespmem:s1+$0xFFFFFED0] =	vst v3  }
0x2a3: {  	[tilespmem:s1+$0xFFFFFEE0] =	vst v3  }
0x2a4: {  	v2 =	vbroadcast v1, $0x4;
	[tilespmem:s1+$0xFFFFFEF0] =	vst v3  }
0x2a5: {  	[tilespmem:s1+$0xFFFFFF00] =	vst v3  }
0x2a6: {  	[tilespmem:s1+$0xFFFFFF10] =	vst v2  }
0x2a7: {  	[tilespmem:s1+$0xFFFFFF20] =	vst v2  }
0x2a8: {  	v3 =	vbroadcast v1, $0x5;
	[tilespmem:s1+$0xFFFFFF30] =	vst v2  }
0x2a9: {  	[tilespmem:s1+$0xFFFFFF40] =	vst v2  }
0x2aa: {  	[tilespmem:s1+$0xFFFFFF50] =	vst v3  }
0x2ab: {  	[tilespmem:s1+$0xFFFFFF60] =	vst v3  }
0x2ac: {  	v2 =	vbroadcast v1, $0x6;
	[tilespmem:s1+$0xFFFFFF70] =	vst v3  }
0x2ad: {  	[tilespmem:s1+$0xFFFFFF80] =	vst v3  }
0x2ae: {  	[tilespmem:s1+$0xFFFFFF90] =	vst v2  }
0x2af: {  	[tilespmem:s1+$0xFFFFFFA0] =	vst v2  }
0x2b0: {  	v1 =	vbroadcast v1, $0x7;
	[tilespmem:s1+$0xFFFFFFB0] =	vst v2  }
0x2b1: {  	[tilespmem:s1+$0xFFFFFFC0] =	vst v2  }
0x2b2: {  	[tilespmem:s1+$0xFFFFFFD0] =	vst v1  }
0x2b3: {  	[tilespmem:s1+$0xFFFFFFE0] =	vst v1  }
0x2b4: {  	[tilespmem:s1+$0xFFFFFFF0] =	vst v1  }
0x2b5: {  	[tilespmem:s1+$0x0] =	vst v1  }
0x2b6: {  	_ =	swait.ge [sflag:s26], $0x1A00  }
0x2b7: {  	s15 =	sadd.s32 s25, s16;
	[sflag:s26] =	ssyncset.done $0x0  }
0x2b8: {  	s1 =	smul.u32 $0x3200, s15;
	[sflag:s26] =	ssyncadd.s32 $0xFFFFE600  }
0x2b9: {  	_ =	swait.ge [sflag:s26], $0x1800  }
0x2ba: {  	s1 =	sshrl.u32 s1, $0x3;
	[sflag:s26] =	ssyncset.done $0x0  }
0x2bb: {  	s31 =	simm.s32 $0x0;
	s1 =	sadd.s32 s2, s1;
	[sflag:s26] =	ssyncadd.s32 $0xFFFFE800  }
0x2bc: {  	[hbm4b:s1+s31] =	stream.linear.scatter [tilespmem:s13], [sflag:$0x8], $0x1900, $0x38;
	[tilespmem:$0x1F410] =	vst v63  }
0x2bd: {  	s19 =	simm.s32 $0x1C210;
	s15 =	sadd.s32 $0x320, s1  }
0x2be: {  	[hbm4b:s15+s31] =	stream.linear.scatter [tilespmem:s19], [sflag:$0x8], $0x1900, $0x38;
	[tilespmem:$0x1F410] =	vst v63  }
0x2bf: {  	s15 =	sadd.s32 $0x640, s1;
	s19 =	simm.s32 $0x11310  }
0x2c0: {  	[hbm4b:s15+s31] =	stream.linear.scatter [tilespmem:s19], [sflag:$0x8], $0x1900, $0x38;
	[tilespmem:$0x1F410] =	vst v63  }
0x2c1: {  	s1 =	sadd.s32 $0x960, s1;
	s19 =	simm.s32 $0x1DB10  }
0x2c2: {  	[hbm4b:s1+s31] =	stream.linear.scatter [tilespmem:s19], [sflag:$0x8], $0x1900, $0x38;
	[tilespmem:$0x1F410] =	vst v63  }
0x2c3: {  	_ =	swait.ge [sflag:s9], $0x1900  }
0x2c4: {  	[sflag:s9] =	ssyncset.done $0x0  }
0x2c5: {  	[sflag:s9] =	ssyncadd.s32 $0xFFFFE700  }
0x2c6: {  	_ =	swait.ge [sflag:s9], $0x1900  }
0x2c7: {  	[sflag:s9] =	ssyncset.done $0x0  }
0x2c8: {  	[sflag:s9] =	ssyncadd.s32 $0xFFFFE700  }
0x2c9: {  	_ =	swait.ge [sflag:s9], $0x1900  }
0x2ca: {  	[sflag:s9] =	ssyncset.done $0x0  }
0x2cb: {  	[sflag:s9] =	ssyncadd.s32 $0xFFFFE700  }
0x2cc: {  	_ =	swait.ge [sflag:s9], $0x1900  }
0x2cd: {  	[sflag:s9] =	ssyncset.done $0x0  }
0x2ce: {  	s19 =	sadd.s32 $0x190, s23;
	[sflag:s9] =	ssyncadd.s32 $0xFFFFE700  }
0x2cf: {  	[tilespmem:s5], [sflag:$0x3] =	stream.indirect.gather [hbm4b:s4+s28], $0x40, s19, s28, $0xb8;
	[tilespmem:$0x1F410] =	vst v63  }
0x2d0: {  	s15 =	sadd.s32 $0x1F8, s23;
	s19 =	simm.s32 $0xE210  }
0x2d1: {  	[tilespmem:s19], [sflag:$0x3] =	stream.indirect.gather [hbm4b:s4+s30], $0x40, s15, s30, $0xb8;
	[tilespmem:$0x1F410] =	vst v63  }
0x2d2: {  	s1 =	simm.s32 $0x800;
	s19 =	smov.u32 s7;
	v1 =	vld [tilespmem:s7+$0x0]  }
.LBB2_17:
0x2d3: {  	p0 =	sne.s32 s1, $0xC000;
	_ =	sdelay $0x3  }
0x2d4: {  	v2 =	vbroadcast v1, $0x0;
	v3 =	vbroadcast v1, $0x1  }
0x2d5: {  	s15 =	sshra.s32 s31, $0x2;
	s31 =	smov.u32 s1;
	v4 =	vbroadcast v1, $0x2;
	v5 =	vbroadcast v1, $0x3  }
0x2d6: {  	v6 =	vbroadcast v1, $0x4;
	v7 =	vbroadcast v1, $0x5;
	[tilespmem:s15+$0x19010] =	vst v2  }
0x2d7: {  	v8 =	vbroadcast v1, $0x6;
	v1 =	vbroadcast v1, $0x7;
	[tilespmem:s15+$0x19020] =	vst v2  }
0x2d8: {  	[tilespmem:s15+$0x19030] =	vst v2  }
0x2d9: {  	[tilespmem:s15+$0x19040] =	vst v2  }
0x2da: {  	[tilespmem:s15+$0x19050] =	vst v3  }
0x2db: {  	[tilespmem:s15+$0x19060] =	vst v3  }
0x2dc: {  	[tilespmem:s15+$0x19070] =	vst v3  }
0x2dd: {  	[tilespmem:s15+$0x19080] =	vst v3  }
0x2de: {  	[tilespmem:s15+$0x19090] =	vst v4  }
0x2df: {  	[tilespmem:s15+$0x190A0] =	vst v4  }
0x2e0: {  	[tilespmem:s15+$0x190B0] =	vst v4  }
0x2e1: {  	[tilespmem:s15+$0x190C0] =	vst v4  }
0x2e2: {  	[tilespmem:s15+$0x190D0] =	vst v5  }
0x2e3: {  	[tilespmem:s15+$0x190E0] =	vst v5  }
0x2e4: {  	[tilespmem:s15+$0x190F0] =	vst v5  }
0x2e5: {  	[tilespmem:s15+$0x19100] =	vst v5  }
0x2e6: {  	[tilespmem:s15+$0x19110] =	vst v6  }
0x2e7: {  	[tilespmem:s15+$0x19120] =	vst v6  }
0x2e8: {  	[tilespmem:s15+$0x19130] =	vst v6  }
0x2e9: {  	[tilespmem:s15+$0x19140] =	vst v6  }
0x2ea: {  	[tilespmem:s15+$0x19150] =	vst v7  }
0x2eb: {  	[tilespmem:s15+$0x19160] =	vst v7  }
0x2ec: {  	[tilespmem:s15+$0x19170] =	vst v7  }
0x2ed: {  	[tilespmem:s15+$0x19180] =	vst v7  }
0x2ee: {  	[tilespmem:s15+$0x19190] =	vst v8  }
0x2ef: {  	[tilespmem:s15+$0x191A0] =	vst v8  }
0x2f0: {  	[tilespmem:s15+$0x191B0] =	vst v8  }
0x2f1: {  	[tilespmem:s15+$0x191C0] =	vst v8  }
.Ltmp7:
0x2f2: {  	[tilespmem:s15+$0x191D0] =	vst v1;
	(pc) =	sbr.rel @p0 .LBB2_17-.Ltmp7, $4  }
0x2f3: {  	[tilespmem:s15+$0x191E0] =	vst v1  }
0x2f4: {  	[tilespmem:s15+$0x191F0] =	vst v1  }
0x2f5: {  	s19 =	sadd.s32 $0x8, s19;
	[tilespmem:s15+$0x19200] =	vst v1  }
0x2f6: {  	s1 =	sadd.s32 $0x800, s1;
	v1 =	vld [tilespmem:s19+$0x0]  }
0x2f7: {  	_ =	sdelay $0x3  }
0x2f8: {  	v2 =	vbroadcast v1, $0x0  }
0x2f9: {  	s1 =	sshra.s32 s31, $0x2  }
0x2fa: {  	[tilespmem:s1+$0x19010] =	vst v2  }
0x2fb: {  	[tilespmem:s1+$0x19020] =	vst v2  }
0x2fc: {  	v3 =	vbroadcast v1, $0x1;
	[tilespmem:s1+$0x19030] =	vst v2  }
0x2fd: {  	[tilespmem:s1+$0x19040] =	vst v2  }
0x2fe: {  	[tilespmem:s1+$0x19050] =	vst v3  }
0x2ff: {  	[tilespmem:s1+$0x19060] =	vst v3  }
0x300: {  	v2 =	vbroadcast v1, $0x2;
	[tilespmem:s1+$0x19070] =	vst v3  }
0x301: {  	[tilespmem:s1+$0x19080] =	vst v3  }
0x302: {  	[tilespmem:s1+$0x19090] =	vst v2  }
0x303: {  	[tilespmem:s1+$0x190A0] =	vst v2  }
0x304: {  	v3 =	vbroadcast v1, $0x3;
	[tilespmem:s1+$0x190B0] =	vst v2  }
0x305: {  	[tilespmem:s1+$0x190C0] =	vst v2  }
0x306: {  	[tilespmem:s1+$0x190D0] =	vst v3  }
0x307: {  	[tilespmem:s1+$0x190E0] =	vst v3  }
0x308: {  	v2 =	vbroadcast v1, $0x4;
	[tilespmem:s1+$0x190F0] =	vst v3  }
0x309: {  	[tilespmem:s1+$0x19100] =	vst v3  }
0x30a: {  	[tilespmem:s1+$0x19110] =	vst v2  }
0x30b: {  	[tilespmem:s1+$0x19120] =	vst v2  }
0x30c: {  	v3 =	vbroadcast v1, $0x5;
	[tilespmem:s1+$0x19130] =	vst v2  }
0x30d: {  	[tilespmem:s1+$0x19140] =	vst v2  }
0x30e: {  	[tilespmem:s1+$0x19150] =	vst v3  }
0x30f: {  	[tilespmem:s1+$0x19160] =	vst v3  }
0x310: {  	v2 =	vbroadcast v1, $0x6;
	[tilespmem:s1+$0x19170] =	vst v3  }
0x311: {  	[tilespmem:s1+$0x19180] =	vst v3  }
0x312: {  	[tilespmem:s1+$0x19190] =	vst v2  }
0x313: {  	[tilespmem:s1+$0x191A0] =	vst v2  }
0x314: {  	v1 =	vbroadcast v1, $0x7;
	[tilespmem:s1+$0x191B0] =	vst v2  }
0x315: {  	[tilespmem:s1+$0x191C0] =	vst v2  }
0x316: {  	[tilespmem:s1+$0x191D0] =	vst v1  }
0x317: {  	[tilespmem:s1+$0x191E0] =	vst v1  }
0x318: {  	[tilespmem:s1+$0x191F0] =	vst v1  }
0x319: {  	[tilespmem:s1+$0x19200] =	vst v1  }
0x31a: {  	_ =	swait.ge [sflag:s8], $0x1A00  }
0x31b: {  	s19 =	sor.u32 s10, s25;
	[sflag:s8] =	ssyncset.done $0x0  }
0x31c: {  	s1 =	smul.u32 $0x3200, s19;
	[sflag:s8] =	ssyncadd.s32 $0xFFFFE600  }
0x31d: {  	s15 =	smul.u32 $0x640, s19;
	_ =	swait.ge [sflag:s8], $0x1800  }
0x31e: {  	s25 =	simm.s32 $0x0;
	s1 =	sshrl.u32 s1, $0x3;
	[sflag:s8] =	ssyncset.done $0x0  }
0x31f: {  	s15 =	sadd.s32 s2, s15;
	s1 =	sadd.s32 s2, s1;
	[sflag:s8] =	ssyncadd.s32 $0xFFFFE800  }
0x320: {  	[hbm4b:s15+s25] =	stream.linear.scatter [tilespmem:s29], [sflag:$0x5], $0x1900, $0x38;
	[tilespmem:$0x1F410] =	vst v63  }
0x321: {  	s19 =	simm.s32 $0x12C10;
	s31 =	sadd.s32 $0x320, s1  }
0x322: {  	[hbm4b:s31+s25] =	stream.linear.scatter [tilespmem:s19], [sflag:$0x5], $0x1900, $0x38;
	[tilespmem:$0x1F410] =	vst v63  }
0x323: {  	s19 =	sadd.s32 $0x640, s1;
	s31 =	simm.s32 $0x7D10  }
0x324: {  	[hbm4b:s19+s25] =	stream.linear.scatter [tilespmem:s31], [sflag:$0x5], $0x1900, $0x38;
	[tilespmem:$0x1F410] =	vst v63  }
0x325: {  	s1 =	sadd.s32 $0x960, s1;
	s31 =	simm.s32 $0x14510  }
0x326: {  	[hbm4b:s1+s25] =	stream.linear.scatter [tilespmem:s31], [sflag:$0x5], $0x1900, $0x38;
	[tilespmem:$0x1F410] =	vst v63  }
0x327: {  	_ =	swait.ge [sflag:s11], $0x1900  }
0x328: {  	[sflag:s11] =	ssyncset.done $0x0  }
0x329: {  	[sflag:s11] =	ssyncadd.s32 $0xFFFFE700  }
0x32a: {  	_ =	swait.ge [sflag:s11], $0x1900  }
0x32b: {  	[sflag:s11] =	ssyncset.done $0x0  }
0x32c: {  	[sflag:s11] =	ssyncadd.s32 $0xFFFFE700  }
0x32d: {  	_ =	swait.ge [sflag:s11], $0x1900  }
0x32e: {  	[sflag:s11] =	ssyncset.done $0x0  }
0x32f: {  	[sflag:s11] =	ssyncadd.s32 $0xFFFFE700  }
0x330: {  	_ =	swait.ge [sflag:s11], $0x1900  }
0x331: {  	[sflag:s11] =	ssyncset.done $0x0  }
0x332: {  	s19 =	sadd.s32 $0x258, s23;
	[sflag:s11] =	ssyncadd.s32 $0xFFFFE700  }
0x333: {  	[tilespmem:s13], [sflag:$0x4] =	stream.indirect.gather [hbm4b:s4+s28], $0x40, s19, s28, $0xb8;
	[tilespmem:$0x1F410] =	vst v63  }
0x334: {  	s23 =	sadd.s32 $0x2C0, s23;
	s31 =	simm.s32 $0x11410  }
0x335: {  	[tilespmem:s31], [sflag:$0x4] =	stream.indirect.gather [hbm4b:s4+s30], $0x40, s23, s30, $0xb8;
	[tilespmem:$0x1F410] =	vst v63  }
0x336: {  	s1 =	simm.s32 $0x800;
	s19 =	smov.u32 s20;
	v1 =	vld [tilespmem:s20+$0x0]  }
.LBB2_19:
0x337: {  	p0 =	sne.s32 s1, $0xC000;
	_ =	sdelay $0x3  }
0x338: {  	v2 =	vbroadcast v1, $0x0;
	v3 =	vbroadcast v1, $0x1  }
0x339: {  	s15 =	sshra.s32 s25, $0x2;
	s25 =	smov.u32 s1;
	v4 =	vbroadcast v1, $0x2;
	v5 =	vbroadcast v1, $0x3  }
0x33a: {  	v6 =	vbroadcast v1, $0x4;
	v7 =	vbroadcast v1, $0x5;
	[tilespmem:s15+$0x1C210] =	vst v2  }
0x33b: {  	v8 =	vbroadcast v1, $0x6;
	v1 =	vbroadcast v1, $0x7;
	[tilespmem:s15+$0x1C220] =	vst v2  }
0x33c: {  	[tilespmem:s15+$0x1C230] =	vst v2  }
0x33d: {  	[tilespmem:s15+$0x1C240] =	vst v2  }
0x33e: {  	[tilespmem:s15+$0x1C250] =	vst v3  }
0x33f: {  	[tilespmem:s15+$0x1C260] =	vst v3  }
0x340: {  	[tilespmem:s15+$0x1C270] =	vst v3  }
0x341: {  	[tilespmem:s15+$0x1C280] =	vst v3  }
0x342: {  	[tilespmem:s15+$0x1C290] =	vst v4  }
0x343: {  	[tilespmem:s15+$0x1C2A0] =	vst v4  }
0x344: {  	[tilespmem:s15+$0x1C2B0] =	vst v4  }
0x345: {  	[tilespmem:s15+$0x1C2C0] =	vst v4  }
0x346: {  	[tilespmem:s15+$0x1C2D0] =	vst v5  }
0x347: {  	[tilespmem:s15+$0x1C2E0] =	vst v5  }
0x348: {  	[tilespmem:s15+$0x1C2F0] =	vst v5  }
0x349: {  	[tilespmem:s15+$0x1C300] =	vst v5  }
0x34a: {  	[tilespmem:s15+$0x1C310] =	vst v6  }
0x34b: {  	[tilespmem:s15+$0x1C320] =	vst v6  }
0x34c: {  	[tilespmem:s15+$0x1C330] =	vst v6  }
0x34d: {  	[tilespmem:s15+$0x1C340] =	vst v6  }
0x34e: {  	[tilespmem:s15+$0x1C350] =	vst v7  }
0x34f: {  	[tilespmem:s15+$0x1C360] =	vst v7  }
0x350: {  	[tilespmem:s15+$0x1C370] =	vst v7  }
0x351: {  	[tilespmem:s15+$0x1C380] =	vst v7  }
0x352: {  	[tilespmem:s15+$0x1C390] =	vst v8  }
0x353: {  	[tilespmem:s15+$0x1C3A0] =	vst v8  }
0x354: {  	[tilespmem:s15+$0x1C3B0] =	vst v8  }
0x355: {  	[tilespmem:s15+$0x1C3C0] =	vst v8  }
.Ltmp8:
0x356: {  	[tilespmem:s15+$0x1C3D0] =	vst v1;
	(pc) =	sbr.rel @p0 .LBB2_19-.Ltmp8, $4  }
0x357: {  	[tilespmem:s15+$0x1C3E0] =	vst v1  }
0x358: {  	[tilespmem:s15+$0x1C3F0] =	vst v1  }
0x359: {  	s19 =	sadd.s32 $0x8, s19;
	[tilespmem:s15+$0x1C400] =	vst v1  }
0x35a: {  	s1 =	sadd.s32 $0x800, s1;
	v1 =	vld [tilespmem:s19+$0x0]  }
0x35b: {  	_ =	sdelay $0x3  }
0x35c: {  	v2 =	vbroadcast v1, $0x0  }
0x35d: {  	s1 =	sshra.s32 s25, $0x2  }
0x35e: {  	[tilespmem:s1+$0x1C210] =	vst v2  }
0x35f: {  	[tilespmem:s1+$0x1C220] =	vst v2  }
0x360: {  	v3 =	vbroadcast v1, $0x1;
	[tilespmem:s1+$0x1C230] =	vst v2  }
0x361: {  	[tilespmem:s1+$0x1C240] =	vst v2  }
0x362: {  	[tilespmem:s1+$0x1C250] =	vst v3  }
0x363: {  	[tilespmem:s1+$0x1C260] =	vst v3  }
0x364: {  	v2 =	vbroadcast v1, $0x2;
	[tilespmem:s1+$0x1C270] =	vst v3  }
0x365: {  	[tilespmem:s1+$0x1C280] =	vst v3  }
0x366: {  	[tilespmem:s1+$0x1C290] =	vst v2  }
0x367: {  	[tilespmem:s1+$0x1C2A0] =	vst v2  }
0x368: {  	v3 =	vbroadcast v1, $0x3;
	[tilespmem:s1+$0x1C2B0] =	vst v2  }
0x369: {  	[tilespmem:s1+$0x1C2C0] =	vst v2  }
0x36a: {  	[tilespmem:s1+$0x1C2D0] =	vst v3  }
0x36b: {  	[tilespmem:s1+$0x1C2E0] =	vst v3  }
0x36c: {  	v2 =	vbroadcast v1, $0x4;
	[tilespmem:s1+$0x1C2F0] =	vst v3  }
0x36d: {  	[tilespmem:s1+$0x1C300] =	vst v3  }
0x36e: {  	[tilespmem:s1+$0x1C310] =	vst v2  }
0x36f: {  	[tilespmem:s1+$0x1C320] =	vst v2  }
0x370: {  	v3 =	vbroadcast v1, $0x5;
	[tilespmem:s1+$0x1C330] =	vst v2  }
0x371: {  	[tilespmem:s1+$0x1C340] =	vst v2  }
0x372: {  	[tilespmem:s1+$0x1C350] =	vst v3  }
0x373: {  	[tilespmem:s1+$0x1C360] =	vst v3  }
0x374: {  	v2 =	vbroadcast v1, $0x6;
	[tilespmem:s1+$0x1C370] =	vst v3  }
0x375: {  	[tilespmem:s1+$0x1C380] =	vst v3  }
0x376: {  	[tilespmem:s1+$0x1C390] =	vst v2  }
0x377: {  	[tilespmem:s1+$0x1C3A0] =	vst v2  }
0x378: {  	v1 =	vbroadcast v1, $0x7;
	[tilespmem:s1+$0x1C3B0] =	vst v2  }
0x379: {  	[tilespmem:s1+$0x1C3C0] =	vst v2  }
0x37a: {  	[tilespmem:s1+$0x1C3D0] =	vst v1  }
0x37b: {  	[tilespmem:s1+$0x1C3E0] =	vst v1  }
0x37c: {  	[tilespmem:s1+$0x1C3F0] =	vst v1  }
0x37d: {  	s19 =	sshll.u32 s24, $0x1;
	[tilespmem:s1+$0x1C400] =	vst v1  }
0x37e: {  	s1 =	sadd.s32 s10, s19;
	_ =	swait.ge [sflag:s17], $0x1A00  }
0x37f: {  	s15 =	smul.u32 $0x640, s1;
	[sflag:s17] =	ssyncset.done $0x0  }
0x380: {  	s1 =	smul.u32 $0x3200, s1;
	[sflag:s17] =	ssyncadd.s32 $0xFFFFE600  }
0x381: {  	_ =	swait.ge [sflag:s17], $0x1800  }
0x382: {  	s12 =	sadd.s32 $0x1, s12;
	s1 =	sshrl.u32 s1, $0x3;
	[sflag:s17] =	ssyncset.done $0x0  }
0x383: {  	s15 =	sadd.s32 s2, s15;
	s1 =	sadd.s32 s2, s1;
	[sflag:s17] =	ssyncadd.s32 $0xFFFFE800  }
0x384: {  	[hbm4b:s15+s3] =	stream.linear.scatter [tilespmem:s0], [sflag:$0x6], $0x1900, $0x38;
	[tilespmem:$0x1F410] =	vst v63  }
0x385: {  	p0 =	sne.s32 s12, $0x10;
	s19 =	simm.s32 $0x15E10;
	s23 =	sadd.s32 $0x320, s1  }
0x386: {  	[hbm4b:s23+s3] =	stream.linear.scatter [tilespmem:s19], [sflag:$0x6], $0x1900, $0x38;
	[tilespmem:$0x1F410] =	vst v63  }
.Ltmp9:
0x387: {  	s25 =	simm.s32 $0xAF10;
	s31 =	simm.s32 $0x17710;
	(pc) =	sbr.rel @p0 .LBB2_12-.Ltmp9, $4  }
0x388: {  	s14 =	sadd.s32 $0x320, s14;
	s18 =	sadd.s32 $0x320, s18;
	s24 =	sadd.s32 $0x640, s1  }
0x389: {  	[hbm4b:s24+s3] =	stream.linear.scatter [tilespmem:s25], [sflag:$0x6], $0x1900, $0x38;
	[tilespmem:$0x1F410] =	vst v63  }
0x38a: {  	s7 =	sadd.s32 $0x320, s7;
	s20 =	sadd.s32 $0x320, s20;
	s1 =	sadd.s32 $0x960, s1  }
0x38b: {  	[hbm4b:s1+s3] =	stream.linear.scatter [tilespmem:s31], [sflag:$0x6], $0x1900, $0x38;
	[tilespmem:$0x1F410] =	vst v63  }
0x38c: {  	_ =	swait.ge [sflag:s22], $0x1A00  }
0x38d: {  	[sflag:s22] =	ssyncset.done $0x0  }
0x38e: {  	[sflag:s22] =	ssyncadd.s32 $0xFFFFE600  }
0x38f: {  	_ =	swait.ge [sflag:s22], $0x1800  }
0x390: {  	[sflag:s22] =	ssyncset.done $0x0  }
0x391: {  	s1 =	rddreg [dreg:$0xd];
	[sflag:s22] =	ssyncadd.s32 $0xFFFFE800  }
0x392: {  	[hbm4b:s1+s3] =	stream.linear.scatter [tilespmem:s5], [sflag:$0x7], $0x1900, $0x38;
	[tilespmem:$0x1F410] =	vst v63  }
0x393: {  	s7 =	simm.s32 $0x19010;
	s24 =	rddreg [dreg:$0xe]  }
0x394: {  	[hbm4b:s24+s3] =	stream.linear.scatter [tilespmem:s7], [sflag:$0x7], $0x1900, $0x38;
	[tilespmem:$0x1F410] =	vst v63  }
0x395: {  	s31 =	simm.s32 $0xE110;
	s25 =	rddreg [dreg:$0xf]  }
0x396: {  	[hbm4b:s25+s3] =	stream.linear.scatter [tilespmem:s31], [sflag:$0x7], $0x1900, $0x38;
	[tilespmem:$0x1F410] =	vst v63  }
0x397: {  	s12 =	simm.s32 $0x1A910;
	s7 =	rddreg [dreg:$0x10]  }
0x398: {  	[hbm4b:s7+s3] =	stream.linear.scatter [tilespmem:s12], [sflag:$0x7], $0x1900, $0x38;
	[tilespmem:$0x1F410] =	vst v63  }
0x399: {  	_ =	swait.ge [sflag:s26], $0x1A00  }
0x39a: {  	[sflag:s26] =	ssyncset.done $0x0  }
0x39b: {  	[sflag:s26] =	ssyncadd.s32 $0xFFFFE600  }
0x39c: {  	_ =	swait.ge [sflag:s26], $0x1800  }
0x39d: {  	[sflag:s26] =	ssyncset.done $0x0  }
0x39e: {  	s14 =	rddreg [dreg:$0x11];
	[sflag:s26] =	ssyncadd.s32 $0xFFFFE800  }
0x39f: {  	[hbm4b:s14+s3] =	stream.linear.scatter [tilespmem:s13], [sflag:$0x8], $0x1900, $0x38;
	[tilespmem:$0x1F410] =	vst v63  }
0x3a0: {  	s18 =	simm.s32 $0x1C210;
	s15 =	rddreg [dreg:$0x12]  }
0x3a1: {  	[hbm4b:s15+s3] =	stream.linear.scatter [tilespmem:s18], [sflag:$0x8], $0x1900, $0x38;
	[tilespmem:$0x1F410] =	vst v63  }
0x3a2: {  	s20 =	simm.s32 $0x11310;
	s19 =	rddreg [dreg:$0x13]  }
0x3a3: {  	[hbm4b:s19+s3] =	stream.linear.scatter [tilespmem:s20], [sflag:$0x8], $0x1900, $0x38;
	[tilespmem:$0x1F410] =	vst v63  }
0x3a4: {  	s24 =	simm.s32 $0x1DB10;
	s23 =	rddreg [dreg:$0x14]  }
0x3a5: {  	[hbm4b:s23+s3] =	stream.linear.scatter [tilespmem:s24], [sflag:$0x8], $0x1900, $0x38;
	[tilespmem:$0x1F410] =	vst v63  }
0x3a6: {  	_ =	swait.ge [sflag:s21], $0x1900  }
0x3a7: {  	[sflag:s21] =	ssyncset.done $0x0  }
0x3a8: {  	[sflag:s21] =	ssyncadd.s32 $0xFFFFE700  }
0x3a9: {  	_ =	swait.ge [sflag:s21], $0x1900  }
0x3aa: {  	[sflag:s21] =	ssyncset.done $0x0  }
0x3ab: {  	[sflag:s21] =	ssyncadd.s32 $0xFFFFE700  }
0x3ac: {  	_ =	swait.ge [sflag:s21], $0x1900  }
0x3ad: {  	[sflag:s21] =	ssyncset.done $0x0  }
0x3ae: {  	[sflag:s21] =	ssyncadd.s32 $0xFFFFE700  }
0x3af: {  	_ =	swait.ge [sflag:s21], $0x1900  }
0x3b0: {  	[sflag:s21] =	ssyncset.done $0x0  }
0x3b1: {  	[sflag:s21] =	ssyncadd.s32 $0xFFFFE700  }
0x3b2: {  	_ =	swait.ge [sflag:s6], $0x1900  }
0x3b3: {  	[sflag:s6] =	ssyncset.done $0x0  }
0x3b4: {  	[sflag:s6] =	ssyncadd.s32 $0xFFFFE700  }
0x3b5: {  	_ =	swait.ge [sflag:s6], $0x1900  }
0x3b6: {  	[sflag:s6] =	ssyncset.done $0x0  }
0x3b7: {  	[sflag:s6] =	ssyncadd.s32 $0xFFFFE700  }
0x3b8: {  	_ =	swait.ge [sflag:s6], $0x1900  }
0x3b9: {  	[sflag:s6] =	ssyncset.done $0x0  }
0x3ba: {  	[sflag:s6] =	ssyncadd.s32 $0xFFFFE700  }
0x3bb: {  	_ =	swait.ge [sflag:s6], $0x1900  }
0x3bc: {  	[sflag:s6] =	ssyncset.done $0x0  }
0x3bd: {  	[sflag:s6] =	ssyncadd.s32 $0xFFFFE700  }
0x3be: {  	_ =	swait.ge [sflag:s9], $0x1900  }
0x3bf: {  	[sflag:s9] =	ssyncset.done $0x0  }
0x3c0: {  	[sflag:s9] =	ssyncadd.s32 $0xFFFFE700  }
0x3c1: {  	_ =	swait.ge [sflag:s9], $0x1900  }
0x3c2: {  	[sflag:s9] =	ssyncset.done $0x0  }
0x3c3: {  	[sflag:s9] =	ssyncadd.s32 $0xFFFFE700  }
0x3c4: {  	_ =	swait.ge [sflag:s9], $0x1900  }
0x3c5: {  	[sflag:s9] =	ssyncset.done $0x0  }
0x3c6: {  	[sflag:s9] =	ssyncadd.s32 $0xFFFFE700  }
0x3c7: {  	_ =	swait.ge [sflag:s9], $0x1900  }
0x3c8: {  	[sflag:s9] =	ssyncset.done $0x0  }
0x3c9: {  	[sflag:s9] =	ssyncadd.s32 $0xFFFFE700  }
0x3ca: {  	_ =	swait.ge [sflag:s11], $0x1900  }
0x3cb: {  	[sflag:s11] =	ssyncset.done $0x0  }
0x3cc: {  	[sflag:s11] =	ssyncadd.s32 $0xFFFFE700  }
0x3cd: {  	_ =	swait.ge [sflag:s11], $0x1900  }
0x3ce: {  	[sflag:s11] =	ssyncset.done $0x0  }
0x3cf: {  	[sflag:s11] =	ssyncadd.s32 $0xFFFFE700  }
0x3d0: {  	_ =	swait.ge [sflag:s11], $0x1900  }
0x3d1: {  	[sflag:s11] =	ssyncset.done $0x0  }
0x3d2: {  	[sflag:s11] =	ssyncadd.s32 $0xFFFFE700  }
0x3d3: {  	_ =	swait.ge [sflag:s11], $0x1900  }
0x3d4: {  	s25 =	rddreg [dreg:$0x16]  }
0x3d5: {  	s31 =	rddreg [dreg:$0x15];
	s7 =	sadd.s32 $0x1, s25  }
0x3d6: {  	p0 =	sne.s32 s7, s31  }
.Ltmp10:
0x3d7: {  	_ = 	snop;
	(pc) =	sbr.rel @p0 .LBB2_1-.Ltmp10, $3  }
0x3d8: {  	_ =	sdelay $0x1  }
0x3d9: {  	[sflag:s11] =	ssyncset.done $0x0  }
0x3da: {  	[sflag:s11] =	ssyncadd.s32 $0xFFFFE700  }
0x3db: {  	_ =	sfence.sel $0x180000  }
0x3dc: {  	[bflag:$0x0] =	sbarrier.arrive $0xFFFF  }
0x3dd: {  	_ =	strace $0x90000047  }
0x3de: {  	s0 =	stileid.u32;
	[bflag:$0x2] =	sbarrier.arrive $0xFFFF  }
0x3df: {  	p0 =	sne.s32 s0, $0x0;
	s0 =	rddreg [dreg:$0x2]  }
0x3e0: {  	s0 =	sadd.s32 @!p0 $0x100000, s0  }
0x3e1: {  	[sflag:s0] =	ssyncadd.tile.s32 @!p0 $0x1;
	_ =	shalt  }
.Lfunc_end2:
_tile_overlayer_lowered:
.L_overlay_start_2:
0x3e2: {  	(tag) =	ssettag $0x2  }
0x3e3: {  	s0 =	rddreg [dreg:$0x0];
	s2 =	stileid.u32  }
0x3e4: {  	s1 =	rddreg [dreg:$0x1];
	p0 =	sne.s32 s2, $0x0  }
0x3e5: {  	s3 =	rddreg [dreg:$0x2];
	[bflag:$0x3] =	sbarrier.arrive $0xFFFF;
	s2 =	simm.s32 @!p0 $0x1C09  }
0x3e6: {  	[timem:s3], [sflag:s2] =	dma.local @!p0 [hbm:s0], s1  }
0x3e7: {  	s0 =	simm.s32 @!p0 $0x9  }
0x3e8: {  	_ =	swait.ge @!p0 [sflag:s0], s1  }
0x3e9: {  	s1 =	ssub.s32 @!p0 $0x0, s1;
	[sflag:s0] =	ssyncset.done @!p0 $0x0  }
0x3ea: {  	[sflag:s0] =	ssyncadd.s32 @!p0 s1  }
0x3eb: {  	[bflag:$0x3] =	sbarrier.arrive $0xFFFF  }
0x3ec: {  	_ =	shalt  }

// kernel: sparse-core-data-format-call.cloned.1.call-start
scs
called_computation_lowered:
.L_overlay_start_0:
0x0: {  	s2 =	sld [smem:$0x3FD9]  }
0x1: {  	s3 =	sld [smem:$0x3FFE];
	_ =	sdelay $0x1  }
0x2: {  	s1 =	srdreg.scid  }
0x3: {  	s0 =	sand.u32 $0x1, s1  }
0x4: {  	s18 =	sshll.u32 s0, $0xA;
	s2 =	sadd.s32 s3, s2  }
0x5: {  	s2 =	sadd.s32 s2, s18  }
0x6: {  	[smem:$0x3FC6] =	sst s2  }
0x7: {  	_ = 	snop  }
0x8: {  	s2 =	sld [smem:$0x3FD0];
	(tm) =	ssettm $0x1  }
0x9: {  	s19 =	sld [smem:$0x3FFB];
	_ =	sdelay $0x3  }
0xa: {  	_ =	strace s19  }
0xb: {  	s3 =	sld [smem:$0x3FFC];
	_ =	sdelay $0x3  }
0xc: {  	_ =	strace s3  }
0xd: {  	s3 =	sld [smem:$0x3FFD];
	_ =	sdelay $0x3  }
0xe: {  	_ =	strace s3  }
0xf: {  	_ =	strace $0x8FFFFFFF  }
0x10: {  	s20 =	sld [smem:$0x3FDB];
	_ =	sdelay $0x1  }
0x11: {  	s4 =	simm.s32 $_scs_section_size  }
0x12: {  	s5 =	simm.s32 $_size__tile_overlayer_lowered;
	s6 =	simm.s32 $_tile_overlayer_lowered  }
0x13: {  	s23 =	simm.s32 $0x1BFF;
	s22 =	sshll.u32 s6, $0x1;
	s3 =	sadd.s32 s4, s20  }
0x14: {  	s7 =	simm.s32 $0x0;
	s21 =	sshll.u32 s5, $0x1;
	s5 =	sadd.s32 s22, s3  }
0x15: {  	[timem:s7], [sflag:s23] =	dma.local [hbm:s5], s21  }
0x16: {  	_ =	swait.ge [sflag:s23], s21  }
0x17: {  	s4 =	ssub.s32 $0x0, s21;
	[sflag:s23] =	ssyncset.done $0x0  }
0x18: {  	[sflag:s23] =	ssyncadd.s32 s4;
	_ =	sdelay $0x1  }
0x19: {  	s24 =	simm.s32 $0x1B8B  }
0x1a: {  	_ =	swait.ge [sflag:s24], $0x1  }
0x1b: {  	[sflag:s24] =	ssyncset.done $0x0  }
0x1c: {  	s26 =	simm.s32 $0x1B8E;
	s25 =	sld [smem:$0x3FFE];
	[sflag:s24] =	ssyncadd.s32 $0xFFFFFFFF  }
0x1d: {  	s27 =	simm.s32 $execute0_lowered;
	[smem:$0x3FD2] =	sst s26  }
0x1e: {  	s5 =	sshll.u32 s27, $0x1;
	_ =	strace $0x80000049;
	[dreg:$0x1] =	wrdreg $0xFFFFFFFF  }
0x1f: {  	s28 =	simm.s32 $_size_execute0_lowered;
	s3 =	sadd.s32 s3, s5;
	[dreg:$0x0] =	wrdreg $0x0  }
0x20: {  	s5 =	sshll.u32 s28, $0x1;
	[dreg:$0x2] =	wrdreg s3  }
0x21: {  	[dreg:$0x3] =	wrdreg s5  }
0x22: {  	[dreg:$0x4] =	wrdreg $0xC0  }
0x23: {  	_ =	task [dreg:s7], $0x5FFFF  }
0x24: {  	[dreg:$0x1] =	wrdreg $0xFFFFFFFF  }
0x25: {  	[dreg:$0x0] =	wrdreg $0x60  }
0x26: {  	[dreg:$0x2] =	wrdreg s25  }
0x27: {  	[dreg:$0x3] =	wrdreg s2  }
0x28: {  	[dreg:$0x4] =	wrdreg $0x9  }
0x29: {  	_ =	task.clear_ibuf [dreg:s7], $0x5FFFF;
	_ =	strace $0x90000049  }
0x2a: {  	s29 =	simm.s32 $0x9;
	_ =	strace $0x8000004B  }
0x2b: {  	_ =	swait.ge [sflag:s29], $0x1  }
0x2c: {  	[sflag:s29] =	ssyncadd.s32 $0xFFFFFFFF  }
0x2d: {  	_ =	strace $0x9000004B  }
0x2e: {  	_ =	sfence  }
0x2f: {  	s30 =	sld [smem:$0x0];
	_ =	sdelay $0x2  }
0x30: {  	s31 =	sshll.u32 s1, $0xD;
	s1 =	sshrl.u32 s1, $0x2  }
0x31: {  	s3 =	sand.u32 $0x4000, s31;
	s1 =	sadd.s32 s1, s30  }
0x32: {  	s0 =	sor.u32 s3, s0;
	s1 =	sshll.u32 s1, $0x11  }
0x33: {  	s0 =	sor.u32 s1, s0  }
0x34: {  	s0 =	sadd.s32 $0x8F2B, s0  }
0x35: {  	[sflag:s0] =	ssyncadd.remote.s32 $0x1  }
0x36: {  	_ =	sfence.sel $0xFFFF  }
0x37: {  	[dreg:$0x0] =	wrdreg $0xFFFFFFFF;
	(pc) =	sbr.abs _section_cstart, $3  }
0x38: {  	[dreg:$0x1] =	wrdreg $0xFFFFFFFF  }
0x39: {  	_ =	task.clear_ibuf [dreg:s7], $0x2FFFF;
	_ =	strace $0x9FFFFFFF  }
0x3a: {  	(tm) =	ssettm $0x7FFFFFFF  }
0x3b: {  	_ =	shalt  }
tec
execute0_lowered:
.L_overlay_start_1:
0x0: {  	(tag) =	ssettag $0x1  }
0x1: {  	s0 =	srdreg.scid  }
0x2: {  	s1 =	sshll.u32 s0, $0x4  }
0x3: {  	s6 =	rddreg [dreg:$0x0];
	s0 =	stileid.u32;
	s1 =	sand.u32 $0x10, s1  }
0x4: {  	s3 =	rddreg [dreg:$0x1];
	s1 =	sor.u32 s0, s1  }
0x5: {  	s5 =	simm.s32 $0x1;
	s31 =	simm.s32 $0x2;
	s2 =	sshll.u32 s1, $0x7  }
0x6: {  	s14 =	simm.s32 $0x0;
	s9 =	simm.s32 $0x8000;
	s4 =	ssub.s32 $0x1000, s2  }
0x7: {  	s16 =	simm.s32 $0x0;
	s15 =	simm.s32 $0x0;
	s30 =	sand.u32 $0xF80, s4  }
0x8: {  	s10 =	simm.s32 $0x0;
	s11 =	simm.s32 $0x0;
	p0 =	sne.s32 s30, $0x0  }
.Ltmp0:
0x9: {  	s7 =	sshrl.u32 s4, $0xC;
	s5 =	simm.s32 @!p0 $0x0;
	(pc) =	sbr.rel .LBB1_1-.Ltmp0, $4  }
0xa: {  	s13 =	simm.s32 $0x0;
	s1 =	rddreg [dreg:$0x2];
	s5 =	sadd.s32 s5, s7  }
0xb: {  	_ =	strace $0x8000004A;
	s4 =	simm.s32 $0x1;
	s5 =	smul.u32 $0x64, s5  }
0xc: {  	s6 =	sadd.s32 $0x800, s6;
	s12 =	smov.u32 s2;
	[sflag:s4] =	ssyncpa.u1 $0x0  }
0xd: {  	[sflag:s31] =	ssyncpa.u1 $0x0;
	s7 =	sadd.s32 $0x320000, s3;
	s8 =	sor.u32 $0x1, s5  }
.LBB1_7:
0xe: {  	s17 =	sadd.s32 $0x1, s10  }
0xf: {  	s14 =	sadd.s32 $0x2, s11;
	s18 =	smov.u32 s11;
	p1 =	sgt.s32 s17, $0x63  }
0x10: {  	s18 =	smov.u32 @p1 s14  }
0x11: {  	s20 =	smov.u32 s12;
	s14 =	sadd.s32 $0x1000, s12;
	p2 =	sgt.s32 s18, $0x1  }
0x12: {  	s20 =	smov.u32 @p2 s14  }
0x13: {  	s17 =	simm.s32 @p1 $0x0;
	p1 =	sgt.s32 s20, $0xFFF  }
0x14: {  	p0 =	slt.u32 s13, $0x2;
	s20 =	smov.u32 @p1 s2;
	p1 =	sne.s32 s13, s8  }
.Ltmp1:
0x15: {  	s19 =	simm.s32 @!p0 $0x2;
	(pc) =	sbr.rel @!p1 .LBB1_8-.Ltmp1, $4  }
0x16: {  	s16 =	smov.u32 s11;
	_ =	swait.ge @!p0 [sflag:s19], $0x4000  }
0x17: {  	s15 =	smov.u32 s12;
	[sflag:s19] =	ssyncset.done @!p0 $0x0;
	s18 =	simm.s32 @p2 $0x0  }
0x18: {  	s14 =	smov.u32 s10;
	[sflag:s19] =	ssyncadd.s32 @!p0 $0xFFFFC000;
	s10 =	smov.u32 s17  }
0x19: {  	s11 =	smov.u32 s18;
	s13 =	sadd.s32 $0x1, s13;
	s12 =	smov.u32 s20  }
.LBB1_1:
0x1a: {  	p0 =	sge.u32 s13, s5  }
0x1b: {  	s17 =	sand.u32 @!p0 $0x1FFFFFF, s10;
	s19 =	smul.u32 @!p0 $0xD00, s12  }
0x1c: {  	s18 =	smulhi.u32 @!p0 $0x2762763, s17  }
0x1d: {  	s21 =	smul.u32 @!p0 $0x680, s11  }
0x1e: {  	s18 =	smul.u32 @!p0 $0x68, s18  }
0x1f: {  	s31 =	sadd.s32 $0xFFFFFFFF, s13;
	s19 =	sadd.s32 @!p0 s6, s19  }
0x20: {  	s20 =	sxor.u32 @!p0 $0xFFFFFFFF, s13;
	s19 =	sadd.s32 @!p0 s21, s19;
	s17 =	ssub.s32 @!p0 s17, s18  }
0x21: {  	s18 =	sshll.u32 @!p0 s20, $0xE;
	s20 =	simm.s32 @!p0 $0x3400;
	s17 =	sshll.u32 @!p0 s17, $0x4  }
0x22: {  	s18 =	sand.u32 @!p0 $0x4000, s18;
	s17 =	sadd.s32 @!p0 s17, s19;
	s19 =	simm.s32 @!p0 $0x40  }
0x23: {  	[tilespmem:s18], [sflag:$0x1] =	stream.strided.gather @!p0 [hbm4b:s17+s19], $0x4000, s20, s19, $0x38;
	[tilespmem:$0x10100] =	vst v63  }
0x24: {  	p0 =	sge.u32 s31, s5  }
.Ltmp2:
0x25: {  	_ = 	snop;
	(pc) =	sbr.rel @p0 .LBB1_7-.Ltmp2, $1  }
0x26: {  	_ =	sdelay $0x3  }
0x27: {  	s18 =	sand.u32 $0x1, s13  }
0x28: {  	s17 =	smul.u32 $0x10200, s18  }
0x29: {  	_ =	swait.ge [sflag:s4], $0x4000  }
0x2a: {  	s20 =	simm.s32 $0x0;
	[sflag:s4] =	ssyncset.done $0x0;
	s17 =	sshrl.u32 s17, $0x2  }
0x2b: {  	s19 =	sshll.u32 s18, $0xE;
	[sflag:s4] =	ssyncadd.s32 $0xFFFFC000;
	s18 =	sor.u32 $0x8000, s17  }
.LBB1_3:
0x2c: {  	s21 =	sshll.u32 s20, $0x7  }
0x2d: {  	s21 =	sand.u32 $0x3FFFFF80, s21  }
0x2e: {  	s21 =	sadd.s32 s21, s19  }
0x2f: {  	v0 =	vmov s21;
	_ =	sdelay $0x1  }
0x30: {  	p0 =	por $0x1, $0x1;
	s21 =	simm.s32 $0x0  }
.LBB1_4:
0x31: {  	s22 =	sshll.u32 s21, $0x6  }
0x32: {  	s22 =	sand.u32 $0x3FFFFFC0, s22  }
0x33: {  	s31 =	smul.u32 $0x8100, s21;
	v1 =	vld.idx.msk [tilespmem:v0+s22+$0x0 ss:$0x1], $0xffff  }
0x34: {  	v2 =	vld.idx.msk [tilespmem:v0+s22+$0x10 ss:$0x1], $0xffff  }
0x35: {  	s21 =	sshra.s32 s31, $0x2;
	v3 =	vld.idx.msk [tilespmem:v0+s22+$0x20 ss:$0x1], $0xffff  }
0x36: {  	p1 =	por p0, p0;
	v4 =	vld.idx.msk [tilespmem:v0+s22+$0x30 ss:$0x1], $0xffff;
	s21 =	sadd.s32 s21, s18  }
.Ltmp3:
0x37: {  	s21 =	sadd.s32 s20, s21;
	(pc) =	sbr.rel @p1 .LBB1_4-.Ltmp3, $4  }
0x38: {  	[tilespmem:s21+$0x0 ss:$0x81] =	vst.msk $0xffff, v1  }
0x39: {  	[tilespmem:s21+$0x810 ss:$0x81] =	vst.msk $0xffff, v2  }
0x3a: {  	[tilespmem:s21+$0x1020 ss:$0x81] =	vst.msk $0xffff, v3  }
0x3b: {  	p0 =	por $0x0, $0x0;
	[tilespmem:s21+$0x1830 ss:$0x81] =	vst.msk $0xffff, v4;
	s21 =	simm.s32 $0x1  }
0x3c: {  	s20 =	sadd.s32 $0x1, s20  }
0x3d: {  	p0 =	sne.s32 s20, $0x80  }
.Ltmp4:
0x3e: {  	_ = 	snop;
	(pc) =	sbr.rel @p0 .LBB1_3-.Ltmp4, $1  }
0x3f: {  	_ =	sdelay $0x3  }
0x40: {  	s19 =	sshll.u32 s15, $0x3  }
0x41: {  	s16 =	smul.u32 $0x320000, s16;
	s20 =	sand.u32 $0x78, s15;
	s14 =	sshll.u32 s14, $0xF  }
0x42: {  	s21 =	sand.u32 $0x7E00, s15;
	s29 =	sand.u32 $0x7, s15;
	s19 =	sand.u32 $0xC00, s19  }
0x43: {  	s15 =	sshll.u32 s29, $0x12;
	s30 =	sadd.s32 s21, s7;
	s28 =	sadd.s32 s16, s14  }
0x44: {  	s19 =	sor.u32 s20, s19;
	s16 =	sadd.s32 s16, s30;
	s20 =	sadd.s32 s3, s28  }
.Ltmp5:
0x45: {  	s19 =	sshrl.u32 s19, $0x3;
	s20 =	sadd.s32 s21, s20;
	(pc) =	sbr.rel .LBB1_7-.Ltmp5, $4  }
0x46: {  	s15 =	sor.u32 $0x400, s15;
	s14 =	sadd.s32 s14, s16;
	s20 =	sadd.s32 s19, s20  }
0x47: {  	[hbm4b:s20+s15] =	stream.strided.scatter [tilespmem:s18], [sflag:$0x2], $0x2000, s9, s15, $0x20;
	[tilespmem:$0x10100] =	vst v63  }
0x48: {  	s31 =	sadd.s32 $0xA040, s17;
	s14 =	sadd.s32 s19, s14  }
0x49: {  	[hbm4b:s14+s15] =	stream.strided.scatter [tilespmem:s31], [sflag:$0x2], $0x2000, s9, s15, $0x20;
	[tilespmem:$0x10100] =	vst v63  }
.LBB1_8:
0x4a: {  	_ =	sfence.sel $0x180000  }
0x4b: {  	s2 =	simm.s32 $0x1;
	[bflag:$0x0] =	sbarrier.arrive $0xFFFF  }
0x4c: {  	s31 =	simm.s32 $0x2;
	[sflag:s2] =	ssyncpa.u1 $0x1  }
0x4d: {  	[sflag:s31] =	ssyncpa.u1 $0x1  }
0x4e: {  	p0 =	sne.s32 s0, $0x0;
	_ =	strace $0x9000004A  }
0x4f: {  	s0 =	sadd.s32 @!p0 $0x100000, s1;
	[bflag:$0x2] =	sbarrier.arrive $0xFFFF  }
0x50: {  	[sflag:s0] =	ssyncadd.tile.s32 @!p0 $0x1;
	_ =	shalt  }
.Lfunc_end1:
_tile_overlayer_lowered:
.L_overlay_start_2:
0x51: {  	(tag) =	ssettag $0x2  }
0x52: {  	s0 =	rddreg [dreg:$0x0];
	s2 =	stileid.u32  }
0x53: {  	s1 =	rddreg [dreg:$0x1];
	p0 =	sne.s32 s2, $0x0  }
0x54: {  	s3 =	rddreg [dreg:$0x2];
	[bflag:$0x3] =	sbarrier.arrive $0xFFFF;
	s2 =	simm.s32 @!p0 $0x1C01  }
0x55: {  	[timem:s3], [sflag:s2] =	dma.local @!p0 [hbm:s0], s1  }
0x56: {  	s0 =	simm.s32 @!p0 $0x1  }
0x57: {  	_ =	swait.ge @!p0 [sflag:s0], s1  }
0x58: {  	s1 =	ssub.s32 @!p0 $0x0, s1;
	[sflag:s0] =	ssyncset.done @!p0 $0x0  }
0x59: {  	[sflag:s0] =	ssyncadd.s32 @!p0 s1  }
0x5a: {  	[bflag:$0x3] =	sbarrier.arrive $0xFFFF  }
0x5b: {  	_ =	shalt  }

</sc_bundles>
